<compile_context>
chip_gen: v7x
topology: tpu7x:2x2x1
jax: 0.10.2.dev20260603
libtpu: 0.0.44.dev20260713+nightly
codegen_flags: <defaults>
</compile_context>

<pallas_src>
import functools

import jax
import jax.numpy as jnp
from jax import lax
from jax.experimental import pallas as pl
from jax.experimental.pallas import tpu as pltpu
from jax.experimental.pallas import tpu_sc as plsc

_NUM_NODES = 1000
_N = 4096
_D_SPATIAL = 125
_TOKEN_DIM = 128
_DEG = 31
_MAX_LENGTH = 64
_M = _DEG + 1

_NC = 2
_NS = 16
_NW = _NC * _NS
_TPW = _N // _NW
_L = 16
_NBUF = 4
_BATCH = 1


def _tokenizer_body(data, emb, node1, nbrs, mu1, sig1, tim, out,
                    ids_v, nd_v, nb_v, emb_v, vals_v, tim_v, mu_v, sig_v,
                    bufs, gsem, osem):
  wid = lax.axis_index("s") * _NC + lax.axis_index("c")
  t0 = wid * _TPW

  pltpu.sync_copy(node1, nd_v.at[pl.ds(0, 1)])
  pltpu.sync_copy(nbrs, nb_v.at[pl.ds(0, _DEG)])
  pltpu.sync_copy(mu1, mu_v.at[pl.ds(0, 1)])
  pltpu.sync_copy(sig1, sig_v.at[pl.ds(0, 1)])
  pltpu.sync_copy(tim.at[pl.ds(t0, _TPW)], tim_v)

  iota = lax.iota(jnp.int32, _L)
  plsc.store_scatter(ids_v, [iota], nd_v[...], mask=iota == 0)
  plsc.store_scatter(ids_v, [iota + 1], nb_v[pl.ds(0, _L)])
  plsc.store_scatter(ids_v, [iota + _L + 1], nb_v[pl.ds(_L, _L)],
                     mask=iota < _L - 1)

  zv = jnp.zeros((_L,), jnp.float32)

  def init_tail(j, carry):
    emb_v[j, pl.ds(_TOKEN_DIM - _L, _L)] = zv
    return carry
  lax.fori_loop(0, _M, init_tail, 0)

  idv = [ids_v[pl.ds(g * _L, _L)] for g in range(_M // _L)]
  for j in range(_M):
    idj = idv[j // _L][j % _L]
    pltpu.make_async_copy(data.at[idj, pl.ds(t0, _TPW)],
                          vals_v.at[j], gsem).start()
    pltpu.make_async_copy(emb.at[idj], emb_v.at[j, pl.ds(0, _D_SPATIAL)],
                          gsem).start()

  def init_zero(i, carry):
    j = _M + i // (_TOKEN_DIM // _L)
    c = (i % (_TOKEN_DIM // _L)) * _L
    for b in range(_NBUF):
      for k in range(_BATCH):
        bufs[b, k, j, pl.ds(c, _L)] = zv
    return carry
  lax.fori_loop(0, (_MAX_LENGTH - _M) * (_TOKEN_DIM // _L), init_zero, 0)

  for j in range(_M):
    pltpu.make_async_copy(data.at[0, pl.ds(t0, _TPW)],
                          vals_v.at[j], gsem).wait()
    pltpu.make_async_copy(emb.at[0], emb_v.at[j, pl.ds(0, _D_SPATIAL)],
                          gsem).wait()

  mu_r = jnp.full((_L,), mu_v[...][0], jnp.float32)
  inv_s = 1.0 / jnp.full((_L,), sig_v[...][0], jnp.float32)

  def init_emb(i, carry):
    j = i // (_TOKEN_DIM // _L)
    c = (i % (_TOKEN_DIM // _L)) * _L
    v = emb_v[j, pl.ds(c, _L)]
    for b in range(_NBUF):
      for k in range(_BATCH):
        bufs[b, k, j, pl.ds(c, _L)] = v
    return carry
  lax.fori_loop(0, _M * (_TOKEN_DIM // _L), init_emb, 0)

  rows = [lax.iota(jnp.int32, _L) + g * _L for g in range(_M // _L)]
  c125 = jnp.full((_L,), 125, jnp.int32)
  c126 = jnp.full((_L,), 126, jnp.int32)
  c127 = jnp.full((_L,), 127, jnp.int32)
  zc = jnp.zeros((_L,), jnp.int32)
  oc = jnp.full((_L,), 1, jnp.int32)

  def round_body(r, carry):
    for b in range(_NBUF):
      tb = r * _NBUF * _BATCH + b * _BATCH

      @pl.when(r > 0)
      def _wait():
        pltpu.make_async_copy(bufs.at[b], out.at[pl.ds(t0, _BATCH)],
                              osem.at[b]).wait()

      for k in range(_BATCH):
        tt = tb + k
        tts = jnp.full((_L,), tt, jnp.int32)
        t0v = plsc.load_gather(tim_v, [tts, zc])
        t1v = plsc.load_gather(tim_v, [tts, oc])
        for g in range(_M // _L):
          v = plsc.load_gather(vals_v, [rows[g], tts])
          plsc.store_scatter(bufs.at[b, k], [rows[g], c125],
                             (v - mu_r) * inv_s)
          plsc.store_scatter(bufs.at[b, k], [rows[g], c126], t0v)
          plsc.store_scatter(bufs.at[b, k], [rows[g], c127], t1v)

      pltpu.make_async_copy(bufs.at[b], out.at[pl.ds(t0 + tb, _BATCH)],
                            osem.at[b]).start()
    return carry

  lax.fori_loop(0, _TPW // (_NBUF * _BATCH), round_body, 0)

  for b in range(_NBUF):
    pltpu.make_async_copy(bufs.at[b], out.at[pl.ds(t0, _BATCH)],
                          osem.at[b]).wait()


@jax.jit
def _tokenize(data, emb, node1, nbrs, mu1, sig1, tim):
  mesh = plsc.VectorSubcoreMesh(core_axis_name="c", subcore_axis_name="s",
                                num_cores=_NC, num_subcores=_NS)
  f = functools.partial(
      pl.kernel,
      out_type=jax.ShapeDtypeStruct((_N, _MAX_LENGTH, _TOKEN_DIM),
                                    jnp.float32),
      mesh=mesh,
      compiler_params=pltpu.CompilerParams(needs_layout_passes=False),
      scratch_types=[
          pltpu.VMEM((_M,), jnp.int32),
          pltpu.VMEM((_L,), jnp.int32),
          pltpu.VMEM((_M,), jnp.int32),
          pltpu.VMEM((_M, _TOKEN_DIM), jnp.float32),
          pltpu.VMEM((_M, _TPW), jnp.float32),
          pltpu.VMEM((_TPW, 2), jnp.float32),
          pltpu.VMEM((_L,), jnp.float32),
          pltpu.VMEM((_L,), jnp.float32),
          pltpu.VMEM((_NBUF, _BATCH, _MAX_LENGTH, _TOKEN_DIM),
                     jnp.float32),
          pltpu.SemaphoreType.DMA,
          pltpu.SemaphoreType.DMA((_NBUF,)),
      ],
  )(_tokenizer_body)
  return f(data, emb, node1, nbrs, mu1, sig1, tim)


def kernel(data, node, spatial_embedding, temporal_all, neighbors, zt_mu,
           zt_sigma):
  node1 = jnp.asarray(node, jnp.int32).reshape(1)
  return _tokenize(data, spatial_embedding, node1, neighbors,
                   zt_mu, zt_sigma, temporal_all)

# --- scband reference (transcript-rebuilt; emitter-appended) ---
"""Pipeline reference for scband-neighborhood-tokenizer-31894427140137 (READ-ONLY COPY).

The authoritative reference and input builder live on the scoring server;
editing this copy changes nothing except your own understanding.
"""

import jax, jax.numpy as jnp
import numpy as np

NUM_NODES = 1000
N_STEPS = 4096
D_SPATIAL = 125
TOKEN_DIM = 128
DEG = 31
MAX_LENGTH = 64
NULL_SYMBOL = 0.0


def setup_inputs(seed: int = 0) -> dict:
    key = jax.random.key(seed)
    ks = jax.random.split(key, 6)
    data = jax.random.normal(ks[0], (NUM_NODES, N_STEPS), dtype=jnp.float32)
    spatial_embedding = jax.random.normal(ks[1], (NUM_NODES, D_SPATIAL), dtype=jnp.float32)
    temporal_all = jax.random.normal(ks[2], (N_STEPS, 2), dtype=jnp.float32)
    neighbors = jax.random.randint(ks[3], (DEG,), 0, NUM_NODES, dtype=jnp.int32)
    zt_mu = 0.1 * jax.random.normal(ks[4], (1,), dtype=jnp.float32)
    zt_sigma = jnp.ones((1,), dtype=jnp.float32) + jax.random.uniform(ks[5], (1,), dtype=jnp.float32)
    node = 7
    return {
        "data": data,
        "node": node,
        "spatial_embedding": spatial_embedding,
        "temporal_all": temporal_all,
        "neighbors": neighbors,
        "zt_mu": zt_mu,
        "zt_sigma": zt_sigma,
    }


def reference(data, node, spatial_embedding, temporal_all, neighbors, zt_mu, zt_sigma):
    # tokenize_all(data, sensor=node): per-timestep token sequence of the sensor
    # and its graph neighbors, padded with NULL_SYMBOL to MAX_LENGTH.
    n = data.shape[1]

    def ztransform(x):
        return (x - zt_mu[0]) / zt_sigma[0]

    # temporal_embedding.all().reshape(n, 2)
    tim_emb = temporal_all.reshape(n, 2)

    # center token: [spatial_embedding[node] | normalized value | temporal emb]
    tmp = ztransform(data[node])  # [n]
    center_tok = jnp.concatenate(
        [
            jnp.broadcast_to(spatial_embedding[node], (n, D_SPATIAL)),
            tmp.reshape(n, 1),
            tim_emb,
        ],
        axis=1,
    )  # [n, TOKEN_DIM]

    # neighbor tokens (vectorized over the neighbor loop)
    neigh_emb = jnp.take(spatial_embedding, neighbors, axis=0)  # [DEG, D_SPATIAL]
    neigh_vals = ztransform(jnp.take(data, neighbors, axis=0))  # [DEG, n]
    neigh_emb_b = jnp.broadcast_to(neigh_emb[:, None, :], (DEG, n, D_SPATIAL))
    tim_b = jnp.broadcast_to(tim_emb[None, :, :], (DEG, n, 2))
    neigh_tok = jnp.concatenate(
        [neigh_emb_b, neigh_vals[:, :, None], tim_b], axis=2
    )  # [DEG, n, TOKEN_DIM]
    neigh_tok = jnp.transpose(neigh_tok, (1, 0, 2))  # [n, DEG, TOKEN_DIM]

    m = 1 + DEG
    tokens = jnp.concatenate([center_tok[:, None, :], neigh_tok], axis=1)  # [n, m, TOKEN_DIM]
    pad = jnp.full((n, MAX_LENGTH - m, TOKEN_DIM), NULL_SYMBOL, dtype=tokens.dtype)
    tokens = jnp.concatenate([tokens, pad], axis=1)  # [n, MAX_LENGTH, TOKEN_DIM]
    return tokens

if __name__ == "__main__":
    import jax
    _d = setup_inputs()
    print(jax.jit(kernel)(*tuple(_d.values())))

</pallas_src>

<mosaic_0001>
#map = affine_map<(d0, d1) -> (0, 0)>
#map1 = affine_map<(d0, d1) -> (0)>
#map2 = affine_map<(d0, d1) -> (0, 0, 0)>
module attributes {stable_mosaic.version = 14 : i64} {
  func.func @_tokenizer_body(%arg0: i32, %arg1: i32, %arg2: memref<1000x4096xf32, #tpu.memory_space<hbm>>, %arg3: memref<1000x125xf32, #tpu.memory_space<hbm>>, %arg4: memref<1xi32, #tpu.memory_space<hbm>>, %arg5: memref<31xi32, #tpu.memory_space<hbm>>, %arg6: memref<1xf32, #tpu.memory_space<hbm>>, %arg7: memref<1xf32, #tpu.memory_space<hbm>>, %arg8: memref<4096x2xf32, #tpu.memory_space<hbm>>, %arg9: memref<4096x64x128xf32, #tpu.memory_space<hbm>>, %arg10: memref<32xi32, #tpu.memory_space<vmem>>, %arg11: memref<16xi32, #tpu.memory_space<vmem>>, %arg12: memref<32xi32, #tpu.memory_space<vmem>>, %arg13: memref<32x128xf32, #tpu.memory_space<vmem>>, %arg14: memref<32x128xf32, #tpu.memory_space<vmem>>, %arg15: memref<128x2xf32, #tpu.memory_space<vmem>>, %arg16: memref<16xf32, #tpu.memory_space<vmem>>, %arg17: memref<16xf32, #tpu.memory_space<vmem>>, %arg18: memref<4x1x64x128xf32, #tpu.memory_space<vmem>>, %arg19: memref<!tpu.dma_semaphore, #tpu.memory_space<semaphore_mem>>, %arg20: memref<4x!tpu.dma_semaphore, #tpu.memory_space<semaphore_mem>>) attributes {dimension_semantics = [#tpu.dimension_semantics<core_parallel>, #tpu.dimension_semantics<subcore_parallel>], iteration_bounds = array<i64: 2, 16>, scalar_prefetch = 0 : i64, scratch_operands = 11 : i64, tpu.core_type = #tpu.core_type<sc_vector_subcore>, window_params = [{transform_indices = #map}, {transform_indices = #map}, {transform_indices = #map1}, {transform_indices = #map1}, {transform_indices = #map1}, {transform_indices = #map1}, {transform_indices = #map}, {transform_indices = #map2}]} {
    %mul3A = arith.constant 2 : i32
    %mul3A_0 = arith.muli %arg1, %mul3A : i32
    %add3A = arith.addi %mul3A_0, %arg0 : i32
    %mul3A_1 = arith.constant 128 : i32
    %mul3A_2 = arith.muli %add3A, %mul3A_1 : i32
    "tpu.region"() ({
      %run_scoped3A = tpu.sem_alloc : memref<!tpu.dma_semaphore, #tpu.memory_space<semaphore_mem>>
      %dma_start3A_1819 = arith.constant 0 : i32
      %dma_start3A_1820 = tpu.memref_slice %arg11[%dma_start3A_1819] : memref<16xi32, #tpu.memory_space<vmem>> -> memref<1xi32, #tpu.memory_space<vmem>>
      %dma_start3A_1821 = arith.constant 0 : i32
      %dma_start3A_1822 = tpu.memref_slice %arg11[%dma_start3A_1821] : memref<16xi32, #tpu.memory_space<vmem>> -> memref<1xi32, #tpu.memory_space<vmem>>
      tpu.enqueue_dma source(%arg4 : memref<1xi32, #tpu.memory_space<hbm>>) target(%dma_start3A_1822 : memref<1xi32, #tpu.memory_space<vmem>>) target_semaphore(%run_scoped3A : memref<!tpu.dma_semaphore, #tpu.memory_space<semaphore_mem>>)
      %dma_wait3A_1823 = arith.constant 0 : i32
      %dma_wait3A_1824 = tpu.memref_slice %arg11[%dma_wait3A_1823] : memref<16xi32, #tpu.memory_space<vmem>> -> memref<1xi32, #tpu.memory_space<vmem>>
      %dma_wait3A_1825 = arith.constant 0 : i32
      %dma_wait3A_1826 = tpu.memref_slice %arg11[%dma_wait3A_1825] : memref<16xi32, #tpu.memory_space<vmem>> -> memref<1xi32, #tpu.memory_space<vmem>>
      tpu.wait_dma2 semaphore(%run_scoped3A : memref<!tpu.dma_semaphore, #tpu.memory_space<semaphore_mem>>) src(%arg4 : memref<1xi32, #tpu.memory_space<hbm>>) dst(%dma_wait3A_1826 : memref<1xi32, #tpu.memory_space<vmem>>)
      tpu.yield
    }) : () -> ()
    "tpu.region"() ({
      %run_scoped3A = tpu.sem_alloc : memref<!tpu.dma_semaphore, #tpu.memory_space<semaphore_mem>>
      %dma_start3A_1819 = arith.constant 0 : i32
      %dma_start3A_1820 = tpu.memref_slice %arg12[%dma_start3A_1819] : memref<32xi32, #tpu.memory_space<vmem>> -> memref<31xi32, #tpu.memory_space<vmem>>
      %dma_start3A_1821 = arith.constant 0 : i32
      %dma_start3A_1822 = tpu.memref_slice %arg12[%dma_start3A_1821] : memref<32xi32, #tpu.memory_space<vmem>> -> memref<31xi32, #tpu.memory_space<vmem>>
      tpu.enqueue_dma source(%arg5 : memref<31xi32, #tpu.memory_space<hbm>>) target(%dma_start3A_1822 : memref<31xi32, #tpu.memory_space<vmem>>) target_semaphore(%run_scoped3A : memref<!tpu.dma_semaphore, #tpu.memory_space<semaphore_mem>>)
      %dma_wait3A_1823 = arith.constant 0 : i32
      %dma_wait3A_1824 = tpu.memref_slice %arg12[%dma_wait3A_1823] : memref<32xi32, #tpu.memory_space<vmem>> -> memref<31xi32, #tpu.memory_space<vmem>>
      %dma_wait3A_1825 = arith.constant 0 : i32
      %dma_wait3A_1826 = tpu.memref_slice %arg12[%dma_wait3A_1825] : memref<32xi32, #tpu.memory_space<vmem>> -> memref<31xi32, #tpu.memory_space<vmem>>
      tpu.wait_dma2 semaphore(%run_scoped3A : memref<!tpu.dma_semaphore, #tpu.memory_space<semaphore_mem>>) src(%arg5 : memref<31xi32, #tpu.memory_space<hbm>>) dst(%dma_wait3A_1826 : memref<31xi32, #tpu.memory_space<vmem>>)
      tpu.yield
    }) : () -> ()
    "tpu.region"() ({
      %run_scoped3A = tpu.sem_alloc : memref<!tpu.dma_semaphore, #tpu.memory_space<semaphore_mem>>
      %dma_start3A_1819 = arith.constant 0 : i32
      %dma_start3A_1820 = tpu.memref_slice %arg16[%dma_start3A_1819] : memref<16xf32, #tpu.memory_space<vmem>> -> memref<1xf32, #tpu.memory_space<vmem>>
      %dma_start3A_1821 = arith.constant 0 : i32
      %dma_start3A_1822 = tpu.memref_slice %arg16[%dma_start3A_1821] : memref<16xf32, #tpu.memory_space<vmem>> -> memref<1xf32, #tpu.memory_space<vmem>>
      tpu.enqueue_dma source(%arg6 : memref<1xf32, #tpu.memory_space<hbm>>) target(%dma_start3A_1822 : memref<1xf32, #tpu.memory_space<vmem>>) target_semaphore(%run_scoped3A : memref<!tpu.dma_semaphore, #tpu.memory_space<semaphore_mem>>)
      %dma_wait3A_1823 = arith.constant 0 : i32
      %dma_wait3A_1824 = tpu.memref_slice %arg16[%dma_wait3A_1823] : memref<16xf32, #tpu.memory_space<vmem>> -> memref<1xf32, #tpu.memory_space<vmem>>
      %dma_wait3A_1825 = arith.constant 0 : i32
      %dma_wait3A_1826 = tpu.memref_slice %arg16[%dma_wait3A_1825] : memref<16xf32, #tpu.memory_space<vmem>> -> memref<1xf32, #tpu.memory_space<vmem>>
      tpu.wait_dma2 semaphore(%run_scoped3A : memref<!tpu.dma_semaphore, #tpu.memory_space<semaphore_mem>>) src(%arg6 : memref<1xf32, #tpu.memory_space<hbm>>) dst(%dma_wait3A_1826 : memref<1xf32, #tpu.memory_space<vmem>>)
      tpu.yield
    }) : () -> ()
    "tpu.region"() ({
      %run_scoped3A = tpu.sem_alloc : memref<!tpu.dma_semaphore, #tpu.memory_space<semaphore_mem>>
      %dma_start3A_1819 = arith.constant 0 : i32
      %dma_start3A_1820 = tpu.memref_slice %arg17[%dma_start3A_1819] : memref<16xf32, #tpu.memory_space<vmem>> -> memref<1xf32, #tpu.memory_space<vmem>>
      %dma_start3A_1821 = arith.constant 0 : i32
      %dma_start3A_1822 = tpu.memref_slice %arg17[%dma_start3A_1821] : memref<16xf32, #tpu.memory_space<vmem>> -> memref<1xf32, #tpu.memory_space<vmem>>
      tpu.enqueue_dma source(%arg7 : memref<1xf32, #tpu.memory_space<hbm>>) target(%dma_start3A_1822 : memref<1xf32, #tpu.memory_space<vmem>>) target_semaphore(%run_scoped3A : memref<!tpu.dma_semaphore, #tpu.memory_space<semaphore_mem>>)
      %dma_wait3A_1823 = arith.constant 0 : i32
      %dma_wait3A_1824 = tpu.memref_slice %arg17[%dma_wait3A_1823] : memref<16xf32, #tpu.memory_space<vmem>> -> memref<1xf32, #tpu.memory_space<vmem>>
      %dma_wait3A_1825 = arith.constant 0 : i32
      %dma_wait3A_1826 = tpu.memref_slice %arg17[%dma_wait3A_1825] : memref<16xf32, #tpu.memory_space<vmem>> -> memref<1xf32, #tpu.memory_space<vmem>>
      tpu.wait_dma2 semaphore(%run_scoped3A : memref<!tpu.dma_semaphore, #tpu.memory_space<semaphore_mem>>) src(%arg7 : memref<1xf32, #tpu.memory_space<hbm>>) dst(%dma_wait3A_1826 : memref<1xf32, #tpu.memory_space<vmem>>)
      tpu.yield
    }) : () -> ()
    "tpu.region"() ({
      %run_scoped3A = tpu.sem_alloc : memref<!tpu.dma_semaphore, #tpu.memory_space<semaphore_mem>>
      %dma_start3A_1819 = arith.constant 0 : i32
      %dma_start3A_1820 = tpu.memref_slice %arg8[%mul3A_2, %dma_start3A_1819] : memref<4096x2xf32, #tpu.memory_space<hbm>> -> memref<128x2xf32, #tpu.memory_space<hbm>>
      %dma_start3A_1821 = arith.constant 0 : i32
      %dma_start3A_1822 = tpu.memref_slice %arg8[%mul3A_2, %dma_start3A_1821] : memref<4096x2xf32, #tpu.memory_space<hbm>> -> memref<128x2xf32, #tpu.memory_space<hbm>>
      tpu.enqueue_dma source(%dma_start3A_1822 : memref<128x2xf32, #tpu.memory_space<hbm>>) target(%arg15 : memref<128x2xf32, #tpu.memory_space<vmem>>) target_semaphore(%run_scoped3A : memref<!tpu.dma_semaphore, #tpu.memory_space<semaphore_mem>>)
      %dma_wait3A_1823 = arith.constant 0 : i32
      %dma_wait3A_1824 = tpu.memref_slice %arg8[%mul3A_2, %dma_wait3A_1823] : memref<4096x2xf32, #tpu.memory_space<hbm>> -> memref<128x2xf32, #tpu.memory_space<hbm>>
      %dma_wait3A_1825 = arith.constant 0 : i32
      %dma_wait3A_1826 = tpu.memref_slice %arg8[%mul3A_2, %dma_wait3A_1825] : memref<4096x2xf32, #tpu.memory_space<hbm>> -> memref<128x2xf32, #tpu.memory_space<hbm>>
      tpu.wait_dma2 semaphore(%run_scoped3A : memref<!tpu.dma_semaphore, #tpu.memory_space<semaphore_mem>>) src(%dma_wait3A_1826 : memref<128x2xf32, #tpu.memory_space<hbm>>) dst(%arg15 : memref<128x2xf32, #tpu.memory_space<vmem>>)
      tpu.yield
    }) : () -> ()
    %iota3A = tpu.iota {dimensions = array<i32: 0>} : vector<16xi32>
    %get3A = arith.constant 0 : index
    %get3A_3 = tpu.vector_load %arg11[%get3A] {strides = array<i32>} : memref<16xi32, #tpu.memory_space<vmem>>, vector<16xi32>,
    %eq3A = arith.constant 0 : i32
    %eq3A_4 = vector.broadcast %eq3A : i32 to vector<16xi32>
    %eq3A_5 = arith.cmpi eq, %iota3A, %eq3A_4 : vector<16xi32>
    tpu.vector_store_idx %arg10[%iota3A], %get3A_3 masked %eq3A_5 : memref<32xi32, #tpu.memory_space<vmem>>[vector<16xi32>], vector<16xi32>, vector<16xi1>
    %add3A_6 = arith.constant 1 : i32
    %add3A_7 = vector.broadcast %add3A_6 : i32 to vector<16xi32>
    %add3A_8 = arith.addi %iota3A, %add3A_7 : vector<16xi32>
    %get3A_9 = arith.constant 0 : index
    %get3A_10 = tpu.vector_load %arg12[%get3A_9] {strides = array<i32>} : memref<32xi32, #tpu.memory_space<vmem>>, vector<16xi32>,
    tpu.vector_store_idx %arg10[%add3A_8], %get3A_10 : memref<32xi32, #tpu.memory_space<vmem>>[vector<16xi32>], vector<16xi32>,
    %add3A_11 = arith.constant 16 : i32
    %add3A_12 = vector.broadcast %add3A_11 : i32 to vector<16xi32>
    %add3A_13 = arith.addi %iota3A, %add3A_12 : vector<16xi32>
    %add3A_14 = arith.constant 1 : i32
    %add3A_15 = vector.broadcast %add3A_14 : i32 to vector<16xi32>
    %add3A_16 = arith.addi %add3A_13, %add3A_15 : vector<16xi32>
    %get3A_17 = arith.constant 16 : index
    %get3A_18 = tpu.vector_load %arg12[%get3A_17] {strides = array<i32>} : memref<32xi32, #tpu.memory_space<vmem>>, vector<16xi32>,
    %lt3A = arith.constant 15 : i32
    %lt3A_19 = vector.broadcast %lt3A : i32 to vector<16xi32>
    %lt3A_20 = arith.cmpi slt, %iota3A, %lt3A_19 : vector<16xi32>
    tpu.vector_store_idx %arg10[%add3A_16], %get3A_18 masked %lt3A_20 : memref<32xi32, #tpu.memory_space<vmem>>[vector<16xi32>], vector<16xi32>, vector<16xi1>
    %broadcast_in_dim3A = arith.constant 0.000000e+00 : f32
    %broadcast_in_dim3A_21 = vector.broadcast %broadcast_in_dim3A : f32 to vector<16xf32>
    %scan3A = arith.constant 0 : i32
    %scan3A_22 = arith.constant 0 : i32
    %scan3A_23 = arith.constant 32 : i32
    %scan3A_24 = arith.addi %scan3A_22, %scan3A_23 : i32
    %scan3A_25 = arith.constant 1 : i32
    scf.for %scan3A_1819 = %scan3A_22 to %scan3A_24 step %scan3A_25  : i32 {
      %swap3A = arith.index_cast %scan3A_1819 : i32 to index
      %swap3A_1820 = arith.constant 112 : index
      %swap3A_1821 = tpu.vector_load %arg13[%swap3A, %swap3A_1820] {strides = array<i32>} : memref<32x128xf32, #tpu.memory_space<vmem>>, vector<16xf32>,
      tpu.vector_store %arg13[%swap3A, %swap3A_1820], %broadcast_in_dim3A_21 {strides = array<i32>} : memref<32x128xf32, #tpu.memory_space<vmem>>, vector<16xf32>,
    }
    %scan3A_26 = arith.constant 32 : i32
    %get3A_27 = arith.constant 0 : index
    %get3A_28 = tpu.vector_load %arg10[%get3A_27] {strides = array<i32>} : memref<32xi32, #tpu.memory_space<vmem>>, vector<16xi32>,
    %get3A_29 = arith.constant 16 : index
    %get3A_30 = tpu.vector_load %arg10[%get3A_29] {strides = array<i32>} : memref<32xi32, #tpu.memory_space<vmem>>, vector<16xi32>,
    %slice3A = vector.extract_strided_slice %get3A_28 {offsets = [0], sizes = [1], strides = [1]} : vector<16xi32> to vector<1xi32>
    %squeeze3A = vector.extract %slice3A[0] : i32 from vector<1xi32>
    %dma_start3A = arith.constant 0 : i32
    %dma_start3A_31 = arith.constant 0 : i32
    %dma_start3A_32 = tpu.memref_slice %arg14[%dma_start3A, %dma_start3A_31] : memref<32x128xf32, #tpu.memory_space<vmem>> -> memref<1x128xf32, #tpu.memory_space<vmem>>
    %dma_start3A_33 = tpu.memref_squeeze %dma_start3A_32 : memref<1x128xf32, #tpu.memory_space<vmem>> -> memref<128xf32, #tpu.memory_space<vmem>>
    %dma_start3A_34 = tpu.memref_slice %arg2[%squeeze3A, %mul3A_2] : memref<1000x4096xf32, #tpu.memory_space<hbm>> -> memref<1x128xf32, #tpu.memory_space<hbm>>
    %dma_start3A_35 = tpu.memref_squeeze %dma_start3A_34 : memref<1x128xf32, #tpu.memory_space<hbm>> -> memref<128xf32, #tpu.memory_space<hbm>>
    %dma_start3A_36 = arith.constant 0 : i32
    %dma_start3A_37 = tpu.memref_slice %arg14[%dma_start3A, %dma_start3A_36] : memref<32x128xf32, #tpu.memory_space<vmem>> -> memref<1x128xf32, #tpu.memory_space<vmem>>
    %dma_start3A_38 = tpu.memref_squeeze %dma_start3A_37 : memref<1x128xf32, #tpu.memory_space<vmem>> -> memref<128xf32, #tpu.memory_space<vmem>>
    %dma_start3A_39 = tpu.memref_slice %arg2[%squeeze3A, %mul3A_2] : memref<1000x4096xf32, #tpu.memory_space<hbm>> -> memref<1x128xf32, #tpu.memory_space<hbm>>
    %dma_start3A_40 = tpu.memref_squeeze %dma_start3A_39 : memref<1x128xf32, #tpu.memory_space<hbm>> -> memref<128xf32, #tpu.memory_space<hbm>>
    tpu.enqueue_dma source(%dma_start3A_40 : memref<128xf32, #tpu.memory_space<hbm>>) target(%dma_start3A_38 : memref<128xf32, #tpu.memory_space<vmem>>) target_semaphore(%arg19 : memref<!tpu.dma_semaphore, #tpu.memory_space<semaphore_mem>>)
    %dma_start3A_41 = arith.constant 0 : i32
    %dma_start3A_42 = arith.constant 0 : i32
    %dma_start3A_43 = tpu.memref_slice %arg13[%dma_start3A_41, %dma_start3A_42] : memref<32x128xf32, #tpu.memory_space<vmem>> -> memref<1x125xf32, #tpu.memory_space<vmem>>
    %dma_start3A_44 = tpu.memref_squeeze %dma_start3A_43 : memref<1x125xf32, #tpu.memory_space<vmem>> -> memref<125xf32, #tpu.memory_space<vmem>>
    %dma_start3A_45 = arith.constant 0 : i32
    %dma_start3A_46 = tpu.memref_slice %arg3[%squeeze3A, %dma_start3A_45] : memref<1000x125xf32, #tpu.memory_space<hbm>> -> memref<1x125xf32, #tpu.memory_space<hbm>>
    %dma_start3A_47 = tpu.memref_squeeze %dma_start3A_46 : memref<1x125xf32, #tpu.memory_space<hbm>> -> memref<125xf32, #tpu.memory_space<hbm>>
    %dma_start3A_48 = arith.constant 0 : i32
    %dma_start3A_49 = tpu.memref_slice %arg13[%dma_start3A_41, %dma_start3A_48] : memref<32x128xf32, #tpu.memory_space<vmem>> -> memref<1x125xf32, #tpu.memory_space<vmem>>
    %dma_start3A_50 = tpu.memref_squeeze %dma_start3A_49 : memref<1x125xf32, #tpu.memory_space<vmem>> -> memref<125xf32, #tpu.memory_space<vmem>>
    %dma_start3A_51 = arith.constant 0 : i32
    %dma_start3A_52 = tpu.memref_slice %arg3[%squeeze3A, %dma_start3A_51] : memref<1000x125xf32, #tpu.memory_space<hbm>> -> memref<1x125xf32, #tpu.memory_space<hbm>>
    %dma_start3A_53 = tpu.memref_squeeze %dma_start3A_52 : memref<1x125xf32, #tpu.memory_space<hbm>> -> memref<125xf32, #tpu.memory_space<hbm>>
    tpu.enqueue_dma source(%dma_start3A_53 : memref<125xf32, #tpu.memory_space<hbm>>) target(%dma_start3A_50 : memref<125xf32, #tpu.memory_space<vmem>>) target_semaphore(%arg19 : memref<!tpu.dma_semaphore, #tpu.memory_space<semaphore_mem>>)
    %slice3A_54 = vector.extract_strided_slice %get3A_28 {offsets = [1], sizes = [1], strides = [1]} : vector<16xi32> to vector<1xi32>
    %squeeze3A_55 = vector.extract %slice3A_54[0] : i32 from vector<1xi32>
    %dma_start3A_56 = arith.constant 1 : i32
    %dma_start3A_57 = arith.constant 0 : i32
    %dma_start3A_58 = tpu.memref_slice %arg14[%dma_start3A_56, %dma_start3A_57] : memref<32x128xf32, #tpu.memory_space<vmem>> -> memref<1x128xf32, #tpu.memory_space<vmem>>
    %dma_start3A_59 = tpu.memref_squeeze %dma_start3A_58 : memref<1x128xf32, #tpu.memory_space<vmem>> -> memref<128xf32, #tpu.memory_space<vmem>>
    %dma_start3A_60 = tpu.memref_slice %arg2[%squeeze3A_55, %mul3A_2] : memref<1000x4096xf32, #tpu.memory_space<hbm>> -> memref<1x128xf32, #tpu.memory_space<hbm>>
    %dma_start3A_61 = tpu.memref_squeeze %dma_start3A_60 : memref<1x128xf32, #tpu.memory_space<hbm>> -> memref<128xf32, #tpu.memory_space<hbm>>
    %dma_start3A_62 = arith.constant 0 : i32
    %dma_start3A_63 = tpu.memref_slice %arg14[%dma_start3A_56, %dma_start3A_62] : memref<32x128xf32, #tpu.memory_space<vmem>> -> memref<1x128xf32, #tpu.memory_space<vmem>>
    %dma_start3A_64 = tpu.memref_squeeze %dma_start3A_63 : memref<1x128xf32, #tpu.memory_space<vmem>> -> memref<128xf32, #tpu.memory_space<vmem>>
    %dma_start3A_65 = tpu.memref_slice %arg2[%squeeze3A_55, %mul3A_2] : memref<1000x4096xf32, #tpu.memory_space<hbm>> -> memref<1x128xf32, #tpu.memory_space<hbm>>
    %dma_start3A_66 = tpu.memref_squeeze %dma_start3A_65 : memref<1x128xf32, #tpu.memory_space<hbm>> -> memref<128xf32, #tpu.memory_space<hbm>>
    tpu.enqueue_dma source(%dma_start3A_66 : memref<128xf32, #tpu.memory_space<hbm>>) target(%dma_start3A_64 : memref<128xf32, #tpu.memory_space<vmem>>) target_semaphore(%arg19 : memref<!tpu.dma_semaphore, #tpu.memory_space<semaphore_mem>>)
    %dma_start3A_67 = arith.constant 1 : i32
    %dma_start3A_68 = arith.constant 0 : i32
    %dma_start3A_69 = tpu.memref_slice %arg13[%dma_start3A_67, %dma_start3A_68] : memref<32x128xf32, #tpu.memory_space<vmem>> -> memref<1x125xf32, #tpu.memory_space<vmem>>
    %dma_start3A_70 = tpu.memref_squeeze %dma_start3A_69 : memref<1x125xf32, #tpu.memory_space<vmem>> -> memref<125xf32, #tpu.memory_space<vmem>>
    %dma_start3A_71 = arith.constant 0 : i32
    %dma_start3A_72 = tpu.memref_slice %arg3[%squeeze3A_55, %dma_start3A_71] : memref<1000x125xf32, #tpu.memory_space<hbm>> -> memref<1x125xf32, #tpu.memory_space<hbm>>
    %dma_start3A_73 = tpu.memref_squeeze %dma_start3A_72 : memref<1x125xf32, #tpu.memory_space<hbm>> -> memref<125xf32, #tpu.memory_space<hbm>>
    %dma_start3A_74 = arith.constant 0 : i32
    %dma_start3A_75 = tpu.memref_slice %arg13[%dma_start3A_67, %dma_start3A_74] : memref<32x128xf32, #tpu.memory_space<vmem>> -> memref<1x125xf32, #tpu.memory_space<vmem>>
    %dma_start3A_76 = tpu.memref_squeeze %dma_start3A_75 : memref<1x125xf32, #tpu.memory_space<vmem>> -> memref<125xf32, #tpu.memory_space<vmem>>
    %dma_start3A_77 = arith.constant 0 : i32
    %dma_start3A_78 = tpu.memref_slice %arg3[%squeeze3A_55, %dma_start3A_77] : memref<1000x125xf32, #tpu.memory_space<hbm>> -> memref<1x125xf32, #tpu.memory_space<hbm>>
    %dma_start3A_79 = tpu.memref_squeeze %dma_start3A_78 : memref<1x125xf32, #tpu.memory_space<hbm>> -> memref<125xf32, #tpu.memory_space<hbm>>
    tpu.enqueue_dma source(%dma_start3A_79 : memref<125xf32, #tpu.memory_space<hbm>>) target(%dma_start3A_76 : memref<125xf32, #tpu.memory_space<vmem>>) target_semaphore(%arg19 : memref<!tpu.dma_semaphore, #tpu.memory_space<semaphore_mem>>)
    %slice3A_80 = vector.extract_strided_slice %get3A_28 {offsets = [2], sizes = [1], strides = [1]} : vector<16xi32> to vector<1xi32>
    %squeeze3A_81 = vector.extract %slice3A_80[0] : i32 from vector<1xi32>
    %dma_start3A_82 = arith.constant 2 : i32
    %dma_start3A_83 = arith.constant 0 : i32
    %dma_start3A_84 = tpu.memref_slice %arg14[%dma_start3A_82, %dma_start3A_83] : memref<32x128xf32, #tpu.memory_space<vmem>> -> memref<1x128xf32, #tpu.memory_space<vmem>>
    %dma_start3A_85 = tpu.memref_squeeze %dma_start3A_84 : memref<1x128xf32, #tpu.memory_space<vmem>> -> memref<128xf32, #tpu.memory_space<vmem>>
    %dma_start3A_86 = tpu.memref_slice %arg2[%squeeze3A_81, %mul3A_2] : memref<1000x4096xf32, #tpu.memory_space<hbm>> -> memref<1x128xf32, #tpu.memory_space<hbm>>
    %dma_start3A_87 = tpu.memref_squeeze %dma_start3A_86 : memref<1x128xf32, #tpu.memory_space<hbm>> -> memref<128xf32, #tpu.memory_space<hbm>>
    %dma_start3A_88 = arith.constant 0 : i32
    %dma_start3A_89 = tpu.memref_slice %arg14[%dma_start3A_82, %dma_start3A_88] : memref<32x128xf32, #tpu.memory_space<vmem>> -> memref<1x128xf32, #tpu.memory_space<vmem>>
    %dma_start3A_90 = tpu.memref_squeeze %dma_start3A_89 : memref<1x128xf32, #tpu.memory_space<vmem>> -> memref<128xf32, #tpu.memory_space<vmem>>
    %dma_start3A_91 = tpu.memref_slice %arg2[%squeeze3A_81, %mul3A_2] : memref<1000x4096xf32, #tpu.memory_space<hbm>> -> memref<1x128xf32, #tpu.memory_space<hbm>>
    %dma_start3A_92 = tpu.memref_squeeze %dma_start3A_91 : memref<1x128xf32, #tpu.memory_space<hbm>> -> memref<128xf32, #tpu.memory_space<hbm>>
    tpu.enqueue_dma source(%dma_start3A_92 : memref<128xf32, #tpu.memory_space<hbm>>) target(%dma_start3A_90 : memref<128xf32, #tpu.memory_space<vmem>>) target_semaphore(%arg19 : memref<!tpu.dma_semaphore, #tpu.memory_space<semaphore_mem>>)
    %dma_start3A_93 = arith.constant 2 : i32
    %dma_start3A_94 = arith.constant 0 : i32
    %dma_start3A_95 = tpu.memref_slice %arg13[%dma_start3A_93, %dma_start3A_94] : memref<32x128xf32, #tpu.memory_space<vmem>> -> memref<1x125xf32, #tpu.memory_space<vmem>>
    %dma_start3A_96 = tpu.memref_squeeze %dma_start3A_95 : memref<1x125xf32, #tpu.memory_space<vmem>> -> memref<125xf32, #tpu.memory_space<vmem>>
    %dma_start3A_97 = arith.constant 0 : i32
    %dma_start3A_98 = tpu.memref_slice %arg3[%squeeze3A_81, %dma_start3A_97] : memref<1000x125xf32, #tpu.memory_space<hbm>> -> memref<1x125xf32, #tpu.memory_space<hbm>>
    %dma_start3A_99 = tpu.memref_squeeze %dma_start3A_98 : memref<1x125xf32, #tpu.memory_space<hbm>> -> memref<125xf32, #tpu.memory_space<hbm>>
    %dma_start3A_100 = arith.constant 0 : i32
    %dma_start3A_101 = tpu.memref_slice %arg13[%dma_start3A_93, %dma_start3A_100] : memref<32x128xf32, #tpu.memory_space<vmem>> -> memref<1x125xf32, #tpu.memory_space<vmem>>
    %dma_start3A_102 = tpu.memref_squeeze %dma_start3A_101 : memref<1x125xf32, #tpu.memory_space<vmem>> -> memref<125xf32, #tpu.memory_space<vmem>>
    %dma_start3A_103 = arith.constant 0 : i32
    %dma_start3A_104 = tpu.memref_slice %arg3[%squeeze3A_81, %dma_start3A_103] : memref<1000x125xf32, #tpu.memory_space<hbm>> -> memref<1x125xf32, #tpu.memory_space<hbm>>
    %dma_start3A_105 = tpu.memref_squeeze %dma_start3A_104 : memref<1x125xf32, #tpu.memory_space<hbm>> -> memref<125xf32, #tpu.memory_space<hbm>>
    tpu.enqueue_dma source(%dma_start3A_105 : memref<125xf32, #tpu.memory_space<hbm>>) target(%dma_start3A_102 : memref<125xf32, #tpu.memory_space<vmem>>) target_semaphore(%arg19 : memref<!tpu.dma_semaphore, #tpu.memory_space<semaphore_mem>>)
    %slice3A_106 = vector.extract_strided_slice %get3A_28 {offsets = [3], sizes = [1], strides = [1]} : vector<16xi32> to vector<1xi32>
    %squeeze3A_107 = vector.extract %slice3A_106[0] : i32 from vector<1xi32>
    %dma_start3A_108 = arith.constant 3 : i32
    %dma_start3A_109 = arith.constant 0 : i32
    %dma_start3A_110 = tpu.memref_slice %arg14[%dma_start3A_108, %dma_start3A_109] : memref<32x128xf32, #tpu.memory_space<vmem>> -> memref<1x128xf32, #tpu.memory_space<vmem>>
    %dma_start3A_111 = tpu.memref_squeeze %dma_start3A_110 : memref<1x128xf32, #tpu.memory_space<vmem>> -> memref<128xf32, #tpu.memory_space<vmem>>
    %dma_start3A_112 = tpu.memref_slice %arg2[%squeeze3A_107, %mul3A_2] : memref<1000x4096xf32, #tpu.memory_space<hbm>> -> memref<1x128xf32, #tpu.memory_space<hbm>>
    %dma_start3A_113 = tpu.memref_squeeze %dma_start3A_112 : memref<1x128xf32, #tpu.memory_space<hbm>> -> memref<128xf32, #tpu.memory_space<hbm>>
    %dma_start3A_114 = arith.constant 0 : i32
    %dma_start3A_115 = tpu.memref_slice %arg14[%dma_start3A_108, %dma_start3A_114] : memref<32x128xf32, #tpu.memory_space<vmem>> -> memref<1x128xf32, #tpu.memory_space<vmem>>
    %dma_start3A_116 = tpu.memref_squeeze %dma_start3A_115 : memref<1x128xf32, #tpu.memory_space<vmem>> -> memref<128xf32, #tpu.memory_space<vmem>>
    %dma_start3A_117 = tpu.memref_slice %arg2[%squeeze3A_107, %mul3A_2] : memref<1000x4096xf32, #tpu.memory_space<hbm>> -> memref<1x128xf32, #tpu.memory_space<hbm>>
    %dma_start3A_118 = tpu.memref_squeeze %dma_start3A_117 : memref<1x128xf32, #tpu.memory_space<hbm>> -> memref<128xf32, #tpu.memory_space<hbm>>
    tpu.enqueue_dma source(%dma_start3A_118 : memref<128xf32, #tpu.memory_space<hbm>>) target(%dma_start3A_116 : memref<128xf32, #tpu.memory_space<vmem>>) target_semaphore(%arg19 : memref<!tpu.dma_semaphore, #tpu.memory_space<semaphore_mem>>)
    %dma_start3A_119 = arith.constant 3 : i32
    %dma_start3A_120 = arith.constant 0 : i32
    %dma_start3A_121 = tpu.memref_slice %arg13[%dma_start3A_119, %dma_start3A_120] : memref<32x128xf32, #tpu.memory_space<vmem>> -> memref<1x125xf32, #tpu.memory_space<vmem>>
    %dma_start3A_122 = tpu.memref_squeeze %dma_start3A_121 : memref<1x125xf32, #tpu.memory_space<vmem>> -> memref<125xf32, #tpu.memory_space<vmem>>
    %dma_start3A_123 = arith.constant 0 : i32
    %dma_start3A_124 = tpu.memref_slice %arg3[%squeeze3A_107, %dma_start3A_123] : memref<1000x125xf32, #tpu.memory_space<hbm>> -> memref<1x125xf32, #tpu.memory_space<hbm>>
    %dma_start3A_125 = tpu.memref_squeeze %dma_start3A_124 : memref<1x125xf32, #tpu.memory_space<hbm>> -> memref<125xf32, #tpu.memory_space<hbm>>
    %dma_start3A_126 = arith.constant 0 : i32
    %dma_start3A_127 = tpu.memref_slice %arg13[%dma_start3A_119, %dma_start3A_126] : memref<32x128xf32, #tpu.memory_space<vmem>> -> memref<1x125xf32, #tpu.memory_space<vmem>>
    %dma_start3A_128 = tpu.memref_squeeze %dma_start3A_127 : memref<1x125xf32, #tpu.memory_space<vmem>> -> memref<125xf32, #tpu.memory_space<vmem>>
    %dma_start3A_129 = arith.constant 0 : i32
    %dma_start3A_130 = tpu.memref_slice %arg3[%squeeze3A_107, %dma_start3A_129] : memref<1000x125xf32, #tpu.memory_space<hbm>> -> memref<1x125xf32, #tpu.memory_space<hbm>>
    %dma_start3A_131 = tpu.memref_squeeze %dma_start3A_130 : memref<1x125xf32, #tpu.memory_space<hbm>> -> memref<125xf32, #tpu.memory_space<hbm>>
    tpu.enqueue_dma source(%dma_start3A_131 : memref<125xf32, #tpu.memory_space<hbm>>) target(%dma_start3A_128 : memref<125xf32, #tpu.memory_space<vmem>>) target_semaphore(%arg19 : memref<!tpu.dma_semaphore, #tpu.memory_space<semaphore_mem>>)
    %slice3A_132 = vector.extract_strided_slice %get3A_28 {offsets = [4], sizes = [1], strides = [1]} : vector<16xi32> to vector<1xi32>
    %squeeze3A_133 = vector.extract %slice3A_132[0] : i32 from vector<1xi32>
    %dma_start3A_134 = arith.constant 4 : i32
    %dma_start3A_135 = arith.constant 0 : i32
    %dma_start3A_136 = tpu.memref_slice %arg14[%dma_start3A_134, %dma_start3A_135] : memref<32x128xf32, #tpu.memory_space<vmem>> -> memref<1x128xf32, #tpu.memory_space<vmem>>
    %dma_start3A_137 = tpu.memref_squeeze %dma_start3A_136 : memref<1x128xf32, #tpu.memory_space<vmem>> -> memref<128xf32, #tpu.memory_space<vmem>>
    %dma_start3A_138 = tpu.memref_slice %arg2[%squeeze3A_133, %mul3A_2] : memref<1000x4096xf32, #tpu.memory_space<hbm>> -> memref<1x128xf32, #tpu.memory_space<hbm>>
    %dma_start3A_139 = tpu.memref_squeeze %dma_start3A_138 : memref<1x128xf32, #tpu.memory_space<hbm>> -> memref<128xf32, #tpu.memory_space<hbm>>
    %dma_start3A_140 = arith.constant 0 : i32
    %dma_start3A_141 = tpu.memref_slice %arg14[%dma_start3A_134, %dma_start3A_140] : memref<32x128xf32, #tpu.memory_space<vmem>> -> memref<1x128xf32, #tpu.memory_space<vmem>>
    %dma_start3A_142 = tpu.memref_squeeze %dma_start3A_141 : memref<1x128xf32, #tpu.memory_space<vmem>> -> memref<128xf32, #tpu.memory_space<vmem>>
    %dma_start3A_143 = tpu.memref_slice %arg2[%squeeze3A_133, %mul3A_2] : memref<1000x4096xf32, #tpu.memory_space<hbm>> -> memref<1x128xf32, #tpu.memory_space<hbm>>
    %dma_start3A_144 = tpu.memref_squeeze %dma_start3A_143 : memref<1x128xf32, #tpu.memory_space<hbm>> -> memref<128xf32, #tpu.memory_space<hbm>>
    tpu.enqueue_dma source(%dma_start3A_144 : memref<128xf32, #tpu.memory_space<hbm>>) target(%dma_start3A_142 : memref<128xf32, #tpu.memory_space<vmem>>) target_semaphore(%arg19 : memref<!tpu.dma_semaphore, #tpu.memory_space<semaphore_mem>>)
    %dma_start3A_145 = arith.constant 4 : i32
    %dma_start3A_146 = arith.constant 0 : i32
    %dma_start3A_147 = tpu.memref_slice %arg13[%dma_start3A_145, %dma_start3A_146] : memref<32x128xf32, #tpu.memory_space<vmem>> -> memref<1x125xf32, #tpu.memory_space<vmem>>
    %dma_start3A_148 = tpu.memref_squeeze %dma_start3A_147 : memref<1x125xf32, #tpu.memory_space<vmem>> -> memref<125xf32, #tpu.memory_space<vmem>>
    %dma_start3A_149 = arith.constant 0 : i32
    %dma_start3A_150 = tpu.memref_slice %arg3[%squeeze3A_133, %dma_start3A_149] : memref<1000x125xf32, #tpu.memory_space<hbm>> -> memref<1x125xf32, #tpu.memory_space<hbm>>
    %dma_start3A_151 = tpu.memref_squeeze %dma_start3A_150 : memref<1x125xf32, #tpu.memory_space<hbm>> -> memref<125xf32, #tpu.memory_space<hbm>>
    %dma_start3A_152 = arith.constant 0 : i32
    %dma_start3A_153 = tpu.memref_slice %arg13[%dma_start3A_145, %dma_start3A_152] : memref<32x128xf32, #tpu.memory_space<vmem>> -> memref<1x125xf32, #tpu.memory_space<vmem>>
    %dma_start3A_154 = tpu.memref_squeeze %dma_start3A_153 : memref<1x125xf32, #tpu.memory_space<vmem>> -> memref<125xf32, #tpu.memory_space<vmem>>
    %dma_start3A_155 = arith.constant 0 : i32
    %dma_start3A_156 = tpu.memref_slice %arg3[%squeeze3A_133, %dma_start3A_155] : memref<1000x125xf32, #tpu.memory_space<hbm>> -> memref<1x125xf32, #tpu.memory_space<hbm>>
    %dma_start3A_157 = tpu.memref_squeeze %dma_start3A_156 : memref<1x125xf32, #tpu.memory_space<hbm>> -> memref<125xf32, #tpu.memory_space<hbm>>
    tpu.enqueue_dma source(%dma_start3A_157 : memref<125xf32, #tpu.memory_space<hbm>>) target(%dma_start3A_154 : memref<125xf32, #tpu.memory_space<vmem>>) target_semaphore(%arg19 : memref<!tpu.dma_semaphore, #tpu.memory_space<semaphore_mem>>)
    %slice3A_158 = vector.extract_strided_slice %get3A_28 {offsets = [5], sizes = [1], strides = [1]} : vector<16xi32> to vector<1xi32>
    %squeeze3A_159 = vector.extract %slice3A_158[0] : i32 from vector<1xi32>
    %dma_start3A_160 = arith.constant 5 : i32
    %dma_start3A_161 = arith.constant 0 : i32
    %dma_start3A_162 = tpu.memref_slice %arg14[%dma_start3A_160, %dma_start3A_161] : memref<32x128xf32, #tpu.memory_space<vmem>> -> memref<1x128xf32, #tpu.memory_space<vmem>>
    %dma_start3A_163 = tpu.memref_squeeze %dma_start3A_162 : memref<1x128xf32, #tpu.memory_space<vmem>> -> memref<128xf32, #tpu.memory_space<vmem>>
    %dma_start3A_164 = tpu.memref_slice %arg2[%squeeze3A_159, %mul3A_2] : memref<1000x4096xf32, #tpu.memory_space<hbm>> -> memref<1x128xf32, #tpu.memory_space<hbm>>
    %dma_start3A_165 = tpu.memref_squeeze %dma_start3A_164 : memref<1x128xf32, #tpu.memory_space<hbm>> -> memref<128xf32, #tpu.memory_space<hbm>>
    %dma_start3A_166 = arith.constant 0 : i32
    %dma_start3A_167 = tpu.memref_slice %arg14[%dma_start3A_160, %dma_start3A_166] : memref<32x128xf32, #tpu.memory_space<vmem>> -> memref<1x128xf32, #tpu.memory_space<vmem>>
    %dma_start3A_168 = tpu.memref_squeeze %dma_start3A_167 : memref<1x128xf32, #tpu.memory_space<vmem>> -> memref<128xf32, #tpu.memory_space<vmem>>
    %dma_start3A_169 = tpu.memref_slice %arg2[%squeeze3A_159, %mul3A_2] : memref<1000x4096xf32, #tpu.memory_space<hbm>> -> memref<1x128xf32, #tpu.memory_space<hbm>>
    %dma_start3A_170 = tpu.memref_squeeze %dma_start3A_169 : memref<1x128xf32, #tpu.memory_space<hbm>> -> memref<128xf32, #tpu.memory_space<hbm>>
    tpu.enqueue_dma source(%dma_start3A_170 : memref<128xf32, #tpu.memory_space<hbm>>) target(%dma_start3A_168 : memref<128xf32, #tpu.memory_space<vmem>>) target_semaphore(%arg19 : memref<!tpu.dma_semaphore, #tpu.memory_space<semaphore_mem>>)
    %dma_start3A_171 = arith.constant 5 : i32
    %dma_start3A_172 = arith.constant 0 : i32
    %dma_start3A_173 = tpu.memref_slice %arg13[%dma_start3A_171, %dma_start3A_172] : memref<32x128xf32, #tpu.memory_space<vmem>> -> memref<1x125xf32, #tpu.memory_space<vmem>>
    %dma_start3A_174 = tpu.memref_squeeze %dma_start3A_173 : memref<1x125xf32, #tpu.memory_space<vmem>> -> memref<125xf32, #tpu.memory_space<vmem>>
    %dma_start3A_175 = arith.constant 0 : i32
    %dma_start3A_176 = tpu.memref_slice %arg3[%squeeze3A_159, %dma_start3A_175] : memref<1000x125xf32, #tpu.memory_space<hbm>> -> memref<1x125xf32, #tpu.memory_space<hbm>>
    %dma_start3A_177 = tpu.memref_squeeze %dma_start3A_176 : memref<1x125xf32, #tpu.memory_space<hbm>> -> memref<125xf32, #tpu.memory_space<hbm>>
    %dma_start3A_178 = arith.constant 0 : i32
    %dma_start3A_179 = tpu.memref_slice %arg13[%dma_start3A_171, %dma_start3A_178] : memref<32x128xf32, #tpu.memory_space<vmem>> -> memref<1x125xf32, #tpu.memory_space<vmem>>
    %dma_start3A_180 = tpu.memref_squeeze %dma_start3A_179 : memref<1x125xf32, #tpu.memory_space<vmem>> -> memref<125xf32, #tpu.memory_space<vmem>>
    %dma_start3A_181 = arith.constant 0 : i32
    %dma_start3A_182 = tpu.memref_slice %arg3[%squeeze3A_159, %dma_start3A_181] : memref<1000x125xf32, #tpu.memory_space<hbm>> -> memref<1x125xf32, #tpu.memory_space<hbm>>
    %dma_start3A_183 = tpu.memref_squeeze %dma_start3A_182 : memref<1x125xf32, #tpu.memory_space<hbm>> -> memref<125xf32, #tpu.memory_space<hbm>>
    tpu.enqueue_dma source(%dma_start3A_183 : memref<125xf32, #tpu.memory_space<hbm>>) target(%dma_start3A_180 : memref<125xf32, #tpu.memory_space<vmem>>) target_semaphore(%arg19 : memref<!tpu.dma_semaphore, #tpu.memory_space<semaphore_mem>>)
    %slice3A_184 = vector.extract_strided_slice %get3A_28 {offsets = [6], sizes = [1], strides = [1]} : vector<16xi32> to vector<1xi32>
    %squeeze3A_185 = vector.extract %slice3A_184[0] : i32 from vector<1xi32>
    %dma_start3A_186 = arith.constant 6 : i32
    %dma_start3A_187 = arith.constant 0 : i32
    %dma_start3A_188 = tpu.memref_slice %arg14[%dma_start3A_186, %dma_start3A_187] : memref<32x128xf32, #tpu.memory_space<vmem>> -> memref<1x128xf32, #tpu.memory_space<vmem>>
    %dma_start3A_189 = tpu.memref_squeeze %dma_start3A_188 : memref<1x128xf32, #tpu.memory_space<vmem>> -> memref<128xf32, #tpu.memory_space<vmem>>
    %dma_start3A_190 = tpu.memref_slice %arg2[%squeeze3A_185, %mul3A_2] : memref<1000x4096xf32, #tpu.memory_space<hbm>> -> memref<1x128xf32, #tpu.memory_space<hbm>>
    %dma_start3A_191 = tpu.memref_squeeze %dma_start3A_190 : memref<1x128xf32, #tpu.memory_space<hbm>> -> memref<128xf32, #tpu.memory_space<hbm>>
    %dma_start3A_192 = arith.constant 0 : i32
    %dma_start3A_193 = tpu.memref_slice %arg14[%dma_start3A_186, %dma_start3A_192] : memref<32x128xf32, #tpu.memory_space<vmem>> -> memref<1x128xf32, #tpu.memory_space<vmem>>
    %dma_start3A_194 = tpu.memref_squeeze %dma_start3A_193 : memref<1x128xf32, #tpu.memory_space<vmem>> -> memref<128xf32, #tpu.memory_space<vmem>>
    %dma_start3A_195 = tpu.memref_slice %arg2[%squeeze3A_185, %mul3A_2] : memref<1000x4096xf32, #tpu.memory_space<hbm>> -> memref<1x128xf32, #tpu.memory_space<hbm>>
    %dma_start3A_196 = tpu.memref_squeeze %dma_start3A_195 : memref<1x128xf32, #tpu.memory_space<hbm>> -> memref<128xf32, #tpu.memory_space<hbm>>
    tpu.enqueue_dma source(%dma_start3A_196 : memref<128xf32, #tpu.memory_space<hbm>>) target(%dma_start3A_194 : memref<128xf32, #tpu.memory_space<vmem>>) target_semaphore(%arg19 : memref<!tpu.dma_semaphore, #tpu.memory_space<semaphore_mem>>)
    %dma_start3A_197 = arith.constant 6 : i32
    %dma_start3A_198 = arith.constant 0 : i32
    %dma_start3A_199 = tpu.memref_slice %arg13[%dma_start3A_197, %dma_start3A_198] : memref<32x128xf32, #tpu.memory_space<vmem>> -> memref<1x125xf32, #tpu.memory_space<vmem>>
    %dma_start3A_200 = tpu.memref_squeeze %dma_start3A_199 : memref<1x125xf32, #tpu.memory_space<vmem>> -> memref<125xf32, #tpu.memory_space<vmem>>
    %dma_start3A_201 = arith.constant 0 : i32
    %dma_start3A_202 = tpu.memref_slice %arg3[%squeeze3A_185, %dma_start3A_201] : memref<1000x125xf32, #tpu.memory_space<hbm>> -> memref<1x125xf32, #tpu.memory_space<hbm>>
    %dma_start3A_203 = tpu.memref_squeeze %dma_start3A_202 : memref<1x125xf32, #tpu.memory_space<hbm>> -> memref<125xf32, #tpu.memory_space<hbm>>
    %dma_start3A_204 = arith.constant 0 : i32
    %dma_start3A_205 = tpu.memref_slice %arg13[%dma_start3A_197, %dma_start3A_204] : memref<32x128xf32, #tpu.memory_space<vmem>> -> memref<1x125xf32, #tpu.memory_space<vmem>>
    %dma_start3A_206 = tpu.memref_squeeze %dma_start3A_205 : memref<1x125xf32, #tpu.memory_space<vmem>> -> memref<125xf32, #tpu.memory_space<vmem>>
    %dma_start3A_207 = arith.constant 0 : i32
    %dma_start3A_208 = tpu.memref_slice %arg3[%squeeze3A_185, %dma_start3A_207] : memref<1000x125xf32, #tpu.memory_space<hbm>> -> memref<1x125xf32, #tpu.memory_space<hbm>>
    %dma_start3A_209 = tpu.memref_squeeze %dma_start3A_208 : memref<1x125xf32, #tpu.memory_space<hbm>> -> memref<125xf32, #tpu.memory_space<hbm>>
    tpu.enqueue_dma source(%dma_start3A_209 : memref<125xf32, #tpu.memory_space<hbm>>) target(%dma_start3A_206 : memref<125xf32, #tpu.memory_space<vmem>>) target_semaphore(%arg19 : memref<!tpu.dma_semaphore, #tpu.memory_space<semaphore_mem>>)
    %slice3A_210 = vector.extract_strided_slice %get3A_28 {offsets = [7], sizes = [1], strides = [1]} : vector<16xi32> to vector<1xi32>
    %squeeze3A_211 = vector.extract %slice3A_210[0] : i32 from vector<1xi32>
    %dma_start3A_212 = arith.constant 7 : i32
    %dma_start3A_213 = arith.constant 0 : i32
    %dma_start3A_214 = tpu.memref_slice %arg14[%dma_start3A_212, %dma_start3A_213] : memref<32x128xf32, #tpu.memory_space<vmem>> -> memref<1x128xf32, #tpu.memory_space<vmem>>
    %dma_start3A_215 = tpu.memref_squeeze %dma_start3A_214 : memref<1x128xf32, #tpu.memory_space<vmem>> -> memref<128xf32, #tpu.memory_space<vmem>>
    %dma_start3A_216 = tpu.memref_slice %arg2[%squeeze3A_211, %mul3A_2] : memref<1000x4096xf32, #tpu.memory_space<hbm>> -> memref<1x128xf32, #tpu.memory_space<hbm>>
    %dma_start3A_217 = tpu.memref_squeeze %dma_start3A_216 : memref<1x128xf32, #tpu.memory_space<hbm>> -> memref<128xf32, #tpu.memory_space<hbm>>
    %dma_start3A_218 = arith.constant 0 : i32
    %dma_start3A_219 = tpu.memref_slice %arg14[%dma_start3A_212, %dma_start3A_218] : memref<32x128xf32, #tpu.memory_space<vmem>> -> memref<1x128xf32, #tpu.memory_space<vmem>>
    %dma_start3A_220 = tpu.memref_squeeze %dma_start3A_219 : memref<1x128xf32, #tpu.memory_space<vmem>> -> memref<128xf32, #tpu.memory_space<vmem>>
    %dma_start3A_221 = tpu.memref_slice %arg2[%squeeze3A_211, %mul3A_2] : memref<1000x4096xf32, #tpu.memory_space<hbm>> -> memref<1x128xf32, #tpu.memory_space<hbm>>
    %dma_start3A_222 = tpu.memref_squeeze %dma_start3A_221 : memref<1x128xf32, #tpu.memory_space<hbm>> -> memref<128xf32, #tpu.memory_space<hbm>>
    tpu.enqueue_dma source(%dma_start3A_222 : memref<128xf32, #tpu.memory_space<hbm>>) target(%dma_start3A_220 : memref<128xf32, #tpu.memory_space<vmem>>) target_semaphore(%arg19 : memref<!tpu.dma_semaphore, #tpu.memory_space<semaphore_mem>>)
    %dma_start3A_223 = arith.constant 7 : i32
    %dma_start3A_224 = arith.constant 0 : i32
    %dma_start3A_225 = tpu.memref_slice %arg13[%dma_start3A_223, %dma_start3A_224] : memref<32x128xf32, #tpu.memory_space<vmem>> -> memref<1x125xf32, #tpu.memory_space<vmem>>
    %dma_start3A_226 = tpu.memref_squeeze %dma_start3A_225 : memref<1x125xf32, #tpu.memory_space<vmem>> -> memref<125xf32, #tpu.memory_space<vmem>>
    %dma_start3A_227 = arith.constant 0 : i32
    %dma_start3A_228 = tpu.memref_slice %arg3[%squeeze3A_211, %dma_start3A_227] : memref<1000x125xf32, #tpu.memory_space<hbm>> -> memref<1x125xf32, #tpu.memory_space<hbm>>
    %dma_start3A_229 = tpu.memref_squeeze %dma_start3A_228 : memref<1x125xf32, #tpu.memory_space<hbm>> -> memref<125xf32, #tpu.memory_space<hbm>>
    %dma_start3A_230 = arith.constant 0 : i32
    %dma_start3A_231 = tpu.memref_slice %arg13[%dma_start3A_223, %dma_start3A_230] : memref<32x128xf32, #tpu.memory_space<vmem>> -> memref<1x125xf32, #tpu.memory_space<vmem>>
    %dma_start3A_232 = tpu.memref_squeeze %dma_start3A_231 : memref<1x125xf32, #tpu.memory_space<vmem>> -> memref<125xf32, #tpu.memory_space<vmem>>
    %dma_start3A_233 = arith.constant 0 : i32
    %dma_start3A_234 = tpu.memref_slice %arg3[%squeeze3A_211, %dma_start3A_233] : memref<1000x125xf32, #tpu.memory_space<hbm>> -> memref<1x125xf32, #tpu.memory_space<hbm>>
    %dma_start3A_235 = tpu.memref_squeeze %dma_start3A_234 : memref<1x125xf32, #tpu.memory_space<hbm>> -> memref<125xf32, #tpu.memory_space<hbm>>
    tpu.enqueue_dma source(%dma_start3A_235 : memref<125xf32, #tpu.memory_space<hbm>>) target(%dma_start3A_232 : memref<125xf32, #tpu.memory_space<vmem>>) target_semaphore(%arg19 : memref<!tpu.dma_semaphore, #tpu.memory_space<semaphore_mem>>)
    %slice3A_236 = vector.extract_strided_slice %get3A_28 {offsets = [8], sizes = [1], strides = [1]} : vector<16xi32> to vector<1xi32>
    %squeeze3A_237 = vector.extract %slice3A_236[0] : i32 from vector<1xi32>
    %dma_start3A_238 = arith.constant 8 : i32
    %dma_start3A_239 = arith.constant 0 : i32
    %dma_start3A_240 = tpu.memref_slice %arg14[%dma_start3A_238, %dma_start3A_239] : memref<32x128xf32, #tpu.memory_space<vmem>> -> memref<1x128xf32, #tpu.memory_space<vmem>>
    %dma_start3A_241 = tpu.memref_squeeze %dma_start3A_240 : memref<1x128xf32, #tpu.memory_space<vmem>> -> memref<128xf32, #tpu.memory_space<vmem>>
    %dma_start3A_242 = tpu.memref_slice %arg2[%squeeze3A_237, %mul3A_2] : memref<1000x4096xf32, #tpu.memory_space<hbm>> -> memref<1x128xf32, #tpu.memory_space<hbm>>
    %dma_start3A_243 = tpu.memref_squeeze %dma_start3A_242 : memref<1x128xf32, #tpu.memory_space<hbm>> -> memref<128xf32, #tpu.memory_space<hbm>>
    %dma_start3A_244 = arith.constant 0 : i32
    %dma_start3A_245 = tpu.memref_slice %arg14[%dma_start3A_238, %dma_start3A_244] : memref<32x128xf32, #tpu.memory_space<vmem>> -> memref<1x128xf32, #tpu.memory_space<vmem>>
    %dma_start3A_246 = tpu.memref_squeeze %dma_start3A_245 : memref<1x128xf32, #tpu.memory_space<vmem>> -> memref<128xf32, #tpu.memory_space<vmem>>
    %dma_start3A_247 = tpu.memref_slice %arg2[%squeeze3A_237, %mul3A_2] : memref<1000x4096xf32, #tpu.memory_space<hbm>> -> memref<1x128xf32, #tpu.memory_space<hbm>>
    %dma_start3A_248 = tpu.memref_squeeze %dma_start3A_247 : memref<1x128xf32, #tpu.memory_space<hbm>> -> memref<128xf32, #tpu.memory_space<hbm>>
    tpu.enqueue_dma source(%dma_start3A_248 : memref<128xf32, #tpu.memory_space<hbm>>) target(%dma_start3A_246 : memref<128xf32, #tpu.memory_space<vmem>>) target_semaphore(%arg19 : memref<!tpu.dma_semaphore, #tpu.memory_space<semaphore_mem>>)
    %dma_start3A_249 = arith.constant 8 : i32
    %dma_start3A_250 = arith.constant 0 : i32
    %dma_start3A_251 = tpu.memref_slice %arg13[%dma_start3A_249, %dma_start3A_250] : memref<32x128xf32, #tpu.memory_space<vmem>> -> memref<1x125xf32, #tpu.memory_space<vmem>>
    %dma_start3A_252 = tpu.memref_squeeze %dma_start3A_251 : memref<1x125xf32, #tpu.memory_space<vmem>> -> memref<125xf32, #tpu.memory_space<vmem>>
    %dma_start3A_253 = arith.constant 0 : i32
    %dma_start3A_254 = tpu.memref_slice %arg3[%squeeze3A_237, %dma_start3A_253] : memref<1000x125xf32, #tpu.memory_space<hbm>> -> memref<1x125xf32, #tpu.memory_space<hbm>>
    %dma_start3A_255 = tpu.memref_squeeze %dma_start3A_254 : memref<1x125xf32, #tpu.memory_space<hbm>> -> memref<125xf32, #tpu.memory_space<hbm>>
    %dma_start3A_256 = arith.constant 0 : i32
    %dma_start3A_257 = tpu.memref_slice %arg13[%dma_start3A_249, %dma_start3A_256] : memref<32x128xf32, #tpu.memory_space<vmem>> -> memref<1x125xf32, #tpu.memory_space<vmem>>
    %dma_start3A_258 = tpu.memref_squeeze %dma_start3A_257 : memref<1x125xf32, #tpu.memory_space<vmem>> -> memref<125xf32, #tpu.memory_space<vmem>>
    %dma_start3A_259 = arith.constant 0 : i32
    %dma_start3A_260 = tpu.memref_slice %arg3[%squeeze3A_237, %dma_start3A_259] : memref<1000x125xf32, #tpu.memory_space<hbm>> -> memref<1x125xf32, #tpu.memory_space<hbm>>
    %dma_start3A_261 = tpu.memref_squeeze %dma_start3A_260 : memref<1x125xf32, #tpu.memory_space<hbm>> -> memref<125xf32, #tpu.memory_space<hbm>>
    tpu.enqueue_dma source(%dma_start3A_261 : memref<125xf32, #tpu.memory_space<hbm>>) target(%dma_start3A_258 : memref<125xf32, #tpu.memory_space<vmem>>) target_semaphore(%arg19 : memref<!tpu.dma_semaphore, #tpu.memory_space<semaphore_mem>>)
    %slice3A_262 = vector.extract_strided_slice %get3A_28 {offsets = [9], sizes = [1], strides = [1]} : vector<16xi32> to vector<1xi32>
    %squeeze3A_263 = vector.extract %slice3A_262[0] : i32 from vector<1xi32>
    %dma_start3A_264 = arith.constant 9 : i32
    %dma_start3A_265 = arith.constant 0 : i32
    %dma_start3A_266 = tpu.memref_slice %arg14[%dma_start3A_264, %dma_start3A_265] : memref<32x128xf32, #tpu.memory_space<vmem>> -> memref<1x128xf32, #tpu.memory_space<vmem>>
    %dma_start3A_267 = tpu.memref_squeeze %dma_start3A_266 : memref<1x128xf32, #tpu.memory_space<vmem>> -> memref<128xf32, #tpu.memory_space<vmem>>
    %dma_start3A_268 = tpu.memref_slice %arg2[%squeeze3A_263, %mul3A_2] : memref<1000x4096xf32, #tpu.memory_space<hbm>> -> memref<1x128xf32, #tpu.memory_space<hbm>>
    %dma_start3A_269 = tpu.memref_squeeze %dma_start3A_268 : memref<1x128xf32, #tpu.memory_space<hbm>> -> memref<128xf32, #tpu.memory_space<hbm>>
    %dma_start3A_270 = arith.constant 0 : i32
    %dma_start3A_271 = tpu.memref_slice %arg14[%dma_start3A_264, %dma_start3A_270] : memref<32x128xf32, #tpu.memory_space<vmem>> -> memref<1x128xf32, #tpu.memory_space<vmem>>
    %dma_start3A_272 = tpu.memref_squeeze %dma_start3A_271 : memref<1x128xf32, #tpu.memory_space<vmem>> -> memref<128xf32, #tpu.memory_space<vmem>>
    %dma_start3A_273 = tpu.memref_slice %arg2[%squeeze3A_263, %mul3A_2] : memref<1000x4096xf32, #tpu.memory_space<hbm>> -> memref<1x128xf32, #tpu.memory_space<hbm>>
    %dma_start3A_274 = tpu.memref_squeeze %dma_start3A_273 : memref<1x128xf32, #tpu.memory_space<hbm>> -> memref<128xf32, #tpu.memory_space<hbm>>
    tpu.enqueue_dma source(%dma_start3A_274 : memref<128xf32, #tpu.memory_space<hbm>>) target(%dma_start3A_272 : memref<128xf32, #tpu.memory_space<vmem>>) target_semaphore(%arg19 : memref<!tpu.dma_semaphore, #tpu.memory_space<semaphore_mem>>)
    %dma_start3A_275 = arith.constant 9 : i32
    %dma_start3A_276 = arith.constant 0 : i32
    %dma_start3A_277 = tpu.memref_slice %arg13[%dma_start3A_275, %dma_start3A_276] : memref<32x128xf32, #tpu.memory_space<vmem>> -> memref<1x125xf32, #tpu.memory_space<vmem>>
    %dma_start3A_278 = tpu.memref_squeeze %dma_start3A_277 : memref<1x125xf32, #tpu.memory_space<vmem>> -> memref<125xf32, #tpu.memory_space<vmem>>
    %dma_start3A_279 = arith.constant 0 : i32
    %dma_start3A_280 = tpu.memref_slice %arg3[%squeeze3A_263, %dma_start3A_279] : memref<1000x125xf32, #tpu.memory_space<hbm>> -> memref<1x125xf32, #tpu.memory_space<hbm>>
    %dma_start3A_281 = tpu.memref_squeeze %dma_start3A_280 : memref<1x125xf32, #tpu.memory_space<hbm>> -> memref<125xf32, #tpu.memory_space<hbm>>
    %dma_start3A_282 = arith.constant 0 : i32
    %dma_start3A_283 = tpu.memref_slice %arg13[%dma_start3A_275, %dma_start3A_282] : memref<32x128xf32, #tpu.memory_space<vmem>> -> memref<1x125xf32, #tpu.memory_space<vmem>>
    %dma_start3A_284 = tpu.memref_squeeze %dma_start3A_283 : memref<1x125xf32, #tpu.memory_space<vmem>> -> memref<125xf32, #tpu.memory_space<vmem>>
    %dma_start3A_285 = arith.constant 0 : i32
    %dma_start3A_286 = tpu.memref_slice %arg3[%squeeze3A_263, %dma_start3A_285] : memref<1000x125xf32, #tpu.memory_space<hbm>> -> memref<1x125xf32, #tpu.memory_space<hbm>>
    %dma_start3A_287 = tpu.memref_squeeze %dma_start3A_286 : memref<1x125xf32, #tpu.memory_space<hbm>> -> memref<125xf32, #tpu.memory_space<hbm>>
    tpu.enqueue_dma source(%dma_start3A_287 : memref<125xf32, #tpu.memory_space<hbm>>) target(%dma_start3A_284 : memref<125xf32, #tpu.memory_space<vmem>>) target_semaphore(%arg19 : memref<!tpu.dma_semaphore, #tpu.memory_space<semaphore_mem>>)
    %slice3A_288 = vector.extract_strided_slice %get3A_28 {offsets = [10], sizes = [1], strides = [1]} : vector<16xi32> to vector<1xi32>
    %squeeze3A_289 = vector.extract %slice3A_288[0] : i32 from vector<1xi32>
    %dma_start3A_290 = arith.constant 10 : i32
    %dma_start3A_291 = arith.constant 0 : i32
    %dma_start3A_292 = tpu.memref_slice %arg14[%dma_start3A_290, %dma_start3A_291] : memref<32x128xf32, #tpu.memory_space<vmem>> -> memref<1x128xf32, #tpu.memory_space<vmem>>
    %dma_start3A_293 = tpu.memref_squeeze %dma_start3A_292 : memref<1x128xf32, #tpu.memory_space<vmem>> -> memref<128xf32, #tpu.memory_space<vmem>>
    %dma_start3A_294 = tpu.memref_slice %arg2[%squeeze3A_289, %mul3A_2] : memref<1000x4096xf32, #tpu.memory_space<hbm>> -> memref<1x128xf32, #tpu.memory_space<hbm>>
    %dma_start3A_295 = tpu.memref_squeeze %dma_start3A_294 : memref<1x128xf32, #tpu.memory_space<hbm>> -> memref<128xf32, #tpu.memory_space<hbm>>
    %dma_start3A_296 = arith.constant 0 : i32
    %dma_start3A_297 = tpu.memref_slice %arg14[%dma_start3A_290, %dma_start3A_296] : memref<32x128xf32, #tpu.memory_space<vmem>> -> memref<1x128xf32, #tpu.memory_space<vmem>>
    %dma_start3A_298 = tpu.memref_squeeze %dma_start3A_297 : memref<1x128xf32, #tpu.memory_space<vmem>> -> memref<128xf32, #tpu.memory_space<vmem>>
    %dma_start3A_299 = tpu.memref_slice %arg2[%squeeze3A_289, %mul3A_2] : memref<1000x4096xf32, #tpu.memory_space<hbm>> -> memref<1x128xf32, #tpu.memory_space<hbm>>
    %dma_start3A_300 = tpu.memref_squeeze %dma_start3A_299 : memref<1x128xf32, #tpu.memory_space<hbm>> -> memref<128xf32, #tpu.memory_space<hbm>>
    tpu.enqueue_dma source(%dma_start3A_300 : memref<128xf32, #tpu.memory_space<hbm>>) target(%dma_start3A_298 : memref<128xf32, #tpu.memory_space<vmem>>) target_semaphore(%arg19 : memref<!tpu.dma_semaphore, #tpu.memory_space<semaphore_mem>>)
    %dma_start3A_301 = arith.constant 10 : i32
    %dma_start3A_302 = arith.constant 0 : i32
    %dma_start3A_303 = tpu.memref_slice %arg13[%dma_start3A_301, %dma_start3A_302] : memref<32x128xf32, #tpu.memory_space<vmem>> -> memref<1x125xf32, #tpu.memory_space<vmem>>
    %dma_start3A_304 = tpu.memref_squeeze %dma_start3A_303 : memref<1x125xf32, #tpu.memory_space<vmem>> -> memref<125xf32, #tpu.memory_space<vmem>>
    %dma_start3A_305 = arith.constant 0 : i32
    %dma_start3A_306 = tpu.memref_slice %arg3[%squeeze3A_289, %dma_start3A_305] : memref<1000x125xf32, #tpu.memory_space<hbm>> -> memref<1x125xf32, #tpu.memory_space<hbm>>
    %dma_start3A_307 = tpu.memref_squeeze %dma_start3A_306 : memref<1x125xf32, #tpu.memory_space<hbm>> -> memref<125xf32, #tpu.memory_space<hbm>>
    %dma_start3A_308 = arith.constant 0 : i32
    %dma_start3A_309 = tpu.memref_slice %arg13[%dma_start3A_301, %dma_start3A_308] : memref<32x128xf32, #tpu.memory_space<vmem>> -> memref<1x125xf32, #tpu.memory_space<vmem>>
    %dma_start3A_310 = tpu.memref_squeeze %dma_start3A_309 : memref<1x125xf32, #tpu.memory_space<vmem>> -> memref<125xf32, #tpu.memory_space<vmem>>
    %dma_start3A_311 = arith.constant 0 : i32
    %dma_start3A_312 = tpu.memref_slice %arg3[%squeeze3A_289, %dma_start3A_311] : memref<1000x125xf32, #tpu.memory_space<hbm>> -> memref<1x125xf32, #tpu.memory_space<hbm>>
    %dma_start3A_313 = tpu.memref_squeeze %dma_start3A_312 : memref<1x125xf32, #tpu.memory_space<hbm>> -> memref<125xf32, #tpu.memory_space<hbm>>
    tpu.enqueue_dma source(%dma_start3A_313 : memref<125xf32, #tpu.memory_space<hbm>>) target(%dma_start3A_310 : memref<125xf32, #tpu.memory_space<vmem>>) target_semaphore(%arg19 : memref<!tpu.dma_semaphore, #tpu.memory_space<semaphore_mem>>)
    %slice3A_314 = vector.extract_strided_slice %get3A_28 {offsets = [11], sizes = [1], strides = [1]} : vector<16xi32> to vector<1xi32>
    %squeeze3A_315 = vector.extract %slice3A_314[0] : i32 from vector<1xi32>
    %dma_start3A_316 = arith.constant 11 : i32
    %dma_start3A_317 = arith.constant 0 : i32
    %dma_start3A_318 = tpu.memref_slice %arg14[%dma_start3A_316, %dma_start3A_317] : memref<32x128xf32, #tpu.memory_space<vmem>> -> memref<1x128xf32, #tpu.memory_space<vmem>>
    %dma_start3A_319 = tpu.memref_squeeze %dma_start3A_318 : memref<1x128xf32, #tpu.memory_space<vmem>> -> memref<128xf32, #tpu.memory_space<vmem>>
    %dma_start3A_320 = tpu.memref_slice %arg2[%squeeze3A_315, %mul3A_2] : memref<1000x4096xf32, #tpu.memory_space<hbm>> -> memref<1x128xf32, #tpu.memory_space<hbm>>
    %dma_start3A_321 = tpu.memref_squeeze %dma_start3A_320 : memref<1x128xf32, #tpu.memory_space<hbm>> -> memref<128xf32, #tpu.memory_space<hbm>>
    %dma_start3A_322 = arith.constant 0 : i32
    %dma_start3A_323 = tpu.memref_slice %arg14[%dma_start3A_316, %dma_start3A_322] : memref<32x128xf32, #tpu.memory_space<vmem>> -> memref<1x128xf32, #tpu.memory_space<vmem>>
    %dma_start3A_324 = tpu.memref_squeeze %dma_start3A_323 : memref<1x128xf32, #tpu.memory_space<vmem>> -> memref<128xf32, #tpu.memory_space<vmem>>
    %dma_start3A_325 = tpu.memref_slice %arg2[%squeeze3A_315, %mul3A_2] : memref<1000x4096xf32, #tpu.memory_space<hbm>> -> memref<1x128xf32, #tpu.memory_space<hbm>>
    %dma_start3A_326 = tpu.memref_squeeze %dma_start3A_325 : memref<1x128xf32, #tpu.memory_space<hbm>> -> memref<128xf32, #tpu.memory_space<hbm>>
    tpu.enqueue_dma source(%dma_start3A_326 : memref<128xf32, #tpu.memory_space<hbm>>) target(%dma_start3A_324 : memref<128xf32, #tpu.memory_space<vmem>>) target_semaphore(%arg19 : memref<!tpu.dma_semaphore, #tpu.memory_space<semaphore_mem>>)
    %dma_start3A_327 = arith.constant 11 : i32
    %dma_start3A_328 = arith.constant 0 : i32
    %dma_start3A_329 = tpu.memref_slice %arg13[%dma_start3A_327, %dma_start3A_328] : memref<32x128xf32, #tpu.memory_space<vmem>> -> memref<1x125xf32, #tpu.memory_space<vmem>>
    %dma_start3A_330 = tpu.memref_squeeze %dma_start3A_329 : memref<1x125xf32, #tpu.memory_space<vmem>> -> memref<125xf32, #tpu.memory_space<vmem>>
    %dma_start3A_331 = arith.constant 0 : i32
    %dma_start3A_332 = tpu.memref_slice %arg3[%squeeze3A_315, %dma_start3A_331] : memref<1000x125xf32, #tpu.memory_space<hbm>> -> memref<1x125xf32, #tpu.memory_space<hbm>>
    %dma_start3A_333 = tpu.memref_squeeze %dma_start3A_332 : memref<1x125xf32, #tpu.memory_space<hbm>> -> memref<125xf32, #tpu.memory_space<hbm>>
    %dma_start3A_334 = arith.constant 0 : i32
    %dma_start3A_335 = tpu.memref_slice %arg13[%dma_start3A_327, %dma_start3A_334] : memref<32x128xf32, #tpu.memory_space<vmem>> -> memref<1x125xf32, #tpu.memory_space<vmem>>
    %dma_start3A_336 = tpu.memref_squeeze %dma_start3A_335 : memref<1x125xf32, #tpu.memory_space<vmem>> -> memref<125xf32, #tpu.memory_space<vmem>>
    %dma_start3A_337 = arith.constant 0 : i32
    %dma_start3A_338 = tpu.memref_slice %arg3[%squeeze3A_315, %dma_start3A_337] : memref<1000x125xf32, #tpu.memory_space<hbm>> -> memref<1x125xf32, #tpu.memory_space<hbm>>
    %dma_start3A_339 = tpu.memref_squeeze %dma_start3A_338 : memref<1x125xf32, #tpu.memory_space<hbm>> -> memref<125xf32, #tpu.memory_space<hbm>>
    tpu.enqueue_dma source(%dma_start3A_339 : memref<125xf32, #tpu.memory_space<hbm>>) target(%dma_start3A_336 : memref<125xf32, #tpu.memory_space<vmem>>) target_semaphore(%arg19 : memref<!tpu.dma_semaphore, #tpu.memory_space<semaphore_mem>>)
    %slice3A_340 = vector.extract_strided_slice %get3A_28 {offsets = [12], sizes = [1], strides = [1]} : vector<16xi32> to vector<1xi32>
    %squeeze3A_341 = vector.extract %slice3A_340[0] : i32 from vector<1xi32>
    %dma_start3A_342 = arith.constant 12 : i32
    %dma_start3A_343 = arith.constant 0 : i32
    %dma_start3A_344 = tpu.memref_slice %arg14[%dma_start3A_342, %dma_start3A_343] : memref<32x128xf32, #tpu.memory_space<vmem>> -> memref<1x128xf32, #tpu.memory_space<vmem>>
    %dma_start3A_345 = tpu.memref_squeeze %dma_start3A_344 : memref<1x128xf32, #tpu.memory_space<vmem>> -> memref<128xf32, #tpu.memory_space<vmem>>
    %dma_start3A_346 = tpu.memref_slice %arg2[%squeeze3A_341, %mul3A_2] : memref<1000x4096xf32, #tpu.memory_space<hbm>> -> memref<1x128xf32, #tpu.memory_space<hbm>>
    %dma_start3A_347 = tpu.memref_squeeze %dma_start3A_346 : memref<1x128xf32, #tpu.memory_space<hbm>> -> memref<128xf32, #tpu.memory_space<hbm>>
    %dma_start3A_348 = arith.constant 0 : i32
    %dma_start3A_349 = tpu.memref_slice %arg14[%dma_start3A_342, %dma_start3A_348] : memref<32x128xf32, #tpu.memory_space<vmem>> -> memref<1x128xf32, #tpu.memory_space<vmem>>
    %dma_start3A_350 = tpu.memref_squeeze %dma_start3A_349 : memref<1x128xf32, #tpu.memory_space<vmem>> -> memref<128xf32, #tpu.memory_space<vmem>>
    %dma_start3A_351 = tpu.memref_slice %arg2[%squeeze3A_341, %mul3A_2] : memref<1000x4096xf32, #tpu.memory_space<hbm>> -> memref<1x128xf32, #tpu.memory_space<hbm>>
    %dma_start3A_352 = tpu.memref_squeeze %dma_start3A_351 : memref<1x128xf32, #tpu.memory_space<hbm>> -> memref<128xf32, #tpu.memory_space<hbm>>
    tpu.enqueue_dma source(%dma_start3A_352 : memref<128xf32, #tpu.memory_space<hbm>>) target(%dma_start3A_350 : memref<128xf32, #tpu.memory_space<vmem>>) target_semaphore(%arg19 : memref<!tpu.dma_semaphore, #tpu.memory_space<semaphore_mem>>)
    %dma_start3A_353 = arith.constant 12 : i32
    %dma_start3A_354 = arith.constant 0 : i32
    %dma_start3A_355 = tpu.memref_slice %arg13[%dma_start3A_353, %dma_start3A_354] : memref<32x128xf32, #tpu.memory_space<vmem>> -> memref<1x125xf32, #tpu.memory_space<vmem>>
    %dma_start3A_356 = tpu.memref_squeeze %dma_start3A_355 : memref<1x125xf32, #tpu.memory_space<vmem>> -> memref<125xf32, #tpu.memory_space<vmem>>
    %dma_start3A_357 = arith.constant 0 : i32
    %dma_start3A_358 = tpu.memref_slice %arg3[%squeeze3A_341, %dma_start3A_357] : memref<1000x125xf32, #tpu.memory_space<hbm>> -> memref<1x125xf32, #tpu.memory_space<hbm>>
    %dma_start3A_359 = tpu.memref_squeeze %dma_start3A_358 : memref<1x125xf32, #tpu.memory_space<hbm>> -> memref<125xf32, #tpu.memory_space<hbm>>
    %dma_start3A_360 = arith.constant 0 : i32
    %dma_start3A_361 = tpu.memref_slice %arg13[%dma_start3A_353, %dma_start3A_360] : memref<32x128xf32, #tpu.memory_space<vmem>> -> memref<1x125xf32, #tpu.memory_space<vmem>>
    %dma_start3A_362 = tpu.memref_squeeze %dma_start3A_361 : memref<1x125xf32, #tpu.memory_space<vmem>> -> memref<125xf32, #tpu.memory_space<vmem>>
    %dma_start3A_363 = arith.constant 0 : i32
    %dma_start3A_364 = tpu.memref_slice %arg3[%squeeze3A_341, %dma_start3A_363] : memref<1000x125xf32, #tpu.memory_space<hbm>> -> memref<1x125xf32, #tpu.memory_space<hbm>>
    %dma_start3A_365 = tpu.memref_squeeze %dma_start3A_364 : memref<1x125xf32, #tpu.memory_space<hbm>> -> memref<125xf32, #tpu.memory_space<hbm>>
    tpu.enqueue_dma source(%dma_start3A_365 : memref<125xf32, #tpu.memory_space<hbm>>) target(%dma_start3A_362 : memref<125xf32, #tpu.memory_space<vmem>>) target_semaphore(%arg19 : memref<!tpu.dma_semaphore, #tpu.memory_space<semaphore_mem>>)
    %slice3A_366 = vector.extract_strided_slice %get3A_28 {offsets = [13], sizes = [1], strides = [1]} : vector<16xi32> to vector<1xi32>
    %squeeze3A_367 = vector.extract %slice3A_366[0] : i32 from vector<1xi32>
    %dma_start3A_368 = arith.constant 13 : i32
    %dma_start3A_369 = arith.constant 0 : i32
    %dma_start3A_370 = tpu.memref_slice %arg14[%dma_start3A_368, %dma_start3A_369] : memref<32x128xf32, #tpu.memory_space<vmem>> -> memref<1x128xf32, #tpu.memory_space<vmem>>
    %dma_start3A_371 = tpu.memref_squeeze %dma_start3A_370 : memref<1x128xf32, #tpu.memory_space<vmem>> -> memref<128xf32, #tpu.memory_space<vmem>>
    %dma_start3A_372 = tpu.memref_slice %arg2[%squeeze3A_367, %mul3A_2] : memref<1000x4096xf32, #tpu.memory_space<hbm>> -> memref<1x128xf32, #tpu.memory_space<hbm>>
    %dma_start3A_373 = tpu.memref_squeeze %dma_start3A_372 : memref<1x128xf32, #tpu.memory_space<hbm>> -> memref<128xf32, #tpu.memory_space<hbm>>
    %dma_start3A_374 = arith.constant 0 : i32
    %dma_start3A_375 = tpu.memref_slice %arg14[%dma_start3A_368, %dma_start3A_374] : memref<32x128xf32, #tpu.memory_space<vmem>> -> memref<1x128xf32, #tpu.memory_space<vmem>>
    %dma_start3A_376 = tpu.memref_squeeze %dma_start3A_375 : memref<1x128xf32, #tpu.memory_space<vmem>> -> memref<128xf32, #tpu.memory_space<vmem>>
    %dma_start3A_377 = tpu.memref_slice %arg2[%squeeze3A_367, %mul3A_2] : memref<1000x4096xf32, #tpu.memory_space<hbm>> -> memref<1x128xf32, #tpu.memory_space<hbm>>
    %dma_start3A_378 = tpu.memref_squeeze %dma_start3A_377 : memref<1x128xf32, #tpu.memory_space<hbm>> -> memref<128xf32, #tpu.memory_space<hbm>>
    tpu.enqueue_dma source(%dma_start3A_378 : memref<128xf32, #tpu.memory_space<hbm>>) target(%dma_start3A_376 : memref<128xf32, #tpu.memory_space<vmem>>) target_semaphore(%arg19 : memref<!tpu.dma_semaphore, #tpu.memory_space<semaphore_mem>>)
    %dma_start3A_379 = arith.constant 13 : i32
    %dma_start3A_380 = arith.constant 0 : i32
    %dma_start3A_381 = tpu.memref_slice %arg13[%dma_start3A_379, %dma_start3A_380] : memref<32x128xf32, #tpu.memory_space<vmem>> -> memref<1x125xf32, #tpu.memory_space<vmem>>
    %dma_start3A_382 = tpu.memref_squeeze %dma_start3A_381 : memref<1x125xf32, #tpu.memory_space<vmem>> -> memref<125xf32, #tpu.memory_space<vmem>>
    %dma_start3A_383 = arith.constant 0 : i32
    %dma_start3A_384 = tpu.memref_slice %arg3[%squeeze3A_367, %dma_start3A_383] : memref<1000x125xf32, #tpu.memory_space<hbm>> -> memref<1x125xf32, #tpu.memory_space<hbm>>
    %dma_start3A_385 = tpu.memref_squeeze %dma_start3A_384 : memref<1x125xf32, #tpu.memory_space<hbm>> -> memref<125xf32, #tpu.memory_space<hbm>>
    %dma_start3A_386 = arith.constant 0 : i32
    %dma_start3A_387 = tpu.memref_slice %arg13[%dma_start3A_379, %dma_start3A_386] : memref<32x128xf32, #tpu.memory_space<vmem>> -> memref<1x125xf32, #tpu.memory_space<vmem>>
    %dma_start3A_388 = tpu.memref_squeeze %dma_start3A_387 : memref<1x125xf32, #tpu.memory_space<vmem>> -> memref<125xf32, #tpu.memory_space<vmem>>
    %dma_start3A_389 = arith.constant 0 : i32
    %dma_start3A_390 = tpu.memref_slice %arg3[%squeeze3A_367, %dma_start3A_389] : memref<1000x125xf32, #tpu.memory_space<hbm>> -> memref<1x125xf32, #tpu.memory_space<hbm>>
    %dma_start3A_391 = tpu.memref_squeeze %dma_start3A_390 : memref<1x125xf32, #tpu.memory_space<hbm>> -> memref<125xf32, #tpu.memory_space<hbm>>
    tpu.enqueue_dma source(%dma_start3A_391 : memref<125xf32, #tpu.memory_space<hbm>>) target(%dma_start3A_388 : memref<125xf32, #tpu.memory_space<vmem>>) target_semaphore(%arg19 : memref<!tpu.dma_semaphore, #tpu.memory_space<semaphore_mem>>)
    %slice3A_392 = vector.extract_strided_slice %get3A_28 {offsets = [14], sizes = [1], strides = [1]} : vector<16xi32> to vector<1xi32>
    %squeeze3A_393 = vector.extract %slice3A_392[0] : i32 from vector<1xi32>
    %dma_start3A_394 = arith.constant 14 : i32
    %dma_start3A_395 = arith.constant 0 : i32
    %dma_start3A_396 = tpu.memref_slice %arg14[%dma_start3A_394, %dma_start3A_395] : memref<32x128xf32, #tpu.memory_space<vmem>> -> memref<1x128xf32, #tpu.memory_space<vmem>>
    %dma_start3A_397 = tpu.memref_squeeze %dma_start3A_396 : memref<1x128xf32, #tpu.memory_space<vmem>> -> memref<128xf32, #tpu.memory_space<vmem>>
    %dma_start3A_398 = tpu.memref_slice %arg2[%squeeze3A_393, %mul3A_2] : memref<1000x4096xf32, #tpu.memory_space<hbm>> -> memref<1x128xf32, #tpu.memory_space<hbm>>
    %dma_start3A_399 = tpu.memref_squeeze %dma_start3A_398 : memref<1x128xf32, #tpu.memory_space<hbm>> -> memref<128xf32, #tpu.memory_space<hbm>>
    %dma_start3A_400 = arith.constant 0 : i32
    %dma_start3A_401 = tpu.memref_slice %arg14[%dma_start3A_394, %dma_start3A_400] : memref<32x128xf32, #tpu.memory_space<vmem>> -> memref<1x128xf32, #tpu.memory_space<vmem>>
    %dma_start3A_402 = tpu.memref_squeeze %dma_start3A_401 : memref<1x128xf32, #tpu.memory_space<vmem>> -> memref<128xf32, #tpu.memory_space<vmem>>
    %dma_start3A_403 = tpu.memref_slice %arg2[%squeeze3A_393, %mul3A_2] : memref<1000x4096xf32, #tpu.memory_space<hbm>> -> memref<1x128xf32, #tpu.memory_space<hbm>>
    %dma_start3A_404 = tpu.memref_squeeze %dma_start3A_403 : memref<1x128xf32, #tpu.memory_space<hbm>> -> memref<128xf32, #tpu.memory_space<hbm>>
    tpu.enqueue_dma source(%dma_start3A_404 : memref<128xf32, #tpu.memory_space<hbm>>) target(%dma_start3A_402 : memref<128xf32, #tpu.memory_space<vmem>>) target_semaphore(%arg19 : memref<!tpu.dma_semaphore, #tpu.memory_space<semaphore_mem>>)
    %dma_start3A_405 = arith.constant 14 : i32
    %dma_start3A_406 = arith.constant 0 : i32
    %dma_start3A_407 = tpu.memref_slice %arg13[%dma_start3A_405, %dma_start3A_406] : memref<32x128xf32, #tpu.memory_space<vmem>> -> memref<1x125xf32, #tpu.memory_space<vmem>>
    %dma_start3A_408 = tpu.memref_squeeze %dma_start3A_407 : memref<1x125xf32, #tpu.memory_space<vmem>> -> memref<125xf32, #tpu.memory_space<vmem>>
    %dma_start3A_409 = arith.constant 0 : i32
    %dma_start3A_410 = tpu.memref_slice %arg3[%squeeze3A_393, %dma_start3A_409] : memref<1000x125xf32, #tpu.memory_space<hbm>> -> memref<1x125xf32, #tpu.memory_space<hbm>>
    %dma_start3A_411 = tpu.memref_squeeze %dma_start3A_410 : memref<1x125xf32, #tpu.memory_space<hbm>> -> memref<125xf32, #tpu.memory_space<hbm>>
    %dma_start3A_412 = arith.constant 0 : i32
    %dma_start3A_413 = tpu.memref_slice %arg13[%dma_start3A_405, %dma_start3A_412] : memref<32x128xf32, #tpu.memory_space<vmem>> -> memref<1x125xf32, #tpu.memory_space<vmem>>
    %dma_start3A_414 = tpu.memref_squeeze %dma_start3A_413 : memref<1x125xf32, #tpu.memory_space<vmem>> -> memref<125xf32, #tpu.memory_space<vmem>>
    %dma_start3A_415 = arith.constant 0 : i32
    %dma_start3A_416 = tpu.memref_slice %arg3[%squeeze3A_393, %dma_start3A_415] : memref<1000x125xf32, #tpu.memory_space<hbm>> -> memref<1x125xf32, #tpu.memory_space<hbm>>
    %dma_start3A_417 = tpu.memref_squeeze %dma_start3A_416 : memref<1x125xf32, #tpu.memory_space<hbm>> -> memref<125xf32, #tpu.memory_space<hbm>>
    tpu.enqueue_dma source(%dma_start3A_417 : memref<125xf32, #tpu.memory_space<hbm>>) target(%dma_start3A_414 : memref<125xf32, #tpu.memory_space<vmem>>) target_semaphore(%arg19 : memref<!tpu.dma_semaphore, #tpu.memory_space<semaphore_mem>>)
    %slice3A_418 = vector.extract_strided_slice %get3A_28 {offsets = [15], sizes = [1], strides = [1]} : vector<16xi32> to vector<1xi32>
    %squeeze3A_419 = vector.extract %slice3A_418[0] : i32 from vector<1xi32>
    %dma_start3A_420 = arith.constant 15 : i32
    %dma_start3A_421 = arith.constant 0 : i32
    %dma_start3A_422 = tpu.memref_slice %arg14[%dma_start3A_420, %dma_start3A_421] : memref<32x128xf32, #tpu.memory_space<vmem>> -> memref<1x128xf32, #tpu.memory_space<vmem>>
    %dma_start3A_423 = tpu.memref_squeeze %dma_start3A_422 : memref<1x128xf32, #tpu.memory_space<vmem>> -> memref<128xf32, #tpu.memory_space<vmem>>
    %dma_start3A_424 = tpu.memref_slice %arg2[%squeeze3A_419, %mul3A_2] : memref<1000x4096xf32, #tpu.memory_space<hbm>> -> memref<1x128xf32, #tpu.memory_space<hbm>>
    %dma_start3A_425 = tpu.memref_squeeze %dma_start3A_424 : memref<1x128xf32, #tpu.memory_space<hbm>> -> memref<128xf32, #tpu.memory_space<hbm>>
    %dma_start3A_426 = arith.constant 0 : i32
    %dma_start3A_427 = tpu.memref_slice %arg14[%dma_start3A_420, %dma_start3A_426] : memref<32x128xf32, #tpu.memory_space<vmem>> -> memref<1x128xf32, #tpu.memory_space<vmem>>
    %dma_start3A_428 = tpu.memref_squeeze %dma_start3A_427 : memref<1x128xf32, #tpu.memory_space<vmem>> -> memref<128xf32, #tpu.memory_space<vmem>>
    %dma_start3A_429 = tpu.memref_slice %arg2[%squeeze3A_419, %mul3A_2] : memref<1000x4096xf32, #tpu.memory_space<hbm>> -> memref<1x128xf32, #tpu.memory_space<hbm>>
    %dma_start3A_430 = tpu.memref_squeeze %dma_start3A_429 : memref<1x128xf32, #tpu.memory_space<hbm>> -> memref<128xf32, #tpu.memory_space<hbm>>
    tpu.enqueue_dma source(%dma_start3A_430 : memref<128xf32, #tpu.memory_space<hbm>>) target(%dma_start3A_428 : memref<128xf32, #tpu.memory_space<vmem>>) target_semaphore(%arg19 : memref<!tpu.dma_semaphore, #tpu.memory_space<semaphore_mem>>)
    %dma_start3A_431 = arith.constant 15 : i32
    %dma_start3A_432 = arith.constant 0 : i32
    %dma_start3A_433 = tpu.memref_slice %arg13[%dma_start3A_431, %dma_start3A_432] : memref<32x128xf32, #tpu.memory_space<vmem>> -> memref<1x125xf32, #tpu.memory_space<vmem>>
    %dma_start3A_434 = tpu.memref_squeeze %dma_start3A_433 : memref<1x125xf32, #tpu.memory_space<vmem>> -> memref<125xf32, #tpu.memory_space<vmem>>
    %dma_start3A_435 = arith.constant 0 : i32
    %dma_start3A_436 = tpu.memref_slice %arg3[%squeeze3A_419, %dma_start3A_435] : memref<1000x125xf32, #tpu.memory_space<hbm>> -> memref<1x125xf32, #tpu.memory_space<hbm>>
    %dma_start3A_437 = tpu.memref_squeeze %dma_start3A_436 : memref<1x125xf32, #tpu.memory_space<hbm>> -> memref<125xf32, #tpu.memory_space<hbm>>
    %dma_start3A_438 = arith.constant 0 : i32
    %dma_start3A_439 = tpu.memref_slice %arg13[%dma_start3A_431, %dma_start3A_438] : memref<32x128xf32, #tpu.memory_space<vmem>> -> memref<1x125xf32, #tpu.memory_space<vmem>>
    %dma_start3A_440 = tpu.memref_squeeze %dma_start3A_439 : memref<1x125xf32, #tpu.memory_space<vmem>> -> memref<125xf32, #tpu.memory_space<vmem>>
    %dma_start3A_441 = arith.constant 0 : i32
    %dma_start3A_442 = tpu.memref_slice %arg3[%squeeze3A_419, %dma_start3A_441] : memref<1000x125xf32, #tpu.memory_space<hbm>> -> memref<1x125xf32, #tpu.memory_space<hbm>>
    %dma_start3A_443 = tpu.memref_squeeze %dma_start3A_442 : memref<1x125xf32, #tpu.memory_space<hbm>> -> memref<125xf32, #tpu.memory_space<hbm>>
    tpu.enqueue_dma source(%dma_start3A_443 : memref<125xf32, #tpu.memory_space<hbm>>) target(%dma_start3A_440 : memref<125xf32, #tpu.memory_space<vmem>>) target_semaphore(%arg19 : memref<!tpu.dma_semaphore, #tpu.memory_space<semaphore_mem>>)
    %slice3A_444 = vector.extract_strided_slice %get3A_30 {offsets = [0], sizes = [1], strides = [1]} : vector<16xi32> to vector<1xi32>
    %squeeze3A_445 = vector.extract %slice3A_444[0] : i32 from vector<1xi32>
    %dma_start3A_446 = arith.constant 16 : i32
    %dma_start3A_447 = arith.constant 0 : i32
    %dma_start3A_448 = tpu.memref_slice %arg14[%dma_start3A_446, %dma_start3A_447] : memref<32x128xf32, #tpu.memory_space<vmem>> -> memref<1x128xf32, #tpu.memory_space<vmem>>
    %dma_start3A_449 = tpu.memref_squeeze %dma_start3A_448 : memref<1x128xf32, #tpu.memory_space<vmem>> -> memref<128xf32, #tpu.memory_space<vmem>>
    %dma_start3A_450 = tpu.memref_slice %arg2[%squeeze3A_445, %mul3A_2] : memref<1000x4096xf32, #tpu.memory_space<hbm>> -> memref<1x128xf32, #tpu.memory_space<hbm>>
    %dma_start3A_451 = tpu.memref_squeeze %dma_start3A_450 : memref<1x128xf32, #tpu.memory_space<hbm>> -> memref<128xf32, #tpu.memory_space<hbm>>
    %dma_start3A_452 = arith.constant 0 : i32
    %dma_start3A_453 = tpu.memref_slice %arg14[%dma_start3A_446, %dma_start3A_452] : memref<32x128xf32, #tpu.memory_space<vmem>> -> memref<1x128xf32, #tpu.memory_space<vmem>>
    %dma_start3A_454 = tpu.memref_squeeze %dma_start3A_453 : memref<1x128xf32, #tpu.memory_space<vmem>> -> memref<128xf32, #tpu.memory_space<vmem>>
    %dma_start3A_455 = tpu.memref_slice %arg2[%squeeze3A_445, %mul3A_2] : memref<1000x4096xf32, #tpu.memory_space<hbm>> -> memref<1x128xf32, #tpu.memory_space<hbm>>
    %dma_start3A_456 = tpu.memref_squeeze %dma_start3A_455 : memref<1x128xf32, #tpu.memory_space<hbm>> -> memref<128xf32, #tpu.memory_space<hbm>>
    tpu.enqueue_dma source(%dma_start3A_456 : memref<128xf32, #tpu.memory_space<hbm>>) target(%dma_start3A_454 : memref<128xf32, #tpu.memory_space<vmem>>) target_semaphore(%arg19 : memref<!tpu.dma_semaphore, #tpu.memory_space<semaphore_mem>>)
    %dma_start3A_457 = arith.constant 16 : i32
    %dma_start3A_458 = arith.constant 0 : i32
    %dma_start3A_459 = tpu.memref_slice %arg13[%dma_start3A_457, %dma_start3A_458] : memref<32x128xf32, #tpu.memory_space<vmem>> -> memref<1x125xf32, #tpu.memory_space<vmem>>
    %dma_start3A_460 = tpu.memref_squeeze %dma_start3A_459 : memref<1x125xf32, #tpu.memory_space<vmem>> -> memref<125xf32, #tpu.memory_space<vmem>>
    %dma_start3A_461 = arith.constant 0 : i32
    %dma_start3A_462 = tpu.memref_slice %arg3[%squeeze3A_445, %dma_start3A_461] : memref<1000x125xf32, #tpu.memory_space<hbm>> -> memref<1x125xf32, #tpu.memory_space<hbm>>
    %dma_start3A_463 = tpu.memref_squeeze %dma_start3A_462 : memref<1x125xf32, #tpu.memory_space<hbm>> -> memref<125xf32, #tpu.memory_space<hbm>>
    %dma_start3A_464 = arith.constant 0 : i32
    %dma_start3A_465 = tpu.memref_slice %arg13[%dma_start3A_457, %dma_start3A_464] : memref<32x128xf32, #tpu.memory_space<vmem>> -> memref<1x125xf32, #tpu.memory_space<vmem>>
    %dma_start3A_466 = tpu.memref_squeeze %dma_start3A_465 : memref<1x125xf32, #tpu.memory_space<vmem>> -> memref<125xf32, #tpu.memory_space<vmem>>
    %dma_start3A_467 = arith.constant 0 : i32
    %dma_start3A_468 = tpu.memref_slice %arg3[%squeeze3A_445, %dma_start3A_467] : memref<1000x125xf32, #tpu.memory_space<hbm>> -> memref<1x125xf32, #tpu.memory_space<hbm>>
    %dma_start3A_469 = tpu.memref_squeeze %dma_start3A_468 : memref<1x125xf32, #tpu.memory_space<hbm>> -> memref<125xf32, #tpu.memory_space<hbm>>
    tpu.enqueue_dma source(%dma_start3A_469 : memref<125xf32, #tpu.memory_space<hbm>>) target(%dma_start3A_466 : memref<125xf32, #tpu.memory_space<vmem>>) target_semaphore(%arg19 : memref<!tpu.dma_semaphore, #tpu.memory_space<semaphore_mem>>)
    %slice3A_470 = vector.extract_strided_slice %get3A_30 {offsets = [1], sizes = [1], strides = [1]} : vector<16xi32> to vector<1xi32>
    %squeeze3A_471 = vector.extract %slice3A_470[0] : i32 from vector<1xi32>
    %dma_start3A_472 = arith.constant 17 : i32
    %dma_start3A_473 = arith.constant 0 : i32
    %dma_start3A_474 = tpu.memref_slice %arg14[%dma_start3A_472, %dma_start3A_473] : memref<32x128xf32, #tpu.memory_space<vmem>> -> memref<1x128xf32, #tpu.memory_space<vmem>>
    %dma_start3A_475 = tpu.memref_squeeze %dma_start3A_474 : memref<1x128xf32, #tpu.memory_space<vmem>> -> memref<128xf32, #tpu.memory_space<vmem>>
    %dma_start3A_476 = tpu.memref_slice %arg2[%squeeze3A_471, %mul3A_2] : memref<1000x4096xf32, #tpu.memory_space<hbm>> -> memref<1x128xf32, #tpu.memory_space<hbm>>
    %dma_start3A_477 = tpu.memref_squeeze %dma_start3A_476 : memref<1x128xf32, #tpu.memory_space<hbm>> -> memref<128xf32, #tpu.memory_space<hbm>>
    %dma_start3A_478 = arith.constant 0 : i32
    %dma_start3A_479 = tpu.memref_slice %arg14[%dma_start3A_472, %dma_start3A_478] : memref<32x128xf32, #tpu.memory_space<vmem>> -> memref<1x128xf32, #tpu.memory_space<vmem>>
    %dma_start3A_480 = tpu.memref_squeeze %dma_start3A_479 : memref<1x128xf32, #tpu.memory_space<vmem>> -> memref<128xf32, #tpu.memory_space<vmem>>
    %dma_start3A_481 = tpu.memref_slice %arg2[%squeeze3A_471, %mul3A_2] : memref<1000x4096xf32, #tpu.memory_space<hbm>> -> memref<1x128xf32, #tpu.memory_space<hbm>>
    %dma_start3A_482 = tpu.memref_squeeze %dma_start3A_481 : memref<1x128xf32, #tpu.memory_space<hbm>> -> memref<128xf32, #tpu.memory_space<hbm>>
    tpu.enqueue_dma source(%dma_start3A_482 : memref<128xf32, #tpu.memory_space<hbm>>) target(%dma_start3A_480 : memref<128xf32, #tpu.memory_space<vmem>>) target_semaphore(%arg19 : memref<!tpu.dma_semaphore, #tpu.memory_space<semaphore_mem>>)
    %dma_start3A_483 = arith.constant 17 : i32
    %dma_start3A_484 = arith.constant 0 : i32
    %dma_start3A_485 = tpu.memref_slice %arg13[%dma_start3A_483, %dma_start3A_484] : memref<32x128xf32, #tpu.memory_space<vmem>> -> memref<1x125xf32, #tpu.memory_space<vmem>>
    %dma_start3A_486 = tpu.memref_squeeze %dma_start3A_485 : memref<1x125xf32, #tpu.memory_space<vmem>> -> memref<125xf32, #tpu.memory_space<vmem>>
    %dma_start3A_487 = arith.constant 0 : i32
    %dma_start3A_488 = tpu.memref_slice %arg3[%squeeze3A_471, %dma_start3A_487] : memref<1000x125xf32, #tpu.memory_space<hbm>> -> memref<1x125xf32, #tpu.memory_space<hbm>>
    %dma_start3A_489 = tpu.memref_squeeze %dma_start3A_488 : memref<1x125xf32, #tpu.memory_space<hbm>> -> memref<125xf32, #tpu.memory_space<hbm>>
    %dma_start3A_490 = arith.constant 0 : i32
    %dma_start3A_491 = tpu.memref_slice %arg13[%dma_start3A_483, %dma_start3A_490] : memref<32x128xf32, #tpu.memory_space<vmem>> -> memref<1x125xf32, #tpu.memory_space<vmem>>
    %dma_start3A_492 = tpu.memref_squeeze %dma_start3A_491 : memref<1x125xf32, #tpu.memory_space<vmem>> -> memref<125xf32, #tpu.memory_space<vmem>>
    %dma_start3A_493 = arith.constant 0 : i32
    %dma_start3A_494 = tpu.memref_slice %arg3[%squeeze3A_471, %dma_start3A_493] : memref<1000x125xf32, #tpu.memory_space<hbm>> -> memref<1x125xf32, #tpu.memory_space<hbm>>
    %dma_start3A_495 = tpu.memref_squeeze %dma_start3A_494 : memref<1x125xf32, #tpu.memory_space<hbm>> -> memref<125xf32, #tpu.memory_space<hbm>>
    tpu.enqueue_dma source(%dma_start3A_495 : memref<125xf32, #tpu.memory_space<hbm>>) target(%dma_start3A_492 : memref<125xf32, #tpu.memory_space<vmem>>) target_semaphore(%arg19 : memref<!tpu.dma_semaphore, #tpu.memory_space<semaphore_mem>>)
    %slice3A_496 = vector.extract_strided_slice %get3A_30 {offsets = [2], sizes = [1], strides = [1]} : vector<16xi32> to vector<1xi32>
    %squeeze3A_497 = vector.extract %slice3A_496[0] : i32 from vector<1xi32>
    %dma_start3A_498 = arith.constant 18 : i32
    %dma_start3A_499 = arith.constant 0 : i32
    %dma_start3A_500 = tpu.memref_slice %arg14[%dma_start3A_498, %dma_start3A_499] : memref<32x128xf32, #tpu.memory_space<vmem>> -> memref<1x128xf32, #tpu.memory_space<vmem>>
    %dma_start3A_501 = tpu.memref_squeeze %dma_start3A_500 : memref<1x128xf32, #tpu.memory_space<vmem>> -> memref<128xf32, #tpu.memory_space<vmem>>
    %dma_start3A_502 = tpu.memref_slice %arg2[%squeeze3A_497, %mul3A_2] : memref<1000x4096xf32, #tpu.memory_space<hbm>> -> memref<1x128xf32, #tpu.memory_space<hbm>>
    %dma_start3A_503 = tpu.memref_squeeze %dma_start3A_502 : memref<1x128xf32, #tpu.memory_space<hbm>> -> memref<128xf32, #tpu.memory_space<hbm>>
    %dma_start3A_504 = arith.constant 0 : i32
    %dma_start3A_505 = tpu.memref_slice %arg14[%dma_start3A_498, %dma_start3A_504] : memref<32x128xf32, #tpu.memory_space<vmem>> -> memref<1x128xf32, #tpu.memory_space<vmem>>
    %dma_start3A_506 = tpu.memref_squeeze %dma_start3A_505 : memref<1x128xf32, #tpu.memory_space<vmem>> -> memref<128xf32, #tpu.memory_space<vmem>>
    %dma_start3A_507 = tpu.memref_slice %arg2[%squeeze3A_497, %mul3A_2] : memref<1000x4096xf32, #tpu.memory_space<hbm>> -> memref<1x128xf32, #tpu.memory_space<hbm>>
    %dma_start3A_508 = tpu.memref_squeeze %dma_start3A_507 : memref<1x128xf32, #tpu.memory_space<hbm>> -> memref<128xf32, #tpu.memory_space<hbm>>
    tpu.enqueue_dma source(%dma_start3A_508 : memref<128xf32, #tpu.memory_space<hbm>>) target(%dma_start3A_506 : memref<128xf32, #tpu.memory_space<vmem>>) target_semaphore(%arg19 : memref<!tpu.dma_semaphore, #tpu.memory_space<semaphore_mem>>)
    %dma_start3A_509 = arith.constant 18 : i32
    %dma_start3A_510 = arith.constant 0 : i32
    %dma_start3A_511 = tpu.memref_slice %arg13[%dma_start3A_509, %dma_start3A_510] : memref<32x128xf32, #tpu.memory_space<vmem>> -> memref<1x125xf32, #tpu.memory_space<vmem>>
    %dma_start3A_512 = tpu.memref_squeeze %dma_start3A_511 : memref<1x125xf32, #tpu.memory_space<vmem>> -> memref<125xf32, #tpu.memory_space<vmem>>
    %dma_start3A_513 = arith.constant 0 : i32
    %dma_start3A_514 = tpu.memref_slice %arg3[%squeeze3A_497, %dma_start3A_513] : memref<1000x125xf32, #tpu.memory_space<hbm>> -> memref<1x125xf32, #tpu.memory_space<hbm>>
    %dma_start3A_515 = tpu.memref_squeeze %dma_start3A_514 : memref<1x125xf32, #tpu.memory_space<hbm>> -> memref<125xf32, #tpu.memory_space<hbm>>
    %dma_start3A_516 = arith.constant 0 : i32
    %dma_start3A_517 = tpu.memref_slice %arg13[%dma_start3A_509, %dma_start3A_516] : memref<32x128xf32, #tpu.memory_space<vmem>> -> memref<1x125xf32, #tpu.memory_space<vmem>>
    %dma_start3A_518 = tpu.memref_squeeze %dma_start3A_517 : memref<1x125xf32, #tpu.memory_space<vmem>> -> memref<125xf32, #tpu.memory_space<vmem>>
    %dma_start3A_519 = arith.constant 0 : i32
    %dma_start3A_520 = tpu.memref_slice %arg3[%squeeze3A_497, %dma_start3A_519] : memref<1000x125xf32, #tpu.memory_space<hbm>> -> memref<1x125xf32, #tpu.memory_space<hbm>>
    %dma_start3A_521 = tpu.memref_squeeze %dma_start3A_520 : memref<1x125xf32, #tpu.memory_space<hbm>> -> memref<125xf32, #tpu.memory_space<hbm>>
    tpu.enqueue_dma source(%dma_start3A_521 : memref<125xf32, #tpu.memory_space<hbm>>) target(%dma_start3A_518 : memref<125xf32, #tpu.memory_space<vmem>>) target_semaphore(%arg19 : memref<!tpu.dma_semaphore, #tpu.memory_space<semaphore_mem>>)
    %slice3A_522 = vector.extract_strided_slice %get3A_30 {offsets = [3], sizes = [1], strides = [1]} : vector<16xi32> to vector<1xi32>
    %squeeze3A_523 = vector.extract %slice3A_522[0] : i32 from vector<1xi32>
    %dma_start3A_524 = arith.constant 19 : i32
    %dma_start3A_525 = arith.constant 0 : i32
    %dma_start3A_526 = tpu.memref_slice %arg14[%dma_start3A_524, %dma_start3A_525] : memref<32x128xf32, #tpu.memory_space<vmem>> -> memref<1x128xf32, #tpu.memory_space<vmem>>
    %dma_start3A_527 = tpu.memref_squeeze %dma_start3A_526 : memref<1x128xf32, #tpu.memory_space<vmem>> -> memref<128xf32, #tpu.memory_space<vmem>>
    %dma_start3A_528 = tpu.memref_slice %arg2[%squeeze3A_523, %mul3A_2] : memref<1000x4096xf32, #tpu.memory_space<hbm>> -> memref<1x128xf32, #tpu.memory_space<hbm>>
    %dma_start3A_529 = tpu.memref_squeeze %dma_start3A_528 : memref<1x128xf32, #tpu.memory_space<hbm>> -> memref<128xf32, #tpu.memory_space<hbm>>
    %dma_start3A_530 = arith.constant 0 : i32
    %dma_start3A_531 = tpu.memref_slice %arg14[%dma_start3A_524, %dma_start3A_530] : memref<32x128xf32, #tpu.memory_space<vmem>> -> memref<1x128xf32, #tpu.memory_space<vmem>>
    %dma_start3A_532 = tpu.memref_squeeze %dma_start3A_531 : memref<1x128xf32, #tpu.memory_space<vmem>> -> memref<128xf32, #tpu.memory_space<vmem>>
    %dma_start3A_533 = tpu.memref_slice %arg2[%squeeze3A_523, %mul3A_2] : memref<1000x4096xf32, #tpu.memory_space<hbm>> -> memref<1x128xf32, #tpu.memory_space<hbm>>
    %dma_start3A_534 = tpu.memref_squeeze %dma_start3A_533 : memref<1x128xf32, #tpu.memory_space<hbm>> -> memref<128xf32, #tpu.memory_space<hbm>>
    tpu.enqueue_dma source(%dma_start3A_534 : memref<128xf32, #tpu.memory_space<hbm>>) target(%dma_start3A_532 : memref<128xf32, #tpu.memory_space<vmem>>) target_semaphore(%arg19 : memref<!tpu.dma_semaphore, #tpu.memory_space<semaphore_mem>>)
    %dma_start3A_535 = arith.constant 19 : i32
    %dma_start3A_536 = arith.constant 0 : i32
    %dma_start3A_537 = tpu.memref_slice %arg13[%dma_start3A_535, %dma_start3A_536] : memref<32x128xf32, #tpu.memory_space<vmem>> -> memref<1x125xf32, #tpu.memory_space<vmem>>
    %dma_start3A_538 = tpu.memref_squeeze %dma_start3A_537 : memref<1x125xf32, #tpu.memory_space<vmem>> -> memref<125xf32, #tpu.memory_space<vmem>>
    %dma_start3A_539 = arith.constant 0 : i32
    %dma_start3A_540 = tpu.memref_slice %arg3[%squeeze3A_523, %dma_start3A_539] : memref<1000x125xf32, #tpu.memory_space<hbm>> -> memref<1x125xf32, #tpu.memory_space<hbm>>
    %dma_start3A_541 = tpu.memref_squeeze %dma_start3A_540 : memref<1x125xf32, #tpu.memory_space<hbm>> -> memref<125xf32, #tpu.memory_space<hbm>>
    %dma_start3A_542 = arith.constant 0 : i32
    %dma_start3A_543 = tpu.memref_slice %arg13[%dma_start3A_535, %dma_start3A_542] : memref<32x128xf32, #tpu.memory_space<vmem>> -> memref<1x125xf32, #tpu.memory_space<vmem>>
    %dma_start3A_544 = tpu.memref_squeeze %dma_start3A_543 : memref<1x125xf32, #tpu.memory_space<vmem>> -> memref<125xf32, #tpu.memory_space<vmem>>
    %dma_start3A_545 = arith.constant 0 : i32
    %dma_start3A_546 = tpu.memref_slice %arg3[%squeeze3A_523, %dma_start3A_545] : memref<1000x125xf32, #tpu.memory_space<hbm>> -> memref<1x125xf32, #tpu.memory_space<hbm>>
    %dma_start3A_547 = tpu.memref_squeeze %dma_start3A_546 : memref<1x125xf32, #tpu.memory_space<hbm>> -> memref<125xf32, #tpu.memory_space<hbm>>
    tpu.enqueue_dma source(%dma_start3A_547 : memref<125xf32, #tpu.memory_space<hbm>>) target(%dma_start3A_544 : memref<125xf32, #tpu.memory_space<vmem>>) target_semaphore(%arg19 : memref<!tpu.dma_semaphore, #tpu.memory_space<semaphore_mem>>)
    %slice3A_548 = vector.extract_strided_slice %get3A_30 {offsets = [4], sizes = [1], strides = [1]} : vector<16xi32> to vector<1xi32>
    %squeeze3A_549 = vector.extract %slice3A_548[0] : i32 from vector<1xi32>
    %dma_start3A_550 = arith.constant 20 : i32
    %dma_start3A_551 = arith.constant 0 : i32
    %dma_start3A_552 = tpu.memref_slice %arg14[%dma_start3A_550, %dma_start3A_551] : memref<32x128xf32, #tpu.memory_space<vmem>> -> memref<1x128xf32, #tpu.memory_space<vmem>>
    %dma_start3A_553 = tpu.memref_squeeze %dma_start3A_552 : memref<1x128xf32, #tpu.memory_space<vmem>> -> memref<128xf32, #tpu.memory_space<vmem>>
    %dma_start3A_554 = tpu.memref_slice %arg2[%squeeze3A_549, %mul3A_2] : memref<1000x4096xf32, #tpu.memory_space<hbm>> -> memref<1x128xf32, #tpu.memory_space<hbm>>
    %dma_start3A_555 = tpu.memref_squeeze %dma_start3A_554 : memref<1x128xf32, #tpu.memory_space<hbm>> -> memref<128xf32, #tpu.memory_space<hbm>>
    %dma_start3A_556 = arith.constant 0 : i32
    %dma_start3A_557 = tpu.memref_slice %arg14[%dma_start3A_550, %dma_start3A_556] : memref<32x128xf32, #tpu.memory_space<vmem>> -> memref<1x128xf32, #tpu.memory_space<vmem>>
    %dma_start3A_558 = tpu.memref_squeeze %dma_start3A_557 : memref<1x128xf32, #tpu.memory_space<vmem>> -> memref<128xf32, #tpu.memory_space<vmem>>
    %dma_start3A_559 = tpu.memref_slice %arg2[%squeeze3A_549, %mul3A_2] : memref<1000x4096xf32, #tpu.memory_space<hbm>> -> memref<1x128xf32, #tpu.memory_space<hbm>>
    %dma_start3A_560 = tpu.memref_squeeze %dma_start3A_559 : memref<1x128xf32, #tpu.memory_space<hbm>> -> memref<128xf32, #tpu.memory_space<hbm>>
    tpu.enqueue_dma source(%dma_start3A_560 : memref<128xf32, #tpu.memory_space<hbm>>) target(%dma_start3A_558 : memref<128xf32, #tpu.memory_space<vmem>>) target_semaphore(%arg19 : memref<!tpu.dma_semaphore, #tpu.memory_space<semaphore_mem>>)
    %dma_start3A_561 = arith.constant 20 : i32
    %dma_start3A_562 = arith.constant 0 : i32
    %dma_start3A_563 = tpu.memref_slice %arg13[%dma_start3A_561, %dma_start3A_562] : memref<32x128xf32, #tpu.memory_space<vmem>> -> memref<1x125xf32, #tpu.memory_space<vmem>>
    %dma_start3A_564 = tpu.memref_squeeze %dma_start3A_563 : memref<1x125xf32, #tpu.memory_space<vmem>> -> memref<125xf32, #tpu.memory_space<vmem>>
    %dma_start3A_565 = arith.constant 0 : i32
    %dma_start3A_566 = tpu.memref_slice %arg3[%squeeze3A_549, %dma_start3A_565] : memref<1000x125xf32, #tpu.memory_space<hbm>> -> memref<1x125xf32, #tpu.memory_space<hbm>>
    %dma_start3A_567 = tpu.memref_squeeze %dma_start3A_566 : memref<1x125xf32, #tpu.memory_space<hbm>> -> memref<125xf32, #tpu.memory_space<hbm>>
    %dma_start3A_568 = arith.constant 0 : i32
    %dma_start3A_569 = tpu.memref_slice %arg13[%dma_start3A_561, %dma_start3A_568] : memref<32x128xf32, #tpu.memory_space<vmem>> -> memref<1x125xf32, #tpu.memory_space<vmem>>
    %dma_start3A_570 = tpu.memref_squeeze %dma_start3A_569 : memref<1x125xf32, #tpu.memory_space<vmem>> -> memref<125xf32, #tpu.memory_space<vmem>>
    %dma_start3A_571 = arith.constant 0 : i32
    %dma_start3A_572 = tpu.memref_slice %arg3[%squeeze3A_549, %dma_start3A_571] : memref<1000x125xf32, #tpu.memory_space<hbm>> -> memref<1x125xf32, #tpu.memory_space<hbm>>
    %dma_start3A_573 = tpu.memref_squeeze %dma_start3A_572 : memref<1x125xf32, #tpu.memory_space<hbm>> -> memref<125xf32, #tpu.memory_space<hbm>>
    tpu.enqueue_dma source(%dma_start3A_573 : memref<125xf32, #tpu.memory_space<hbm>>) target(%dma_start3A_570 : memref<125xf32, #tpu.memory_space<vmem>>) target_semaphore(%arg19 : memref<!tpu.dma_semaphore, #tpu.memory_space<semaphore_mem>>)
    %slice3A_574 = vector.extract_strided_slice %get3A_30 {offsets = [5], sizes = [1], strides = [1]} : vector<16xi32> to vector<1xi32>
    %squeeze3A_575 = vector.extract %slice3A_574[0] : i32 from vector<1xi32>
    %dma_start3A_576 = arith.constant 21 : i32
    %dma_start3A_577 = arith.constant 0 : i32
    %dma_start3A_578 = tpu.memref_slice %arg14[%dma_start3A_576, %dma_start3A_577] : memref<32x128xf32, #tpu.memory_space<vmem>> -> memref<1x128xf32, #tpu.memory_space<vmem>>
    %dma_start3A_579 = tpu.memref_squeeze %dma_start3A_578 : memref<1x128xf32, #tpu.memory_space<vmem>> -> memref<128xf32, #tpu.memory_space<vmem>>
    %dma_start3A_580 = tpu.memref_slice %arg2[%squeeze3A_575, %mul3A_2] : memref<1000x4096xf32, #tpu.memory_space<hbm>> -> memref<1x128xf32, #tpu.memory_space<hbm>>
    %dma_start3A_581 = tpu.memref_squeeze %dma_start3A_580 : memref<1x128xf32, #tpu.memory_space<hbm>> -> memref<128xf32, #tpu.memory_space<hbm>>
    %dma_start3A_582 = arith.constant 0 : i32
    %dma_start3A_583 = tpu.memref_slice %arg14[%dma_start3A_576, %dma_start3A_582] : memref<32x128xf32, #tpu.memory_space<vmem>> -> memref<1x128xf32, #tpu.memory_space<vmem>>
    %dma_start3A_584 = tpu.memref_squeeze %dma_start3A_583 : memref<1x128xf32, #tpu.memory_space<vmem>> -> memref<128xf32, #tpu.memory_space<vmem>>
    %dma_start3A_585 = tpu.memref_slice %arg2[%squeeze3A_575, %mul3A_2] : memref<1000x4096xf32, #tpu.memory_space<hbm>> -> memref<1x128xf32, #tpu.memory_space<hbm>>
    %dma_start3A_586 = tpu.memref_squeeze %dma_start3A_585 : memref<1x128xf32, #tpu.memory_space<hbm>> -> memref<128xf32, #tpu.memory_space<hbm>>
    tpu.enqueue_dma source(%dma_start3A_586 : memref<128xf32, #tpu.memory_space<hbm>>) target(%dma_start3A_584 : memref<128xf32, #tpu.memory_space<vmem>>) target_semaphore(%arg19 : memref<!tpu.dma_semaphore, #tpu.memory_space<semaphore_mem>>)
    %dma_start3A_587 = arith.constant 21 : i32
    %dma_start3A_588 = arith.constant 0 : i32
    %dma_start3A_589 = tpu.memref_slice %arg13[%dma_start3A_587, %dma_start3A_588] : memref<32x128xf32, #tpu.memory_space<vmem>> -> memref<1x125xf32, #tpu.memory_space<vmem>>
    %dma_start3A_590 = tpu.memref_squeeze %dma_start3A_589 : memref<1x125xf32, #tpu.memory_space<vmem>> -> memref<125xf32, #tpu.memory_space<vmem>>
    %dma_start3A_591 = arith.constant 0 : i32
    %dma_start3A_592 = tpu.memref_slice %arg3[%squeeze3A_575, %dma_start3A_591] : memref<1000x125xf32, #tpu.memory_space<hbm>> -> memref<1x125xf32, #tpu.memory_space<hbm>>
    %dma_start3A_593 = tpu.memref_squeeze %dma_start3A_592 : memref<1x125xf32, #tpu.memory_space<hbm>> -> memref<125xf32, #tpu.memory_space<hbm>>
    %dma_start3A_594 = arith.constant 0 : i32
    %dma_start3A_595 = tpu.memref_slice %arg13[%dma_start3A_587, %dma_start3A_594] : memref<32x128xf32, #tpu.memory_space<vmem>> -> memref<1x125xf32, #tpu.memory_space<vmem>>
    %dma_start3A_596 = tpu.memref_squeeze %dma_start3A_595 : memref<1x125xf32, #tpu.memory_space<vmem>> -> memref<125xf32, #tpu.memory_space<vmem>>
    %dma_start3A_597 = arith.constant 0 : i32
    %dma_start3A_598 = tpu.memref_slice %arg3[%squeeze3A_575, %dma_start3A_597] : memref<1000x125xf32, #tpu.memory_space<hbm>> -> memref<1x125xf32, #tpu.memory_space<hbm>>
    %dma_start3A_599 = tpu.memref_squeeze %dma_start3A_598 : memref<1x125xf32, #tpu.memory_space<hbm>> -> memref<125xf32, #tpu.memory_space<hbm>>
    tpu.enqueue_dma source(%dma_start3A_599 : memref<125xf32, #tpu.memory_space<hbm>>) target(%dma_start3A_596 : memref<125xf32, #tpu.memory_space<vmem>>) target_semaphore(%arg19 : memref<!tpu.dma_semaphore, #tpu.memory_space<semaphore_mem>>)
    %slice3A_600 = vector.extract_strided_slice %get3A_30 {offsets = [6], sizes = [1], strides = [1]} : vector<16xi32> to vector<1xi32>
    %squeeze3A_601 = vector.extract %slice3A_600[0] : i32 from vector<1xi32>
    %dma_start3A_602 = arith.constant 22 : i32
    %dma_start3A_603 = arith.constant 0 : i32
    %dma_start3A_604 = tpu.memref_slice %arg14[%dma_start3A_602, %dma_start3A_603] : memref<32x128xf32, #tpu.memory_space<vmem>> -> memref<1x128xf32, #tpu.memory_space<vmem>>
    %dma_start3A_605 = tpu.memref_squeeze %dma_start3A_604 : memref<1x128xf32, #tpu.memory_space<vmem>> -> memref<128xf32, #tpu.memory_space<vmem>>
    %dma_start3A_606 = tpu.memref_slice %arg2[%squeeze3A_601, %mul3A_2] : memref<1000x4096xf32, #tpu.memory_space<hbm>> -> memref<1x128xf32, #tpu.memory_space<hbm>>
    %dma_start3A_607 = tpu.memref_squeeze %dma_start3A_606 : memref<1x128xf32, #tpu.memory_space<hbm>> -> memref<128xf32, #tpu.memory_space<hbm>>
    %dma_start3A_608 = arith.constant 0 : i32
    %dma_start3A_609 = tpu.memref_slice %arg14[%dma_start3A_602, %dma_start3A_608] : memref<32x128xf32, #tpu.memory_space<vmem>> -> memref<1x128xf32, #tpu.memory_space<vmem>>
    %dma_start3A_610 = tpu.memref_squeeze %dma_start3A_609 : memref<1x128xf32, #tpu.memory_space<vmem>> -> memref<128xf32, #tpu.memory_space<vmem>>
    %dma_start3A_611 = tpu.memref_slice %arg2[%squeeze3A_601, %mul3A_2] : memref<1000x4096xf32, #tpu.memory_space<hbm>> -> memref<1x128xf32, #tpu.memory_space<hbm>>
    %dma_start3A_612 = tpu.memref_squeeze %dma_start3A_611 : memref<1x128xf32, #tpu.memory_space<hbm>> -> memref<128xf32, #tpu.memory_space<hbm>>
    tpu.enqueue_dma source(%dma_start3A_612 : memref<128xf32, #tpu.memory_space<hbm>>) target(%dma_start3A_610 : memref<128xf32, #tpu.memory_space<vmem>>) target_semaphore(%arg19 : memref<!tpu.dma_semaphore, #tpu.memory_space<semaphore_mem>>)
    %dma_start3A_613 = arith.constant 22 : i32
    %dma_start3A_614 = arith.constant 0 : i32
    %dma_start3A_615 = tpu.memref_slice %arg13[%dma_start3A_613, %dma_start3A_614] : memref<32x128xf32, #tpu.memory_space<vmem>> -> memref<1x125xf32, #tpu.memory_space<vmem>>
    %dma_start3A_616 = tpu.memref_squeeze %dma_start3A_615 : memref<1x125xf32, #tpu.memory_space<vmem>> -> memref<125xf32, #tpu.memory_space<vmem>>
    %dma_start3A_617 = arith.constant 0 : i32
    %dma_start3A_618 = tpu.memref_slice %arg3[%squeeze3A_601, %dma_start3A_617] : memref<1000x125xf32, #tpu.memory_space<hbm>> -> memref<1x125xf32, #tpu.memory_space<hbm>>
    %dma_start3A_619 = tpu.memref_squeeze %dma_start3A_618 : memref<1x125xf32, #tpu.memory_space<hbm>> -> memref<125xf32, #tpu.memory_space<hbm>>
    %dma_start3A_620 = arith.constant 0 : i32
    %dma_start3A_621 = tpu.memref_slice %arg13[%dma_start3A_613, %dma_start3A_620] : memref<32x128xf32, #tpu.memory_space<vmem>> -> memref<1x125xf32, #tpu.memory_space<vmem>>
    %dma_start3A_622 = tpu.memref_squeeze %dma_start3A_621 : memref<1x125xf32, #tpu.memory_space<vmem>> -> memref<125xf32, #tpu.memory_space<vmem>>
    %dma_start3A_623 = arith.constant 0 : i32
    %dma_start3A_624 = tpu.memref_slice %arg3[%squeeze3A_601, %dma_start3A_623] : memref<1000x125xf32, #tpu.memory_space<hbm>> -> memref<1x125xf32, #tpu.memory_space<hbm>>
    %dma_start3A_625 = tpu.memref_squeeze %dma_start3A_624 : memref<1x125xf32, #tpu.memory_space<hbm>> -> memref<125xf32, #tpu.memory_space<hbm>>
    tpu.enqueue_dma source(%dma_start3A_625 : memref<125xf32, #tpu.memory_space<hbm>>) target(%dma_start3A_622 : memref<125xf32, #tpu.memory_space<vmem>>) target_semaphore(%arg19 : memref<!tpu.dma_semaphore, #tpu.memory_space<semaphore_mem>>)
    %slice3A_626 = vector.extract_strided_slice %get3A_30 {offsets = [7], sizes = [1], strides = [1]} : vector<16xi32> to vector<1xi32>
    %squeeze3A_627 = vector.extract %slice3A_626[0] : i32 from vector<1xi32>
    %dma_start3A_628 = arith.constant 23 : i32
    %dma_start3A_629 = arith.constant 0 : i32
    %dma_start3A_630 = tpu.memref_slice %arg14[%dma_start3A_628, %dma_start3A_629] : memref<32x128xf32, #tpu.memory_space<vmem>> -> memref<1x128xf32, #tpu.memory_space<vmem>>
    %dma_start3A_631 = tpu.memref_squeeze %dma_start3A_630 : memref<1x128xf32, #tpu.memory_space<vmem>> -> memref<128xf32, #tpu.memory_space<vmem>>
    %dma_start3A_632 = tpu.memref_slice %arg2[%squeeze3A_627, %mul3A_2] : memref<1000x4096xf32, #tpu.memory_space<hbm>> -> memref<1x128xf32, #tpu.memory_space<hbm>>
    %dma_start3A_633 = tpu.memref_squeeze %dma_start3A_632 : memref<1x128xf32, #tpu.memory_space<hbm>> -> memref<128xf32, #tpu.memory_space<hbm>>
    %dma_start3A_634 = arith.constant 0 : i32
    %dma_start3A_635 = tpu.memref_slice %arg14[%dma_start3A_628, %dma_start3A_634] : memref<32x128xf32, #tpu.memory_space<vmem>> -> memref<1x128xf32, #tpu.memory_space<vmem>>
    %dma_start3A_636 = tpu.memref_squeeze %dma_start3A_635 : memref<1x128xf32, #tpu.memory_space<vmem>> -> memref<128xf32, #tpu.memory_space<vmem>>
    %dma_start3A_637 = tpu.memref_slice %arg2[%squeeze3A_627, %mul3A_2] : memref<1000x4096xf32, #tpu.memory_space<hbm>> -> memref<1x128xf32, #tpu.memory_space<hbm>>
    %dma_start3A_638 = tpu.memref_squeeze %dma_start3A_637 : memref<1x128xf32, #tpu.memory_space<hbm>> -> memref<128xf32, #tpu.memory_space<hbm>>
    tpu.enqueue_dma source(%dma_start3A_638 : memref<128xf32, #tpu.memory_space<hbm>>) target(%dma_start3A_636 : memref<128xf32, #tpu.memory_space<vmem>>) target_semaphore(%arg19 : memref<!tpu.dma_semaphore, #tpu.memory_space<semaphore_mem>>)
    %dma_start3A_639 = arith.constant 23 : i32
    %dma_start3A_640 = arith.constant 0 : i32
    %dma_start3A_641 = tpu.memref_slice %arg13[%dma_start3A_639, %dma_start3A_640] : memref<32x128xf32, #tpu.memory_space<vmem>> -> memref<1x125xf32, #tpu.memory_space<vmem>>
    %dma_start3A_642 = tpu.memref_squeeze %dma_start3A_641 : memref<1x125xf32, #tpu.memory_space<vmem>> -> memref<125xf32, #tpu.memory_space<vmem>>
    %dma_start3A_643 = arith.constant 0 : i32
    %dma_start3A_644 = tpu.memref_slice %arg3[%squeeze3A_627, %dma_start3A_643] : memref<1000x125xf32, #tpu.memory_space<hbm>> -> memref<1x125xf32, #tpu.memory_space<hbm>>
    %dma_start3A_645 = tpu.memref_squeeze %dma_start3A_644 : memref<1x125xf32, #tpu.memory_space<hbm>> -> memref<125xf32, #tpu.memory_space<hbm>>
    %dma_start3A_646 = arith.constant 0 : i32
    %dma_start3A_647 = tpu.memref_slice %arg13[%dma_start3A_639, %dma_start3A_646] : memref<32x128xf32, #tpu.memory_space<vmem>> -> memref<1x125xf32, #tpu.memory_space<vmem>>
    %dma_start3A_648 = tpu.memref_squeeze %dma_start3A_647 : memref<1x125xf32, #tpu.memory_space<vmem>> -> memref<125xf32, #tpu.memory_space<vmem>>
    %dma_start3A_649 = arith.constant 0 : i32
    %dma_start3A_650 = tpu.memref_slice %arg3[%squeeze3A_627, %dma_start3A_649] : memref<1000x125xf32, #tpu.memory_space<hbm>> -> memref<1x125xf32, #tpu.memory_space<hbm>>
    %dma_start3A_651 = tpu.memref_squeeze %dma_start3A_650 : memref<1x125xf32, #tpu.memory_space<hbm>> -> memref<125xf32, #tpu.memory_space<hbm>>
    tpu.enqueue_dma source(%dma_start3A_651 : memref<125xf32, #tpu.memory_space<hbm>>) target(%dma_start3A_648 : memref<125xf32, #tpu.memory_space<vmem>>) target_semaphore(%arg19 : memref<!tpu.dma_semaphore, #tpu.memory_space<semaphore_mem>>)
    %slice3A_652 = vector.extract_strided_slice %get3A_30 {offsets = [8], sizes = [1], strides = [1]} : vector<16xi32> to vector<1xi32>
    %squeeze3A_653 = vector.extract %slice3A_652[0] : i32 from vector<1xi32>
    %dma_start3A_654 = arith.constant 24 : i32
    %dma_start3A_655 = arith.constant 0 : i32
    %dma_start3A_656 = tpu.memref_slice %arg14[%dma_start3A_654, %dma_start3A_655] : memref<32x128xf32, #tpu.memory_space<vmem>> -> memref<1x128xf32, #tpu.memory_space<vmem>>
    %dma_start3A_657 = tpu.memref_squeeze %dma_start3A_656 : memref<1x128xf32, #tpu.memory_space<vmem>> -> memref<128xf32, #tpu.memory_space<vmem>>
    %dma_start3A_658 = tpu.memref_slice %arg2[%squeeze3A_653, %mul3A_2] : memref<1000x4096xf32, #tpu.memory_space<hbm>> -> memref<1x128xf32, #tpu.memory_space<hbm>>
    %dma_start3A_659 = tpu.memref_squeeze %dma_start3A_658 : memref<1x128xf32, #tpu.memory_space<hbm>> -> memref<128xf32, #tpu.memory_space<hbm>>
    %dma_start3A_660 = arith.constant 0 : i32
    %dma_start3A_661 = tpu.memref_slice %arg14[%dma_start3A_654, %dma_start3A_660] : memref<32x128xf32, #tpu.memory_space<vmem>> -> memref<1x128xf32, #tpu.memory_space<vmem>>
    %dma_start3A_662 = tpu.memref_squeeze %dma_start3A_661 : memref<1x128xf32, #tpu.memory_space<vmem>> -> memref<128xf32, #tpu.memory_space<vmem>>
    %dma_start3A_663 = tpu.memref_slice %arg2[%squeeze3A_653, %mul3A_2] : memref<1000x4096xf32, #tpu.memory_space<hbm>> -> memref<1x128xf32, #tpu.memory_space<hbm>>
    %dma_start3A_664 = tpu.memref_squeeze %dma_start3A_663 : memref<1x128xf32, #tpu.memory_space<hbm>> -> memref<128xf32, #tpu.memory_space<hbm>>
    tpu.enqueue_dma source(%dma_start3A_664 : memref<128xf32, #tpu.memory_space<hbm>>) target(%dma_start3A_662 : memref<128xf32, #tpu.memory_space<vmem>>) target_semaphore(%arg19 : memref<!tpu.dma_semaphore, #tpu.memory_space<semaphore_mem>>)
    %dma_start3A_665 = arith.constant 24 : i32
    %dma_start3A_666 = arith.constant 0 : i32
    %dma_start3A_667 = tpu.memref_slice %arg13[%dma_start3A_665, %dma_start3A_666] : memref<32x128xf32, #tpu.memory_space<vmem>> -> memref<1x125xf32, #tpu.memory_space<vmem>>
    %dma_start3A_668 = tpu.memref_squeeze %dma_start3A_667 : memref<1x125xf32, #tpu.memory_space<vmem>> -> memref<125xf32, #tpu.memory_space<vmem>>
    %dma_start3A_669 = arith.constant 0 : i32
    %dma_start3A_670 = tpu.memref_slice %arg3[%squeeze3A_653, %dma_start3A_669] : memref<1000x125xf32, #tpu.memory_space<hbm>> -> memref<1x125xf32, #tpu.memory_space<hbm>>
    %dma_start3A_671 = tpu.memref_squeeze %dma_start3A_670 : memref<1x125xf32, #tpu.memory_space<hbm>> -> memref<125xf32, #tpu.memory_space<hbm>>
    %dma_start3A_672 = arith.constant 0 : i32
    %dma_start3A_673 = tpu.memref_slice %arg13[%dma_start3A_665, %dma_start3A_672] : memref<32x128xf32, #tpu.memory_space<vmem>> -> memref<1x125xf32, #tpu.memory_space<vmem>>
    %dma_start3A_674 = tpu.memref_squeeze %dma_start3A_673 : memref<1x125xf32, #tpu.memory_space<vmem>> -> memref<125xf32, #tpu.memory_space<vmem>>
    %dma_start3A_675 = arith.constant 0 : i32
    %dma_start3A_676 = tpu.memref_slice %arg3[%squeeze3A_653, %dma_start3A_675] : memref<1000x125xf32, #tpu.memory_space<hbm>> -> memref<1x125xf32, #tpu.memory_space<hbm>>
    %dma_start3A_677 = tpu.memref_squeeze %dma_start3A_676 : memref<1x125xf32, #tpu.memory_space<hbm>> -> memref<125xf32, #tpu.memory_space<hbm>>
    tpu.enqueue_dma source(%dma_start3A_677 : memref<125xf32, #tpu.memory_space<hbm>>) target(%dma_start3A_674 : memref<125xf32, #tpu.memory_space<vmem>>) target_semaphore(%arg19 : memref<!tpu.dma_semaphore, #tpu.memory_space<semaphore_mem>>)
    %slice3A_678 = vector.extract_strided_slice %get3A_30 {offsets = [9], sizes = [1], strides = [1]} : vector<16xi32> to vector<1xi32>
    %squeeze3A_679 = vector.extract %slice3A_678[0] : i32 from vector<1xi32>
    %dma_start3A_680 = arith.constant 25 : i32
    %dma_start3A_681 = arith.constant 0 : i32
    %dma_start3A_682 = tpu.memref_slice %arg14[%dma_start3A_680, %dma_start3A_681] : memref<32x128xf32, #tpu.memory_space<vmem>> -> memref<1x128xf32, #tpu.memory_space<vmem>>
    %dma_start3A_683 = tpu.memref_squeeze %dma_start3A_682 : memref<1x128xf32, #tpu.memory_space<vmem>> -> memref<128xf32, #tpu.memory_space<vmem>>
    %dma_start3A_684 = tpu.memref_slice %arg2[%squeeze3A_679, %mul3A_2] : memref<1000x4096xf32, #tpu.memory_space<hbm>> -> memref<1x128xf32, #tpu.memory_space<hbm>>
    %dma_start3A_685 = tpu.memref_squeeze %dma_start3A_684 : memref<1x128xf32, #tpu.memory_space<hbm>> -> memref<128xf32, #tpu.memory_space<hbm>>
    %dma_start3A_686 = arith.constant 0 : i32
    %dma_start3A_687 = tpu.memref_slice %arg14[%dma_start3A_680, %dma_start3A_686] : memref<32x128xf32, #tpu.memory_space<vmem>> -> memref<1x128xf32, #tpu.memory_space<vmem>>
    %dma_start3A_688 = tpu.memref_squeeze %dma_start3A_687 : memref<1x128xf32, #tpu.memory_space<vmem>> -> memref<128xf32, #tpu.memory_space<vmem>>
    %dma_start3A_689 = tpu.memref_slice %arg2[%squeeze3A_679, %mul3A_2] : memref<1000x4096xf32, #tpu.memory_space<hbm>> -> memref<1x128xf32, #tpu.memory_space<hbm>>
    %dma_start3A_690 = tpu.memref_squeeze %dma_start3A_689 : memref<1x128xf32, #tpu.memory_space<hbm>> -> memref<128xf32, #tpu.memory_space<hbm>>
    tpu.enqueue_dma source(%dma_start3A_690 : memref<128xf32, #tpu.memory_space<hbm>>) target(%dma_start3A_688 : memref<128xf32, #tpu.memory_space<vmem>>) target_semaphore(%arg19 : memref<!tpu.dma_semaphore, #tpu.memory_space<semaphore_mem>>)
    %dma_start3A_691 = arith.constant 25 : i32
    %dma_start3A_692 = arith.constant 0 : i32
    %dma_start3A_693 = tpu.memref_slice %arg13[%dma_start3A_691, %dma_start3A_692] : memref<32x128xf32, #tpu.memory_space<vmem>> -> memref<1x125xf32, #tpu.memory_space<vmem>>
    %dma_start3A_694 = tpu.memref_squeeze %dma_start3A_693 : memref<1x125xf32, #tpu.memory_space<vmem>> -> memref<125xf32, #tpu.memory_space<vmem>>
    %dma_start3A_695 = arith.constant 0 : i32
    %dma_start3A_696 = tpu.memref_slice %arg3[%squeeze3A_679, %dma_start3A_695] : memref<1000x125xf32, #tpu.memory_space<hbm>> -> memref<1x125xf32, #tpu.memory_space<hbm>>
    %dma_start3A_697 = tpu.memref_squeeze %dma_start3A_696 : memref<1x125xf32, #tpu.memory_space<hbm>> -> memref<125xf32, #tpu.memory_space<hbm>>
    %dma_start3A_698 = arith.constant 0 : i32
    %dma_start3A_699 = tpu.memref_slice %arg13[%dma_start3A_691, %dma_start3A_698] : memref<32x128xf32, #tpu.memory_space<vmem>> -> memref<1x125xf32, #tpu.memory_space<vmem>>
    %dma_start3A_700 = tpu.memref_squeeze %dma_start3A_699 : memref<1x125xf32, #tpu.memory_space<vmem>> -> memref<125xf32, #tpu.memory_space<vmem>>
    %dma_start3A_701 = arith.constant 0 : i32
    %dma_start3A_702 = tpu.memref_slice %arg3[%squeeze3A_679, %dma_start3A_701] : memref<1000x125xf32, #tpu.memory_space<hbm>> -> memref<1x125xf32, #tpu.memory_space<hbm>>
    %dma_start3A_703 = tpu.memref_squeeze %dma_start3A_702 : memref<1x125xf32, #tpu.memory_space<hbm>> -> memref<125xf32, #tpu.memory_space<hbm>>
    tpu.enqueue_dma source(%dma_start3A_703 : memref<125xf32, #tpu.memory_space<hbm>>) target(%dma_start3A_700 : memref<125xf32, #tpu.memory_space<vmem>>) target_semaphore(%arg19 : memref<!tpu.dma_semaphore, #tpu.memory_space<semaphore_mem>>)
    %slice3A_704 = vector.extract_strided_slice %get3A_30 {offsets = [10], sizes = [1], strides = [1]} : vector<16xi32> to vector<1xi32>
    %squeeze3A_705 = vector.extract %slice3A_704[0] : i32 from vector<1xi32>
    %dma_start3A_706 = arith.constant 26 : i32
    %dma_start3A_707 = arith.constant 0 : i32
    %dma_start3A_708 = tpu.memref_slice %arg14[%dma_start3A_706, %dma_start3A_707] : memref<32x128xf32, #tpu.memory_space<vmem>> -> memref<1x128xf32, #tpu.memory_space<vmem>>
    %dma_start3A_709 = tpu.memref_squeeze %dma_start3A_708 : memref<1x128xf32, #tpu.memory_space<vmem>> -> memref<128xf32, #tpu.memory_space<vmem>>
    %dma_start3A_710 = tpu.memref_slice %arg2[%squeeze3A_705, %mul3A_2] : memref<1000x4096xf32, #tpu.memory_space<hbm>> -> memref<1x128xf32, #tpu.memory_space<hbm>>
    %dma_start3A_711 = tpu.memref_squeeze %dma_start3A_710 : memref<1x128xf32, #tpu.memory_space<hbm>> -> memref<128xf32, #tpu.memory_space<hbm>>
    %dma_start3A_712 = arith.constant 0 : i32
    %dma_start3A_713 = tpu.memref_slice %arg14[%dma_start3A_706, %dma_start3A_712] : memref<32x128xf32, #tpu.memory_space<vmem>> -> memref<1x128xf32, #tpu.memory_space<vmem>>
    %dma_start3A_714 = tpu.memref_squeeze %dma_start3A_713 : memref<1x128xf32, #tpu.memory_space<vmem>> -> memref<128xf32, #tpu.memory_space<vmem>>
    %dma_start3A_715 = tpu.memref_slice %arg2[%squeeze3A_705, %mul3A_2] : memref<1000x4096xf32, #tpu.memory_space<hbm>> -> memref<1x128xf32, #tpu.memory_space<hbm>>
    %dma_start3A_716 = tpu.memref_squeeze %dma_start3A_715 : memref<1x128xf32, #tpu.memory_space<hbm>> -> memref<128xf32, #tpu.memory_space<hbm>>
    tpu.enqueue_dma source(%dma_start3A_716 : memref<128xf32, #tpu.memory_space<hbm>>) target(%dma_start3A_714 : memref<128xf32, #tpu.memory_space<vmem>>) target_semaphore(%arg19 : memref<!tpu.dma_semaphore, #tpu.memory_space<semaphore_mem>>)
    %dma_start3A_717 = arith.constant 26 : i32
    %dma_start3A_718 = arith.constant 0 : i32
    %dma_start3A_719 = tpu.memref_slice %arg13[%dma_start3A_717, %dma_start3A_718] : memref<32x128xf32, #tpu.memory_space<vmem>> -> memref<1x125xf32, #tpu.memory_space<vmem>>
    %dma_start3A_720 = tpu.memref_squeeze %dma_start3A_719 : memref<1x125xf32, #tpu.memory_space<vmem>> -> memref<125xf32, #tpu.memory_space<vmem>>
    %dma_start3A_721 = arith.constant 0 : i32
    %dma_start3A_722 = tpu.memref_slice %arg3[%squeeze3A_705, %dma_start3A_721] : memref<1000x125xf32, #tpu.memory_space<hbm>> -> memref<1x125xf32, #tpu.memory_space<hbm>>
    %dma_start3A_723 = tpu.memref_squeeze %dma_start3A_722 : memref<1x125xf32, #tpu.memory_space<hbm>> -> memref<125xf32, #tpu.memory_space<hbm>>
    %dma_start3A_724 = arith.constant 0 : i32
    %dma_start3A_725 = tpu.memref_slice %arg13[%dma_start3A_717, %dma_start3A_724] : memref<32x128xf32, #tpu.memory_space<vmem>> -> memref<1x125xf32, #tpu.memory_space<vmem>>
    %dma_start3A_726 = tpu.memref_squeeze %dma_start3A_725 : memref<1x125xf32, #tpu.memory_space<vmem>> -> memref<125xf32, #tpu.memory_space<vmem>>
    %dma_start3A_727 = arith.constant 0 : i32
    %dma_start3A_728 = tpu.memref_slice %arg3[%squeeze3A_705, %dma_start3A_727] : memref<1000x125xf32, #tpu.memory_space<hbm>> -> memref<1x125xf32, #tpu.memory_space<hbm>>
    %dma_start3A_729 = tpu.memref_squeeze %dma_start3A_728 : memref<1x125xf32, #tpu.memory_space<hbm>> -> memref<125xf32, #tpu.memory_space<hbm>>
    tpu.enqueue_dma source(%dma_start3A_729 : memref<125xf32, #tpu.memory_space<hbm>>) target(%dma_start3A_726 : memref<125xf32, #tpu.memory_space<vmem>>) target_semaphore(%arg19 : memref<!tpu.dma_semaphore, #tpu.memory_space<semaphore_mem>>)
    %slice3A_730 = vector.extract_strided_slice %get3A_30 {offsets = [11], sizes = [1], strides = [1]} : vector<16xi32> to vector<1xi32>
    %squeeze3A_731 = vector.extract %slice3A_730[0] : i32 from vector<1xi32>
    %dma_start3A_732 = arith.constant 27 : i32
    %dma_start3A_733 = arith.constant 0 : i32
    %dma_start3A_734 = tpu.memref_slice %arg14[%dma_start3A_732, %dma_start3A_733] : memref<32x128xf32, #tpu.memory_space<vmem>> -> memref<1x128xf32, #tpu.memory_space<vmem>>
    %dma_start3A_735 = tpu.memref_squeeze %dma_start3A_734 : memref<1x128xf32, #tpu.memory_space<vmem>> -> memref<128xf32, #tpu.memory_space<vmem>>
    %dma_start3A_736 = tpu.memref_slice %arg2[%squeeze3A_731, %mul3A_2] : memref<1000x4096xf32, #tpu.memory_space<hbm>> -> memref<1x128xf32, #tpu.memory_space<hbm>>
    %dma_start3A_737 = tpu.memref_squeeze %dma_start3A_736 : memref<1x128xf32, #tpu.memory_space<hbm>> -> memref<128xf32, #tpu.memory_space<hbm>>
    %dma_start3A_738 = arith.constant 0 : i32
    %dma_start3A_739 = tpu.memref_slice %arg14[%dma_start3A_732, %dma_start3A_738] : memref<32x128xf32, #tpu.memory_space<vmem>> -> memref<1x128xf32, #tpu.memory_space<vmem>>
    %dma_start3A_740 = tpu.memref_squeeze %dma_start3A_739 : memref<1x128xf32, #tpu.memory_space<vmem>> -> memref<128xf32, #tpu.memory_space<vmem>>
    %dma_start3A_741 = tpu.memref_slice %arg2[%squeeze3A_731, %mul3A_2] : memref<1000x4096xf32, #tpu.memory_space<hbm>> -> memref<1x128xf32, #tpu.memory_space<hbm>>
    %dma_start3A_742 = tpu.memref_squeeze %dma_start3A_741 : memref<1x128xf32, #tpu.memory_space<hbm>> -> memref<128xf32, #tpu.memory_space<hbm>>
    tpu.enqueue_dma source(%dma_start3A_742 : memref<128xf32, #tpu.memory_space<hbm>>) target(%dma_start3A_740 : memref<128xf32, #tpu.memory_space<vmem>>) target_semaphore(%arg19 : memref<!tpu.dma_semaphore, #tpu.memory_space<semaphore_mem>>)
    %dma_start3A_743 = arith.constant 27 : i32
    %dma_start3A_744 = arith.constant 0 : i32
    %dma_start3A_745 = tpu.memref_slice %arg13[%dma_start3A_743, %dma_start3A_744] : memref<32x128xf32, #tpu.memory_space<vmem>> -> memref<1x125xf32, #tpu.memory_space<vmem>>
    %dma_start3A_746 = tpu.memref_squeeze %dma_start3A_745 : memref<1x125xf32, #tpu.memory_space<vmem>> -> memref<125xf32, #tpu.memory_space<vmem>>
    %dma_start3A_747 = arith.constant 0 : i32
    %dma_start3A_748 = tpu.memref_slice %arg3[%squeeze3A_731, %dma_start3A_747] : memref<1000x125xf32, #tpu.memory_space<hbm>> -> memref<1x125xf32, #tpu.memory_space<hbm>>
    %dma_start3A_749 = tpu.memref_squeeze %dma_start3A_748 : memref<1x125xf32, #tpu.memory_space<hbm>> -> memref<125xf32, #tpu.memory_space<hbm>>
    %dma_start3A_750 = arith.constant 0 : i32
    %dma_start3A_751 = tpu.memref_slice %arg13[%dma_start3A_743, %dma_start3A_750] : memref<32x128xf32, #tpu.memory_space<vmem>> -> memref<1x125xf32, #tpu.memory_space<vmem>>
    %dma_start3A_752 = tpu.memref_squeeze %dma_start3A_751 : memref<1x125xf32, #tpu.memory_space<vmem>> -> memref<125xf32, #tpu.memory_space<vmem>>
    %dma_start3A_753 = arith.constant 0 : i32
    %dma_start3A_754 = tpu.memref_slice %arg3[%squeeze3A_731, %dma_start3A_753] : memref<1000x125xf32, #tpu.memory_space<hbm>> -> memref<1x125xf32, #tpu.memory_space<hbm>>
    %dma_start3A_755 = tpu.memref_squeeze %dma_start3A_754 : memref<1x125xf32, #tpu.memory_space<hbm>> -> memref<125xf32, #tpu.memory_space<hbm>>
    tpu.enqueue_dma source(%dma_start3A_755 : memref<125xf32, #tpu.memory_space<hbm>>) target(%dma_start3A_752 : memref<125xf32, #tpu.memory_space<vmem>>) target_semaphore(%arg19 : memref<!tpu.dma_semaphore, #tpu.memory_space<semaphore_mem>>)
    %slice3A_756 = vector.extract_strided_slice %get3A_30 {offsets = [12], sizes = [1], strides = [1]} : vector<16xi32> to vector<1xi32>
    %squeeze3A_757 = vector.extract %slice3A_756[0] : i32 from vector<1xi32>
    %dma_start3A_758 = arith.constant 28 : i32
    %dma_start3A_759 = arith.constant 0 : i32
    %dma_start3A_760 = tpu.memref_slice %arg14[%dma_start3A_758, %dma_start3A_759] : memref<32x128xf32, #tpu.memory_space<vmem>> -> memref<1x128xf32, #tpu.memory_space<vmem>>
    %dma_start3A_761 = tpu.memref_squeeze %dma_start3A_760 : memref<1x128xf32, #tpu.memory_space<vmem>> -> memref<128xf32, #tpu.memory_space<vmem>>
    %dma_start3A_762 = tpu.memref_slice %arg2[%squeeze3A_757, %mul3A_2] : memref<1000x4096xf32, #tpu.memory_space<hbm>> -> memref<1x128xf32, #tpu.memory_space<hbm>>
    %dma_start3A_763 = tpu.memref_squeeze %dma_start3A_762 : memref<1x128xf32, #tpu.memory_space<hbm>> -> memref<128xf32, #tpu.memory_space<hbm>>
    %dma_start3A_764 = arith.constant 0 : i32
    %dma_start3A_765 = tpu.memref_slice %arg14[%dma_start3A_758, %dma_start3A_764] : memref<32x128xf32, #tpu.memory_space<vmem>> -> memref<1x128xf32, #tpu.memory_space<vmem>>
    %dma_start3A_766 = tpu.memref_squeeze %dma_start3A_765 : memref<1x128xf32, #tpu.memory_space<vmem>> -> memref<128xf32, #tpu.memory_space<vmem>>
    %dma_start3A_767 = tpu.memref_slice %arg2[%squeeze3A_757, %mul3A_2] : memref<1000x4096xf32, #tpu.memory_space<hbm>> -> memref<1x128xf32, #tpu.memory_space<hbm>>
    %dma_start3A_768 = tpu.memref_squeeze %dma_start3A_767 : memref<1x128xf32, #tpu.memory_space<hbm>> -> memref<128xf32, #tpu.memory_space<hbm>>
    tpu.enqueue_dma source(%dma_start3A_768 : memref<128xf32, #tpu.memory_space<hbm>>) target(%dma_start3A_766 : memref<128xf32, #tpu.memory_space<vmem>>) target_semaphore(%arg19 : memref<!tpu.dma_semaphore, #tpu.memory_space<semaphore_mem>>)
    %dma_start3A_769 = arith.constant 28 : i32
    %dma_start3A_770 = arith.constant 0 : i32
    %dma_start3A_771 = tpu.memref_slice %arg13[%dma_start3A_769, %dma_start3A_770] : memref<32x128xf32, #tpu.memory_space<vmem>> -> memref<1x125xf32, #tpu.memory_space<vmem>>
    %dma_start3A_772 = tpu.memref_squeeze %dma_start3A_771 : memref<1x125xf32, #tpu.memory_space<vmem>> -> memref<125xf32, #tpu.memory_space<vmem>>
    %dma_start3A_773 = arith.constant 0 : i32
    %dma_start3A_774 = tpu.memref_slice %arg3[%squeeze3A_757, %dma_start3A_773] : memref<1000x125xf32, #tpu.memory_space<hbm>> -> memref<1x125xf32, #tpu.memory_space<hbm>>
    %dma_start3A_775 = tpu.memref_squeeze %dma_start3A_774 : memref<1x125xf32, #tpu.memory_space<hbm>> -> memref<125xf32, #tpu.memory_space<hbm>>
    %dma_start3A_776 = arith.constant 0 : i32
    %dma_start3A_777 = tpu.memref_slice %arg13[%dma_start3A_769, %dma_start3A_776] : memref<32x128xf32, #tpu.memory_space<vmem>> -> memref<1x125xf32, #tpu.memory_space<vmem>>
    %dma_start3A_778 = tpu.memref_squeeze %dma_start3A_777 : memref<1x125xf32, #tpu.memory_space<vmem>> -> memref<125xf32, #tpu.memory_space<vmem>>
    %dma_start3A_779 = arith.constant 0 : i32
    %dma_start3A_780 = tpu.memref_slice %arg3[%squeeze3A_757, %dma_start3A_779] : memref<1000x125xf32, #tpu.memory_space<hbm>> -> memref<1x125xf32, #tpu.memory_space<hbm>>
    %dma_start3A_781 = tpu.memref_squeeze %dma_start3A_780 : memref<1x125xf32, #tpu.memory_space<hbm>> -> memref<125xf32, #tpu.memory_space<hbm>>
    tpu.enqueue_dma source(%dma_start3A_781 : memref<125xf32, #tpu.memory_space<hbm>>) target(%dma_start3A_778 : memref<125xf32, #tpu.memory_space<vmem>>) target_semaphore(%arg19 : memref<!tpu.dma_semaphore, #tpu.memory_space<semaphore_mem>>)
    %slice3A_782 = vector.extract_strided_slice %get3A_30 {offsets = [13], sizes = [1], strides = [1]} : vector<16xi32> to vector<1xi32>
    %squeeze3A_783 = vector.extract %slice3A_782[0] : i32 from vector<1xi32>
    %dma_start3A_784 = arith.constant 29 : i32
    %dma_start3A_785 = arith.constant 0 : i32
    %dma_start3A_786 = tpu.memref_slice %arg14[%dma_start3A_784, %dma_start3A_785] : memref<32x128xf32, #tpu.memory_space<vmem>> -> memref<1x128xf32, #tpu.memory_space<vmem>>
    %dma_start3A_787 = tpu.memref_squeeze %dma_start3A_786 : memref<1x128xf32, #tpu.memory_space<vmem>> -> memref<128xf32, #tpu.memory_space<vmem>>
    %dma_start3A_788 = tpu.memref_slice %arg2[%squeeze3A_783, %mul3A_2] : memref<1000x4096xf32, #tpu.memory_space<hbm>> -> memref<1x128xf32, #tpu.memory_space<hbm>>
    %dma_start3A_789 = tpu.memref_squeeze %dma_start3A_788 : memref<1x128xf32, #tpu.memory_space<hbm>> -> memref<128xf32, #tpu.memory_space<hbm>>
    %dma_start3A_790 = arith.constant 0 : i32
    %dma_start3A_791 = tpu.memref_slice %arg14[%dma_start3A_784, %dma_start3A_790] : memref<32x128xf32, #tpu.memory_space<vmem>> -> memref<1x128xf32, #tpu.memory_space<vmem>>
    %dma_start3A_792 = tpu.memref_squeeze %dma_start3A_791 : memref<1x128xf32, #tpu.memory_space<vmem>> -> memref<128xf32, #tpu.memory_space<vmem>>
    %dma_start3A_793 = tpu.memref_slice %arg2[%squeeze3A_783, %mul3A_2] : memref<1000x4096xf32, #tpu.memory_space<hbm>> -> memref<1x128xf32, #tpu.memory_space<hbm>>
    %dma_start3A_794 = tpu.memref_squeeze %dma_start3A_793 : memref<1x128xf32, #tpu.memory_space<hbm>> -> memref<128xf32, #tpu.memory_space<hbm>>
    tpu.enqueue_dma source(%dma_start3A_794 : memref<128xf32, #tpu.memory_space<hbm>>) target(%dma_start3A_792 : memref<128xf32, #tpu.memory_space<vmem>>) target_semaphore(%arg19 : memref<!tpu.dma_semaphore, #tpu.memory_space<semaphore_mem>>)
    %dma_start3A_795 = arith.constant 29 : i32
    %dma_start3A_796 = arith.constant 0 : i32
    %dma_start3A_797 = tpu.memref_slice %arg13[%dma_start3A_795, %dma_start3A_796] : memref<32x128xf32, #tpu.memory_space<vmem>> -> memref<1x125xf32, #tpu.memory_space<vmem>>
    %dma_start3A_798 = tpu.memref_squeeze %dma_start3A_797 : memref<1x125xf32, #tpu.memory_space<vmem>> -> memref<125xf32, #tpu.memory_space<vmem>>
    %dma_start3A_799 = arith.constant 0 : i32
    %dma_start3A_800 = tpu.memref_slice %arg3[%squeeze3A_783, %dma_start3A_799] : memref<1000x125xf32, #tpu.memory_space<hbm>> -> memref<1x125xf32, #tpu.memory_space<hbm>>
    %dma_start3A_801 = tpu.memref_squeeze %dma_start3A_800 : memref<1x125xf32, #tpu.memory_space<hbm>> -> memref<125xf32, #tpu.memory_space<hbm>>
    %dma_start3A_802 = arith.constant 0 : i32
    %dma_start3A_803 = tpu.memref_slice %arg13[%dma_start3A_795, %dma_start3A_802] : memref<32x128xf32, #tpu.memory_space<vmem>> -> memref<1x125xf32, #tpu.memory_space<vmem>>
    %dma_start3A_804 = tpu.memref_squeeze %dma_start3A_803 : memref<1x125xf32, #tpu.memory_space<vmem>> -> memref<125xf32, #tpu.memory_space<vmem>>
    %dma_start3A_805 = arith.constant 0 : i32
    %dma_start3A_806 = tpu.memref_slice %arg3[%squeeze3A_783, %dma_start3A_805] : memref<1000x125xf32, #tpu.memory_space<hbm>> -> memref<1x125xf32, #tpu.memory_space<hbm>>
    %dma_start3A_807 = tpu.memref_squeeze %dma_start3A_806 : memref<1x125xf32, #tpu.memory_space<hbm>> -> memref<125xf32, #tpu.memory_space<hbm>>
    tpu.enqueue_dma source(%dma_start3A_807 : memref<125xf32, #tpu.memory_space<hbm>>) target(%dma_start3A_804 : memref<125xf32, #tpu.memory_space<vmem>>) target_semaphore(%arg19 : memref<!tpu.dma_semaphore, #tpu.memory_space<semaphore_mem>>)
    %slice3A_808 = vector.extract_strided_slice %get3A_30 {offsets = [14], sizes = [1], strides = [1]} : vector<16xi32> to vector<1xi32>
    %squeeze3A_809 = vector.extract %slice3A_808[0] : i32 from vector<1xi32>
    %dma_start3A_810 = arith.constant 30 : i32
    %dma_start3A_811 = arith.constant 0 : i32
    %dma_start3A_812 = tpu.memref_slice %arg14[%dma_start3A_810, %dma_start3A_811] : memref<32x128xf32, #tpu.memory_space<vmem>> -> memref<1x128xf32, #tpu.memory_space<vmem>>
    %dma_start3A_813 = tpu.memref_squeeze %dma_start3A_812 : memref<1x128xf32, #tpu.memory_space<vmem>> -> memref<128xf32, #tpu.memory_space<vmem>>
    %dma_start3A_814 = tpu.memref_slice %arg2[%squeeze3A_809, %mul3A_2] : memref<1000x4096xf32, #tpu.memory_space<hbm>> -> memref<1x128xf32, #tpu.memory_space<hbm>>
    %dma_start3A_815 = tpu.memref_squeeze %dma_start3A_814 : memref<1x128xf32, #tpu.memory_space<hbm>> -> memref<128xf32, #tpu.memory_space<hbm>>
    %dma_start3A_816 = arith.constant 0 : i32
    %dma_start3A_817 = tpu.memref_slice %arg14[%dma_start3A_810, %dma_start3A_816] : memref<32x128xf32, #tpu.memory_space<vmem>> -> memref<1x128xf32, #tpu.memory_space<vmem>>
    %dma_start3A_818 = tpu.memref_squeeze %dma_start3A_817 : memref<1x128xf32, #tpu.memory_space<vmem>> -> memref<128xf32, #tpu.memory_space<vmem>>
    %dma_start3A_819 = tpu.memref_slice %arg2[%squeeze3A_809, %mul3A_2] : memref<1000x4096xf32, #tpu.memory_space<hbm>> -> memref<1x128xf32, #tpu.memory_space<hbm>>
    %dma_start3A_820 = tpu.memref_squeeze %dma_start3A_819 : memref<1x128xf32, #tpu.memory_space<hbm>> -> memref<128xf32, #tpu.memory_space<hbm>>
    tpu.enqueue_dma source(%dma_start3A_820 : memref<128xf32, #tpu.memory_space<hbm>>) target(%dma_start3A_818 : memref<128xf32, #tpu.memory_space<vmem>>) target_semaphore(%arg19 : memref<!tpu.dma_semaphore, #tpu.memory_space<semaphore_mem>>)
    %dma_start3A_821 = arith.constant 30 : i32
    %dma_start3A_822 = arith.constant 0 : i32
    %dma_start3A_823 = tpu.memref_slice %arg13[%dma_start3A_821, %dma_start3A_822] : memref<32x128xf32, #tpu.memory_space<vmem>> -> memref<1x125xf32, #tpu.memory_space<vmem>>
    %dma_start3A_824 = tpu.memref_squeeze %dma_start3A_823 : memref<1x125xf32, #tpu.memory_space<vmem>> -> memref<125xf32, #tpu.memory_space<vmem>>
    %dma_start3A_825 = arith.constant 0 : i32
    %dma_start3A_826 = tpu.memref_slice %arg3[%squeeze3A_809, %dma_start3A_825] : memref<1000x125xf32, #tpu.memory_space<hbm>> -> memref<1x125xf32, #tpu.memory_space<hbm>>
    %dma_start3A_827 = tpu.memref_squeeze %dma_start3A_826 : memref<1x125xf32, #tpu.memory_space<hbm>> -> memref<125xf32, #tpu.memory_space<hbm>>
    %dma_start3A_828 = arith.constant 0 : i32
    %dma_start3A_829 = tpu.memref_slice %arg13[%dma_start3A_821, %dma_start3A_828] : memref<32x128xf32, #tpu.memory_space<vmem>> -> memref<1x125xf32, #tpu.memory_space<vmem>>
    %dma_start3A_830 = tpu.memref_squeeze %dma_start3A_829 : memref<1x125xf32, #tpu.memory_space<vmem>> -> memref<125xf32, #tpu.memory_space<vmem>>
    %dma_start3A_831 = arith.constant 0 : i32
    %dma_start3A_832 = tpu.memref_slice %arg3[%squeeze3A_809, %dma_start3A_831] : memref<1000x125xf32, #tpu.memory_space<hbm>> -> memref<1x125xf32, #tpu.memory_space<hbm>>
    %dma_start3A_833 = tpu.memref_squeeze %dma_start3A_832 : memref<1x125xf32, #tpu.memory_space<hbm>> -> memref<125xf32, #tpu.memory_space<hbm>>
    tpu.enqueue_dma source(%dma_start3A_833 : memref<125xf32, #tpu.memory_space<hbm>>) target(%dma_start3A_830 : memref<125xf32, #tpu.memory_space<vmem>>) target_semaphore(%arg19 : memref<!tpu.dma_semaphore, #tpu.memory_space<semaphore_mem>>)
    %slice3A_834 = vector.extract_strided_slice %get3A_30 {offsets = [15], sizes = [1], strides = [1]} : vector<16xi32> to vector<1xi32>
    %squeeze3A_835 = vector.extract %slice3A_834[0] : i32 from vector<1xi32>
    %dma_start3A_836 = arith.constant 31 : i32
    %dma_start3A_837 = arith.constant 0 : i32
    %dma_start3A_838 = tpu.memref_slice %arg14[%dma_start3A_836, %dma_start3A_837] : memref<32x128xf32, #tpu.memory_space<vmem>> -> memref<1x128xf32, #tpu.memory_space<vmem>>
    %dma_start3A_839 = tpu.memref_squeeze %dma_start3A_838 : memref<1x128xf32, #tpu.memory_space<vmem>> -> memref<128xf32, #tpu.memory_space<vmem>>
    %dma_start3A_840 = tpu.memref_slice %arg2[%squeeze3A_835, %mul3A_2] : memref<1000x4096xf32, #tpu.memory_space<hbm>> -> memref<1x128xf32, #tpu.memory_space<hbm>>
    %dma_start3A_841 = tpu.memref_squeeze %dma_start3A_840 : memref<1x128xf32, #tpu.memory_space<hbm>> -> memref<128xf32, #tpu.memory_space<hbm>>
    %dma_start3A_842 = arith.constant 0 : i32
    %dma_start3A_843 = tpu.memref_slice %arg14[%dma_start3A_836, %dma_start3A_842] : memref<32x128xf32, #tpu.memory_space<vmem>> -> memref<1x128xf32, #tpu.memory_space<vmem>>
    %dma_start3A_844 = tpu.memref_squeeze %dma_start3A_843 : memref<1x128xf32, #tpu.memory_space<vmem>> -> memref<128xf32, #tpu.memory_space<vmem>>
    %dma_start3A_845 = tpu.memref_slice %arg2[%squeeze3A_835, %mul3A_2] : memref<1000x4096xf32, #tpu.memory_space<hbm>> -> memref<1x128xf32, #tpu.memory_space<hbm>>
    %dma_start3A_846 = tpu.memref_squeeze %dma_start3A_845 : memref<1x128xf32, #tpu.memory_space<hbm>> -> memref<128xf32, #tpu.memory_space<hbm>>
    tpu.enqueue_dma source(%dma_start3A_846 : memref<128xf32, #tpu.memory_space<hbm>>) target(%dma_start3A_844 : memref<128xf32, #tpu.memory_space<vmem>>) target_semaphore(%arg19 : memref<!tpu.dma_semaphore, #tpu.memory_space<semaphore_mem>>)
    %dma_start3A_847 = arith.constant 31 : i32
    %dma_start3A_848 = arith.constant 0 : i32
    %dma_start3A_849 = tpu.memref_slice %arg13[%dma_start3A_847, %dma_start3A_848] : memref<32x128xf32, #tpu.memory_space<vmem>> -> memref<1x125xf32, #tpu.memory_space<vmem>>
    %dma_start3A_850 = tpu.memref_squeeze %dma_start3A_849 : memref<1x125xf32, #tpu.memory_space<vmem>> -> memref<125xf32, #tpu.memory_space<vmem>>
    %dma_start3A_851 = arith.constant 0 : i32
    %dma_start3A_852 = tpu.memref_slice %arg3[%squeeze3A_835, %dma_start3A_851] : memref<1000x125xf32, #tpu.memory_space<hbm>> -> memref<1x125xf32, #tpu.memory_space<hbm>>
    %dma_start3A_853 = tpu.memref_squeeze %dma_start3A_852 : memref<1x125xf32, #tpu.memory_space<hbm>> -> memref<125xf32, #tpu.memory_space<hbm>>
    %dma_start3A_854 = arith.constant 0 : i32
    %dma_start3A_855 = tpu.memref_slice %arg13[%dma_start3A_847, %dma_start3A_854] : memref<32x128xf32, #tpu.memory_space<vmem>> -> memref<1x125xf32, #tpu.memory_space<vmem>>
    %dma_start3A_856 = tpu.memref_squeeze %dma_start3A_855 : memref<1x125xf32, #tpu.memory_space<vmem>> -> memref<125xf32, #tpu.memory_space<vmem>>
    %dma_start3A_857 = arith.constant 0 : i32
    %dma_start3A_858 = tpu.memref_slice %arg3[%squeeze3A_835, %dma_start3A_857] : memref<1000x125xf32, #tpu.memory_space<hbm>> -> memref<1x125xf32, #tpu.memory_space<hbm>>
    %dma_start3A_859 = tpu.memref_squeeze %dma_start3A_858 : memref<1x125xf32, #tpu.memory_space<hbm>> -> memref<125xf32, #tpu.memory_space<hbm>>
    tpu.enqueue_dma source(%dma_start3A_859 : memref<125xf32, #tpu.memory_space<hbm>>) target(%dma_start3A_856 : memref<125xf32, #tpu.memory_space<vmem>>) target_semaphore(%arg19 : memref<!tpu.dma_semaphore, #tpu.memory_space<semaphore_mem>>)
    %scan3A_860 = arith.constant 0 : i32
    %scan3A_861 = arith.constant 0 : i32
    %scan3A_862 = arith.constant 256 : i32
    %scan3A_863 = arith.addi %scan3A_861, %scan3A_862 : i32
    %scan3A_864 = arith.constant 1 : i32
    scf.for %scan3A_1819 = %scan3A_861 to %scan3A_863 step %scan3A_864  : i32 {
      %jit3A = arith.constant 8 : i32
      %div3A_1820 = arith.divsi %scan3A_1819, %jit3A : i32
      %sign3A = arith.constant 0 : i32
      %sign3A_1821 = arith.cmpi sgt, %scan3A_1819, %sign3A : i32
      %sign3A_1822 = arith.extui %sign3A_1821 : i1 to i32
      %sign3A_1823 = arith.constant 0 : i32
      %sign3A_1824 = arith.cmpi slt, %scan3A_1819, %sign3A_1823 : i32
      %sign3A_1825 = arith.extui %sign3A_1824 : i1 to i32
      %sign3A_1826 = arith.subi %sign3A_1822, %sign3A_1825 : i32
      %sign3A_1827 = arith.constant 0 : i32
      %sign3A_1828 = arith.cmpi sgt, %jit3A, %sign3A_1827 : i32
      %sign3A_1829 = arith.extui %sign3A_1828 : i1 to i32
      %sign3A_1830 = arith.constant 0 : i32
      %sign3A_1831 = arith.cmpi slt, %jit3A, %sign3A_1830 : i32
      %sign3A_1832 = arith.extui %sign3A_1831 : i1 to i32
      %sign3A_1833 = arith.subi %sign3A_1829, %sign3A_1832 : i32
      %ne3A = arith.cmpi ne, %sign3A_1826, %sign3A_1833 : i32
      %rem3A = arith.remsi %scan3A_1819, %jit3A : i32
      %ne3A_1834 = arith.constant 0 : i32
      %ne3A_1835 = arith.cmpi ne, %rem3A, %ne3A_1834 : i32
      %and3A = arith.andi %ne3A, %ne3A_1835 : i1
      %sub3A = arith.constant 1 : i32
      %sub3A_1836 = arith.subi %div3A_1820, %sub3A : i32
      %select_n3A = arith.select %and3A, %sub3A_1836, %div3A_1820 : i32
      %add3A_1837 = arith.constant 32 : i32
      %add3A_1838 = arith.addi %add3A_1837, %select_n3A : i32
      %jit3A_1839 = arith.constant 8 : i32
      %eq3A_1840 = arith.constant 0 : i32
      %eq3A_1841 = arith.cmpi eq, %jit3A_1839, %eq3A_1840 : i32
      %jit3A_1842 = arith.constant 1 : i32
      %select_n3A_1843 = arith.select %eq3A_1841, %jit3A_1842, %jit3A_1839 : i32
      %rem3A_1844 = arith.remsi %scan3A_1819, %select_n3A_1843 : i32
      %ne3A_1845 = arith.constant 0 : i32
      %ne3A_1846 = arith.cmpi ne, %rem3A_1844, %ne3A_1845 : i32
      %lt3A_1847 = arith.constant 0 : i32
      %lt3A_1848 = arith.cmpi slt, %rem3A_1844, %lt3A_1847 : i32
      %lt3A_1849 = arith.constant 0 : i32
      %lt3A_1850 = arith.cmpi slt, %select_n3A_1843, %lt3A_1849 : i32
      %ne3A_1851 = arith.xori %lt3A_1848, %lt3A_1850 : i1
      %and3A_1852 = arith.andi %ne3A_1851, %ne3A_1846 : i1
      %add3A_1853 = arith.addi %rem3A_1844, %select_n3A_1843 : i32
      %select_n3A_1854 = arith.select %and3A_1852, %add3A_1853, %rem3A_1844 : i32
      %mul3A_1855 = arith.constant 16 : i32
      %mul3A_1856 = arith.muli %select_n3A_1854, %mul3A_1855 : i32
      %swap3A = arith.constant 0 : i32
      %swap3A_1857 = arith.constant 0 : i32
      %swap3A_1858 = arith.index_cast %swap3A : i32 to index
      %swap3A_1859 = arith.index_cast %swap3A_1857 : i32 to index
      %swap3A_1860 = arith.index_cast %add3A_1838 : i32 to index
      %swap3A_1861 = arith.index_cast %mul3A_1856 : i32 to index
      %swap3A_1862 = tpu.vector_load %arg18[%swap3A_1858, %swap3A_1859, %swap3A_1860, %swap3A_1861] {strides = array<i32>} : memref<4x1x64x128xf32, #tpu.memory_space<vmem>>, vector<16xf32>,
      tpu.vector_store %arg18[%swap3A_1858, %swap3A_1859, %swap3A_1860, %swap3A_1861], %broadcast_in_dim3A_21 {strides = array<i32>} : memref<4x1x64x128xf32, #tpu.memory_space<vmem>>, vector<16xf32>,
      %swap3A_1863 = arith.constant 1 : i32
      %swap3A_1864 = arith.constant 0 : i32
      %swap3A_1865 = arith.index_cast %swap3A_1863 : i32 to index
      %swap3A_1866 = arith.index_cast %swap3A_1864 : i32 to index
      %swap3A_1867 = arith.index_cast %add3A_1838 : i32 to index
      %swap3A_1868 = arith.index_cast %mul3A_1856 : i32 to index
      %swap3A_1869 = tpu.vector_load %arg18[%swap3A_1865, %swap3A_1866, %swap3A_1867, %swap3A_1868] {strides = array<i32>} : memref<4x1x64x128xf32, #tpu.memory_space<vmem>>, vector<16xf32>,
      tpu.vector_store %arg18[%swap3A_1865, %swap3A_1866, %swap3A_1867, %swap3A_1868], %broadcast_in_dim3A_21 {strides = array<i32>} : memref<4x1x64x128xf32, #tpu.memory_space<vmem>>, vector<16xf32>,
      %swap3A_1870 = arith.constant 2 : i32
      %swap3A_1871 = arith.constant 0 : i32
      %swap3A_1872 = arith.index_cast %swap3A_1870 : i32 to index
      %swap3A_1873 = arith.index_cast %swap3A_1871 : i32 to index
      %swap3A_1874 = arith.index_cast %add3A_1838 : i32 to index
      %swap3A_1875 = arith.index_cast %mul3A_1856 : i32 to index
      %swap3A_1876 = tpu.vector_load %arg18[%swap3A_1872, %swap3A_1873, %swap3A_1874, %swap3A_1875] {strides = array<i32>} : memref<4x1x64x128xf32, #tpu.memory_space<vmem>>, vector<16xf32>,
      tpu.vector_store %arg18[%swap3A_1872, %swap3A_1873, %swap3A_1874, %swap3A_1875], %broadcast_in_dim3A_21 {strides = array<i32>} : memref<4x1x64x128xf32, #tpu.memory_space<vmem>>, vector<16xf32>,
      %swap3A_1877 = arith.constant 3 : i32
      %swap3A_1878 = arith.constant 0 : i32
      %swap3A_1879 = arith.index_cast %swap3A_1877 : i32 to index
      %swap3A_1880 = arith.index_cast %swap3A_1878 : i32 to index
      %swap3A_1881 = arith.index_cast %add3A_1838 : i32 to index
      %swap3A_1882 = arith.index_cast %mul3A_1856 : i32 to index
      %swap3A_1883 = tpu.vector_load %arg18[%swap3A_1879, %swap3A_1880, %swap3A_1881, %swap3A_1882] {strides = array<i32>} : memref<4x1x64x128xf32, #tpu.memory_space<vmem>>, vector<16xf32>,
      tpu.vector_store %arg18[%swap3A_1879, %swap3A_1880, %swap3A_1881, %swap3A_1882], %broadcast_in_dim3A_21 {strides = array<i32>} : memref<4x1x64x128xf32, #tpu.memory_space<vmem>>, vector<16xf32>,
    }
    %scan3A_865 = arith.constant 256 : i32
    %dma_wait3A = arith.constant 0 : i32
    %dma_wait3A_866 = arith.constant 0 : i32
    %dma_wait3A_867 = arith.constant 0 : i32
    %dma_wait3A_868 = tpu.memref_slice %arg14[%dma_wait3A_866, %dma_wait3A_867] : memref<32x128xf32, #tpu.memory_space<vmem>> -> memref<1x128xf32, #tpu.memory_space<vmem>>
    %dma_wait3A_869 = tpu.memref_squeeze %dma_wait3A_868 : memref<1x128xf32, #tpu.memory_space<vmem>> -> memref<128xf32, #tpu.memory_space<vmem>>
    %dma_wait3A_870 = tpu.memref_slice %arg2[%dma_wait3A, %mul3A_2] : memref<1000x4096xf32, #tpu.memory_space<hbm>> -> memref<1x128xf32, #tpu.memory_space<hbm>>
    %dma_wait3A_871 = tpu.memref_squeeze %dma_wait3A_870 : memref<1x128xf32, #tpu.memory_space<hbm>> -> memref<128xf32, #tpu.memory_space<hbm>>
    %dma_wait3A_872 = arith.constant 0 : i32
    %dma_wait3A_873 = tpu.memref_slice %arg14[%dma_wait3A_866, %dma_wait3A_872] : memref<32x128xf32, #tpu.memory_space<vmem>> -> memref<1x128xf32, #tpu.memory_space<vmem>>
    %dma_wait3A_874 = tpu.memref_squeeze %dma_wait3A_873 : memref<1x128xf32, #tpu.memory_space<vmem>> -> memref<128xf32, #tpu.memory_space<vmem>>
    %dma_wait3A_875 = tpu.memref_slice %arg2[%dma_wait3A, %mul3A_2] : memref<1000x4096xf32, #tpu.memory_space<hbm>> -> memref<1x128xf32, #tpu.memory_space<hbm>>
    %dma_wait3A_876 = tpu.memref_squeeze %dma_wait3A_875 : memref<1x128xf32, #tpu.memory_space<hbm>> -> memref<128xf32, #tpu.memory_space<hbm>>
    tpu.wait_dma2 semaphore(%arg19 : memref<!tpu.dma_semaphore, #tpu.memory_space<semaphore_mem>>) src(%dma_wait3A_876 : memref<128xf32, #tpu.memory_space<hbm>>) dst(%dma_wait3A_874 : memref<128xf32, #tpu.memory_space<vmem>>)
    %dma_wait3A_877 = arith.constant 0 : i32
    %dma_wait3A_878 = arith.constant 0 : i32
    %dma_wait3A_879 = arith.constant 0 : i32
    %dma_wait3A_880 = tpu.memref_slice %arg13[%dma_wait3A_878, %dma_wait3A_879] : memref<32x128xf32, #tpu.memory_space<vmem>> -> memref<1x125xf32, #tpu.memory_space<vmem>>
    %dma_wait3A_881 = tpu.memref_squeeze %dma_wait3A_880 : memref<1x125xf32, #tpu.memory_space<vmem>> -> memref<125xf32, #tpu.memory_space<vmem>>
    %dma_wait3A_882 = arith.constant 0 : i32
    %dma_wait3A_883 = tpu.memref_slice %arg3[%dma_wait3A_877, %dma_wait3A_882] : memref<1000x125xf32, #tpu.memory_space<hbm>> -> memref<1x125xf32, #tpu.memory_space<hbm>>
    %dma_wait3A_884 = tpu.memref_squeeze %dma_wait3A_883 : memref<1x125xf32, #tpu.memory_space<hbm>> -> memref<125xf32, #tpu.memory_space<hbm>>
    %dma_wait3A_885 = arith.constant 0 : i32
    %dma_wait3A_886 = tpu.memref_slice %arg13[%dma_wait3A_878, %dma_wait3A_885] : memref<32x128xf32, #tpu.memory_space<vmem>> -> memref<1x125xf32, #tpu.memory_space<vmem>>
    %dma_wait3A_887 = tpu.memref_squeeze %dma_wait3A_886 : memref<1x125xf32, #tpu.memory_space<vmem>> -> memref<125xf32, #tpu.memory_space<vmem>>
    %dma_wait3A_888 = arith.constant 0 : i32
    %dma_wait3A_889 = tpu.memref_slice %arg3[%dma_wait3A_877, %dma_wait3A_888] : memref<1000x125xf32, #tpu.memory_space<hbm>> -> memref<1x125xf32, #tpu.memory_space<hbm>>
    %dma_wait3A_890 = tpu.memref_squeeze %dma_wait3A_889 : memref<1x125xf32, #tpu.memory_space<hbm>> -> memref<125xf32, #tpu.memory_space<hbm>>
    tpu.wait_dma2 semaphore(%arg19 : memref<!tpu.dma_semaphore, #tpu.memory_space<semaphore_mem>>) src(%dma_wait3A_890 : memref<125xf32, #tpu.memory_space<hbm>>) dst(%dma_wait3A_887 : memref<125xf32, #tpu.memory_space<vmem>>)
    %dma_wait3A_891 = arith.constant 0 : i32
    %dma_wait3A_892 = arith.constant 1 : i32
    %dma_wait3A_893 = arith.constant 0 : i32
    %dma_wait3A_894 = tpu.memref_slice %arg14[%dma_wait3A_892, %dma_wait3A_893] : memref<32x128xf32, #tpu.memory_space<vmem>> -> memref<1x128xf32, #tpu.memory_space<vmem>>
    %dma_wait3A_895 = tpu.memref_squeeze %dma_wait3A_894 : memref<1x128xf32, #tpu.memory_space<vmem>> -> memref<128xf32, #tpu.memory_space<vmem>>
    %dma_wait3A_896 = tpu.memref_slice %arg2[%dma_wait3A_891, %mul3A_2] : memref<1000x4096xf32, #tpu.memory_space<hbm>> -> memref<1x128xf32, #tpu.memory_space<hbm>>
    %dma_wait3A_897 = tpu.memref_squeeze %dma_wait3A_896 : memref<1x128xf32, #tpu.memory_space<hbm>> -> memref<128xf32, #tpu.memory_space<hbm>>
    %dma_wait3A_898 = arith.constant 0 : i32
    %dma_wait3A_899 = tpu.memref_slice %arg14[%dma_wait3A_892, %dma_wait3A_898] : memref<32x128xf32, #tpu.memory_space<vmem>> -> memref<1x128xf32, #tpu.memory_space<vmem>>
    %dma_wait3A_900 = tpu.memref_squeeze %dma_wait3A_899 : memref<1x128xf32, #tpu.memory_space<vmem>> -> memref<128xf32, #tpu.memory_space<vmem>>
    %dma_wait3A_901 = tpu.memref_slice %arg2[%dma_wait3A_891, %mul3A_2] : memref<1000x4096xf32, #tpu.memory_space<hbm>> -> memref<1x128xf32, #tpu.memory_space<hbm>>
    %dma_wait3A_902 = tpu.memref_squeeze %dma_wait3A_901 : memref<1x128xf32, #tpu.memory_space<hbm>> -> memref<128xf32, #tpu.memory_space<hbm>>
    tpu.wait_dma2 semaphore(%arg19 : memref<!tpu.dma_semaphore, #tpu.memory_space<semaphore_mem>>) src(%dma_wait3A_902 : memref<128xf32, #tpu.memory_space<hbm>>) dst(%dma_wait3A_900 : memref<128xf32, #tpu.memory_space<vmem>>)
    %dma_wait3A_903 = arith.constant 0 : i32
    %dma_wait3A_904 = arith.constant 1 : i32
    %dma_wait3A_905 = arith.constant 0 : i32
    %dma_wait3A_906 = tpu.memref_slice %arg13[%dma_wait3A_904, %dma_wait3A_905] : memref<32x128xf32, #tpu.memory_space<vmem>> -> memref<1x125xf32, #tpu.memory_space<vmem>>
    %dma_wait3A_907 = tpu.memref_squeeze %dma_wait3A_906 : memref<1x125xf32, #tpu.memory_space<vmem>> -> memref<125xf32, #tpu.memory_space<vmem>>
    %dma_wait3A_908 = arith.constant 0 : i32
    %dma_wait3A_909 = tpu.memref_slice %arg3[%dma_wait3A_903, %dma_wait3A_908] : memref<1000x125xf32, #tpu.memory_space<hbm>> -> memref<1x125xf32, #tpu.memory_space<hbm>>
    %dma_wait3A_910 = tpu.memref_squeeze %dma_wait3A_909 : memref<1x125xf32, #tpu.memory_space<hbm>> -> memref<125xf32, #tpu.memory_space<hbm>>
    %dma_wait3A_911 = arith.constant 0 : i32
    %dma_wait3A_912 = tpu.memref_slice %arg13[%dma_wait3A_904, %dma_wait3A_911] : memref<32x128xf32, #tpu.memory_space<vmem>> -> memref<1x125xf32, #tpu.memory_space<vmem>>
    %dma_wait3A_913 = tpu.memref_squeeze %dma_wait3A_912 : memref<1x125xf32, #tpu.memory_space<vmem>> -> memref<125xf32, #tpu.memory_space<vmem>>
    %dma_wait3A_914 = arith.constant 0 : i32
    %dma_wait3A_915 = tpu.memref_slice %arg3[%dma_wait3A_903, %dma_wait3A_914] : memref<1000x125xf32, #tpu.memory_space<hbm>> -> memref<1x125xf32, #tpu.memory_space<hbm>>
    %dma_wait3A_916 = tpu.memref_squeeze %dma_wait3A_915 : memref<1x125xf32, #tpu.memory_space<hbm>> -> memref<125xf32, #tpu.memory_space<hbm>>
    tpu.wait_dma2 semaphore(%arg19 : memref<!tpu.dma_semaphore, #tpu.memory_space<semaphore_mem>>) src(%dma_wait3A_916 : memref<125xf32, #tpu.memory_space<hbm>>) dst(%dma_wait3A_913 : memref<125xf32, #tpu.memory_space<vmem>>)
    %dma_wait3A_917 = arith.constant 0 : i32
    %dma_wait3A_918 = arith.constant 2 : i32
    %dma_wait3A_919 = arith.constant 0 : i32
    %dma_wait3A_920 = tpu.memref_slice %arg14[%dma_wait3A_918, %dma_wait3A_919] : memref<32x128xf32, #tpu.memory_space<vmem>> -> memref<1x128xf32, #tpu.memory_space<vmem>>
    %dma_wait3A_921 = tpu.memref_squeeze %dma_wait3A_920 : memref<1x128xf32, #tpu.memory_space<vmem>> -> memref<128xf32, #tpu.memory_space<vmem>>
    %dma_wait3A_922 = tpu.memref_slice %arg2[%dma_wait3A_917, %mul3A_2] : memref<1000x4096xf32, #tpu.memory_space<hbm>> -> memref<1x128xf32, #tpu.memory_space<hbm>>
    %dma_wait3A_923 = tpu.memref_squeeze %dma_wait3A_922 : memref<1x128xf32, #tpu.memory_space<hbm>> -> memref<128xf32, #tpu.memory_space<hbm>>
    %dma_wait3A_924 = arith.constant 0 : i32
    %dma_wait3A_925 = tpu.memref_slice %arg14[%dma_wait3A_918, %dma_wait3A_924] : memref<32x128xf32, #tpu.memory_space<vmem>> -> memref<1x128xf32, #tpu.memory_space<vmem>>
    %dma_wait3A_926 = tpu.memref_squeeze %dma_wait3A_925 : memref<1x128xf32, #tpu.memory_space<vmem>> -> memref<128xf32, #tpu.memory_space<vmem>>
    %dma_wait3A_927 = tpu.memref_slice %arg2[%dma_wait3A_917, %mul3A_2] : memref<1000x4096xf32, #tpu.memory_space<hbm>> -> memref<1x128xf32, #tpu.memory_space<hbm>>
    %dma_wait3A_928 = tpu.memref_squeeze %dma_wait3A_927 : memref<1x128xf32, #tpu.memory_space<hbm>> -> memref<128xf32, #tpu.memory_space<hbm>>
    tpu.wait_dma2 semaphore(%arg19 : memref<!tpu.dma_semaphore, #tpu.memory_space<semaphore_mem>>) src(%dma_wait3A_928 : memref<128xf32, #tpu.memory_space<hbm>>) dst(%dma_wait3A_926 : memref<128xf32, #tpu.memory_space<vmem>>)
    %dma_wait3A_929 = arith.constant 0 : i32
    %dma_wait3A_930 = arith.constant 2 : i32
    %dma_wait3A_931 = arith.constant 0 : i32
    %dma_wait3A_932 = tpu.memref_slice %arg13[%dma_wait3A_930, %dma_wait3A_931] : memref<32x128xf32, #tpu.memory_space<vmem>> -> memref<1x125xf32, #tpu.memory_space<vmem>>
    %dma_wait3A_933 = tpu.memref_squeeze %dma_wait3A_932 : memref<1x125xf32, #tpu.memory_space<vmem>> -> memref<125xf32, #tpu.memory_space<vmem>>
    %dma_wait3A_934 = arith.constant 0 : i32
    %dma_wait3A_935 = tpu.memref_slice %arg3[%dma_wait3A_929, %dma_wait3A_934] : memref<1000x125xf32, #tpu.memory_space<hbm>> -> memref<1x125xf32, #tpu.memory_space<hbm>>
    %dma_wait3A_936 = tpu.memref_squeeze %dma_wait3A_935 : memref<1x125xf32, #tpu.memory_space<hbm>> -> memref<125xf32, #tpu.memory_space<hbm>>
    %dma_wait3A_937 = arith.constant 0 : i32
    %dma_wait3A_938 = tpu.memref_slice %arg13[%dma_wait3A_930, %dma_wait3A_937] : memref<32x128xf32, #tpu.memory_space<vmem>> -> memref<1x125xf32, #tpu.memory_space<vmem>>
    %dma_wait3A_939 = tpu.memref_squeeze %dma_wait3A_938 : memref<1x125xf32, #tpu.memory_space<vmem>> -> memref<125xf32, #tpu.memory_space<vmem>>
    %dma_wait3A_940 = arith.constant 0 : i32
    %dma_wait3A_941 = tpu.memref_slice %arg3[%dma_wait3A_929, %dma_wait3A_940] : memref<1000x125xf32, #tpu.memory_space<hbm>> -> memref<1x125xf32, #tpu.memory_space<hbm>>
    %dma_wait3A_942 = tpu.memref_squeeze %dma_wait3A_941 : memref<1x125xf32, #tpu.memory_space<hbm>> -> memref<125xf32, #tpu.memory_space<hbm>>
    tpu.wait_dma2 semaphore(%arg19 : memref<!tpu.dma_semaphore, #tpu.memory_space<semaphore_mem>>) src(%dma_wait3A_942 : memref<125xf32, #tpu.memory_space<hbm>>) dst(%dma_wait3A_939 : memref<125xf32, #tpu.memory_space<vmem>>)
    %dma_wait3A_943 = arith.constant 0 : i32
    %dma_wait3A_944 = arith.constant 3 : i32
    %dma_wait3A_945 = arith.constant 0 : i32
    %dma_wait3A_946 = tpu.memref_slice %arg14[%dma_wait3A_944, %dma_wait3A_945] : memref<32x128xf32, #tpu.memory_space<vmem>> -> memref<1x128xf32, #tpu.memory_space<vmem>>
    %dma_wait3A_947 = tpu.memref_squeeze %dma_wait3A_946 : memref<1x128xf32, #tpu.memory_space<vmem>> -> memref<128xf32, #tpu.memory_space<vmem>>
    %dma_wait3A_948 = tpu.memref_slice %arg2[%dma_wait3A_943, %mul3A_2] : memref<1000x4096xf32, #tpu.memory_space<hbm>> -> memref<1x128xf32, #tpu.memory_space<hbm>>
    %dma_wait3A_949 = tpu.memref_squeeze %dma_wait3A_948 : memref<1x128xf32, #tpu.memory_space<hbm>> -> memref<128xf32, #tpu.memory_space<hbm>>
    %dma_wait3A_950 = arith.constant 0 : i32
    %dma_wait3A_951 = tpu.memref_slice %arg14[%dma_wait3A_944, %dma_wait3A_950] : memref<32x128xf32, #tpu.memory_space<vmem>> -> memref<1x128xf32, #tpu.memory_space<vmem>>
    %dma_wait3A_952 = tpu.memref_squeeze %dma_wait3A_951 : memref<1x128xf32, #tpu.memory_space<vmem>> -> memref<128xf32, #tpu.memory_space<vmem>>
    %dma_wait3A_953 = tpu.memref_slice %arg2[%dma_wait3A_943, %mul3A_2] : memref<1000x4096xf32, #tpu.memory_space<hbm>> -> memref<1x128xf32, #tpu.memory_space<hbm>>
    %dma_wait3A_954 = tpu.memref_squeeze %dma_wait3A_953 : memref<1x128xf32, #tpu.memory_space<hbm>> -> memref<128xf32, #tpu.memory_space<hbm>>
    tpu.wait_dma2 semaphore(%arg19 : memref<!tpu.dma_semaphore, #tpu.memory_space<semaphore_mem>>) src(%dma_wait3A_954 : memref<128xf32, #tpu.memory_space<hbm>>) dst(%dma_wait3A_952 : memref<128xf32, #tpu.memory_space<vmem>>)
    %dma_wait3A_955 = arith.constant 0 : i32
    %dma_wait3A_956 = arith.constant 3 : i32
    %dma_wait3A_957 = arith.constant 0 : i32
    %dma_wait3A_958 = tpu.memref_slice %arg13[%dma_wait3A_956, %dma_wait3A_957] : memref<32x128xf32, #tpu.memory_space<vmem>> -> memref<1x125xf32, #tpu.memory_space<vmem>>
    %dma_wait3A_959 = tpu.memref_squeeze %dma_wait3A_958 : memref<1x125xf32, #tpu.memory_space<vmem>> -> memref<125xf32, #tpu.memory_space<vmem>>
    %dma_wait3A_960 = arith.constant 0 : i32
    %dma_wait3A_961 = tpu.memref_slice %arg3[%dma_wait3A_955, %dma_wait3A_960] : memref<1000x125xf32, #tpu.memory_space<hbm>> -> memref<1x125xf32, #tpu.memory_space<hbm>>
    %dma_wait3A_962 = tpu.memref_squeeze %dma_wait3A_961 : memref<1x125xf32, #tpu.memory_space<hbm>> -> memref<125xf32, #tpu.memory_space<hbm>>
    %dma_wait3A_963 = arith.constant 0 : i32
    %dma_wait3A_964 = tpu.memref_slice %arg13[%dma_wait3A_956, %dma_wait3A_963] : memref<32x128xf32, #tpu.memory_space<vmem>> -> memref<1x125xf32, #tpu.memory_space<vmem>>
    %dma_wait3A_965 = tpu.memref_squeeze %dma_wait3A_964 : memref<1x125xf32, #tpu.memory_space<vmem>> -> memref<125xf32, #tpu.memory_space<vmem>>
    %dma_wait3A_966 = arith.constant 0 : i32
    %dma_wait3A_967 = tpu.memref_slice %arg3[%dma_wait3A_955, %dma_wait3A_966] : memref<1000x125xf32, #tpu.memory_space<hbm>> -> memref<1x125xf32, #tpu.memory_space<hbm>>
    %dma_wait3A_968 = tpu.memref_squeeze %dma_wait3A_967 : memref<1x125xf32, #tpu.memory_space<hbm>> -> memref<125xf32, #tpu.memory_space<hbm>>
    tpu.wait_dma2 semaphore(%arg19 : memref<!tpu.dma_semaphore, #tpu.memory_space<semaphore_mem>>) src(%dma_wait3A_968 : memref<125xf32, #tpu.memory_space<hbm>>) dst(%dma_wait3A_965 : memref<125xf32, #tpu.memory_space<vmem>>)
    %dma_wait3A_969 = arith.constant 0 : i32
    %dma_wait3A_970 = arith.constant 4 : i32
    %dma_wait3A_971 = arith.constant 0 : i32
    %dma_wait3A_972 = tpu.memref_slice %arg14[%dma_wait3A_970, %dma_wait3A_971] : memref<32x128xf32, #tpu.memory_space<vmem>> -> memref<1x128xf32, #tpu.memory_space<vmem>>
    %dma_wait3A_973 = tpu.memref_squeeze %dma_wait3A_972 : memref<1x128xf32, #tpu.memory_space<vmem>> -> memref<128xf32, #tpu.memory_space<vmem>>
    %dma_wait3A_974 = tpu.memref_slice %arg2[%dma_wait3A_969, %mul3A_2] : memref<1000x4096xf32, #tpu.memory_space<hbm>> -> memref<1x128xf32, #tpu.memory_space<hbm>>
    %dma_wait3A_975 = tpu.memref_squeeze %dma_wait3A_974 : memref<1x128xf32, #tpu.memory_space<hbm>> -> memref<128xf32, #tpu.memory_space<hbm>>
    %dma_wait3A_976 = arith.constant 0 : i32
    %dma_wait3A_977 = tpu.memref_slice %arg14[%dma_wait3A_970, %dma_wait3A_976] : memref<32x128xf32, #tpu.memory_space<vmem>> -> memref<1x128xf32, #tpu.memory_space<vmem>>
    %dma_wait3A_978 = tpu.memref_squeeze %dma_wait3A_977 : memref<1x128xf32, #tpu.memory_space<vmem>> -> memref<128xf32, #tpu.memory_space<vmem>>
    %dma_wait3A_979 = tpu.memref_slice %arg2[%dma_wait3A_969, %mul3A_2] : memref<1000x4096xf32, #tpu.memory_space<hbm>> -> memref<1x128xf32, #tpu.memory_space<hbm>>
    %dma_wait3A_980 = tpu.memref_squeeze %dma_wait3A_979 : memref<1x128xf32, #tpu.memory_space<hbm>> -> memref<128xf32, #tpu.memory_space<hbm>>
    tpu.wait_dma2 semaphore(%arg19 : memref<!tpu.dma_semaphore, #tpu.memory_space<semaphore_mem>>) src(%dma_wait3A_980 : memref<128xf32, #tpu.memory_space<hbm>>) dst(%dma_wait3A_978 : memref<128xf32, #tpu.memory_space<vmem>>)
    %dma_wait3A_981 = arith.constant 0 : i32
    %dma_wait3A_982 = arith.constant 4 : i32
    %dma_wait3A_983 = arith.constant 0 : i32
    %dma_wait3A_984 = tpu.memref_slice %arg13[%dma_wait3A_982, %dma_wait3A_983] : memref<32x128xf32, #tpu.memory_space<vmem>> -> memref<1x125xf32, #tpu.memory_space<vmem>>
    %dma_wait3A_985 = tpu.memref_squeeze %dma_wait3A_984 : memref<1x125xf32, #tpu.memory_space<vmem>> -> memref<125xf32, #tpu.memory_space<vmem>>
    %dma_wait3A_986 = arith.constant 0 : i32
    %dma_wait3A_987 = tpu.memref_slice %arg3[%dma_wait3A_981, %dma_wait3A_986] : memref<1000x125xf32, #tpu.memory_space<hbm>> -> memref<1x125xf32, #tpu.memory_space<hbm>>
    %dma_wait3A_988 = tpu.memref_squeeze %dma_wait3A_987 : memref<1x125xf32, #tpu.memory_space<hbm>> -> memref<125xf32, #tpu.memory_space<hbm>>
    %dma_wait3A_989 = arith.constant 0 : i32
    %dma_wait3A_990 = tpu.memref_slice %arg13[%dma_wait3A_982, %dma_wait3A_989] : memref<32x128xf32, #tpu.memory_space<vmem>> -> memref<1x125xf32, #tpu.memory_space<vmem>>
    %dma_wait3A_991 = tpu.memref_squeeze %dma_wait3A_990 : memref<1x125xf32, #tpu.memory_space<vmem>> -> memref<125xf32, #tpu.memory_space<vmem>>
    %dma_wait3A_992 = arith.constant 0 : i32
    %dma_wait3A_993 = tpu.memref_slice %arg3[%dma_wait3A_981, %dma_wait3A_992] : memref<1000x125xf32, #tpu.memory_space<hbm>> -> memref<1x125xf32, #tpu.memory_space<hbm>>
    %dma_wait3A_994 = tpu.memref_squeeze %dma_wait3A_993 : memref<1x125xf32, #tpu.memory_space<hbm>> -> memref<125xf32, #tpu.memory_space<hbm>>
    tpu.wait_dma2 semaphore(%arg19 : memref<!tpu.dma_semaphore, #tpu.memory_space<semaphore_mem>>) src(%dma_wait3A_994 : memref<125xf32, #tpu.memory_space<hbm>>) dst(%dma_wait3A_991 : memref<125xf32, #tpu.memory_space<vmem>>)
    %dma_wait3A_995 = arith.constant 0 : i32
    %dma_wait3A_996 = arith.constant 5 : i32
    %dma_wait3A_997 = arith.constant 0 : i32
    %dma_wait3A_998 = tpu.memref_slice %arg14[%dma_wait3A_996, %dma_wait3A_997] : memref<32x128xf32, #tpu.memory_space<vmem>> -> memref<1x128xf32, #tpu.memory_space<vmem>>
    %dma_wait3A_999 = tpu.memref_squeeze %dma_wait3A_998 : memref<1x128xf32, #tpu.memory_space<vmem>> -> memref<128xf32, #tpu.memory_space<vmem>>
    %dma_wait3A_1000 = tpu.memref_slice %arg2[%dma_wait3A_995, %mul3A_2] : memref<1000x4096xf32, #tpu.memory_space<hbm>> -> memref<1x128xf32, #tpu.memory_space<hbm>>
    %dma_wait3A_1001 = tpu.memref_squeeze %dma_wait3A_1000 : memref<1x128xf32, #tpu.memory_space<hbm>> -> memref<128xf32, #tpu.memory_space<hbm>>
    %dma_wait3A_1002 = arith.constant 0 : i32
    %dma_wait3A_1003 = tpu.memref_slice %arg14[%dma_wait3A_996, %dma_wait3A_1002] : memref<32x128xf32, #tpu.memory_space<vmem>> -> memref<1x128xf32, #tpu.memory_space<vmem>>
    %dma_wait3A_1004 = tpu.memref_squeeze %dma_wait3A_1003 : memref<1x128xf32, #tpu.memory_space<vmem>> -> memref<128xf32, #tpu.memory_space<vmem>>
    %dma_wait3A_1005 = tpu.memref_slice %arg2[%dma_wait3A_995, %mul3A_2] : memref<1000x4096xf32, #tpu.memory_space<hbm>> -> memref<1x128xf32, #tpu.memory_space<hbm>>
    %dma_wait3A_1006 = tpu.memref_squeeze %dma_wait3A_1005 : memref<1x128xf32, #tpu.memory_space<hbm>> -> memref<128xf32, #tpu.memory_space<hbm>>
    tpu.wait_dma2 semaphore(%arg19 : memref<!tpu.dma_semaphore, #tpu.memory_space<semaphore_mem>>) src(%dma_wait3A_1006 : memref<128xf32, #tpu.memory_space<hbm>>) dst(%dma_wait3A_1004 : memref<128xf32, #tpu.memory_space<vmem>>)
    %dma_wait3A_1007 = arith.constant 0 : i32
    %dma_wait3A_1008 = arith.constant 5 : i32
    %dma_wait3A_1009 = arith.constant 0 : i32
    %dma_wait3A_1010 = tpu.memref_slice %arg13[%dma_wait3A_1008, %dma_wait3A_1009] : memref<32x128xf32, #tpu.memory_space<vmem>> -> memref<1x125xf32, #tpu.memory_space<vmem>>
    %dma_wait3A_1011 = tpu.memref_squeeze %dma_wait3A_1010 : memref<1x125xf32, #tpu.memory_space<vmem>> -> memref<125xf32, #tpu.memory_space<vmem>>
    %dma_wait3A_1012 = arith.constant 0 : i32
    %dma_wait3A_1013 = tpu.memref_slice %arg3[%dma_wait3A_1007, %dma_wait3A_1012] : memref<1000x125xf32, #tpu.memory_space<hbm>> -> memref<1x125xf32, #tpu.memory_space<hbm>>
    %dma_wait3A_1014 = tpu.memref_squeeze %dma_wait3A_1013 : memref<1x125xf32, #tpu.memory_space<hbm>> -> memref<125xf32, #tpu.memory_space<hbm>>
    %dma_wait3A_1015 = arith.constant 0 : i32
    %dma_wait3A_1016 = tpu.memref_slice %arg13[%dma_wait3A_1008, %dma_wait3A_1015] : memref<32x128xf32, #tpu.memory_space<vmem>> -> memref<1x125xf32, #tpu.memory_space<vmem>>
    %dma_wait3A_1017 = tpu.memref_squeeze %dma_wait3A_1016 : memref<1x125xf32, #tpu.memory_space<vmem>> -> memref<125xf32, #tpu.memory_space<vmem>>
    %dma_wait3A_1018 = arith.constant 0 : i32
    %dma_wait3A_1019 = tpu.memref_slice %arg3[%dma_wait3A_1007, %dma_wait3A_1018] : memref<1000x125xf32, #tpu.memory_space<hbm>> -> memref<1x125xf32, #tpu.memory_space<hbm>>
    %dma_wait3A_1020 = tpu.memref_squeeze %dma_wait3A_1019 : memref<1x125xf32, #tpu.memory_space<hbm>> -> memref<125xf32, #tpu.memory_space<hbm>>
    tpu.wait_dma2 semaphore(%arg19 : memref<!tpu.dma_semaphore, #tpu.memory_space<semaphore_mem>>) src(%dma_wait3A_1020 : memref<125xf32, #tpu.memory_space<hbm>>) dst(%dma_wait3A_1017 : memref<125xf32, #tpu.memory_space<vmem>>)
    %dma_wait3A_1021 = arith.constant 0 : i32
    %dma_wait3A_1022 = arith.constant 6 : i32
    %dma_wait3A_1023 = arith.constant 0 : i32
    %dma_wait3A_1024 = tpu.memref_slice %arg14[%dma_wait3A_1022, %dma_wait3A_1023] : memref<32x128xf32, #tpu.memory_space<vmem>> -> memref<1x128xf32, #tpu.memory_space<vmem>>
    %dma_wait3A_1025 = tpu.memref_squeeze %dma_wait3A_1024 : memref<1x128xf32, #tpu.memory_space<vmem>> -> memref<128xf32, #tpu.memory_space<vmem>>
    %dma_wait3A_1026 = tpu.memref_slice %arg2[%dma_wait3A_1021, %mul3A_2] : memref<1000x4096xf32, #tpu.memory_space<hbm>> -> memref<1x128xf32, #tpu.memory_space<hbm>>
    %dma_wait3A_1027 = tpu.memref_squeeze %dma_wait3A_1026 : memref<1x128xf32, #tpu.memory_space<hbm>> -> memref<128xf32, #tpu.memory_space<hbm>>
    %dma_wait3A_1028 = arith.constant 0 : i32
    %dma_wait3A_1029 = tpu.memref_slice %arg14[%dma_wait3A_1022, %dma_wait3A_1028] : memref<32x128xf32, #tpu.memory_space<vmem>> -> memref<1x128xf32, #tpu.memory_space<vmem>>
    %dma_wait3A_1030 = tpu.memref_squeeze %dma_wait3A_1029 : memref<1x128xf32, #tpu.memory_space<vmem>> -> memref<128xf32, #tpu.memory_space<vmem>>
    %dma_wait3A_1031 = tpu.memref_slice %arg2[%dma_wait3A_1021, %mul3A_2] : memref<1000x4096xf32, #tpu.memory_space<hbm>> -> memref<1x128xf32, #tpu.memory_space<hbm>>
    %dma_wait3A_1032 = tpu.memref_squeeze %dma_wait3A_1031 : memref<1x128xf32, #tpu.memory_space<hbm>> -> memref<128xf32, #tpu.memory_space<hbm>>
    tpu.wait_dma2 semaphore(%arg19 : memref<!tpu.dma_semaphore, #tpu.memory_space<semaphore_mem>>) src(%dma_wait3A_1032 : memref<128xf32, #tpu.memory_space<hbm>>) dst(%dma_wait3A_1030 : memref<128xf32, #tpu.memory_space<vmem>>)
    %dma_wait3A_1033 = arith.constant 0 : i32
    %dma_wait3A_1034 = arith.constant 6 : i32
    %dma_wait3A_1035 = arith.constant 0 : i32
    %dma_wait3A_1036 = tpu.memref_slice %arg13[%dma_wait3A_1034, %dma_wait3A_1035] : memref<32x128xf32, #tpu.memory_space<vmem>> -> memref<1x125xf32, #tpu.memory_space<vmem>>
    %dma_wait3A_1037 = tpu.memref_squeeze %dma_wait3A_1036 : memref<1x125xf32, #tpu.memory_space<vmem>> -> memref<125xf32, #tpu.memory_space<vmem>>
    %dma_wait3A_1038 = arith.constant 0 : i32
    %dma_wait3A_1039 = tpu.memref_slice %arg3[%dma_wait3A_1033, %dma_wait3A_1038] : memref<1000x125xf32, #tpu.memory_space<hbm>> -> memref<1x125xf32, #tpu.memory_space<hbm>>
    %dma_wait3A_1040 = tpu.memref_squeeze %dma_wait3A_1039 : memref<1x125xf32, #tpu.memory_space<hbm>> -> memref<125xf32, #tpu.memory_space<hbm>>
    %dma_wait3A_1041 = arith.constant 0 : i32
    %dma_wait3A_1042 = tpu.memref_slice %arg13[%dma_wait3A_1034, %dma_wait3A_1041] : memref<32x128xf32, #tpu.memory_space<vmem>> -> memref<1x125xf32, #tpu.memory_space<vmem>>
    %dma_wait3A_1043 = tpu.memref_squeeze %dma_wait3A_1042 : memref<1x125xf32, #tpu.memory_space<vmem>> -> memref<125xf32, #tpu.memory_space<vmem>>
    %dma_wait3A_1044 = arith.constant 0 : i32
    %dma_wait3A_1045 = tpu.memref_slice %arg3[%dma_wait3A_1033, %dma_wait3A_1044] : memref<1000x125xf32, #tpu.memory_space<hbm>> -> memref<1x125xf32, #tpu.memory_space<hbm>>
    %dma_wait3A_1046 = tpu.memref_squeeze %dma_wait3A_1045 : memref<1x125xf32, #tpu.memory_space<hbm>> -> memref<125xf32, #tpu.memory_space<hbm>>
    tpu.wait_dma2 semaphore(%arg19 : memref<!tpu.dma_semaphore, #tpu.memory_space<semaphore_mem>>) src(%dma_wait3A_1046 : memref<125xf32, #tpu.memory_space<hbm>>) dst(%dma_wait3A_1043 : memref<125xf32, #tpu.memory_space<vmem>>)
    %dma_wait3A_1047 = arith.constant 0 : i32
    %dma_wait3A_1048 = arith.constant 7 : i32
    %dma_wait3A_1049 = arith.constant 0 : i32
    %dma_wait3A_1050 = tpu.memref_slice %arg14[%dma_wait3A_1048, %dma_wait3A_1049] : memref<32x128xf32, #tpu.memory_space<vmem>> -> memref<1x128xf32, #tpu.memory_space<vmem>>
    %dma_wait3A_1051 = tpu.memref_squeeze %dma_wait3A_1050 : memref<1x128xf32, #tpu.memory_space<vmem>> -> memref<128xf32, #tpu.memory_space<vmem>>
    %dma_wait3A_1052 = tpu.memref_slice %arg2[%dma_wait3A_1047, %mul3A_2] : memref<1000x4096xf32, #tpu.memory_space<hbm>> -> memref<1x128xf32, #tpu.memory_space<hbm>>
    %dma_wait3A_1053 = tpu.memref_squeeze %dma_wait3A_1052 : memref<1x128xf32, #tpu.memory_space<hbm>> -> memref<128xf32, #tpu.memory_space<hbm>>
    %dma_wait3A_1054 = arith.constant 0 : i32
    %dma_wait3A_1055 = tpu.memref_slice %arg14[%dma_wait3A_1048, %dma_wait3A_1054] : memref<32x128xf32, #tpu.memory_space<vmem>> -> memref<1x128xf32, #tpu.memory_space<vmem>>
    %dma_wait3A_1056 = tpu.memref_squeeze %dma_wait3A_1055 : memref<1x128xf32, #tpu.memory_space<vmem>> -> memref<128xf32, #tpu.memory_space<vmem>>
    %dma_wait3A_1057 = tpu.memref_slice %arg2[%dma_wait3A_1047, %mul3A_2] : memref<1000x4096xf32, #tpu.memory_space<hbm>> -> memref<1x128xf32, #tpu.memory_space<hbm>>
    %dma_wait3A_1058 = tpu.memref_squeeze %dma_wait3A_1057 : memref<1x128xf32, #tpu.memory_space<hbm>> -> memref<128xf32, #tpu.memory_space<hbm>>
    tpu.wait_dma2 semaphore(%arg19 : memref<!tpu.dma_semaphore, #tpu.memory_space<semaphore_mem>>) src(%dma_wait3A_1058 : memref<128xf32, #tpu.memory_space<hbm>>) dst(%dma_wait3A_1056 : memref<128xf32, #tpu.memory_space<vmem>>)
    %dma_wait3A_1059 = arith.constant 0 : i32
    %dma_wait3A_1060 = arith.constant 7 : i32
    %dma_wait3A_1061 = arith.constant 0 : i32
    %dma_wait3A_1062 = tpu.memref_slice %arg13[%dma_wait3A_1060, %dma_wait3A_1061] : memref<32x128xf32, #tpu.memory_space<vmem>> -> memref<1x125xf32, #tpu.memory_space<vmem>>
    %dma_wait3A_1063 = tpu.memref_squeeze %dma_wait3A_1062 : memref<1x125xf32, #tpu.memory_space<vmem>> -> memref<125xf32, #tpu.memory_space<vmem>>
    %dma_wait3A_1064 = arith.constant 0 : i32
    %dma_wait3A_1065 = tpu.memref_slice %arg3[%dma_wait3A_1059, %dma_wait3A_1064] : memref<1000x125xf32, #tpu.memory_space<hbm>> -> memref<1x125xf32, #tpu.memory_space<hbm>>
    %dma_wait3A_1066 = tpu.memref_squeeze %dma_wait3A_1065 : memref<1x125xf32, #tpu.memory_space<hbm>> -> memref<125xf32, #tpu.memory_space<hbm>>
    %dma_wait3A_1067 = arith.constant 0 : i32
    %dma_wait3A_1068 = tpu.memref_slice %arg13[%dma_wait3A_1060, %dma_wait3A_1067] : memref<32x128xf32, #tpu.memory_space<vmem>> -> memref<1x125xf32, #tpu.memory_space<vmem>>
    %dma_wait3A_1069 = tpu.memref_squeeze %dma_wait3A_1068 : memref<1x125xf32, #tpu.memory_space<vmem>> -> memref<125xf32, #tpu.memory_space<vmem>>
    %dma_wait3A_1070 = arith.constant 0 : i32
    %dma_wait3A_1071 = tpu.memref_slice %arg3[%dma_wait3A_1059, %dma_wait3A_1070] : memref<1000x125xf32, #tpu.memory_space<hbm>> -> memref<1x125xf32, #tpu.memory_space<hbm>>
    %dma_wait3A_1072 = tpu.memref_squeeze %dma_wait3A_1071 : memref<1x125xf32, #tpu.memory_space<hbm>> -> memref<125xf32, #tpu.memory_space<hbm>>
    tpu.wait_dma2 semaphore(%arg19 : memref<!tpu.dma_semaphore, #tpu.memory_space<semaphore_mem>>) src(%dma_wait3A_1072 : memref<125xf32, #tpu.memory_space<hbm>>) dst(%dma_wait3A_1069 : memref<125xf32, #tpu.memory_space<vmem>>)
    %dma_wait3A_1073 = arith.constant 0 : i32
    %dma_wait3A_1074 = arith.constant 8 : i32
    %dma_wait3A_1075 = arith.constant 0 : i32
    %dma_wait3A_1076 = tpu.memref_slice %arg14[%dma_wait3A_1074, %dma_wait3A_1075] : memref<32x128xf32, #tpu.memory_space<vmem>> -> memref<1x128xf32, #tpu.memory_space<vmem>>
    %dma_wait3A_1077 = tpu.memref_squeeze %dma_wait3A_1076 : memref<1x128xf32, #tpu.memory_space<vmem>> -> memref<128xf32, #tpu.memory_space<vmem>>
    %dma_wait3A_1078 = tpu.memref_slice %arg2[%dma_wait3A_1073, %mul3A_2] : memref<1000x4096xf32, #tpu.memory_space<hbm>> -> memref<1x128xf32, #tpu.memory_space<hbm>>
    %dma_wait3A_1079 = tpu.memref_squeeze %dma_wait3A_1078 : memref<1x128xf32, #tpu.memory_space<hbm>> -> memref<128xf32, #tpu.memory_space<hbm>>
    %dma_wait3A_1080 = arith.constant 0 : i32
    %dma_wait3A_1081 = tpu.memref_slice %arg14[%dma_wait3A_1074, %dma_wait3A_1080] : memref<32x128xf32, #tpu.memory_space<vmem>> -> memref<1x128xf32, #tpu.memory_space<vmem>>
    %dma_wait3A_1082 = tpu.memref_squeeze %dma_wait3A_1081 : memref<1x128xf32, #tpu.memory_space<vmem>> -> memref<128xf32, #tpu.memory_space<vmem>>
    %dma_wait3A_1083 = tpu.memref_slice %arg2[%dma_wait3A_1073, %mul3A_2] : memref<1000x4096xf32, #tpu.memory_space<hbm>> -> memref<1x128xf32, #tpu.memory_space<hbm>>
    %dma_wait3A_1084 = tpu.memref_squeeze %dma_wait3A_1083 : memref<1x128xf32, #tpu.memory_space<hbm>> -> memref<128xf32, #tpu.memory_space<hbm>>
    tpu.wait_dma2 semaphore(%arg19 : memref<!tpu.dma_semaphore, #tpu.memory_space<semaphore_mem>>) src(%dma_wait3A_1084 : memref<128xf32, #tpu.memory_space<hbm>>) dst(%dma_wait3A_1082 : memref<128xf32, #tpu.memory_space<vmem>>)
    %dma_wait3A_1085 = arith.constant 0 : i32
    %dma_wait3A_1086 = arith.constant 8 : i32
    %dma_wait3A_1087 = arith.constant 0 : i32
    %dma_wait3A_1088 = tpu.memref_slice %arg13[%dma_wait3A_1086, %dma_wait3A_1087] : memref<32x128xf32, #tpu.memory_space<vmem>> -> memref<1x125xf32, #tpu.memory_space<vmem>>
    %dma_wait3A_1089 = tpu.memref_squeeze %dma_wait3A_1088 : memref<1x125xf32, #tpu.memory_space<vmem>> -> memref<125xf32, #tpu.memory_space<vmem>>
    %dma_wait3A_1090 = arith.constant 0 : i32
    %dma_wait3A_1091 = tpu.memref_slice %arg3[%dma_wait3A_1085, %dma_wait3A_1090] : memref<1000x125xf32, #tpu.memory_space<hbm>> -> memref<1x125xf32, #tpu.memory_space<hbm>>
    %dma_wait3A_1092 = tpu.memref_squeeze %dma_wait3A_1091 : memref<1x125xf32, #tpu.memory_space<hbm>> -> memref<125xf32, #tpu.memory_space<hbm>>
    %dma_wait3A_1093 = arith.constant 0 : i32
    %dma_wait3A_1094 = tpu.memref_slice %arg13[%dma_wait3A_1086, %dma_wait3A_1093] : memref<32x128xf32, #tpu.memory_space<vmem>> -> memref<1x125xf32, #tpu.memory_space<vmem>>
    %dma_wait3A_1095 = tpu.memref_squeeze %dma_wait3A_1094 : memref<1x125xf32, #tpu.memory_space<vmem>> -> memref<125xf32, #tpu.memory_space<vmem>>
    %dma_wait3A_1096 = arith.constant 0 : i32
    %dma_wait3A_1097 = tpu.memref_slice %arg3[%dma_wait3A_1085, %dma_wait3A_1096] : memref<1000x125xf32, #tpu.memory_space<hbm>> -> memref<1x125xf32, #tpu.memory_space<hbm>>
    %dma_wait3A_1098 = tpu.memref_squeeze %dma_wait3A_1097 : memref<1x125xf32, #tpu.memory_space<hbm>> -> memref<125xf32, #tpu.memory_space<hbm>>
    tpu.wait_dma2 semaphore(%arg19 : memref<!tpu.dma_semaphore, #tpu.memory_space<semaphore_mem>>) src(%dma_wait3A_1098 : memref<125xf32, #tpu.memory_space<hbm>>) dst(%dma_wait3A_1095 : memref<125xf32, #tpu.memory_space<vmem>>)
    %dma_wait3A_1099 = arith.constant 0 : i32
    %dma_wait3A_1100 = arith.constant 9 : i32
    %dma_wait3A_1101 = arith.constant 0 : i32
    %dma_wait3A_1102 = tpu.memref_slice %arg14[%dma_wait3A_1100, %dma_wait3A_1101] : memref<32x128xf32, #tpu.memory_space<vmem>> -> memref<1x128xf32, #tpu.memory_space<vmem>>
    %dma_wait3A_1103 = tpu.memref_squeeze %dma_wait3A_1102 : memref<1x128xf32, #tpu.memory_space<vmem>> -> memref<128xf32, #tpu.memory_space<vmem>>
    %dma_wait3A_1104 = tpu.memref_slice %arg2[%dma_wait3A_1099, %mul3A_2] : memref<1000x4096xf32, #tpu.memory_space<hbm>> -> memref<1x128xf32, #tpu.memory_space<hbm>>
    %dma_wait3A_1105 = tpu.memref_squeeze %dma_wait3A_1104 : memref<1x128xf32, #tpu.memory_space<hbm>> -> memref<128xf32, #tpu.memory_space<hbm>>
    %dma_wait3A_1106 = arith.constant 0 : i32
    %dma_wait3A_1107 = tpu.memref_slice %arg14[%dma_wait3A_1100, %dma_wait3A_1106] : memref<32x128xf32, #tpu.memory_space<vmem>> -> memref<1x128xf32, #tpu.memory_space<vmem>>
    %dma_wait3A_1108 = tpu.memref_squeeze %dma_wait3A_1107 : memref<1x128xf32, #tpu.memory_space<vmem>> -> memref<128xf32, #tpu.memory_space<vmem>>
    %dma_wait3A_1109 = tpu.memref_slice %arg2[%dma_wait3A_1099, %mul3A_2] : memref<1000x4096xf32, #tpu.memory_space<hbm>> -> memref<1x128xf32, #tpu.memory_space<hbm>>
    %dma_wait3A_1110 = tpu.memref_squeeze %dma_wait3A_1109 : memref<1x128xf32, #tpu.memory_space<hbm>> -> memref<128xf32, #tpu.memory_space<hbm>>
    tpu.wait_dma2 semaphore(%arg19 : memref<!tpu.dma_semaphore, #tpu.memory_space<semaphore_mem>>) src(%dma_wait3A_1110 : memref<128xf32, #tpu.memory_space<hbm>>) dst(%dma_wait3A_1108 : memref<128xf32, #tpu.memory_space<vmem>>)
    %dma_wait3A_1111 = arith.constant 0 : i32
    %dma_wait3A_1112 = arith.constant 9 : i32
    %dma_wait3A_1113 = arith.constant 0 : i32
    %dma_wait3A_1114 = tpu.memref_slice %arg13[%dma_wait3A_1112, %dma_wait3A_1113] : memref<32x128xf32, #tpu.memory_space<vmem>> -> memref<1x125xf32, #tpu.memory_space<vmem>>
    %dma_wait3A_1115 = tpu.memref_squeeze %dma_wait3A_1114 : memref<1x125xf32, #tpu.memory_space<vmem>> -> memref<125xf32, #tpu.memory_space<vmem>>
    %dma_wait3A_1116 = arith.constant 0 : i32
    %dma_wait3A_1117 = tpu.memref_slice %arg3[%dma_wait3A_1111, %dma_wait3A_1116] : memref<1000x125xf32, #tpu.memory_space<hbm>> -> memref<1x125xf32, #tpu.memory_space<hbm>>
    %dma_wait3A_1118 = tpu.memref_squeeze %dma_wait3A_1117 : memref<1x125xf32, #tpu.memory_space<hbm>> -> memref<125xf32, #tpu.memory_space<hbm>>
    %dma_wait3A_1119 = arith.constant 0 : i32
    %dma_wait3A_1120 = tpu.memref_slice %arg13[%dma_wait3A_1112, %dma_wait3A_1119] : memref<32x128xf32, #tpu.memory_space<vmem>> -> memref<1x125xf32, #tpu.memory_space<vmem>>
    %dma_wait3A_1121 = tpu.memref_squeeze %dma_wait3A_1120 : memref<1x125xf32, #tpu.memory_space<vmem>> -> memref<125xf32, #tpu.memory_space<vmem>>
    %dma_wait3A_1122 = arith.constant 0 : i32
    %dma_wait3A_1123 = tpu.memref_slice %arg3[%dma_wait3A_1111, %dma_wait3A_1122] : memref<1000x125xf32, #tpu.memory_space<hbm>> -> memref<1x125xf32, #tpu.memory_space<hbm>>
    %dma_wait3A_1124 = tpu.memref_squeeze %dma_wait3A_1123 : memref<1x125xf32, #tpu.memory_space<hbm>> -> memref<125xf32, #tpu.memory_space<hbm>>
    tpu.wait_dma2 semaphore(%arg19 : memref<!tpu.dma_semaphore, #tpu.memory_space<semaphore_mem>>) src(%dma_wait3A_1124 : memref<125xf32, #tpu.memory_space<hbm>>) dst(%dma_wait3A_1121 : memref<125xf32, #tpu.memory_space<vmem>>)
    %dma_wait3A_1125 = arith.constant 0 : i32
    %dma_wait3A_1126 = arith.constant 10 : i32
    %dma_wait3A_1127 = arith.constant 0 : i32
    %dma_wait3A_1128 = tpu.memref_slice %arg14[%dma_wait3A_1126, %dma_wait3A_1127] : memref<32x128xf32, #tpu.memory_space<vmem>> -> memref<1x128xf32, #tpu.memory_space<vmem>>
    %dma_wait3A_1129 = tpu.memref_squeeze %dma_wait3A_1128 : memref<1x128xf32, #tpu.memory_space<vmem>> -> memref<128xf32, #tpu.memory_space<vmem>>
    %dma_wait3A_1130 = tpu.memref_slice %arg2[%dma_wait3A_1125, %mul3A_2] : memref<1000x4096xf32, #tpu.memory_space<hbm>> -> memref<1x128xf32, #tpu.memory_space<hbm>>
    %dma_wait3A_1131 = tpu.memref_squeeze %dma_wait3A_1130 : memref<1x128xf32, #tpu.memory_space<hbm>> -> memref<128xf32, #tpu.memory_space<hbm>>
    %dma_wait3A_1132 = arith.constant 0 : i32
    %dma_wait3A_1133 = tpu.memref_slice %arg14[%dma_wait3A_1126, %dma_wait3A_1132] : memref<32x128xf32, #tpu.memory_space<vmem>> -> memref<1x128xf32, #tpu.memory_space<vmem>>
    %dma_wait3A_1134 = tpu.memref_squeeze %dma_wait3A_1133 : memref<1x128xf32, #tpu.memory_space<vmem>> -> memref<128xf32, #tpu.memory_space<vmem>>
    %dma_wait3A_1135 = tpu.memref_slice %arg2[%dma_wait3A_1125, %mul3A_2] : memref<1000x4096xf32, #tpu.memory_space<hbm>> -> memref<1x128xf32, #tpu.memory_space<hbm>>
    %dma_wait3A_1136 = tpu.memref_squeeze %dma_wait3A_1135 : memref<1x128xf32, #tpu.memory_space<hbm>> -> memref<128xf32, #tpu.memory_space<hbm>>
    tpu.wait_dma2 semaphore(%arg19 : memref<!tpu.dma_semaphore, #tpu.memory_space<semaphore_mem>>) src(%dma_wait3A_1136 : memref<128xf32, #tpu.memory_space<hbm>>) dst(%dma_wait3A_1134 : memref<128xf32, #tpu.memory_space<vmem>>)
    %dma_wait3A_1137 = arith.constant 0 : i32
    %dma_wait3A_1138 = arith.constant 10 : i32
    %dma_wait3A_1139 = arith.constant 0 : i32
    %dma_wait3A_1140 = tpu.memref_slice %arg13[%dma_wait3A_1138, %dma_wait3A_1139] : memref<32x128xf32, #tpu.memory_space<vmem>> -> memref<1x125xf32, #tpu.memory_space<vmem>>
    %dma_wait3A_1141 = tpu.memref_squeeze %dma_wait3A_1140 : memref<1x125xf32, #tpu.memory_space<vmem>> -> memref<125xf32, #tpu.memory_space<vmem>>
    %dma_wait3A_1142 = arith.constant 0 : i32
    %dma_wait3A_1143 = tpu.memref_slice %arg3[%dma_wait3A_1137, %dma_wait3A_1142] : memref<1000x125xf32, #tpu.memory_space<hbm>> -> memref<1x125xf32, #tpu.memory_space<hbm>>
    %dma_wait3A_1144 = tpu.memref_squeeze %dma_wait3A_1143 : memref<1x125xf32, #tpu.memory_space<hbm>> -> memref<125xf32, #tpu.memory_space<hbm>>
    %dma_wait3A_1145 = arith.constant 0 : i32
    %dma_wait3A_1146 = tpu.memref_slice %arg13[%dma_wait3A_1138, %dma_wait3A_1145] : memref<32x128xf32, #tpu.memory_space<vmem>> -> memref<1x125xf32, #tpu.memory_space<vmem>>
    %dma_wait3A_1147 = tpu.memref_squeeze %dma_wait3A_1146 : memref<1x125xf32, #tpu.memory_space<vmem>> -> memref<125xf32, #tpu.memory_space<vmem>>
    %dma_wait3A_1148 = arith.constant 0 : i32
    %dma_wait3A_1149 = tpu.memref_slice %arg3[%dma_wait3A_1137, %dma_wait3A_1148] : memref<1000x125xf32, #tpu.memory_space<hbm>> -> memref<1x125xf32, #tpu.memory_space<hbm>>
    %dma_wait3A_1150 = tpu.memref_squeeze %dma_wait3A_1149 : memref<1x125xf32, #tpu.memory_space<hbm>> -> memref<125xf32, #tpu.memory_space<hbm>>
    tpu.wait_dma2 semaphore(%arg19 : memref<!tpu.dma_semaphore, #tpu.memory_space<semaphore_mem>>) src(%dma_wait3A_1150 : memref<125xf32, #tpu.memory_space<hbm>>) dst(%dma_wait3A_1147 : memref<125xf32, #tpu.memory_space<vmem>>)
    %dma_wait3A_1151 = arith.constant 0 : i32
    %dma_wait3A_1152 = arith.constant 11 : i32
    %dma_wait3A_1153 = arith.constant 0 : i32
    %dma_wait3A_1154 = tpu.memref_slice %arg14[%dma_wait3A_1152, %dma_wait3A_1153] : memref<32x128xf32, #tpu.memory_space<vmem>> -> memref<1x128xf32, #tpu.memory_space<vmem>>
    %dma_wait3A_1155 = tpu.memref_squeeze %dma_wait3A_1154 : memref<1x128xf32, #tpu.memory_space<vmem>> -> memref<128xf32, #tpu.memory_space<vmem>>
    %dma_wait3A_1156 = tpu.memref_slice %arg2[%dma_wait3A_1151, %mul3A_2] : memref<1000x4096xf32, #tpu.memory_space<hbm>> -> memref<1x128xf32, #tpu.memory_space<hbm>>
    %dma_wait3A_1157 = tpu.memref_squeeze %dma_wait3A_1156 : memref<1x128xf32, #tpu.memory_space<hbm>> -> memref<128xf32, #tpu.memory_space<hbm>>
    %dma_wait3A_1158 = arith.constant 0 : i32
    %dma_wait3A_1159 = tpu.memref_slice %arg14[%dma_wait3A_1152, %dma_wait3A_1158] : memref<32x128xf32, #tpu.memory_space<vmem>> -> memref<1x128xf32, #tpu.memory_space<vmem>>
    %dma_wait3A_1160 = tpu.memref_squeeze %dma_wait3A_1159 : memref<1x128xf32, #tpu.memory_space<vmem>> -> memref<128xf32, #tpu.memory_space<vmem>>
    %dma_wait3A_1161 = tpu.memref_slice %arg2[%dma_wait3A_1151, %mul3A_2] : memref<1000x4096xf32, #tpu.memory_space<hbm>> -> memref<1x128xf32, #tpu.memory_space<hbm>>
    %dma_wait3A_1162 = tpu.memref_squeeze %dma_wait3A_1161 : memref<1x128xf32, #tpu.memory_space<hbm>> -> memref<128xf32, #tpu.memory_space<hbm>>
    tpu.wait_dma2 semaphore(%arg19 : memref<!tpu.dma_semaphore, #tpu.memory_space<semaphore_mem>>) src(%dma_wait3A_1162 : memref<128xf32, #tpu.memory_space<hbm>>) dst(%dma_wait3A_1160 : memref<128xf32, #tpu.memory_space<vmem>>)
    %dma_wait3A_1163 = arith.constant 0 : i32
    %dma_wait3A_1164 = arith.constant 11 : i32
    %dma_wait3A_1165 = arith.constant 0 : i32
    %dma_wait3A_1166 = tpu.memref_slice %arg13[%dma_wait3A_1164, %dma_wait3A_1165] : memref<32x128xf32, #tpu.memory_space<vmem>> -> memref<1x125xf32, #tpu.memory_space<vmem>>
    %dma_wait3A_1167 = tpu.memref_squeeze %dma_wait3A_1166 : memref<1x125xf32, #tpu.memory_space<vmem>> -> memref<125xf32, #tpu.memory_space<vmem>>
    %dma_wait3A_1168 = arith.constant 0 : i32
    %dma_wait3A_1169 = tpu.memref_slice %arg3[%dma_wait3A_1163, %dma_wait3A_1168] : memref<1000x125xf32, #tpu.memory_space<hbm>> -> memref<1x125xf32, #tpu.memory_space<hbm>>
    %dma_wait3A_1170 = tpu.memref_squeeze %dma_wait3A_1169 : memref<1x125xf32, #tpu.memory_space<hbm>> -> memref<125xf32, #tpu.memory_space<hbm>>
    %dma_wait3A_1171 = arith.constant 0 : i32
    %dma_wait3A_1172 = tpu.memref_slice %arg13[%dma_wait3A_1164, %dma_wait3A_1171] : memref<32x128xf32, #tpu.memory_space<vmem>> -> memref<1x125xf32, #tpu.memory_space<vmem>>
    %dma_wait3A_1173 = tpu.memref_squeeze %dma_wait3A_1172 : memref<1x125xf32, #tpu.memory_space<vmem>> -> memref<125xf32, #tpu.memory_space<vmem>>
    %dma_wait3A_1174 = arith.constant 0 : i32
    %dma_wait3A_1175 = tpu.memref_slice %arg3[%dma_wait3A_1163, %dma_wait3A_1174] : memref<1000x125xf32, #tpu.memory_space<hbm>> -> memref<1x125xf32, #tpu.memory_space<hbm>>
    %dma_wait3A_1176 = tpu.memref_squeeze %dma_wait3A_1175 : memref<1x125xf32, #tpu.memory_space<hbm>> -> memref<125xf32, #tpu.memory_space<hbm>>
    tpu.wait_dma2 semaphore(%arg19 : memref<!tpu.dma_semaphore, #tpu.memory_space<semaphore_mem>>) src(%dma_wait3A_1176 : memref<125xf32, #tpu.memory_space<hbm>>) dst(%dma_wait3A_1173 : memref<125xf32, #tpu.memory_space<vmem>>)
    %dma_wait3A_1177 = arith.constant 0 : i32
    %dma_wait3A_1178 = arith.constant 12 : i32
    %dma_wait3A_1179 = arith.constant 0 : i32
    %dma_wait3A_1180 = tpu.memref_slice %arg14[%dma_wait3A_1178, %dma_wait3A_1179] : memref<32x128xf32, #tpu.memory_space<vmem>> -> memref<1x128xf32, #tpu.memory_space<vmem>>
    %dma_wait3A_1181 = tpu.memref_squeeze %dma_wait3A_1180 : memref<1x128xf32, #tpu.memory_space<vmem>> -> memref<128xf32, #tpu.memory_space<vmem>>
    %dma_wait3A_1182 = tpu.memref_slice %arg2[%dma_wait3A_1177, %mul3A_2] : memref<1000x4096xf32, #tpu.memory_space<hbm>> -> memref<1x128xf32, #tpu.memory_space<hbm>>
    %dma_wait3A_1183 = tpu.memref_squeeze %dma_wait3A_1182 : memref<1x128xf32, #tpu.memory_space<hbm>> -> memref<128xf32, #tpu.memory_space<hbm>>
    %dma_wait3A_1184 = arith.constant 0 : i32
    %dma_wait3A_1185 = tpu.memref_slice %arg14[%dma_wait3A_1178, %dma_wait3A_1184] : memref<32x128xf32, #tpu.memory_space<vmem>> -> memref<1x128xf32, #tpu.memory_space<vmem>>
    %dma_wait3A_1186 = tpu.memref_squeeze %dma_wait3A_1185 : memref<1x128xf32, #tpu.memory_space<vmem>> -> memref<128xf32, #tpu.memory_space<vmem>>
    %dma_wait3A_1187 = tpu.memref_slice %arg2[%dma_wait3A_1177, %mul3A_2] : memref<1000x4096xf32, #tpu.memory_space<hbm>> -> memref<1x128xf32, #tpu.memory_space<hbm>>
    %dma_wait3A_1188 = tpu.memref_squeeze %dma_wait3A_1187 : memref<1x128xf32, #tpu.memory_space<hbm>> -> memref<128xf32, #tpu.memory_space<hbm>>
    tpu.wait_dma2 semaphore(%arg19 : memref<!tpu.dma_semaphore, #tpu.memory_space<semaphore_mem>>) src(%dma_wait3A_1188 : memref<128xf32, #tpu.memory_space<hbm>>) dst(%dma_wait3A_1186 : memref<128xf32, #tpu.memory_space<vmem>>)
    %dma_wait3A_1189 = arith.constant 0 : i32
    %dma_wait3A_1190 = arith.constant 12 : i32
    %dma_wait3A_1191 = arith.constant 0 : i32
    %dma_wait3A_1192 = tpu.memref_slice %arg13[%dma_wait3A_1190, %dma_wait3A_1191] : memref<32x128xf32, #tpu.memory_space<vmem>> -> memref<1x125xf32, #tpu.memory_space<vmem>>
    %dma_wait3A_1193 = tpu.memref_squeeze %dma_wait3A_1192 : memref<1x125xf32, #tpu.memory_space<vmem>> -> memref<125xf32, #tpu.memory_space<vmem>>
    %dma_wait3A_1194 = arith.constant 0 : i32
    %dma_wait3A_1195 = tpu.memref_slice %arg3[%dma_wait3A_1189, %dma_wait3A_1194] : memref<1000x125xf32, #tpu.memory_space<hbm>> -> memref<1x125xf32, #tpu.memory_space<hbm>>
    %dma_wait3A_1196 = tpu.memref_squeeze %dma_wait3A_1195 : memref<1x125xf32, #tpu.memory_space<hbm>> -> memref<125xf32, #tpu.memory_space<hbm>>
    %dma_wait3A_1197 = arith.constant 0 : i32
    %dma_wait3A_1198 = tpu.memref_slice %arg13[%dma_wait3A_1190, %dma_wait3A_1197] : memref<32x128xf32, #tpu.memory_space<vmem>> -> memref<1x125xf32, #tpu.memory_space<vmem>>
    %dma_wait3A_1199 = tpu.memref_squeeze %dma_wait3A_1198 : memref<1x125xf32, #tpu.memory_space<vmem>> -> memref<125xf32, #tpu.memory_space<vmem>>
    %dma_wait3A_1200 = arith.constant 0 : i32
    %dma_wait3A_1201 = tpu.memref_slice %arg3[%dma_wait3A_1189, %dma_wait3A_1200] : memref<1000x125xf32, #tpu.memory_space<hbm>> -> memref<1x125xf32, #tpu.memory_space<hbm>>
    %dma_wait3A_1202 = tpu.memref_squeeze %dma_wait3A_1201 : memref<1x125xf32, #tpu.memory_space<hbm>> -> memref<125xf32, #tpu.memory_space<hbm>>
    tpu.wait_dma2 semaphore(%arg19 : memref<!tpu.dma_semaphore, #tpu.memory_space<semaphore_mem>>) src(%dma_wait3A_1202 : memref<125xf32, #tpu.memory_space<hbm>>) dst(%dma_wait3A_1199 : memref<125xf32, #tpu.memory_space<vmem>>)
    %dma_wait3A_1203 = arith.constant 0 : i32
    %dma_wait3A_1204 = arith.constant 13 : i32
    %dma_wait3A_1205 = arith.constant 0 : i32
    %dma_wait3A_1206 = tpu.memref_slice %arg14[%dma_wait3A_1204, %dma_wait3A_1205] : memref<32x128xf32, #tpu.memory_space<vmem>> -> memref<1x128xf32, #tpu.memory_space<vmem>>
    %dma_wait3A_1207 = tpu.memref_squeeze %dma_wait3A_1206 : memref<1x128xf32, #tpu.memory_space<vmem>> -> memref<128xf32, #tpu.memory_space<vmem>>
    %dma_wait3A_1208 = tpu.memref_slice %arg2[%dma_wait3A_1203, %mul3A_2] : memref<1000x4096xf32, #tpu.memory_space<hbm>> -> memref<1x128xf32, #tpu.memory_space<hbm>>
    %dma_wait3A_1209 = tpu.memref_squeeze %dma_wait3A_1208 : memref<1x128xf32, #tpu.memory_space<hbm>> -> memref<128xf32, #tpu.memory_space<hbm>>
    %dma_wait3A_1210 = arith.constant 0 : i32
    %dma_wait3A_1211 = tpu.memref_slice %arg14[%dma_wait3A_1204, %dma_wait3A_1210] : memref<32x128xf32, #tpu.memory_space<vmem>> -> memref<1x128xf32, #tpu.memory_space<vmem>>
    %dma_wait3A_1212 = tpu.memref_squeeze %dma_wait3A_1211 : memref<1x128xf32, #tpu.memory_space<vmem>> -> memref<128xf32, #tpu.memory_space<vmem>>
    %dma_wait3A_1213 = tpu.memref_slice %arg2[%dma_wait3A_1203, %mul3A_2] : memref<1000x4096xf32, #tpu.memory_space<hbm>> -> memref<1x128xf32, #tpu.memory_space<hbm>>
    %dma_wait3A_1214 = tpu.memref_squeeze %dma_wait3A_1213 : memref<1x128xf32, #tpu.memory_space<hbm>> -> memref<128xf32, #tpu.memory_space<hbm>>
    tpu.wait_dma2 semaphore(%arg19 : memref<!tpu.dma_semaphore, #tpu.memory_space<semaphore_mem>>) src(%dma_wait3A_1214 : memref<128xf32, #tpu.memory_space<hbm>>) dst(%dma_wait3A_1212 : memref<128xf32, #tpu.memory_space<vmem>>)
    %dma_wait3A_1215 = arith.constant 0 : i32
    %dma_wait3A_1216 = arith.constant 13 : i32
    %dma_wait3A_1217 = arith.constant 0 : i32
    %dma_wait3A_1218 = tpu.memref_slice %arg13[%dma_wait3A_1216, %dma_wait3A_1217] : memref<32x128xf32, #tpu.memory_space<vmem>> -> memref<1x125xf32, #tpu.memory_space<vmem>>
    %dma_wait3A_1219 = tpu.memref_squeeze %dma_wait3A_1218 : memref<1x125xf32, #tpu.memory_space<vmem>> -> memref<125xf32, #tpu.memory_space<vmem>>
    %dma_wait3A_1220 = arith.constant 0 : i32
    %dma_wait3A_1221 = tpu.memref_slice %arg3[%dma_wait3A_1215, %dma_wait3A_1220] : memref<1000x125xf32, #tpu.memory_space<hbm>> -> memref<1x125xf32, #tpu.memory_space<hbm>>
    %dma_wait3A_1222 = tpu.memref_squeeze %dma_wait3A_1221 : memref<1x125xf32, #tpu.memory_space<hbm>> -> memref<125xf32, #tpu.memory_space<hbm>>
    %dma_wait3A_1223 = arith.constant 0 : i32
    %dma_wait3A_1224 = tpu.memref_slice %arg13[%dma_wait3A_1216, %dma_wait3A_1223] : memref<32x128xf32, #tpu.memory_space<vmem>> -> memref<1x125xf32, #tpu.memory_space<vmem>>
    %dma_wait3A_1225 = tpu.memref_squeeze %dma_wait3A_1224 : memref<1x125xf32, #tpu.memory_space<vmem>> -> memref<125xf32, #tpu.memory_space<vmem>>
    %dma_wait3A_1226 = arith.constant 0 : i32
    %dma_wait3A_1227 = tpu.memref_slice %arg3[%dma_wait3A_1215, %dma_wait3A_1226] : memref<1000x125xf32, #tpu.memory_space<hbm>> -> memref<1x125xf32, #tpu.memory_space<hbm>>
    %dma_wait3A_1228 = tpu.memref_squeeze %dma_wait3A_1227 : memref<1x125xf32, #tpu.memory_space<hbm>> -> memref<125xf32, #tpu.memory_space<hbm>>
    tpu.wait_dma2 semaphore(%arg19 : memref<!tpu.dma_semaphore, #tpu.memory_space<semaphore_mem>>) src(%dma_wait3A_1228 : memref<125xf32, #tpu.memory_space<hbm>>) dst(%dma_wait3A_1225 : memref<125xf32, #tpu.memory_space<vmem>>)
    %dma_wait3A_1229 = arith.constant 0 : i32
    %dma_wait3A_1230 = arith.constant 14 : i32
    %dma_wait3A_1231 = arith.constant 0 : i32
    %dma_wait3A_1232 = tpu.memref_slice %arg14[%dma_wait3A_1230, %dma_wait3A_1231] : memref<32x128xf32, #tpu.memory_space<vmem>> -> memref<1x128xf32, #tpu.memory_space<vmem>>
    %dma_wait3A_1233 = tpu.memref_squeeze %dma_wait3A_1232 : memref<1x128xf32, #tpu.memory_space<vmem>> -> memref<128xf32, #tpu.memory_space<vmem>>
    %dma_wait3A_1234 = tpu.memref_slice %arg2[%dma_wait3A_1229, %mul3A_2] : memref<1000x4096xf32, #tpu.memory_space<hbm>> -> memref<1x128xf32, #tpu.memory_space<hbm>>
    %dma_wait3A_1235 = tpu.memref_squeeze %dma_wait3A_1234 : memref<1x128xf32, #tpu.memory_space<hbm>> -> memref<128xf32, #tpu.memory_space<hbm>>
    %dma_wait3A_1236 = arith.constant 0 : i32
    %dma_wait3A_1237 = tpu.memref_slice %arg14[%dma_wait3A_1230, %dma_wait3A_1236] : memref<32x128xf32, #tpu.memory_space<vmem>> -> memref<1x128xf32, #tpu.memory_space<vmem>>
    %dma_wait3A_1238 = tpu.memref_squeeze %dma_wait3A_1237 : memref<1x128xf32, #tpu.memory_space<vmem>> -> memref<128xf32, #tpu.memory_space<vmem>>
    %dma_wait3A_1239 = tpu.memref_slice %arg2[%dma_wait3A_1229, %mul3A_2] : memref<1000x4096xf32, #tpu.memory_space<hbm>> -> memref<1x128xf32, #tpu.memory_space<hbm>>
    %dma_wait3A_1240 = tpu.memref_squeeze %dma_wait3A_1239 : memref<1x128xf32, #tpu.memory_space<hbm>> -> memref<128xf32, #tpu.memory_space<hbm>>
    tpu.wait_dma2 semaphore(%arg19 : memref<!tpu.dma_semaphore, #tpu.memory_space<semaphore_mem>>) src(%dma_wait3A_1240 : memref<128xf32, #tpu.memory_space<hbm>>) dst(%dma_wait3A_1238 : memref<128xf32, #tpu.memory_space<vmem>>)
    %dma_wait3A_1241 = arith.constant 0 : i32
    %dma_wait3A_1242 = arith.constant 14 : i32
    %dma_wait3A_1243 = arith.constant 0 : i32
    %dma_wait3A_1244 = tpu.memref_slice %arg13[%dma_wait3A_1242, %dma_wait3A_1243] : memref<32x128xf32, #tpu.memory_space<vmem>> -> memref<1x125xf32, #tpu.memory_space<vmem>>
    %dma_wait3A_1245 = tpu.memref_squeeze %dma_wait3A_1244 : memref<1x125xf32, #tpu.memory_space<vmem>> -> memref<125xf32, #tpu.memory_space<vmem>>
    %dma_wait3A_1246 = arith.constant 0 : i32
    %dma_wait3A_1247 = tpu.memref_slice %arg3[%dma_wait3A_1241, %dma_wait3A_1246] : memref<1000x125xf32, #tpu.memory_space<hbm>> -> memref<1x125xf32, #tpu.memory_space<hbm>>
    %dma_wait3A_1248 = tpu.memref_squeeze %dma_wait3A_1247 : memref<1x125xf32, #tpu.memory_space<hbm>> -> memref<125xf32, #tpu.memory_space<hbm>>
    %dma_wait3A_1249 = arith.constant 0 : i32
    %dma_wait3A_1250 = tpu.memref_slice %arg13[%dma_wait3A_1242, %dma_wait3A_1249] : memref<32x128xf32, #tpu.memory_space<vmem>> -> memref<1x125xf32, #tpu.memory_space<vmem>>
    %dma_wait3A_1251 = tpu.memref_squeeze %dma_wait3A_1250 : memref<1x125xf32, #tpu.memory_space<vmem>> -> memref<125xf32, #tpu.memory_space<vmem>>
    %dma_wait3A_1252 = arith.constant 0 : i32
    %dma_wait3A_1253 = tpu.memref_slice %arg3[%dma_wait3A_1241, %dma_wait3A_1252] : memref<1000x125xf32, #tpu.memory_space<hbm>> -> memref<1x125xf32, #tpu.memory_space<hbm>>
    %dma_wait3A_1254 = tpu.memref_squeeze %dma_wait3A_1253 : memref<1x125xf32, #tpu.memory_space<hbm>> -> memref<125xf32, #tpu.memory_space<hbm>>
    tpu.wait_dma2 semaphore(%arg19 : memref<!tpu.dma_semaphore, #tpu.memory_space<semaphore_mem>>) src(%dma_wait3A_1254 : memref<125xf32, #tpu.memory_space<hbm>>) dst(%dma_wait3A_1251 : memref<125xf32, #tpu.memory_space<vmem>>)
    %dma_wait3A_1255 = arith.constant 0 : i32
    %dma_wait3A_1256 = arith.constant 15 : i32
    %dma_wait3A_1257 = arith.constant 0 : i32
    %dma_wait3A_1258 = tpu.memref_slice %arg14[%dma_wait3A_1256, %dma_wait3A_1257] : memref<32x128xf32, #tpu.memory_space<vmem>> -> memref<1x128xf32, #tpu.memory_space<vmem>>
    %dma_wait3A_1259 = tpu.memref_squeeze %dma_wait3A_1258 : memref<1x128xf32, #tpu.memory_space<vmem>> -> memref<128xf32, #tpu.memory_space<vmem>>
    %dma_wait3A_1260 = tpu.memref_slice %arg2[%dma_wait3A_1255, %mul3A_2] : memref<1000x4096xf32, #tpu.memory_space<hbm>> -> memref<1x128xf32, #tpu.memory_space<hbm>>
    %dma_wait3A_1261 = tpu.memref_squeeze %dma_wait3A_1260 : memref<1x128xf32, #tpu.memory_space<hbm>> -> memref<128xf32, #tpu.memory_space<hbm>>
    %dma_wait3A_1262 = arith.constant 0 : i32
    %dma_wait3A_1263 = tpu.memref_slice %arg14[%dma_wait3A_1256, %dma_wait3A_1262] : memref<32x128xf32, #tpu.memory_space<vmem>> -> memref<1x128xf32, #tpu.memory_space<vmem>>
    %dma_wait3A_1264 = tpu.memref_squeeze %dma_wait3A_1263 : memref<1x128xf32, #tpu.memory_space<vmem>> -> memref<128xf32, #tpu.memory_space<vmem>>
    %dma_wait3A_1265 = tpu.memref_slice %arg2[%dma_wait3A_1255, %mul3A_2] : memref<1000x4096xf32, #tpu.memory_space<hbm>> -> memref<1x128xf32, #tpu.memory_space<hbm>>
    %dma_wait3A_1266 = tpu.memref_squeeze %dma_wait3A_1265 : memref<1x128xf32, #tpu.memory_space<hbm>> -> memref<128xf32, #tpu.memory_space<hbm>>
    tpu.wait_dma2 semaphore(%arg19 : memref<!tpu.dma_semaphore, #tpu.memory_space<semaphore_mem>>) src(%dma_wait3A_1266 : memref<128xf32, #tpu.memory_space<hbm>>) dst(%dma_wait3A_1264 : memref<128xf32, #tpu.memory_space<vmem>>)
    %dma_wait3A_1267 = arith.constant 0 : i32
    %dma_wait3A_1268 = arith.constant 15 : i32
    %dma_wait3A_1269 = arith.constant 0 : i32
    %dma_wait3A_1270 = tpu.memref_slice %arg13[%dma_wait3A_1268, %dma_wait3A_1269] : memref<32x128xf32, #tpu.memory_space<vmem>> -> memref<1x125xf32, #tpu.memory_space<vmem>>
    %dma_wait3A_1271 = tpu.memref_squeeze %dma_wait3A_1270 : memref<1x125xf32, #tpu.memory_space<vmem>> -> memref<125xf32, #tpu.memory_space<vmem>>
    %dma_wait3A_1272 = arith.constant 0 : i32
    %dma_wait3A_1273 = tpu.memref_slice %arg3[%dma_wait3A_1267, %dma_wait3A_1272] : memref<1000x125xf32, #tpu.memory_space<hbm>> -> memref<1x125xf32, #tpu.memory_space<hbm>>
    %dma_wait3A_1274 = tpu.memref_squeeze %dma_wait3A_1273 : memref<1x125xf32, #tpu.memory_space<hbm>> -> memref<125xf32, #tpu.memory_space<hbm>>
    %dma_wait3A_1275 = arith.constant 0 : i32
    %dma_wait3A_1276 = tpu.memref_slice %arg13[%dma_wait3A_1268, %dma_wait3A_1275] : memref<32x128xf32, #tpu.memory_space<vmem>> -> memref<1x125xf32, #tpu.memory_space<vmem>>
    %dma_wait3A_1277 = tpu.memref_squeeze %dma_wait3A_1276 : memref<1x125xf32, #tpu.memory_space<vmem>> -> memref<125xf32, #tpu.memory_space<vmem>>
    %dma_wait3A_1278 = arith.constant 0 : i32
    %dma_wait3A_1279 = tpu.memref_slice %arg3[%dma_wait3A_1267, %dma_wait3A_1278] : memref<1000x125xf32, #tpu.memory_space<hbm>> -> memref<1x125xf32, #tpu.memory_space<hbm>>
    %dma_wait3A_1280 = tpu.memref_squeeze %dma_wait3A_1279 : memref<1x125xf32, #tpu.memory_space<hbm>> -> memref<125xf32, #tpu.memory_space<hbm>>
    tpu.wait_dma2 semaphore(%arg19 : memref<!tpu.dma_semaphore, #tpu.memory_space<semaphore_mem>>) src(%dma_wait3A_1280 : memref<125xf32, #tpu.memory_space<hbm>>) dst(%dma_wait3A_1277 : memref<125xf32, #tpu.memory_space<vmem>>)
    %dma_wait3A_1281 = arith.constant 0 : i32
    %dma_wait3A_1282 = arith.constant 16 : i32
    %dma_wait3A_1283 = arith.constant 0 : i32
    %dma_wait3A_1284 = tpu.memref_slice %arg14[%dma_wait3A_1282, %dma_wait3A_1283] : memref<32x128xf32, #tpu.memory_space<vmem>> -> memref<1x128xf32, #tpu.memory_space<vmem>>
    %dma_wait3A_1285 = tpu.memref_squeeze %dma_wait3A_1284 : memref<1x128xf32, #tpu.memory_space<vmem>> -> memref<128xf32, #tpu.memory_space<vmem>>
    %dma_wait3A_1286 = tpu.memref_slice %arg2[%dma_wait3A_1281, %mul3A_2] : memref<1000x4096xf32, #tpu.memory_space<hbm>> -> memref<1x128xf32, #tpu.memory_space<hbm>>
    %dma_wait3A_1287 = tpu.memref_squeeze %dma_wait3A_1286 : memref<1x128xf32, #tpu.memory_space<hbm>> -> memref<128xf32, #tpu.memory_space<hbm>>
    %dma_wait3A_1288 = arith.constant 0 : i32
    %dma_wait3A_1289 = tpu.memref_slice %arg14[%dma_wait3A_1282, %dma_wait3A_1288] : memref<32x128xf32, #tpu.memory_space<vmem>> -> memref<1x128xf32, #tpu.memory_space<vmem>>
    %dma_wait3A_1290 = tpu.memref_squeeze %dma_wait3A_1289 : memref<1x128xf32, #tpu.memory_space<vmem>> -> memref<128xf32, #tpu.memory_space<vmem>>
    %dma_wait3A_1291 = tpu.memref_slice %arg2[%dma_wait3A_1281, %mul3A_2] : memref<1000x4096xf32, #tpu.memory_space<hbm>> -> memref<1x128xf32, #tpu.memory_space<hbm>>
    %dma_wait3A_1292 = tpu.memref_squeeze %dma_wait3A_1291 : memref<1x128xf32, #tpu.memory_space<hbm>> -> memref<128xf32, #tpu.memory_space<hbm>>
    tpu.wait_dma2 semaphore(%arg19 : memref<!tpu.dma_semaphore, #tpu.memory_space<semaphore_mem>>) src(%dma_wait3A_1292 : memref<128xf32, #tpu.memory_space<hbm>>) dst(%dma_wait3A_1290 : memref<128xf32, #tpu.memory_space<vmem>>)
    %dma_wait3A_1293 = arith.constant 0 : i32
    %dma_wait3A_1294 = arith.constant 16 : i32
    %dma_wait3A_1295 = arith.constant 0 : i32
    %dma_wait3A_1296 = tpu.memref_slice %arg13[%dma_wait3A_1294, %dma_wait3A_1295] : memref<32x128xf32, #tpu.memory_space<vmem>> -> memref<1x125xf32, #tpu.memory_space<vmem>>
    %dma_wait3A_1297 = tpu.memref_squeeze %dma_wait3A_1296 : memref<1x125xf32, #tpu.memory_space<vmem>> -> memref<125xf32, #tpu.memory_space<vmem>>
    %dma_wait3A_1298 = arith.constant 0 : i32
    %dma_wait3A_1299 = tpu.memref_slice %arg3[%dma_wait3A_1293, %dma_wait3A_1298] : memref<1000x125xf32, #tpu.memory_space<hbm>> -> memref<1x125xf32, #tpu.memory_space<hbm>>
    %dma_wait3A_1300 = tpu.memref_squeeze %dma_wait3A_1299 : memref<1x125xf32, #tpu.memory_space<hbm>> -> memref<125xf32, #tpu.memory_space<hbm>>
    %dma_wait3A_1301 = arith.constant 0 : i32
    %dma_wait3A_1302 = tpu.memref_slice %arg13[%dma_wait3A_1294, %dma_wait3A_1301] : memref<32x128xf32, #tpu.memory_space<vmem>> -> memref<1x125xf32, #tpu.memory_space<vmem>>
    %dma_wait3A_1303 = tpu.memref_squeeze %dma_wait3A_1302 : memref<1x125xf32, #tpu.memory_space<vmem>> -> memref<125xf32, #tpu.memory_space<vmem>>
    %dma_wait3A_1304 = arith.constant 0 : i32
    %dma_wait3A_1305 = tpu.memref_slice %arg3[%dma_wait3A_1293, %dma_wait3A_1304] : memref<1000x125xf32, #tpu.memory_space<hbm>> -> memref<1x125xf32, #tpu.memory_space<hbm>>
    %dma_wait3A_1306 = tpu.memref_squeeze %dma_wait3A_1305 : memref<1x125xf32, #tpu.memory_space<hbm>> -> memref<125xf32, #tpu.memory_space<hbm>>
    tpu.wait_dma2 semaphore(%arg19 : memref<!tpu.dma_semaphore, #tpu.memory_space<semaphore_mem>>) src(%dma_wait3A_1306 : memref<125xf32, #tpu.memory_space<hbm>>) dst(%dma_wait3A_1303 : memref<125xf32, #tpu.memory_space<vmem>>)
    %dma_wait3A_1307 = arith.constant 0 : i32
    %dma_wait3A_1308 = arith.constant 17 : i32
    %dma_wait3A_1309 = arith.constant 0 : i32
    %dma_wait3A_1310 = tpu.memref_slice %arg14[%dma_wait3A_1308, %dma_wait3A_1309] : memref<32x128xf32, #tpu.memory_space<vmem>> -> memref<1x128xf32, #tpu.memory_space<vmem>>
    %dma_wait3A_1311 = tpu.memref_squeeze %dma_wait3A_1310 : memref<1x128xf32, #tpu.memory_space<vmem>> -> memref<128xf32, #tpu.memory_space<vmem>>
    %dma_wait3A_1312 = tpu.memref_slice %arg2[%dma_wait3A_1307, %mul3A_2] : memref<1000x4096xf32, #tpu.memory_space<hbm>> -> memref<1x128xf32, #tpu.memory_space<hbm>>
    %dma_wait3A_1313 = tpu.memref_squeeze %dma_wait3A_1312 : memref<1x128xf32, #tpu.memory_space<hbm>> -> memref<128xf32, #tpu.memory_space<hbm>>
    %dma_wait3A_1314 = arith.constant 0 : i32
    %dma_wait3A_1315 = tpu.memref_slice %arg14[%dma_wait3A_1308, %dma_wait3A_1314] : memref<32x128xf32, #tpu.memory_space<vmem>> -> memref<1x128xf32, #tpu.memory_space<vmem>>
    %dma_wait3A_1316 = tpu.memref_squeeze %dma_wait3A_1315 : memref<1x128xf32, #tpu.memory_space<vmem>> -> memref<128xf32, #tpu.memory_space<vmem>>
    %dma_wait3A_1317 = tpu.memref_slice %arg2[%dma_wait3A_1307, %mul3A_2] : memref<1000x4096xf32, #tpu.memory_space<hbm>> -> memref<1x128xf32, #tpu.memory_space<hbm>>
    %dma_wait3A_1318 = tpu.memref_squeeze %dma_wait3A_1317 : memref<1x128xf32, #tpu.memory_space<hbm>> -> memref<128xf32, #tpu.memory_space<hbm>>
    tpu.wait_dma2 semaphore(%arg19 : memref<!tpu.dma_semaphore, #tpu.memory_space<semaphore_mem>>) src(%dma_wait3A_1318 : memref<128xf32, #tpu.memory_space<hbm>>) dst(%dma_wait3A_1316 : memref<128xf32, #tpu.memory_space<vmem>>)
    %dma_wait3A_1319 = arith.constant 0 : i32
    %dma_wait3A_1320 = arith.constant 17 : i32
    %dma_wait3A_1321 = arith.constant 0 : i32
    %dma_wait3A_1322 = tpu.memref_slice %arg13[%dma_wait3A_1320, %dma_wait3A_1321] : memref<32x128xf32, #tpu.memory_space<vmem>> -> memref<1x125xf32, #tpu.memory_space<vmem>>
    %dma_wait3A_1323 = tpu.memref_squeeze %dma_wait3A_1322 : memref<1x125xf32, #tpu.memory_space<vmem>> -> memref<125xf32, #tpu.memory_space<vmem>>
    %dma_wait3A_1324 = arith.constant 0 : i32
    %dma_wait3A_1325 = tpu.memref_slice %arg3[%dma_wait3A_1319, %dma_wait3A_1324] : memref<1000x125xf32, #tpu.memory_space<hbm>> -> memref<1x125xf32, #tpu.memory_space<hbm>>
    %dma_wait3A_1326 = tpu.memref_squeeze %dma_wait3A_1325 : memref<1x125xf32, #tpu.memory_space<hbm>> -> memref<125xf32, #tpu.memory_space<hbm>>
    %dma_wait3A_1327 = arith.constant 0 : i32
    %dma_wait3A_1328 = tpu.memref_slice %arg13[%dma_wait3A_1320, %dma_wait3A_1327] : memref<32x128xf32, #tpu.memory_space<vmem>> -> memref<1x125xf32, #tpu.memory_space<vmem>>
    %dma_wait3A_1329 = tpu.memref_squeeze %dma_wait3A_1328 : memref<1x125xf32, #tpu.memory_space<vmem>> -> memref<125xf32, #tpu.memory_space<vmem>>
    %dma_wait3A_1330 = arith.constant 0 : i32
    %dma_wait3A_1331 = tpu.memref_slice %arg3[%dma_wait3A_1319, %dma_wait3A_1330] : memref<1000x125xf32, #tpu.memory_space<hbm>> -> memref<1x125xf32, #tpu.memory_space<hbm>>
    %dma_wait3A_1332 = tpu.memref_squeeze %dma_wait3A_1331 : memref<1x125xf32, #tpu.memory_space<hbm>> -> memref<125xf32, #tpu.memory_space<hbm>>
    tpu.wait_dma2 semaphore(%arg19 : memref<!tpu.dma_semaphore, #tpu.memory_space<semaphore_mem>>) src(%dma_wait3A_1332 : memref<125xf32, #tpu.memory_space<hbm>>) dst(%dma_wait3A_1329 : memref<125xf32, #tpu.memory_space<vmem>>)
    %dma_wait3A_1333 = arith.constant 0 : i32
    %dma_wait3A_1334 = arith.constant 18 : i32
    %dma_wait3A_1335 = arith.constant 0 : i32
    %dma_wait3A_1336 = tpu.memref_slice %arg14[%dma_wait3A_1334, %dma_wait3A_1335] : memref<32x128xf32, #tpu.memory_space<vmem>> -> memref<1x128xf32, #tpu.memory_space<vmem>>
    %dma_wait3A_1337 = tpu.memref_squeeze %dma_wait3A_1336 : memref<1x128xf32, #tpu.memory_space<vmem>> -> memref<128xf32, #tpu.memory_space<vmem>>
    %dma_wait3A_1338 = tpu.memref_slice %arg2[%dma_wait3A_1333, %mul3A_2] : memref<1000x4096xf32, #tpu.memory_space<hbm>> -> memref<1x128xf32, #tpu.memory_space<hbm>>
    %dma_wait3A_1339 = tpu.memref_squeeze %dma_wait3A_1338 : memref<1x128xf32, #tpu.memory_space<hbm>> -> memref<128xf32, #tpu.memory_space<hbm>>
    %dma_wait3A_1340 = arith.constant 0 : i32
    %dma_wait3A_1341 = tpu.memref_slice %arg14[%dma_wait3A_1334, %dma_wait3A_1340] : memref<32x128xf32, #tpu.memory_space<vmem>> -> memref<1x128xf32, #tpu.memory_space<vmem>>
    %dma_wait3A_1342 = tpu.memref_squeeze %dma_wait3A_1341 : memref<1x128xf32, #tpu.memory_space<vmem>> -> memref<128xf32, #tpu.memory_space<vmem>>
    %dma_wait3A_1343 = tpu.memref_slice %arg2[%dma_wait3A_1333, %mul3A_2] : memref<1000x4096xf32, #tpu.memory_space<hbm>> -> memref<1x128xf32, #tpu.memory_space<hbm>>
    %dma_wait3A_1344 = tpu.memref_squeeze %dma_wait3A_1343 : memref<1x128xf32, #tpu.memory_space<hbm>> -> memref<128xf32, #tpu.memory_space<hbm>>
    tpu.wait_dma2 semaphore(%arg19 : memref<!tpu.dma_semaphore, #tpu.memory_space<semaphore_mem>>) src(%dma_wait3A_1344 : memref<128xf32, #tpu.memory_space<hbm>>) dst(%dma_wait3A_1342 : memref<128xf32, #tpu.memory_space<vmem>>)
    %dma_wait3A_1345 = arith.constant 0 : i32
    %dma_wait3A_1346 = arith.constant 18 : i32
    %dma_wait3A_1347 = arith.constant 0 : i32
    %dma_wait3A_1348 = tpu.memref_slice %arg13[%dma_wait3A_1346, %dma_wait3A_1347] : memref<32x128xf32, #tpu.memory_space<vmem>> -> memref<1x125xf32, #tpu.memory_space<vmem>>
    %dma_wait3A_1349 = tpu.memref_squeeze %dma_wait3A_1348 : memref<1x125xf32, #tpu.memory_space<vmem>> -> memref<125xf32, #tpu.memory_space<vmem>>
    %dma_wait3A_1350 = arith.constant 0 : i32
    %dma_wait3A_1351 = tpu.memref_slice %arg3[%dma_wait3A_1345, %dma_wait3A_1350] : memref<1000x125xf32, #tpu.memory_space<hbm>> -> memref<1x125xf32, #tpu.memory_space<hbm>>
    %dma_wait3A_1352 = tpu.memref_squeeze %dma_wait3A_1351 : memref<1x125xf32, #tpu.memory_space<hbm>> -> memref<125xf32, #tpu.memory_space<hbm>>
    %dma_wait3A_1353 = arith.constant 0 : i32
    %dma_wait3A_1354 = tpu.memref_slice %arg13[%dma_wait3A_1346, %dma_wait3A_1353] : memref<32x128xf32, #tpu.memory_space<vmem>> -> memref<1x125xf32, #tpu.memory_space<vmem>>
    %dma_wait3A_1355 = tpu.memref_squeeze %dma_wait3A_1354 : memref<1x125xf32, #tpu.memory_space<vmem>> -> memref<125xf32, #tpu.memory_space<vmem>>
    %dma_wait3A_1356 = arith.constant 0 : i32
    %dma_wait3A_1357 = tpu.memref_slice %arg3[%dma_wait3A_1345, %dma_wait3A_1356] : memref<1000x125xf32, #tpu.memory_space<hbm>> -> memref<1x125xf32, #tpu.memory_space<hbm>>
    %dma_wait3A_1358 = tpu.memref_squeeze %dma_wait3A_1357 : memref<1x125xf32, #tpu.memory_space<hbm>> -> memref<125xf32, #tpu.memory_space<hbm>>
    tpu.wait_dma2 semaphore(%arg19 : memref<!tpu.dma_semaphore, #tpu.memory_space<semaphore_mem>>) src(%dma_wait3A_1358 : memref<125xf32, #tpu.memory_space<hbm>>) dst(%dma_wait3A_1355 : memref<125xf32, #tpu.memory_space<vmem>>)
    %dma_wait3A_1359 = arith.constant 0 : i32
    %dma_wait3A_1360 = arith.constant 19 : i32
    %dma_wait3A_1361 = arith.constant 0 : i32
    %dma_wait3A_1362 = tpu.memref_slice %arg14[%dma_wait3A_1360, %dma_wait3A_1361] : memref<32x128xf32, #tpu.memory_space<vmem>> -> memref<1x128xf32, #tpu.memory_space<vmem>>
    %dma_wait3A_1363 = tpu.memref_squeeze %dma_wait3A_1362 : memref<1x128xf32, #tpu.memory_space<vmem>> -> memref<128xf32, #tpu.memory_space<vmem>>
    %dma_wait3A_1364 = tpu.memref_slice %arg2[%dma_wait3A_1359, %mul3A_2] : memref<1000x4096xf32, #tpu.memory_space<hbm>> -> memref<1x128xf32, #tpu.memory_space<hbm>>
    %dma_wait3A_1365 = tpu.memref_squeeze %dma_wait3A_1364 : memref<1x128xf32, #tpu.memory_space<hbm>> -> memref<128xf32, #tpu.memory_space<hbm>>
    %dma_wait3A_1366 = arith.constant 0 : i32
    %dma_wait3A_1367 = tpu.memref_slice %arg14[%dma_wait3A_1360, %dma_wait3A_1366] : memref<32x128xf32, #tpu.memory_space<vmem>> -> memref<1x128xf32, #tpu.memory_space<vmem>>
    %dma_wait3A_1368 = tpu.memref_squeeze %dma_wait3A_1367 : memref<1x128xf32, #tpu.memory_space<vmem>> -> memref<128xf32, #tpu.memory_space<vmem>>
    %dma_wait3A_1369 = tpu.memref_slice %arg2[%dma_wait3A_1359, %mul3A_2] : memref<1000x4096xf32, #tpu.memory_space<hbm>> -> memref<1x128xf32, #tpu.memory_space<hbm>>
    %dma_wait3A_1370 = tpu.memref_squeeze %dma_wait3A_1369 : memref<1x128xf32, #tpu.memory_space<hbm>> -> memref<128xf32, #tpu.memory_space<hbm>>
    tpu.wait_dma2 semaphore(%arg19 : memref<!tpu.dma_semaphore, #tpu.memory_space<semaphore_mem>>) src(%dma_wait3A_1370 : memref<128xf32, #tpu.memory_space<hbm>>) dst(%dma_wait3A_1368 : memref<128xf32, #tpu.memory_space<vmem>>)
    %dma_wait3A_1371 = arith.constant 0 : i32
    %dma_wait3A_1372 = arith.constant 19 : i32
    %dma_wait3A_1373 = arith.constant 0 : i32
    %dma_wait3A_1374 = tpu.memref_slice %arg13[%dma_wait3A_1372, %dma_wait3A_1373] : memref<32x128xf32, #tpu.memory_space<vmem>> -> memref<1x125xf32, #tpu.memory_space<vmem>>
    %dma_wait3A_1375 = tpu.memref_squeeze %dma_wait3A_1374 : memref<1x125xf32, #tpu.memory_space<vmem>> -> memref<125xf32, #tpu.memory_space<vmem>>
    %dma_wait3A_1376 = arith.constant 0 : i32
    %dma_wait3A_1377 = tpu.memref_slice %arg3[%dma_wait3A_1371, %dma_wait3A_1376] : memref<1000x125xf32, #tpu.memory_space<hbm>> -> memref<1x125xf32, #tpu.memory_space<hbm>>
    %dma_wait3A_1378 = tpu.memref_squeeze %dma_wait3A_1377 : memref<1x125xf32, #tpu.memory_space<hbm>> -> memref<125xf32, #tpu.memory_space<hbm>>
    %dma_wait3A_1379 = arith.constant 0 : i32
    %dma_wait3A_1380 = tpu.memref_slice %arg13[%dma_wait3A_1372, %dma_wait3A_1379] : memref<32x128xf32, #tpu.memory_space<vmem>> -> memref<1x125xf32, #tpu.memory_space<vmem>>
    %dma_wait3A_1381 = tpu.memref_squeeze %dma_wait3A_1380 : memref<1x125xf32, #tpu.memory_space<vmem>> -> memref<125xf32, #tpu.memory_space<vmem>>
    %dma_wait3A_1382 = arith.constant 0 : i32
    %dma_wait3A_1383 = tpu.memref_slice %arg3[%dma_wait3A_1371, %dma_wait3A_1382] : memref<1000x125xf32, #tpu.memory_space<hbm>> -> memref<1x125xf32, #tpu.memory_space<hbm>>
    %dma_wait3A_1384 = tpu.memref_squeeze %dma_wait3A_1383 : memref<1x125xf32, #tpu.memory_space<hbm>> -> memref<125xf32, #tpu.memory_space<hbm>>
    tpu.wait_dma2 semaphore(%arg19 : memref<!tpu.dma_semaphore, #tpu.memory_space<semaphore_mem>>) src(%dma_wait3A_1384 : memref<125xf32, #tpu.memory_space<hbm>>) dst(%dma_wait3A_1381 : memref<125xf32, #tpu.memory_space<vmem>>)
    %dma_wait3A_1385 = arith.constant 0 : i32
    %dma_wait3A_1386 = arith.constant 20 : i32
    %dma_wait3A_1387 = arith.constant 0 : i32
    %dma_wait3A_1388 = tpu.memref_slice %arg14[%dma_wait3A_1386, %dma_wait3A_1387] : memref<32x128xf32, #tpu.memory_space<vmem>> -> memref<1x128xf32, #tpu.memory_space<vmem>>
    %dma_wait3A_1389 = tpu.memref_squeeze %dma_wait3A_1388 : memref<1x128xf32, #tpu.memory_space<vmem>> -> memref<128xf32, #tpu.memory_space<vmem>>
    %dma_wait3A_1390 = tpu.memref_slice %arg2[%dma_wait3A_1385, %mul3A_2] : memref<1000x4096xf32, #tpu.memory_space<hbm>> -> memref<1x128xf32, #tpu.memory_space<hbm>>
    %dma_wait3A_1391 = tpu.memref_squeeze %dma_wait3A_1390 : memref<1x128xf32, #tpu.memory_space<hbm>> -> memref<128xf32, #tpu.memory_space<hbm>>
    %dma_wait3A_1392 = arith.constant 0 : i32
    %dma_wait3A_1393 = tpu.memref_slice %arg14[%dma_wait3A_1386, %dma_wait3A_1392] : memref<32x128xf32, #tpu.memory_space<vmem>> -> memref<1x128xf32, #tpu.memory_space<vmem>>
    %dma_wait3A_1394 = tpu.memref_squeeze %dma_wait3A_1393 : memref<1x128xf32, #tpu.memory_space<vmem>> -> memref<128xf32, #tpu.memory_space<vmem>>
    %dma_wait3A_1395 = tpu.memref_slice %arg2[%dma_wait3A_1385, %mul3A_2] : memref<1000x4096xf32, #tpu.memory_space<hbm>> -> memref<1x128xf32, #tpu.memory_space<hbm>>
    %dma_wait3A_1396 = tpu.memref_squeeze %dma_wait3A_1395 : memref<1x128xf32, #tpu.memory_space<hbm>> -> memref<128xf32, #tpu.memory_space<hbm>>
    tpu.wait_dma2 semaphore(%arg19 : memref<!tpu.dma_semaphore, #tpu.memory_space<semaphore_mem>>) src(%dma_wait3A_1396 : memref<128xf32, #tpu.memory_space<hbm>>) dst(%dma_wait3A_1394 : memref<128xf32, #tpu.memory_space<vmem>>)
    %dma_wait3A_1397 = arith.constant 0 : i32
    %dma_wait3A_1398 = arith.constant 20 : i32
    %dma_wait3A_1399 = arith.constant 0 : i32
    %dma_wait3A_1400 = tpu.memref_slice %arg13[%dma_wait3A_1398, %dma_wait3A_1399] : memref<32x128xf32, #tpu.memory_space<vmem>> -> memref<1x125xf32, #tpu.memory_space<vmem>>
    %dma_wait3A_1401 = tpu.memref_squeeze %dma_wait3A_1400 : memref<1x125xf32, #tpu.memory_space<vmem>> -> memref<125xf32, #tpu.memory_space<vmem>>
    %dma_wait3A_1402 = arith.constant 0 : i32
    %dma_wait3A_1403 = tpu.memref_slice %arg3[%dma_wait3A_1397, %dma_wait3A_1402] : memref<1000x125xf32, #tpu.memory_space<hbm>> -> memref<1x125xf32, #tpu.memory_space<hbm>>
    %dma_wait3A_1404 = tpu.memref_squeeze %dma_wait3A_1403 : memref<1x125xf32, #tpu.memory_space<hbm>> -> memref<125xf32, #tpu.memory_space<hbm>>
    %dma_wait3A_1405 = arith.constant 0 : i32
    %dma_wait3A_1406 = tpu.memref_slice %arg13[%dma_wait3A_1398, %dma_wait3A_1405] : memref<32x128xf32, #tpu.memory_space<vmem>> -> memref<1x125xf32, #tpu.memory_space<vmem>>
    %dma_wait3A_1407 = tpu.memref_squeeze %dma_wait3A_1406 : memref<1x125xf32, #tpu.memory_space<vmem>> -> memref<125xf32, #tpu.memory_space<vmem>>
    %dma_wait3A_1408 = arith.constant 0 : i32
    %dma_wait3A_1409 = tpu.memref_slice %arg3[%dma_wait3A_1397, %dma_wait3A_1408] : memref<1000x125xf32, #tpu.memory_space<hbm>> -> memref<1x125xf32, #tpu.memory_space<hbm>>
    %dma_wait3A_1410 = tpu.memref_squeeze %dma_wait3A_1409 : memref<1x125xf32, #tpu.memory_space<hbm>> -> memref<125xf32, #tpu.memory_space<hbm>>
    tpu.wait_dma2 semaphore(%arg19 : memref<!tpu.dma_semaphore, #tpu.memory_space<semaphore_mem>>) src(%dma_wait3A_1410 : memref<125xf32, #tpu.memory_space<hbm>>) dst(%dma_wait3A_1407 : memref<125xf32, #tpu.memory_space<vmem>>)
    %dma_wait3A_1411 = arith.constant 0 : i32
    %dma_wait3A_1412 = arith.constant 21 : i32
    %dma_wait3A_1413 = arith.constant 0 : i32
    %dma_wait3A_1414 = tpu.memref_slice %arg14[%dma_wait3A_1412, %dma_wait3A_1413] : memref<32x128xf32, #tpu.memory_space<vmem>> -> memref<1x128xf32, #tpu.memory_space<vmem>>
    %dma_wait3A_1415 = tpu.memref_squeeze %dma_wait3A_1414 : memref<1x128xf32, #tpu.memory_space<vmem>> -> memref<128xf32, #tpu.memory_space<vmem>>
    %dma_wait3A_1416 = tpu.memref_slice %arg2[%dma_wait3A_1411, %mul3A_2] : memref<1000x4096xf32, #tpu.memory_space<hbm>> -> memref<1x128xf32, #tpu.memory_space<hbm>>
    %dma_wait3A_1417 = tpu.memref_squeeze %dma_wait3A_1416 : memref<1x128xf32, #tpu.memory_space<hbm>> -> memref<128xf32, #tpu.memory_space<hbm>>
    %dma_wait3A_1418 = arith.constant 0 : i32
    %dma_wait3A_1419 = tpu.memref_slice %arg14[%dma_wait3A_1412, %dma_wait3A_1418] : memref<32x128xf32, #tpu.memory_space<vmem>> -> memref<1x128xf32, #tpu.memory_space<vmem>>
    %dma_wait3A_1420 = tpu.memref_squeeze %dma_wait3A_1419 : memref<1x128xf32, #tpu.memory_space<vmem>> -> memref<128xf32, #tpu.memory_space<vmem>>
    %dma_wait3A_1421 = tpu.memref_slice %arg2[%dma_wait3A_1411, %mul3A_2] : memref<1000x4096xf32, #tpu.memory_space<hbm>> -> memref<1x128xf32, #tpu.memory_space<hbm>>
    %dma_wait3A_1422 = tpu.memref_squeeze %dma_wait3A_1421 : memref<1x128xf32, #tpu.memory_space<hbm>> -> memref<128xf32, #tpu.memory_space<hbm>>
    tpu.wait_dma2 semaphore(%arg19 : memref<!tpu.dma_semaphore, #tpu.memory_space<semaphore_mem>>) src(%dma_wait3A_1422 : memref<128xf32, #tpu.memory_space<hbm>>) dst(%dma_wait3A_1420 : memref<128xf32, #tpu.memory_space<vmem>>)
    %dma_wait3A_1423 = arith.constant 0 : i32
    %dma_wait3A_1424 = arith.constant 21 : i32
    %dma_wait3A_1425 = arith.constant 0 : i32
    %dma_wait3A_1426 = tpu.memref_slice %arg13[%dma_wait3A_1424, %dma_wait3A_1425] : memref<32x128xf32, #tpu.memory_space<vmem>> -> memref<1x125xf32, #tpu.memory_space<vmem>>
    %dma_wait3A_1427 = tpu.memref_squeeze %dma_wait3A_1426 : memref<1x125xf32, #tpu.memory_space<vmem>> -> memref<125xf32, #tpu.memory_space<vmem>>
    %dma_wait3A_1428 = arith.constant 0 : i32
    %dma_wait3A_1429 = tpu.memref_slice %arg3[%dma_wait3A_1423, %dma_wait3A_1428] : memref<1000x125xf32, #tpu.memory_space<hbm>> -> memref<1x125xf32, #tpu.memory_space<hbm>>
    %dma_wait3A_1430 = tpu.memref_squeeze %dma_wait3A_1429 : memref<1x125xf32, #tpu.memory_space<hbm>> -> memref<125xf32, #tpu.memory_space<hbm>>
    %dma_wait3A_1431 = arith.constant 0 : i32
    %dma_wait3A_1432 = tpu.memref_slice %arg13[%dma_wait3A_1424, %dma_wait3A_1431] : memref<32x128xf32, #tpu.memory_space<vmem>> -> memref<1x125xf32, #tpu.memory_space<vmem>>
    %dma_wait3A_1433 = tpu.memref_squeeze %dma_wait3A_1432 : memref<1x125xf32, #tpu.memory_space<vmem>> -> memref<125xf32, #tpu.memory_space<vmem>>
    %dma_wait3A_1434 = arith.constant 0 : i32
    %dma_wait3A_1435 = tpu.memref_slice %arg3[%dma_wait3A_1423, %dma_wait3A_1434] : memref<1000x125xf32, #tpu.memory_space<hbm>> -> memref<1x125xf32, #tpu.memory_space<hbm>>
    %dma_wait3A_1436 = tpu.memref_squeeze %dma_wait3A_1435 : memref<1x125xf32, #tpu.memory_space<hbm>> -> memref<125xf32, #tpu.memory_space<hbm>>
    tpu.wait_dma2 semaphore(%arg19 : memref<!tpu.dma_semaphore, #tpu.memory_space<semaphore_mem>>) src(%dma_wait3A_1436 : memref<125xf32, #tpu.memory_space<hbm>>) dst(%dma_wait3A_1433 : memref<125xf32, #tpu.memory_space<vmem>>)
    %dma_wait3A_1437 = arith.constant 0 : i32
    %dma_wait3A_1438 = arith.constant 22 : i32
    %dma_wait3A_1439 = arith.constant 0 : i32
    %dma_wait3A_1440 = tpu.memref_slice %arg14[%dma_wait3A_1438, %dma_wait3A_1439] : memref<32x128xf32, #tpu.memory_space<vmem>> -> memref<1x128xf32, #tpu.memory_space<vmem>>
    %dma_wait3A_1441 = tpu.memref_squeeze %dma_wait3A_1440 : memref<1x128xf32, #tpu.memory_space<vmem>> -> memref<128xf32, #tpu.memory_space<vmem>>
    %dma_wait3A_1442 = tpu.memref_slice %arg2[%dma_wait3A_1437, %mul3A_2] : memref<1000x4096xf32, #tpu.memory_space<hbm>> -> memref<1x128xf32, #tpu.memory_space<hbm>>
    %dma_wait3A_1443 = tpu.memref_squeeze %dma_wait3A_1442 : memref<1x128xf32, #tpu.memory_space<hbm>> -> memref<128xf32, #tpu.memory_space<hbm>>
    %dma_wait3A_1444 = arith.constant 0 : i32
    %dma_wait3A_1445 = tpu.memref_slice %arg14[%dma_wait3A_1438, %dma_wait3A_1444] : memref<32x128xf32, #tpu.memory_space<vmem>> -> memref<1x128xf32, #tpu.memory_space<vmem>>
    %dma_wait3A_1446 = tpu.memref_squeeze %dma_wait3A_1445 : memref<1x128xf32, #tpu.memory_space<vmem>> -> memref<128xf32, #tpu.memory_space<vmem>>
    %dma_wait3A_1447 = tpu.memref_slice %arg2[%dma_wait3A_1437, %mul3A_2] : memref<1000x4096xf32, #tpu.memory_space<hbm>> -> memref<1x128xf32, #tpu.memory_space<hbm>>
    %dma_wait3A_1448 = tpu.memref_squeeze %dma_wait3A_1447 : memref<1x128xf32, #tpu.memory_space<hbm>> -> memref<128xf32, #tpu.memory_space<hbm>>
    tpu.wait_dma2 semaphore(%arg19 : memref<!tpu.dma_semaphore, #tpu.memory_space<semaphore_mem>>) src(%dma_wait3A_1448 : memref<128xf32, #tpu.memory_space<hbm>>) dst(%dma_wait3A_1446 : memref<128xf32, #tpu.memory_space<vmem>>)
    %dma_wait3A_1449 = arith.constant 0 : i32
    %dma_wait3A_1450 = arith.constant 22 : i32
    %dma_wait3A_1451 = arith.constant 0 : i32
    %dma_wait3A_1452 = tpu.memref_slice %arg13[%dma_wait3A_1450, %dma_wait3A_1451] : memref<32x128xf32, #tpu.memory_space<vmem>> -> memref<1x125xf32, #tpu.memory_space<vmem>>
    %dma_wait3A_1453 = tpu.memref_squeeze %dma_wait3A_1452 : memref<1x125xf32, #tpu.memory_space<vmem>> -> memref<125xf32, #tpu.memory_space<vmem>>
    %dma_wait3A_1454 = arith.constant 0 : i32
    %dma_wait3A_1455 = tpu.memref_slice %arg3[%dma_wait3A_1449, %dma_wait3A_1454] : memref<1000x125xf32, #tpu.memory_space<hbm>> -> memref<1x125xf32, #tpu.memory_space<hbm>>
    %dma_wait3A_1456 = tpu.memref_squeeze %dma_wait3A_1455 : memref<1x125xf32, #tpu.memory_space<hbm>> -> memref<125xf32, #tpu.memory_space<hbm>>
    %dma_wait3A_1457 = arith.constant 0 : i32
    %dma_wait3A_1458 = tpu.memref_slice %arg13[%dma_wait3A_1450, %dma_wait3A_1457] : memref<32x128xf32, #tpu.memory_space<vmem>> -> memref<1x125xf32, #tpu.memory_space<vmem>>
    %dma_wait3A_1459 = tpu.memref_squeeze %dma_wait3A_1458 : memref<1x125xf32, #tpu.memory_space<vmem>> -> memref<125xf32, #tpu.memory_space<vmem>>
    %dma_wait3A_1460 = arith.constant 0 : i32
    %dma_wait3A_1461 = tpu.memref_slice %arg3[%dma_wait3A_1449, %dma_wait3A_1460] : memref<1000x125xf32, #tpu.memory_space<hbm>> -> memref<1x125xf32, #tpu.memory_space<hbm>>
    %dma_wait3A_1462 = tpu.memref_squeeze %dma_wait3A_1461 : memref<1x125xf32, #tpu.memory_space<hbm>> -> memref<125xf32, #tpu.memory_space<hbm>>
    tpu.wait_dma2 semaphore(%arg19 : memref<!tpu.dma_semaphore, #tpu.memory_space<semaphore_mem>>) src(%dma_wait3A_1462 : memref<125xf32, #tpu.memory_space<hbm>>) dst(%dma_wait3A_1459 : memref<125xf32, #tpu.memory_space<vmem>>)
    %dma_wait3A_1463 = arith.constant 0 : i32
    %dma_wait3A_1464 = arith.constant 23 : i32
    %dma_wait3A_1465 = arith.constant 0 : i32
    %dma_wait3A_1466 = tpu.memref_slice %arg14[%dma_wait3A_1464, %dma_wait3A_1465] : memref<32x128xf32, #tpu.memory_space<vmem>> -> memref<1x128xf32, #tpu.memory_space<vmem>>
    %dma_wait3A_1467 = tpu.memref_squeeze %dma_wait3A_1466 : memref<1x128xf32, #tpu.memory_space<vmem>> -> memref<128xf32, #tpu.memory_space<vmem>>
    %dma_wait3A_1468 = tpu.memref_slice %arg2[%dma_wait3A_1463, %mul3A_2] : memref<1000x4096xf32, #tpu.memory_space<hbm>> -> memref<1x128xf32, #tpu.memory_space<hbm>>
    %dma_wait3A_1469 = tpu.memref_squeeze %dma_wait3A_1468 : memref<1x128xf32, #tpu.memory_space<hbm>> -> memref<128xf32, #tpu.memory_space<hbm>>
    %dma_wait3A_1470 = arith.constant 0 : i32
    %dma_wait3A_1471 = tpu.memref_slice %arg14[%dma_wait3A_1464, %dma_wait3A_1470] : memref<32x128xf32, #tpu.memory_space<vmem>> -> memref<1x128xf32, #tpu.memory_space<vmem>>
    %dma_wait3A_1472 = tpu.memref_squeeze %dma_wait3A_1471 : memref<1x128xf32, #tpu.memory_space<vmem>> -> memref<128xf32, #tpu.memory_space<vmem>>
    %dma_wait3A_1473 = tpu.memref_slice %arg2[%dma_wait3A_1463, %mul3A_2] : memref<1000x4096xf32, #tpu.memory_space<hbm>> -> memref<1x128xf32, #tpu.memory_space<hbm>>
    %dma_wait3A_1474 = tpu.memref_squeeze %dma_wait3A_1473 : memref<1x128xf32, #tpu.memory_space<hbm>> -> memref<128xf32, #tpu.memory_space<hbm>>
    tpu.wait_dma2 semaphore(%arg19 : memref<!tpu.dma_semaphore, #tpu.memory_space<semaphore_mem>>) src(%dma_wait3A_1474 : memref<128xf32, #tpu.memory_space<hbm>>) dst(%dma_wait3A_1472 : memref<128xf32, #tpu.memory_space<vmem>>)
    %dma_wait3A_1475 = arith.constant 0 : i32
    %dma_wait3A_1476 = arith.constant 23 : i32
    %dma_wait3A_1477 = arith.constant 0 : i32
    %dma_wait3A_1478 = tpu.memref_slice %arg13[%dma_wait3A_1476, %dma_wait3A_1477] : memref<32x128xf32, #tpu.memory_space<vmem>> -> memref<1x125xf32, #tpu.memory_space<vmem>>
    %dma_wait3A_1479 = tpu.memref_squeeze %dma_wait3A_1478 : memref<1x125xf32, #tpu.memory_space<vmem>> -> memref<125xf32, #tpu.memory_space<vmem>>
    %dma_wait3A_1480 = arith.constant 0 : i32
    %dma_wait3A_1481 = tpu.memref_slice %arg3[%dma_wait3A_1475, %dma_wait3A_1480] : memref<1000x125xf32, #tpu.memory_space<hbm>> -> memref<1x125xf32, #tpu.memory_space<hbm>>
    %dma_wait3A_1482 = tpu.memref_squeeze %dma_wait3A_1481 : memref<1x125xf32, #tpu.memory_space<hbm>> -> memref<125xf32, #tpu.memory_space<hbm>>
    %dma_wait3A_1483 = arith.constant 0 : i32
    %dma_wait3A_1484 = tpu.memref_slice %arg13[%dma_wait3A_1476, %dma_wait3A_1483] : memref<32x128xf32, #tpu.memory_space<vmem>> -> memref<1x125xf32, #tpu.memory_space<vmem>>
    %dma_wait3A_1485 = tpu.memref_squeeze %dma_wait3A_1484 : memref<1x125xf32, #tpu.memory_space<vmem>> -> memref<125xf32, #tpu.memory_space<vmem>>
    %dma_wait3A_1486 = arith.constant 0 : i32
    %dma_wait3A_1487 = tpu.memref_slice %arg3[%dma_wait3A_1475, %dma_wait3A_1486] : memref<1000x125xf32, #tpu.memory_space<hbm>> -> memref<1x125xf32, #tpu.memory_space<hbm>>
    %dma_wait3A_1488 = tpu.memref_squeeze %dma_wait3A_1487 : memref<1x125xf32, #tpu.memory_space<hbm>> -> memref<125xf32, #tpu.memory_space<hbm>>
    tpu.wait_dma2 semaphore(%arg19 : memref<!tpu.dma_semaphore, #tpu.memory_space<semaphore_mem>>) src(%dma_wait3A_1488 : memref<125xf32, #tpu.memory_space<hbm>>) dst(%dma_wait3A_1485 : memref<125xf32, #tpu.memory_space<vmem>>)
    %dma_wait3A_1489 = arith.constant 0 : i32
    %dma_wait3A_1490 = arith.constant 24 : i32
    %dma_wait3A_1491 = arith.constant 0 : i32
    %dma_wait3A_1492 = tpu.memref_slice %arg14[%dma_wait3A_1490, %dma_wait3A_1491] : memref<32x128xf32, #tpu.memory_space<vmem>> -> memref<1x128xf32, #tpu.memory_space<vmem>>
    %dma_wait3A_1493 = tpu.memref_squeeze %dma_wait3A_1492 : memref<1x128xf32, #tpu.memory_space<vmem>> -> memref<128xf32, #tpu.memory_space<vmem>>
    %dma_wait3A_1494 = tpu.memref_slice %arg2[%dma_wait3A_1489, %mul3A_2] : memref<1000x4096xf32, #tpu.memory_space<hbm>> -> memref<1x128xf32, #tpu.memory_space<hbm>>
    %dma_wait3A_1495 = tpu.memref_squeeze %dma_wait3A_1494 : memref<1x128xf32, #tpu.memory_space<hbm>> -> memref<128xf32, #tpu.memory_space<hbm>>
    %dma_wait3A_1496 = arith.constant 0 : i32
    %dma_wait3A_1497 = tpu.memref_slice %arg14[%dma_wait3A_1490, %dma_wait3A_1496] : memref<32x128xf32, #tpu.memory_space<vmem>> -> memref<1x128xf32, #tpu.memory_space<vmem>>
    %dma_wait3A_1498 = tpu.memref_squeeze %dma_wait3A_1497 : memref<1x128xf32, #tpu.memory_space<vmem>> -> memref<128xf32, #tpu.memory_space<vmem>>
    %dma_wait3A_1499 = tpu.memref_slice %arg2[%dma_wait3A_1489, %mul3A_2] : memref<1000x4096xf32, #tpu.memory_space<hbm>> -> memref<1x128xf32, #tpu.memory_space<hbm>>
    %dma_wait3A_1500 = tpu.memref_squeeze %dma_wait3A_1499 : memref<1x128xf32, #tpu.memory_space<hbm>> -> memref<128xf32, #tpu.memory_space<hbm>>
    tpu.wait_dma2 semaphore(%arg19 : memref<!tpu.dma_semaphore, #tpu.memory_space<semaphore_mem>>) src(%dma_wait3A_1500 : memref<128xf32, #tpu.memory_space<hbm>>) dst(%dma_wait3A_1498 : memref<128xf32, #tpu.memory_space<vmem>>)
    %dma_wait3A_1501 = arith.constant 0 : i32
    %dma_wait3A_1502 = arith.constant 24 : i32
    %dma_wait3A_1503 = arith.constant 0 : i32
    %dma_wait3A_1504 = tpu.memref_slice %arg13[%dma_wait3A_1502, %dma_wait3A_1503] : memref<32x128xf32, #tpu.memory_space<vmem>> -> memref<1x125xf32, #tpu.memory_space<vmem>>
    %dma_wait3A_1505 = tpu.memref_squeeze %dma_wait3A_1504 : memref<1x125xf32, #tpu.memory_space<vmem>> -> memref<125xf32, #tpu.memory_space<vmem>>
    %dma_wait3A_1506 = arith.constant 0 : i32
    %dma_wait3A_1507 = tpu.memref_slice %arg3[%dma_wait3A_1501, %dma_wait3A_1506] : memref<1000x125xf32, #tpu.memory_space<hbm>> -> memref<1x125xf32, #tpu.memory_space<hbm>>
    %dma_wait3A_1508 = tpu.memref_squeeze %dma_wait3A_1507 : memref<1x125xf32, #tpu.memory_space<hbm>> -> memref<125xf32, #tpu.memory_space<hbm>>
    %dma_wait3A_1509 = arith.constant 0 : i32
    %dma_wait3A_1510 = tpu.memref_slice %arg13[%dma_wait3A_1502, %dma_wait3A_1509] : memref<32x128xf32, #tpu.memory_space<vmem>> -> memref<1x125xf32, #tpu.memory_space<vmem>>
    %dma_wait3A_1511 = tpu.memref_squeeze %dma_wait3A_1510 : memref<1x125xf32, #tpu.memory_space<vmem>> -> memref<125xf32, #tpu.memory_space<vmem>>
    %dma_wait3A_1512 = arith.constant 0 : i32
    %dma_wait3A_1513 = tpu.memref_slice %arg3[%dma_wait3A_1501, %dma_wait3A_1512] : memref<1000x125xf32, #tpu.memory_space<hbm>> -> memref<1x125xf32, #tpu.memory_space<hbm>>
    %dma_wait3A_1514 = tpu.memref_squeeze %dma_wait3A_1513 : memref<1x125xf32, #tpu.memory_space<hbm>> -> memref<125xf32, #tpu.memory_space<hbm>>
    tpu.wait_dma2 semaphore(%arg19 : memref<!tpu.dma_semaphore, #tpu.memory_space<semaphore_mem>>) src(%dma_wait3A_1514 : memref<125xf32, #tpu.memory_space<hbm>>) dst(%dma_wait3A_1511 : memref<125xf32, #tpu.memory_space<vmem>>)
    %dma_wait3A_1515 = arith.constant 0 : i32
    %dma_wait3A_1516 = arith.constant 25 : i32
    %dma_wait3A_1517 = arith.constant 0 : i32
    %dma_wait3A_1518 = tpu.memref_slice %arg14[%dma_wait3A_1516, %dma_wait3A_1517] : memref<32x128xf32, #tpu.memory_space<vmem>> -> memref<1x128xf32, #tpu.memory_space<vmem>>
    %dma_wait3A_1519 = tpu.memref_squeeze %dma_wait3A_1518 : memref<1x128xf32, #tpu.memory_space<vmem>> -> memref<128xf32, #tpu.memory_space<vmem>>
    %dma_wait3A_1520 = tpu.memref_slice %arg2[%dma_wait3A_1515, %mul3A_2] : memref<1000x4096xf32, #tpu.memory_space<hbm>> -> memref<1x128xf32, #tpu.memory_space<hbm>>
    %dma_wait3A_1521 = tpu.memref_squeeze %dma_wait3A_1520 : memref<1x128xf32, #tpu.memory_space<hbm>> -> memref<128xf32, #tpu.memory_space<hbm>>
    %dma_wait3A_1522 = arith.constant 0 : i32
    %dma_wait3A_1523 = tpu.memref_slice %arg14[%dma_wait3A_1516, %dma_wait3A_1522] : memref<32x128xf32, #tpu.memory_space<vmem>> -> memref<1x128xf32, #tpu.memory_space<vmem>>
    %dma_wait3A_1524 = tpu.memref_squeeze %dma_wait3A_1523 : memref<1x128xf32, #tpu.memory_space<vmem>> -> memref<128xf32, #tpu.memory_space<vmem>>
    %dma_wait3A_1525 = tpu.memref_slice %arg2[%dma_wait3A_1515, %mul3A_2] : memref<1000x4096xf32, #tpu.memory_space<hbm>> -> memref<1x128xf32, #tpu.memory_space<hbm>>
    %dma_wait3A_1526 = tpu.memref_squeeze %dma_wait3A_1525 : memref<1x128xf32, #tpu.memory_space<hbm>> -> memref<128xf32, #tpu.memory_space<hbm>>
    tpu.wait_dma2 semaphore(%arg19 : memref<!tpu.dma_semaphore, #tpu.memory_space<semaphore_mem>>) src(%dma_wait3A_1526 : memref<128xf32, #tpu.memory_space<hbm>>) dst(%dma_wait3A_1524 : memref<128xf32, #tpu.memory_space<vmem>>)
    %dma_wait3A_1527 = arith.constant 0 : i32
    %dma_wait3A_1528 = arith.constant 25 : i32
    %dma_wait3A_1529 = arith.constant 0 : i32
    %dma_wait3A_1530 = tpu.memref_slice %arg13[%dma_wait3A_1528, %dma_wait3A_1529] : memref<32x128xf32, #tpu.memory_space<vmem>> -> memref<1x125xf32, #tpu.memory_space<vmem>>
    %dma_wait3A_1531 = tpu.memref_squeeze %dma_wait3A_1530 : memref<1x125xf32, #tpu.memory_space<vmem>> -> memref<125xf32, #tpu.memory_space<vmem>>
    %dma_wait3A_1532 = arith.constant 0 : i32
    %dma_wait3A_1533 = tpu.memref_slice %arg3[%dma_wait3A_1527, %dma_wait3A_1532] : memref<1000x125xf32, #tpu.memory_space<hbm>> -> memref<1x125xf32, #tpu.memory_space<hbm>>
    %dma_wait3A_1534 = tpu.memref_squeeze %dma_wait3A_1533 : memref<1x125xf32, #tpu.memory_space<hbm>> -> memref<125xf32, #tpu.memory_space<hbm>>
    %dma_wait3A_1535 = arith.constant 0 : i32
    %dma_wait3A_1536 = tpu.memref_slice %arg13[%dma_wait3A_1528, %dma_wait3A_1535] : memref<32x128xf32, #tpu.memory_space<vmem>> -> memref<1x125xf32, #tpu.memory_space<vmem>>
    %dma_wait3A_1537 = tpu.memref_squeeze %dma_wait3A_1536 : memref<1x125xf32, #tpu.memory_space<vmem>> -> memref<125xf32, #tpu.memory_space<vmem>>
    %dma_wait3A_1538 = arith.constant 0 : i32
    %dma_wait3A_1539 = tpu.memref_slice %arg3[%dma_wait3A_1527, %dma_wait3A_1538] : memref<1000x125xf32, #tpu.memory_space<hbm>> -> memref<1x125xf32, #tpu.memory_space<hbm>>
    %dma_wait3A_1540 = tpu.memref_squeeze %dma_wait3A_1539 : memref<1x125xf32, #tpu.memory_space<hbm>> -> memref<125xf32, #tpu.memory_space<hbm>>
    tpu.wait_dma2 semaphore(%arg19 : memref<!tpu.dma_semaphore, #tpu.memory_space<semaphore_mem>>) src(%dma_wait3A_1540 : memref<125xf32, #tpu.memory_space<hbm>>) dst(%dma_wait3A_1537 : memref<125xf32, #tpu.memory_space<vmem>>)
    %dma_wait3A_1541 = arith.constant 0 : i32
    %dma_wait3A_1542 = arith.constant 26 : i32
    %dma_wait3A_1543 = arith.constant 0 : i32
    %dma_wait3A_1544 = tpu.memref_slice %arg14[%dma_wait3A_1542, %dma_wait3A_1543] : memref<32x128xf32, #tpu.memory_space<vmem>> -> memref<1x128xf32, #tpu.memory_space<vmem>>
    %dma_wait3A_1545 = tpu.memref_squeeze %dma_wait3A_1544 : memref<1x128xf32, #tpu.memory_space<vmem>> -> memref<128xf32, #tpu.memory_space<vmem>>
    %dma_wait3A_1546 = tpu.memref_slice %arg2[%dma_wait3A_1541, %mul3A_2] : memref<1000x4096xf32, #tpu.memory_space<hbm>> -> memref<1x128xf32, #tpu.memory_space<hbm>>
    %dma_wait3A_1547 = tpu.memref_squeeze %dma_wait3A_1546 : memref<1x128xf32, #tpu.memory_space<hbm>> -> memref<128xf32, #tpu.memory_space<hbm>>
    %dma_wait3A_1548 = arith.constant 0 : i32
    %dma_wait3A_1549 = tpu.memref_slice %arg14[%dma_wait3A_1542, %dma_wait3A_1548] : memref<32x128xf32, #tpu.memory_space<vmem>> -> memref<1x128xf32, #tpu.memory_space<vmem>>
    %dma_wait3A_1550 = tpu.memref_squeeze %dma_wait3A_1549 : memref<1x128xf32, #tpu.memory_space<vmem>> -> memref<128xf32, #tpu.memory_space<vmem>>
    %dma_wait3A_1551 = tpu.memref_slice %arg2[%dma_wait3A_1541, %mul3A_2] : memref<1000x4096xf32, #tpu.memory_space<hbm>> -> memref<1x128xf32, #tpu.memory_space<hbm>>
    %dma_wait3A_1552 = tpu.memref_squeeze %dma_wait3A_1551 : memref<1x128xf32, #tpu.memory_space<hbm>> -> memref<128xf32, #tpu.memory_space<hbm>>
    tpu.wait_dma2 semaphore(%arg19 : memref<!tpu.dma_semaphore, #tpu.memory_space<semaphore_mem>>) src(%dma_wait3A_1552 : memref<128xf32, #tpu.memory_space<hbm>>) dst(%dma_wait3A_1550 : memref<128xf32, #tpu.memory_space<vmem>>)
    %dma_wait3A_1553 = arith.constant 0 : i32
    %dma_wait3A_1554 = arith.constant 26 : i32
    %dma_wait3A_1555 = arith.constant 0 : i32
    %dma_wait3A_1556 = tpu.memref_slice %arg13[%dma_wait3A_1554, %dma_wait3A_1555] : memref<32x128xf32, #tpu.memory_space<vmem>> -> memref<1x125xf32, #tpu.memory_space<vmem>>
    %dma_wait3A_1557 = tpu.memref_squeeze %dma_wait3A_1556 : memref<1x125xf32, #tpu.memory_space<vmem>> -> memref<125xf32, #tpu.memory_space<vmem>>
    %dma_wait3A_1558 = arith.constant 0 : i32
    %dma_wait3A_1559 = tpu.memref_slice %arg3[%dma_wait3A_1553, %dma_wait3A_1558] : memref<1000x125xf32, #tpu.memory_space<hbm>> -> memref<1x125xf32, #tpu.memory_space<hbm>>
    %dma_wait3A_1560 = tpu.memref_squeeze %dma_wait3A_1559 : memref<1x125xf32, #tpu.memory_space<hbm>> -> memref<125xf32, #tpu.memory_space<hbm>>
    %dma_wait3A_1561 = arith.constant 0 : i32
    %dma_wait3A_1562 = tpu.memref_slice %arg13[%dma_wait3A_1554, %dma_wait3A_1561] : memref<32x128xf32, #tpu.memory_space<vmem>> -> memref<1x125xf32, #tpu.memory_space<vmem>>
    %dma_wait3A_1563 = tpu.memref_squeeze %dma_wait3A_1562 : memref<1x125xf32, #tpu.memory_space<vmem>> -> memref<125xf32, #tpu.memory_space<vmem>>
    %dma_wait3A_1564 = arith.constant 0 : i32
    %dma_wait3A_1565 = tpu.memref_slice %arg3[%dma_wait3A_1553, %dma_wait3A_1564] : memref<1000x125xf32, #tpu.memory_space<hbm>> -> memref<1x125xf32, #tpu.memory_space<hbm>>
    %dma_wait3A_1566 = tpu.memref_squeeze %dma_wait3A_1565 : memref<1x125xf32, #tpu.memory_space<hbm>> -> memref<125xf32, #tpu.memory_space<hbm>>
    tpu.wait_dma2 semaphore(%arg19 : memref<!tpu.dma_semaphore, #tpu.memory_space<semaphore_mem>>) src(%dma_wait3A_1566 : memref<125xf32, #tpu.memory_space<hbm>>) dst(%dma_wait3A_1563 : memref<125xf32, #tpu.memory_space<vmem>>)
    %dma_wait3A_1567 = arith.constant 0 : i32
    %dma_wait3A_1568 = arith.constant 27 : i32
    %dma_wait3A_1569 = arith.constant 0 : i32
    %dma_wait3A_1570 = tpu.memref_slice %arg14[%dma_wait3A_1568, %dma_wait3A_1569] : memref<32x128xf32, #tpu.memory_space<vmem>> -> memref<1x128xf32, #tpu.memory_space<vmem>>
    %dma_wait3A_1571 = tpu.memref_squeeze %dma_wait3A_1570 : memref<1x128xf32, #tpu.memory_space<vmem>> -> memref<128xf32, #tpu.memory_space<vmem>>
    %dma_wait3A_1572 = tpu.memref_slice %arg2[%dma_wait3A_1567, %mul3A_2] : memref<1000x4096xf32, #tpu.memory_space<hbm>> -> memref<1x128xf32, #tpu.memory_space<hbm>>
    %dma_wait3A_1573 = tpu.memref_squeeze %dma_wait3A_1572 : memref<1x128xf32, #tpu.memory_space<hbm>> -> memref<128xf32, #tpu.memory_space<hbm>>
    %dma_wait3A_1574 = arith.constant 0 : i32
    %dma_wait3A_1575 = tpu.memref_slice %arg14[%dma_wait3A_1568, %dma_wait3A_1574] : memref<32x128xf32, #tpu.memory_space<vmem>> -> memref<1x128xf32, #tpu.memory_space<vmem>>
    %dma_wait3A_1576 = tpu.memref_squeeze %dma_wait3A_1575 : memref<1x128xf32, #tpu.memory_space<vmem>> -> memref<128xf32, #tpu.memory_space<vmem>>
    %dma_wait3A_1577 = tpu.memref_slice %arg2[%dma_wait3A_1567, %mul3A_2] : memref<1000x4096xf32, #tpu.memory_space<hbm>> -> memref<1x128xf32, #tpu.memory_space<hbm>>
    %dma_wait3A_1578 = tpu.memref_squeeze %dma_wait3A_1577 : memref<1x128xf32, #tpu.memory_space<hbm>> -> memref<128xf32, #tpu.memory_space<hbm>>
    tpu.wait_dma2 semaphore(%arg19 : memref<!tpu.dma_semaphore, #tpu.memory_space<semaphore_mem>>) src(%dma_wait3A_1578 : memref<128xf32, #tpu.memory_space<hbm>>) dst(%dma_wait3A_1576 : memref<128xf32, #tpu.memory_space<vmem>>)
    %dma_wait3A_1579 = arith.constant 0 : i32
    %dma_wait3A_1580 = arith.constant 27 : i32
    %dma_wait3A_1581 = arith.constant 0 : i32
    %dma_wait3A_1582 = tpu.memref_slice %arg13[%dma_wait3A_1580, %dma_wait3A_1581] : memref<32x128xf32, #tpu.memory_space<vmem>> -> memref<1x125xf32, #tpu.memory_space<vmem>>
    %dma_wait3A_1583 = tpu.memref_squeeze %dma_wait3A_1582 : memref<1x125xf32, #tpu.memory_space<vmem>> -> memref<125xf32, #tpu.memory_space<vmem>>
    %dma_wait3A_1584 = arith.constant 0 : i32
    %dma_wait3A_1585 = tpu.memref_slice %arg3[%dma_wait3A_1579, %dma_wait3A_1584] : memref<1000x125xf32, #tpu.memory_space<hbm>> -> memref<1x125xf32, #tpu.memory_space<hbm>>
    %dma_wait3A_1586 = tpu.memref_squeeze %dma_wait3A_1585 : memref<1x125xf32, #tpu.memory_space<hbm>> -> memref<125xf32, #tpu.memory_space<hbm>>
    %dma_wait3A_1587 = arith.constant 0 : i32
    %dma_wait3A_1588 = tpu.memref_slice %arg13[%dma_wait3A_1580, %dma_wait3A_1587] : memref<32x128xf32, #tpu.memory_space<vmem>> -> memref<1x125xf32, #tpu.memory_space<vmem>>
    %dma_wait3A_1589 = tpu.memref_squeeze %dma_wait3A_1588 : memref<1x125xf32, #tpu.memory_space<vmem>> -> memref<125xf32, #tpu.memory_space<vmem>>
    %dma_wait3A_1590 = arith.constant 0 : i32
    %dma_wait3A_1591 = tpu.memref_slice %arg3[%dma_wait3A_1579, %dma_wait3A_1590] : memref<1000x125xf32, #tpu.memory_space<hbm>> -> memref<1x125xf32, #tpu.memory_space<hbm>>
    %dma_wait3A_1592 = tpu.memref_squeeze %dma_wait3A_1591 : memref<1x125xf32, #tpu.memory_space<hbm>> -> memref<125xf32, #tpu.memory_space<hbm>>
    tpu.wait_dma2 semaphore(%arg19 : memref<!tpu.dma_semaphore, #tpu.memory_space<semaphore_mem>>) src(%dma_wait3A_1592 : memref<125xf32, #tpu.memory_space<hbm>>) dst(%dma_wait3A_1589 : memref<125xf32, #tpu.memory_space<vmem>>)
    %dma_wait3A_1593 = arith.constant 0 : i32
    %dma_wait3A_1594 = arith.constant 28 : i32
    %dma_wait3A_1595 = arith.constant 0 : i32
    %dma_wait3A_1596 = tpu.memref_slice %arg14[%dma_wait3A_1594, %dma_wait3A_1595] : memref<32x128xf32, #tpu.memory_space<vmem>> -> memref<1x128xf32, #tpu.memory_space<vmem>>
    %dma_wait3A_1597 = tpu.memref_squeeze %dma_wait3A_1596 : memref<1x128xf32, #tpu.memory_space<vmem>> -> memref<128xf32, #tpu.memory_space<vmem>>
    %dma_wait3A_1598 = tpu.memref_slice %arg2[%dma_wait3A_1593, %mul3A_2] : memref<1000x4096xf32, #tpu.memory_space<hbm>> -> memref<1x128xf32, #tpu.memory_space<hbm>>
    %dma_wait3A_1599 = tpu.memref_squeeze %dma_wait3A_1598 : memref<1x128xf32, #tpu.memory_space<hbm>> -> memref<128xf32, #tpu.memory_space<hbm>>
    %dma_wait3A_1600 = arith.constant 0 : i32
    %dma_wait3A_1601 = tpu.memref_slice %arg14[%dma_wait3A_1594, %dma_wait3A_1600] : memref<32x128xf32, #tpu.memory_space<vmem>> -> memref<1x128xf32, #tpu.memory_space<vmem>>
    %dma_wait3A_1602 = tpu.memref_squeeze %dma_wait3A_1601 : memref<1x128xf32, #tpu.memory_space<vmem>> -> memref<128xf32, #tpu.memory_space<vmem>>
    %dma_wait3A_1603 = tpu.memref_slice %arg2[%dma_wait3A_1593, %mul3A_2] : memref<1000x4096xf32, #tpu.memory_space<hbm>> -> memref<1x128xf32, #tpu.memory_space<hbm>>
    %dma_wait3A_1604 = tpu.memref_squeeze %dma_wait3A_1603 : memref<1x128xf32, #tpu.memory_space<hbm>> -> memref<128xf32, #tpu.memory_space<hbm>>
    tpu.wait_dma2 semaphore(%arg19 : memref<!tpu.dma_semaphore, #tpu.memory_space<semaphore_mem>>) src(%dma_wait3A_1604 : memref<128xf32, #tpu.memory_space<hbm>>) dst(%dma_wait3A_1602 : memref<128xf32, #tpu.memory_space<vmem>>)
    %dma_wait3A_1605 = arith.constant 0 : i32
    %dma_wait3A_1606 = arith.constant 28 : i32
    %dma_wait3A_1607 = arith.constant 0 : i32
    %dma_wait3A_1608 = tpu.memref_slice %arg13[%dma_wait3A_1606, %dma_wait3A_1607] : memref<32x128xf32, #tpu.memory_space<vmem>> -> memref<1x125xf32, #tpu.memory_space<vmem>>
    %dma_wait3A_1609 = tpu.memref_squeeze %dma_wait3A_1608 : memref<1x125xf32, #tpu.memory_space<vmem>> -> memref<125xf32, #tpu.memory_space<vmem>>
    %dma_wait3A_1610 = arith.constant 0 : i32
    %dma_wait3A_1611 = tpu.memref_slice %arg3[%dma_wait3A_1605, %dma_wait3A_1610] : memref<1000x125xf32, #tpu.memory_space<hbm>> -> memref<1x125xf32, #tpu.memory_space<hbm>>
    %dma_wait3A_1612 = tpu.memref_squeeze %dma_wait3A_1611 : memref<1x125xf32, #tpu.memory_space<hbm>> -> memref<125xf32, #tpu.memory_space<hbm>>
    %dma_wait3A_1613 = arith.constant 0 : i32
    %dma_wait3A_1614 = tpu.memref_slice %arg13[%dma_wait3A_1606, %dma_wait3A_1613] : memref<32x128xf32, #tpu.memory_space<vmem>> -> memref<1x125xf32, #tpu.memory_space<vmem>>
    %dma_wait3A_1615 = tpu.memref_squeeze %dma_wait3A_1614 : memref<1x125xf32, #tpu.memory_space<vmem>> -> memref<125xf32, #tpu.memory_space<vmem>>
    %dma_wait3A_1616 = arith.constant 0 : i32
    %dma_wait3A_1617 = tpu.memref_slice %arg3[%dma_wait3A_1605, %dma_wait3A_1616] : memref<1000x125xf32, #tpu.memory_space<hbm>> -> memref<1x125xf32, #tpu.memory_space<hbm>>
    %dma_wait3A_1618 = tpu.memref_squeeze %dma_wait3A_1617 : memref<1x125xf32, #tpu.memory_space<hbm>> -> memref<125xf32, #tpu.memory_space<hbm>>
    tpu.wait_dma2 semaphore(%arg19 : memref<!tpu.dma_semaphore, #tpu.memory_space<semaphore_mem>>) src(%dma_wait3A_1618 : memref<125xf32, #tpu.memory_space<hbm>>) dst(%dma_wait3A_1615 : memref<125xf32, #tpu.memory_space<vmem>>)
    %dma_wait3A_1619 = arith.constant 0 : i32
    %dma_wait3A_1620 = arith.constant 29 : i32
    %dma_wait3A_1621 = arith.constant 0 : i32
    %dma_wait3A_1622 = tpu.memref_slice %arg14[%dma_wait3A_1620, %dma_wait3A_1621] : memref<32x128xf32, #tpu.memory_space<vmem>> -> memref<1x128xf32, #tpu.memory_space<vmem>>
    %dma_wait3A_1623 = tpu.memref_squeeze %dma_wait3A_1622 : memref<1x128xf32, #tpu.memory_space<vmem>> -> memref<128xf32, #tpu.memory_space<vmem>>
    %dma_wait3A_1624 = tpu.memref_slice %arg2[%dma_wait3A_1619, %mul3A_2] : memref<1000x4096xf32, #tpu.memory_space<hbm>> -> memref<1x128xf32, #tpu.memory_space<hbm>>
    %dma_wait3A_1625 = tpu.memref_squeeze %dma_wait3A_1624 : memref<1x128xf32, #tpu.memory_space<hbm>> -> memref<128xf32, #tpu.memory_space<hbm>>
    %dma_wait3A_1626 = arith.constant 0 : i32
    %dma_wait3A_1627 = tpu.memref_slice %arg14[%dma_wait3A_1620, %dma_wait3A_1626] : memref<32x128xf32, #tpu.memory_space<vmem>> -> memref<1x128xf32, #tpu.memory_space<vmem>>
    %dma_wait3A_1628 = tpu.memref_squeeze %dma_wait3A_1627 : memref<1x128xf32, #tpu.memory_space<vmem>> -> memref<128xf32, #tpu.memory_space<vmem>>
    %dma_wait3A_1629 = tpu.memref_slice %arg2[%dma_wait3A_1619, %mul3A_2] : memref<1000x4096xf32, #tpu.memory_space<hbm>> -> memref<1x128xf32, #tpu.memory_space<hbm>>
    %dma_wait3A_1630 = tpu.memref_squeeze %dma_wait3A_1629 : memref<1x128xf32, #tpu.memory_space<hbm>> -> memref<128xf32, #tpu.memory_space<hbm>>
    tpu.wait_dma2 semaphore(%arg19 : memref<!tpu.dma_semaphore, #tpu.memory_space<semaphore_mem>>) src(%dma_wait3A_1630 : memref<128xf32, #tpu.memory_space<hbm>>) dst(%dma_wait3A_1628 : memref<128xf32, #tpu.memory_space<vmem>>)
    %dma_wait3A_1631 = arith.constant 0 : i32
    %dma_wait3A_1632 = arith.constant 29 : i32
    %dma_wait3A_1633 = arith.constant 0 : i32
    %dma_wait3A_1634 = tpu.memref_slice %arg13[%dma_wait3A_1632, %dma_wait3A_1633] : memref<32x128xf32, #tpu.memory_space<vmem>> -> memref<1x125xf32, #tpu.memory_space<vmem>>
    %dma_wait3A_1635 = tpu.memref_squeeze %dma_wait3A_1634 : memref<1x125xf32, #tpu.memory_space<vmem>> -> memref<125xf32, #tpu.memory_space<vmem>>
    %dma_wait3A_1636 = arith.constant 0 : i32
    %dma_wait3A_1637 = tpu.memref_slice %arg3[%dma_wait3A_1631, %dma_wait3A_1636] : memref<1000x125xf32, #tpu.memory_space<hbm>> -> memref<1x125xf32, #tpu.memory_space<hbm>>
    %dma_wait3A_1638 = tpu.memref_squeeze %dma_wait3A_1637 : memref<1x125xf32, #tpu.memory_space<hbm>> -> memref<125xf32, #tpu.memory_space<hbm>>
    %dma_wait3A_1639 = arith.constant 0 : i32
    %dma_wait3A_1640 = tpu.memref_slice %arg13[%dma_wait3A_1632, %dma_wait3A_1639] : memref<32x128xf32, #tpu.memory_space<vmem>> -> memref<1x125xf32, #tpu.memory_space<vmem>>
    %dma_wait3A_1641 = tpu.memref_squeeze %dma_wait3A_1640 : memref<1x125xf32, #tpu.memory_space<vmem>> -> memref<125xf32, #tpu.memory_space<vmem>>
    %dma_wait3A_1642 = arith.constant 0 : i32
    %dma_wait3A_1643 = tpu.memref_slice %arg3[%dma_wait3A_1631, %dma_wait3A_1642] : memref<1000x125xf32, #tpu.memory_space<hbm>> -> memref<1x125xf32, #tpu.memory_space<hbm>>
    %dma_wait3A_1644 = tpu.memref_squeeze %dma_wait3A_1643 : memref<1x125xf32, #tpu.memory_space<hbm>> -> memref<125xf32, #tpu.memory_space<hbm>>
    tpu.wait_dma2 semaphore(%arg19 : memref<!tpu.dma_semaphore, #tpu.memory_space<semaphore_mem>>) src(%dma_wait3A_1644 : memref<125xf32, #tpu.memory_space<hbm>>) dst(%dma_wait3A_1641 : memref<125xf32, #tpu.memory_space<vmem>>)
    %dma_wait3A_1645 = arith.constant 0 : i32
    %dma_wait3A_1646 = arith.constant 30 : i32
    %dma_wait3A_1647 = arith.constant 0 : i32
    %dma_wait3A_1648 = tpu.memref_slice %arg14[%dma_wait3A_1646, %dma_wait3A_1647] : memref<32x128xf32, #tpu.memory_space<vmem>> -> memref<1x128xf32, #tpu.memory_space<vmem>>
    %dma_wait3A_1649 = tpu.memref_squeeze %dma_wait3A_1648 : memref<1x128xf32, #tpu.memory_space<vmem>> -> memref<128xf32, #tpu.memory_space<vmem>>
    %dma_wait3A_1650 = tpu.memref_slice %arg2[%dma_wait3A_1645, %mul3A_2] : memref<1000x4096xf32, #tpu.memory_space<hbm>> -> memref<1x128xf32, #tpu.memory_space<hbm>>
    %dma_wait3A_1651 = tpu.memref_squeeze %dma_wait3A_1650 : memref<1x128xf32, #tpu.memory_space<hbm>> -> memref<128xf32, #tpu.memory_space<hbm>>
    %dma_wait3A_1652 = arith.constant 0 : i32
    %dma_wait3A_1653 = tpu.memref_slice %arg14[%dma_wait3A_1646, %dma_wait3A_1652] : memref<32x128xf32, #tpu.memory_space<vmem>> -> memref<1x128xf32, #tpu.memory_space<vmem>>
    %dma_wait3A_1654 = tpu.memref_squeeze %dma_wait3A_1653 : memref<1x128xf32, #tpu.memory_space<vmem>> -> memref<128xf32, #tpu.memory_space<vmem>>
    %dma_wait3A_1655 = tpu.memref_slice %arg2[%dma_wait3A_1645, %mul3A_2] : memref<1000x4096xf32, #tpu.memory_space<hbm>> -> memref<1x128xf32, #tpu.memory_space<hbm>>
    %dma_wait3A_1656 = tpu.memref_squeeze %dma_wait3A_1655 : memref<1x128xf32, #tpu.memory_space<hbm>> -> memref<128xf32, #tpu.memory_space<hbm>>
    tpu.wait_dma2 semaphore(%arg19 : memref<!tpu.dma_semaphore, #tpu.memory_space<semaphore_mem>>) src(%dma_wait3A_1656 : memref<128xf32, #tpu.memory_space<hbm>>) dst(%dma_wait3A_1654 : memref<128xf32, #tpu.memory_space<vmem>>)
    %dma_wait3A_1657 = arith.constant 0 : i32
    %dma_wait3A_1658 = arith.constant 30 : i32
    %dma_wait3A_1659 = arith.constant 0 : i32
    %dma_wait3A_1660 = tpu.memref_slice %arg13[%dma_wait3A_1658, %dma_wait3A_1659] : memref<32x128xf32, #tpu.memory_space<vmem>> -> memref<1x125xf32, #tpu.memory_space<vmem>>
    %dma_wait3A_1661 = tpu.memref_squeeze %dma_wait3A_1660 : memref<1x125xf32, #tpu.memory_space<vmem>> -> memref<125xf32, #tpu.memory_space<vmem>>
    %dma_wait3A_1662 = arith.constant 0 : i32
    %dma_wait3A_1663 = tpu.memref_slice %arg3[%dma_wait3A_1657, %dma_wait3A_1662] : memref<1000x125xf32, #tpu.memory_space<hbm>> -> memref<1x125xf32, #tpu.memory_space<hbm>>
    %dma_wait3A_1664 = tpu.memref_squeeze %dma_wait3A_1663 : memref<1x125xf32, #tpu.memory_space<hbm>> -> memref<125xf32, #tpu.memory_space<hbm>>
    %dma_wait3A_1665 = arith.constant 0 : i32
    %dma_wait3A_1666 = tpu.memref_slice %arg13[%dma_wait3A_1658, %dma_wait3A_1665] : memref<32x128xf32, #tpu.memory_space<vmem>> -> memref<1x125xf32, #tpu.memory_space<vmem>>
    %dma_wait3A_1667 = tpu.memref_squeeze %dma_wait3A_1666 : memref<1x125xf32, #tpu.memory_space<vmem>> -> memref<125xf32, #tpu.memory_space<vmem>>
    %dma_wait3A_1668 = arith.constant 0 : i32
    %dma_wait3A_1669 = tpu.memref_slice %arg3[%dma_wait3A_1657, %dma_wait3A_1668] : memref<1000x125xf32, #tpu.memory_space<hbm>> -> memref<1x125xf32, #tpu.memory_space<hbm>>
    %dma_wait3A_1670 = tpu.memref_squeeze %dma_wait3A_1669 : memref<1x125xf32, #tpu.memory_space<hbm>> -> memref<125xf32, #tpu.memory_space<hbm>>
    tpu.wait_dma2 semaphore(%arg19 : memref<!tpu.dma_semaphore, #tpu.memory_space<semaphore_mem>>) src(%dma_wait3A_1670 : memref<125xf32, #tpu.memory_space<hbm>>) dst(%dma_wait3A_1667 : memref<125xf32, #tpu.memory_space<vmem>>)
    %dma_wait3A_1671 = arith.constant 0 : i32
    %dma_wait3A_1672 = arith.constant 31 : i32
    %dma_wait3A_1673 = arith.constant 0 : i32
    %dma_wait3A_1674 = tpu.memref_slice %arg14[%dma_wait3A_1672, %dma_wait3A_1673] : memref<32x128xf32, #tpu.memory_space<vmem>> -> memref<1x128xf32, #tpu.memory_space<vmem>>
    %dma_wait3A_1675 = tpu.memref_squeeze %dma_wait3A_1674 : memref<1x128xf32, #tpu.memory_space<vmem>> -> memref<128xf32, #tpu.memory_space<vmem>>
    %dma_wait3A_1676 = tpu.memref_slice %arg2[%dma_wait3A_1671, %mul3A_2] : memref<1000x4096xf32, #tpu.memory_space<hbm>> -> memref<1x128xf32, #tpu.memory_space<hbm>>
    %dma_wait3A_1677 = tpu.memref_squeeze %dma_wait3A_1676 : memref<1x128xf32, #tpu.memory_space<hbm>> -> memref<128xf32, #tpu.memory_space<hbm>>
    %dma_wait3A_1678 = arith.constant 0 : i32
    %dma_wait3A_1679 = tpu.memref_slice %arg14[%dma_wait3A_1672, %dma_wait3A_1678] : memref<32x128xf32, #tpu.memory_space<vmem>> -> memref<1x128xf32, #tpu.memory_space<vmem>>
    %dma_wait3A_1680 = tpu.memref_squeeze %dma_wait3A_1679 : memref<1x128xf32, #tpu.memory_space<vmem>> -> memref<128xf32, #tpu.memory_space<vmem>>
    %dma_wait3A_1681 = tpu.memref_slice %arg2[%dma_wait3A_1671, %mul3A_2] : memref<1000x4096xf32, #tpu.memory_space<hbm>> -> memref<1x128xf32, #tpu.memory_space<hbm>>
    %dma_wait3A_1682 = tpu.memref_squeeze %dma_wait3A_1681 : memref<1x128xf32, #tpu.memory_space<hbm>> -> memref<128xf32, #tpu.memory_space<hbm>>
    tpu.wait_dma2 semaphore(%arg19 : memref<!tpu.dma_semaphore, #tpu.memory_space<semaphore_mem>>) src(%dma_wait3A_1682 : memref<128xf32, #tpu.memory_space<hbm>>) dst(%dma_wait3A_1680 : memref<128xf32, #tpu.memory_space<vmem>>)
    %dma_wait3A_1683 = arith.constant 0 : i32
    %dma_wait3A_1684 = arith.constant 31 : i32
    %dma_wait3A_1685 = arith.constant 0 : i32
    %dma_wait3A_1686 = tpu.memref_slice %arg13[%dma_wait3A_1684, %dma_wait3A_1685] : memref<32x128xf32, #tpu.memory_space<vmem>> -> memref<1x125xf32, #tpu.memory_space<vmem>>
    %dma_wait3A_1687 = tpu.memref_squeeze %dma_wait3A_1686 : memref<1x125xf32, #tpu.memory_space<vmem>> -> memref<125xf32, #tpu.memory_space<vmem>>
    %dma_wait3A_1688 = arith.constant 0 : i32
    %dma_wait3A_1689 = tpu.memref_slice %arg3[%dma_wait3A_1683, %dma_wait3A_1688] : memref<1000x125xf32, #tpu.memory_space<hbm>> -> memref<1x125xf32, #tpu.memory_space<hbm>>
    %dma_wait3A_1690 = tpu.memref_squeeze %dma_wait3A_1689 : memref<1x125xf32, #tpu.memory_space<hbm>> -> memref<125xf32, #tpu.memory_space<hbm>>
    %dma_wait3A_1691 = arith.constant 0 : i32
    %dma_wait3A_1692 = tpu.memref_slice %arg13[%dma_wait3A_1684, %dma_wait3A_1691] : memref<32x128xf32, #tpu.memory_space<vmem>> -> memref<1x125xf32, #tpu.memory_space<vmem>>
    %dma_wait3A_1693 = tpu.memref_squeeze %dma_wait3A_1692 : memref<1x125xf32, #tpu.memory_space<vmem>> -> memref<125xf32, #tpu.memory_space<vmem>>
    %dma_wait3A_1694 = arith.constant 0 : i32
    %dma_wait3A_1695 = tpu.memref_slice %arg3[%dma_wait3A_1683, %dma_wait3A_1694] : memref<1000x125xf32, #tpu.memory_space<hbm>> -> memref<1x125xf32, #tpu.memory_space<hbm>>
    %dma_wait3A_1696 = tpu.memref_squeeze %dma_wait3A_1695 : memref<1x125xf32, #tpu.memory_space<hbm>> -> memref<125xf32, #tpu.memory_space<hbm>>
    tpu.wait_dma2 semaphore(%arg19 : memref<!tpu.dma_semaphore, #tpu.memory_space<semaphore_mem>>) src(%dma_wait3A_1696 : memref<125xf32, #tpu.memory_space<hbm>>) dst(%dma_wait3A_1693 : memref<125xf32, #tpu.memory_space<vmem>>)
    %get3A_1697 = arith.constant 0 : index
    %get3A_1698 = tpu.vector_load %arg16[%get3A_1697] {strides = array<i32>} : memref<16xf32, #tpu.memory_space<vmem>>, vector<16xf32>,
    %slice3A_1699 = vector.extract_strided_slice %get3A_1698 {offsets = [0], sizes = [1], strides = [1]} : vector<16xf32> to vector<1xf32>
    %squeeze3A_1700 = vector.extract %slice3A_1699[0] : f32 from vector<1xf32>
    %broadcast_in_dim3A_1701 = vector.broadcast %squeeze3A_1700 : f32 to vector<16xf32>
    %get3A_1702 = arith.constant 0 : index
    %get3A_1703 = tpu.vector_load %arg17[%get3A_1702] {strides = array<i32>} : memref<16xf32, #tpu.memory_space<vmem>>, vector<16xf32>,
    %slice3A_1704 = vector.extract_strided_slice %get3A_1703 {offsets = [0], sizes = [1], strides = [1]} : vector<16xf32> to vector<1xf32>
    %squeeze3A_1705 = vector.extract %slice3A_1704[0] : f32 from vector<1xf32>
    %broadcast_in_dim3A_1706 = vector.broadcast %squeeze3A_1705 : f32 to vector<16xf32>
    %div3A = arith.constant 1.000000e+00 : f32
    %div3A_1707 = vector.broadcast %div3A : f32 to vector<16xf32>
    %div3A_1708 = arith.divf %div3A_1707, %broadcast_in_dim3A_1706 : vector<16xf32>
    %scan3A_1709 = arith.constant 0 : i32
    %scan3A_1710 = arith.constant 0 : i32
    %scan3A_1711 = arith.constant 256 : i32
    %scan3A_1712 = arith.addi %scan3A_1710, %scan3A_1711 : i32
    %scan3A_1713 = arith.constant 1 : i32
    scf.for %scan3A_1819 = %scan3A_1710 to %scan3A_1712 step %scan3A_1713  : i32 {
      %jit3A = arith.constant 8 : i32
      %div3A_1820 = arith.divsi %scan3A_1819, %jit3A : i32
      %sign3A = arith.constant 0 : i32
      %sign3A_1821 = arith.cmpi sgt, %scan3A_1819, %sign3A : i32
      %sign3A_1822 = arith.extui %sign3A_1821 : i1 to i32
      %sign3A_1823 = arith.constant 0 : i32
      %sign3A_1824 = arith.cmpi slt, %scan3A_1819, %sign3A_1823 : i32
      %sign3A_1825 = arith.extui %sign3A_1824 : i1 to i32
      %sign3A_1826 = arith.subi %sign3A_1822, %sign3A_1825 : i32
      %sign3A_1827 = arith.constant 0 : i32
      %sign3A_1828 = arith.cmpi sgt, %jit3A, %sign3A_1827 : i32
      %sign3A_1829 = arith.extui %sign3A_1828 : i1 to i32
      %sign3A_1830 = arith.constant 0 : i32
      %sign3A_1831 = arith.cmpi slt, %jit3A, %sign3A_1830 : i32
      %sign3A_1832 = arith.extui %sign3A_1831 : i1 to i32
      %sign3A_1833 = arith.subi %sign3A_1829, %sign3A_1832 : i32
      %ne3A = arith.cmpi ne, %sign3A_1826, %sign3A_1833 : i32
      %rem3A = arith.remsi %scan3A_1819, %jit3A : i32
      %ne3A_1834 = arith.constant 0 : i32
      %ne3A_1835 = arith.cmpi ne, %rem3A, %ne3A_1834 : i32
      %and3A = arith.andi %ne3A, %ne3A_1835 : i1
      %sub3A = arith.constant 1 : i32
      %sub3A_1836 = arith.subi %div3A_1820, %sub3A : i32
      %select_n3A = arith.select %and3A, %sub3A_1836, %div3A_1820 : i32
      %jit3A_1837 = arith.constant 8 : i32
      %eq3A_1838 = arith.constant 0 : i32
      %eq3A_1839 = arith.cmpi eq, %jit3A_1837, %eq3A_1838 : i32
      %jit3A_1840 = arith.constant 1 : i32
      %select_n3A_1841 = arith.select %eq3A_1839, %jit3A_1840, %jit3A_1837 : i32
      %rem3A_1842 = arith.remsi %scan3A_1819, %select_n3A_1841 : i32
      %ne3A_1843 = arith.constant 0 : i32
      %ne3A_1844 = arith.cmpi ne, %rem3A_1842, %ne3A_1843 : i32
      %lt3A_1845 = arith.constant 0 : i32
      %lt3A_1846 = arith.cmpi slt, %rem3A_1842, %lt3A_1845 : i32
      %lt3A_1847 = arith.constant 0 : i32
      %lt3A_1848 = arith.cmpi slt, %select_n3A_1841, %lt3A_1847 : i32
      %ne3A_1849 = arith.xori %lt3A_1846, %lt3A_1848 : i1
      %and3A_1850 = arith.andi %ne3A_1849, %ne3A_1844 : i1
      %add3A_1851 = arith.addi %rem3A_1842, %select_n3A_1841 : i32
      %select_n3A_1852 = arith.select %and3A_1850, %add3A_1851, %rem3A_1842 : i32
      %mul3A_1853 = arith.constant 16 : i32
      %mul3A_1854 = arith.muli %select_n3A_1852, %mul3A_1853 : i32
      %get3A_1855 = arith.index_cast %select_n3A : i32 to index
      %get3A_1856 = arith.index_cast %mul3A_1854 : i32 to index
      %get3A_1857 = tpu.vector_load %arg13[%get3A_1855, %get3A_1856] {strides = array<i32>} : memref<32x128xf32, #tpu.memory_space<vmem>>, vector<16xf32>,
      %swap3A = arith.constant 0 : i32
      %swap3A_1858 = arith.constant 0 : i32
      %swap3A_1859 = arith.index_cast %swap3A : i32 to index
      %swap3A_1860 = arith.index_cast %swap3A_1858 : i32 to index
      %swap3A_1861 = arith.index_cast %select_n3A : i32 to index
      %swap3A_1862 = arith.index_cast %mul3A_1854 : i32 to index
      %swap3A_1863 = tpu.vector_load %arg18[%swap3A_1859, %swap3A_1860, %swap3A_1861, %swap3A_1862] {strides = array<i32>} : memref<4x1x64x128xf32, #tpu.memory_space<vmem>>, vector<16xf32>,
      tpu.vector_store %arg18[%swap3A_1859, %swap3A_1860, %swap3A_1861, %swap3A_1862], %get3A_1857 {strides = array<i32>} : memref<4x1x64x128xf32, #tpu.memory_space<vmem>>, vector<16xf32>,
      %swap3A_1864 = arith.constant 1 : i32
      %swap3A_1865 = arith.constant 0 : i32
      %swap3A_1866 = arith.index_cast %swap3A_1864 : i32 to index
      %swap3A_1867 = arith.index_cast %swap3A_1865 : i32 to index
      %swap3A_1868 = arith.index_cast %select_n3A : i32 to index
      %swap3A_1869 = arith.index_cast %mul3A_1854 : i32 to index
      %swap3A_1870 = tpu.vector_load %arg18[%swap3A_1866, %swap3A_1867, %swap3A_1868, %swap3A_1869] {strides = array<i32>} : memref<4x1x64x128xf32, #tpu.memory_space<vmem>>, vector<16xf32>,
      tpu.vector_store %arg18[%swap3A_1866, %swap3A_1867, %swap3A_1868, %swap3A_1869], %get3A_1857 {strides = array<i32>} : memref<4x1x64x128xf32, #tpu.memory_space<vmem>>, vector<16xf32>,
      %swap3A_1871 = arith.constant 2 : i32
      %swap3A_1872 = arith.constant 0 : i32
      %swap3A_1873 = arith.index_cast %swap3A_1871 : i32 to index
      %swap3A_1874 = arith.index_cast %swap3A_1872 : i32 to index
      %swap3A_1875 = arith.index_cast %select_n3A : i32 to index
      %swap3A_1876 = arith.index_cast %mul3A_1854 : i32 to index
      %swap3A_1877 = tpu.vector_load %arg18[%swap3A_1873, %swap3A_1874, %swap3A_1875, %swap3A_1876] {strides = array<i32>} : memref<4x1x64x128xf32, #tpu.memory_space<vmem>>, vector<16xf32>,
      tpu.vector_store %arg18[%swap3A_1873, %swap3A_1874, %swap3A_1875, %swap3A_1876], %get3A_1857 {strides = array<i32>} : memref<4x1x64x128xf32, #tpu.memory_space<vmem>>, vector<16xf32>,
      %swap3A_1878 = arith.constant 3 : i32
      %swap3A_1879 = arith.constant 0 : i32
      %swap3A_1880 = arith.index_cast %swap3A_1878 : i32 to index
      %swap3A_1881 = arith.index_cast %swap3A_1879 : i32 to index
      %swap3A_1882 = arith.index_cast %select_n3A : i32 to index
      %swap3A_1883 = arith.index_cast %mul3A_1854 : i32 to index
      %swap3A_1884 = tpu.vector_load %arg18[%swap3A_1880, %swap3A_1881, %swap3A_1882, %swap3A_1883] {strides = array<i32>} : memref<4x1x64x128xf32, #tpu.memory_space<vmem>>, vector<16xf32>,
      tpu.vector_store %arg18[%swap3A_1880, %swap3A_1881, %swap3A_1882, %swap3A_1883], %get3A_1857 {strides = array<i32>} : memref<4x1x64x128xf32, #tpu.memory_space<vmem>>, vector<16xf32>,
    }
    %scan3A_1714 = arith.constant 256 : i32
    %iota3A_1715 = tpu.iota {dimensions = array<i32: 0>} : vector<16xi32>
    %add3A_1716 = arith.constant 0 : i32
    %add3A_1717 = vector.broadcast %add3A_1716 : i32 to vector<16xi32>
    %add3A_1718 = arith.addi %iota3A_1715, %add3A_1717 : vector<16xi32>
    %iota3A_1719 = tpu.iota {dimensions = array<i32: 0>} : vector<16xi32>
    %add3A_1720 = arith.constant 16 : i32
    %add3A_1721 = vector.broadcast %add3A_1720 : i32 to vector<16xi32>
    %add3A_1722 = arith.addi %iota3A_1719, %add3A_1721 : vector<16xi32>
    %broadcast_in_dim3A_1723 = arith.constant 125 : i32
    %broadcast_in_dim3A_1724 = vector.broadcast %broadcast_in_dim3A_1723 : i32 to vector<16xi32>
    %broadcast_in_dim3A_1725 = arith.constant 126 : i32
    %broadcast_in_dim3A_1726 = vector.broadcast %broadcast_in_dim3A_1725 : i32 to vector<16xi32>
    %broadcast_in_dim3A_1727 = arith.constant 127 : i32
    %broadcast_in_dim3A_1728 = vector.broadcast %broadcast_in_dim3A_1727 : i32 to vector<16xi32>
    %broadcast_in_dim3A_1729 = arith.constant 0 : i32
    %broadcast_in_dim3A_1730 = vector.broadcast %broadcast_in_dim3A_1729 : i32 to vector<16xi32>
    %broadcast_in_dim3A_1731 = arith.constant 1 : i32
    %broadcast_in_dim3A_1732 = vector.broadcast %broadcast_in_dim3A_1731 : i32 to vector<16xi32>
    %scan3A_1733 = arith.constant 0 : i32
    %scan3A_1734 = arith.constant 0 : i32
    %scan3A_1735 = arith.constant 32 : i32
    %scan3A_1736 = arith.addi %scan3A_1734, %scan3A_1735 : i32
    %scan3A_1737 = arith.constant 1 : i32
    scf.for %scan3A_1819 = %scan3A_1734 to %scan3A_1736 step %scan3A_1737  : i32 {
      %mul3A_1820 = arith.constant 4 : i32
      %mul3A_1821 = arith.muli %scan3A_1819, %mul3A_1820 : i32
      %mul3A_1822 = arith.constant 1 : i32
      %mul3A_1823 = arith.muli %mul3A_1821, %mul3A_1822 : i32
      %add3A_1824 = arith.constant 0 : i32
      %add3A_1825 = arith.addi %mul3A_1823, %add3A_1824 : i32
      %gt3A = arith.constant 0 : i32
      %gt3A_1826 = arith.cmpi sgt, %scan3A_1819, %gt3A : i32
      %convert_element_type3A = arith.extui %gt3A_1826 : i1 to i32
      %cond3A = arith.constant 0 : i32
      %cond3A_1827 = arith.cmpi ne, %convert_element_type3A, %cond3A : i32
      scf.if %cond3A_1827 {
        %dma_wait3A_2130 = arith.constant 0 : i32
        %dma_wait3A_2131 = arith.constant 0 : i32
        %dma_wait3A_2132 = arith.constant 0 : i32
        %dma_wait3A_2133 = arith.constant 0 : i32
        %dma_wait3A_2134 = arith.constant 0 : i32
        %dma_wait3A_2135 = tpu.memref_slice %arg18[%dma_wait3A_2130, %dma_wait3A_2132, %dma_wait3A_2133, %dma_wait3A_2134] : memref<4x1x64x128xf32, #tpu.memory_space<vmem>> -> memref<1x1x64x128xf32, #tpu.memory_space<vmem>>
        %dma_wait3A_2136 = tpu.memref_squeeze %dma_wait3A_2135 : memref<1x1x64x128xf32, #tpu.memory_space<vmem>> -> memref<1x64x128xf32, #tpu.memory_space<vmem>>
        %dma_wait3A_2137 = arith.constant 0 : i32
        %dma_wait3A_2138 = arith.constant 0 : i32
        %dma_wait3A_2139 = tpu.memref_slice %arg9[%mul3A_2, %dma_wait3A_2137, %dma_wait3A_2138] : memref<4096x64x128xf32, #tpu.memory_space<hbm>> -> memref<1x64x128xf32, #tpu.memory_space<hbm>>
        %dma_wait3A_2140 = tpu.memref_slice %arg20[%dma_wait3A_2131] : memref<4x!tpu.dma_semaphore, #tpu.memory_space<semaphore_mem>> -> memref<1x!tpu.dma_semaphore, #tpu.memory_space<semaphore_mem>>
        %dma_wait3A_2141 = tpu.memref_squeeze %dma_wait3A_2140 : memref<1x!tpu.dma_semaphore, #tpu.memory_space<semaphore_mem>> -> memref<!tpu.dma_semaphore, #tpu.memory_space<semaphore_mem>>
        %dma_wait3A_2142 = arith.constant 0 : i32
        %dma_wait3A_2143 = arith.constant 0 : i32
        %dma_wait3A_2144 = tpu.memref_slice %arg9[%mul3A_2, %dma_wait3A_2142, %dma_wait3A_2143] : memref<4096x64x128xf32, #tpu.memory_space<hbm>> -> memref<1x64x128xf32, #tpu.memory_space<hbm>>
        %dma_wait3A_2145 = arith.constant 0 : i32
        %dma_wait3A_2146 = arith.constant 0 : i32
        %dma_wait3A_2147 = arith.constant 0 : i32
        %dma_wait3A_2148 = tpu.memref_slice %arg18[%dma_wait3A_2130, %dma_wait3A_2145, %dma_wait3A_2146, %dma_wait3A_2147] : memref<4x1x64x128xf32, #tpu.memory_space<vmem>> -> memref<1x1x64x128xf32, #tpu.memory_space<vmem>>
        %dma_wait3A_2149 = tpu.memref_squeeze %dma_wait3A_2148 : memref<1x1x64x128xf32, #tpu.memory_space<vmem>> -> memref<1x64x128xf32, #tpu.memory_space<vmem>>
        tpu.wait_dma2 semaphore(%dma_wait3A_2141 : memref<!tpu.dma_semaphore, #tpu.memory_space<semaphore_mem>>) src(%dma_wait3A_2149 : memref<1x64x128xf32, #tpu.memory_space<vmem>>) dst(%dma_wait3A_2144 : memref<1x64x128xf32, #tpu.memory_space<hbm>>)
      } else {
      }
      %add3A_1828 = arith.constant 0 : i32
      %add3A_1829 = arith.addi %add3A_1825, %add3A_1828 : i32
      %broadcast_in_dim3A_1830 = vector.broadcast %add3A_1829 : i32 to vector<16xi32>
      %gather3A = tpu.vector_load_idx %arg15[%broadcast_in_dim3A_1830, %broadcast_in_dim3A_1730] : memref<128x2xf32, #tpu.memory_space<vmem>>[vector<16xi32>, vector<16xi32>], vector<16xf32>,
      %gather3A_1831 = tpu.vector_load_idx %arg15[%broadcast_in_dim3A_1830, %broadcast_in_dim3A_1732] : memref<128x2xf32, #tpu.memory_space<vmem>>[vector<16xi32>, vector<16xi32>], vector<16xf32>,
      %gather3A_1832 = tpu.vector_load_idx %arg14[%add3A_1718, %broadcast_in_dim3A_1830] : memref<32x128xf32, #tpu.memory_space<vmem>>[vector<16xi32>, vector<16xi32>], vector<16xf32>,
      %sub3A = arith.subf %gather3A_1832, %broadcast_in_dim3A_1701 : vector<16xf32>
      %mul3A_1833 = arith.mulf %sub3A, %div3A_1708 : vector<16xf32>
      %scatter3A = arith.constant 0 : i32
      %scatter3A_1834 = arith.constant 0 : i32
      %scatter3A_1835 = arith.constant 0 : i32
      %scatter3A_1836 = arith.constant 0 : i32
      %scatter3A_1837 = tpu.memref_slice %arg18[%scatter3A, %scatter3A_1834, %scatter3A_1835, %scatter3A_1836] : memref<4x1x64x128xf32, #tpu.memory_space<vmem>> -> memref<1x1x64x128xf32, #tpu.memory_space<vmem>>
      %scatter3A_1838 = tpu.memref_squeeze %scatter3A_1837 : memref<1x1x64x128xf32, #tpu.memory_space<vmem>> -> memref<64x128xf32, #tpu.memory_space<vmem>>
      tpu.vector_store_idx %scatter3A_1838[%add3A_1718, %broadcast_in_dim3A_1724], %mul3A_1833 : memref<64x128xf32, #tpu.memory_space<vmem>>[vector<16xi32>, vector<16xi32>], vector<16xf32>,
      %scatter3A_1839 = arith.constant 0 : i32
      %scatter3A_1840 = arith.constant 0 : i32
      %scatter3A_1841 = arith.constant 0 : i32
      %scatter3A_1842 = arith.constant 0 : i32
      %scatter3A_1843 = tpu.memref_slice %arg18[%scatter3A_1839, %scatter3A_1840, %scatter3A_1841, %scatter3A_1842] : memref<4x1x64x128xf32, #tpu.memory_space<vmem>> -> memref<1x1x64x128xf32, #tpu.memory_space<vmem>>
      %scatter3A_1844 = tpu.memref_squeeze %scatter3A_1843 : memref<1x1x64x128xf32, #tpu.memory_space<vmem>> -> memref<64x128xf32, #tpu.memory_space<vmem>>
      tpu.vector_store_idx %scatter3A_1844[%add3A_1718, %broadcast_in_dim3A_1726], %gather3A : memref<64x128xf32, #tpu.memory_space<vmem>>[vector<16xi32>, vector<16xi32>], vector<16xf32>,
      %scatter3A_1845 = arith.constant 0 : i32
      %scatter3A_1846 = arith.constant 0 : i32
      %scatter3A_1847 = arith.constant 0 : i32
      %scatter3A_1848 = arith.constant 0 : i32
      %scatter3A_1849 = tpu.memref_slice %arg18[%scatter3A_1845, %scatter3A_1846, %scatter3A_1847, %scatter3A_1848] : memref<4x1x64x128xf32, #tpu.memory_space<vmem>> -> memref<1x1x64x128xf32, #tpu.memory_space<vmem>>
      %scatter3A_1850 = tpu.memref_squeeze %scatter3A_1849 : memref<1x1x64x128xf32, #tpu.memory_space<vmem>> -> memref<64x128xf32, #tpu.memory_space<vmem>>
      tpu.vector_store_idx %scatter3A_1850[%add3A_1718, %broadcast_in_dim3A_1728], %gather3A_1831 : memref<64x128xf32, #tpu.memory_space<vmem>>[vector<16xi32>, vector<16xi32>], vector<16xf32>,
      %gather3A_1851 = tpu.vector_load_idx %arg14[%add3A_1722, %broadcast_in_dim3A_1830] : memref<32x128xf32, #tpu.memory_space<vmem>>[vector<16xi32>, vector<16xi32>], vector<16xf32>,
      %sub3A_1852 = arith.subf %gather3A_1851, %broadcast_in_dim3A_1701 : vector<16xf32>
      %mul3A_1853 = arith.mulf %sub3A_1852, %div3A_1708 : vector<16xf32>
      %scatter3A_1854 = arith.constant 0 : i32
      %scatter3A_1855 = arith.constant 0 : i32
      %scatter3A_1856 = arith.constant 0 : i32
      %scatter3A_1857 = arith.constant 0 : i32
      %scatter3A_1858 = tpu.memref_slice %arg18[%scatter3A_1854, %scatter3A_1855, %scatter3A_1856, %scatter3A_1857] : memref<4x1x64x128xf32, #tpu.memory_space<vmem>> -> memref<1x1x64x128xf32, #tpu.memory_space<vmem>>
      %scatter3A_1859 = tpu.memref_squeeze %scatter3A_1858 : memref<1x1x64x128xf32, #tpu.memory_space<vmem>> -> memref<64x128xf32, #tpu.memory_space<vmem>>
      tpu.vector_store_idx %scatter3A_1859[%add3A_1722, %broadcast_in_dim3A_1724], %mul3A_1853 : memref<64x128xf32, #tpu.memory_space<vmem>>[vector<16xi32>, vector<16xi32>], vector<16xf32>,
      %scatter3A_1860 = arith.constant 0 : i32
      %scatter3A_1861 = arith.constant 0 : i32
      %scatter3A_1862 = arith.constant 0 : i32
      %scatter3A_1863 = arith.constant 0 : i32
      %scatter3A_1864 = tpu.memref_slice %arg18[%scatter3A_1860, %scatter3A_1861, %scatter3A_1862, %scatter3A_1863] : memref<4x1x64x128xf32, #tpu.memory_space<vmem>> -> memref<1x1x64x128xf32, #tpu.memory_space<vmem>>
      %scatter3A_1865 = tpu.memref_squeeze %scatter3A_1864 : memref<1x1x64x128xf32, #tpu.memory_space<vmem>> -> memref<64x128xf32, #tpu.memory_space<vmem>>
      tpu.vector_store_idx %scatter3A_1865[%add3A_1722, %broadcast_in_dim3A_1726], %gather3A : memref<64x128xf32, #tpu.memory_space<vmem>>[vector<16xi32>, vector<16xi32>], vector<16xf32>,
      %scatter3A_1866 = arith.constant 0 : i32
      %scatter3A_1867 = arith.constant 0 : i32
      %scatter3A_1868 = arith.constant 0 : i32
      %scatter3A_1869 = arith.constant 0 : i32
      %scatter3A_1870 = tpu.memref_slice %arg18[%scatter3A_1866, %scatter3A_1867, %scatter3A_1868, %scatter3A_1869] : memref<4x1x64x128xf32, #tpu.memory_space<vmem>> -> memref<1x1x64x128xf32, #tpu.memory_space<vmem>>
      %scatter3A_1871 = tpu.memref_squeeze %scatter3A_1870 : memref<1x1x64x128xf32, #tpu.memory_space<vmem>> -> memref<64x128xf32, #tpu.memory_space<vmem>>
      tpu.vector_store_idx %scatter3A_1871[%add3A_1722, %broadcast_in_dim3A_1728], %gather3A_1831 : memref<64x128xf32, #tpu.memory_space<vmem>>[vector<16xi32>, vector<16xi32>], vector<16xf32>,
      %add3A_1872 = arith.addi %mul3A_2, %add3A_1825 : i32
      %dma_start3A_1873 = arith.constant 0 : i32
      %dma_start3A_1874 = arith.constant 0 : i32
      %dma_start3A_1875 = arith.constant 0 : i32
      %dma_start3A_1876 = arith.constant 0 : i32
      %dma_start3A_1877 = arith.constant 0 : i32
      %dma_start3A_1878 = tpu.memref_slice %arg18[%dma_start3A_1873, %dma_start3A_1875, %dma_start3A_1876, %dma_start3A_1877] : memref<4x1x64x128xf32, #tpu.memory_space<vmem>> -> memref<1x1x64x128xf32, #tpu.memory_space<vmem>>
      %dma_start3A_1879 = tpu.memref_squeeze %dma_start3A_1878 : memref<1x1x64x128xf32, #tpu.memory_space<vmem>> -> memref<1x64x128xf32, #tpu.memory_space<vmem>>
      %dma_start3A_1880 = arith.constant 0 : i32
      %dma_start3A_1881 = arith.constant 0 : i32
      %dma_start3A_1882 = tpu.memref_slice %arg9[%add3A_1872, %dma_start3A_1880, %dma_start3A_1881] : memref<4096x64x128xf32, #tpu.memory_space<hbm>> -> memref<1x64x128xf32, #tpu.memory_space<hbm>>
      %dma_start3A_1883 = tpu.memref_slice %arg20[%dma_start3A_1874] : memref<4x!tpu.dma_semaphore, #tpu.memory_space<semaphore_mem>> -> memref<1x!tpu.dma_semaphore, #tpu.memory_space<semaphore_mem>>
      %dma_start3A_1884 = tpu.memref_squeeze %dma_start3A_1883 : memref<1x!tpu.dma_semaphore, #tpu.memory_space<semaphore_mem>> -> memref<!tpu.dma_semaphore, #tpu.memory_space<semaphore_mem>>
      %dma_start3A_1885 = arith.constant 0 : i32
      %dma_start3A_1886 = arith.constant 0 : i32
      %dma_start3A_1887 = tpu.memref_slice %arg9[%add3A_1872, %dma_start3A_1885, %dma_start3A_1886] : memref<4096x64x128xf32, #tpu.memory_space<hbm>> -> memref<1x64x128xf32, #tpu.memory_space<hbm>>
      %dma_start3A_1888 = arith.constant 0 : i32
      %dma_start3A_1889 = arith.constant 0 : i32
      %dma_start3A_1890 = arith.constant 0 : i32
      %dma_start3A_1891 = tpu.memref_slice %arg18[%dma_start3A_1873, %dma_start3A_1888, %dma_start3A_1889, %dma_start3A_1890] : memref<4x1x64x128xf32, #tpu.memory_space<vmem>> -> memref<1x1x64x128xf32, #tpu.memory_space<vmem>>
      %dma_start3A_1892 = tpu.memref_squeeze %dma_start3A_1891 : memref<1x1x64x128xf32, #tpu.memory_space<vmem>> -> memref<1x64x128xf32, #tpu.memory_space<vmem>>
      tpu.enqueue_dma source(%dma_start3A_1892 : memref<1x64x128xf32, #tpu.memory_space<vmem>>) target(%dma_start3A_1887 : memref<1x64x128xf32, #tpu.memory_space<hbm>>) target_semaphore(%dma_start3A_1884 : memref<!tpu.dma_semaphore, #tpu.memory_space<semaphore_mem>>)
      %mul3A_1893 = arith.constant 4 : i32
      %mul3A_1894 = arith.muli %scan3A_1819, %mul3A_1893 : i32
      %mul3A_1895 = arith.constant 1 : i32
      %mul3A_1896 = arith.muli %mul3A_1894, %mul3A_1895 : i32
      %add3A_1897 = arith.constant 1 : i32
      %add3A_1898 = arith.addi %mul3A_1896, %add3A_1897 : i32
      %gt3A_1899 = arith.constant 0 : i32
      %gt3A_1900 = arith.cmpi sgt, %scan3A_1819, %gt3A_1899 : i32
      %convert_element_type3A_1901 = arith.extui %gt3A_1900 : i1 to i32
      %cond3A_1902 = arith.constant 0 : i32
      %cond3A_1903 = arith.cmpi ne, %convert_element_type3A_1901, %cond3A_1902 : i32
      scf.if %cond3A_1903 {
        %dma_wait3A_2130 = arith.constant 1 : i32
        %dma_wait3A_2131 = arith.constant 1 : i32
        %dma_wait3A_2132 = arith.constant 0 : i32
        %dma_wait3A_2133 = arith.constant 0 : i32
        %dma_wait3A_2134 = arith.constant 0 : i32
        %dma_wait3A_2135 = tpu.memref_slice %arg18[%dma_wait3A_2130, %dma_wait3A_2132, %dma_wait3A_2133, %dma_wait3A_2134] : memref<4x1x64x128xf32, #tpu.memory_space<vmem>> -> memref<1x1x64x128xf32, #tpu.memory_space<vmem>>
        %dma_wait3A_2136 = tpu.memref_squeeze %dma_wait3A_2135 : memref<1x1x64x128xf32, #tpu.memory_space<vmem>> -> memref<1x64x128xf32, #tpu.memory_space<vmem>>
        %dma_wait3A_2137 = arith.constant 0 : i32
        %dma_wait3A_2138 = arith.constant 0 : i32
        %dma_wait3A_2139 = tpu.memref_slice %arg9[%mul3A_2, %dma_wait3A_2137, %dma_wait3A_2138] : memref<4096x64x128xf32, #tpu.memory_space<hbm>> -> memref<1x64x128xf32, #tpu.memory_space<hbm>>
        %dma_wait3A_2140 = tpu.memref_slice %arg20[%dma_wait3A_2131] : memref<4x!tpu.dma_semaphore, #tpu.memory_space<semaphore_mem>> -> memref<1x!tpu.dma_semaphore, #tpu.memory_space<semaphore_mem>>
        %dma_wait3A_2141 = tpu.memref_squeeze %dma_wait3A_2140 : memref<1x!tpu.dma_semaphore, #tpu.memory_space<semaphore_mem>> -> memref<!tpu.dma_semaphore, #tpu.memory_space<semaphore_mem>>
        %dma_wait3A_2142 = arith.constant 0 : i32
        %dma_wait3A_2143 = arith.constant 0 : i32
        %dma_wait3A_2144 = tpu.memref_slice %arg9[%mul3A_2, %dma_wait3A_2142, %dma_wait3A_2143] : memref<4096x64x128xf32, #tpu.memory_space<hbm>> -> memref<1x64x128xf32, #tpu.memory_space<hbm>>
        %dma_wait3A_2145 = arith.constant 0 : i32
        %dma_wait3A_2146 = arith.constant 0 : i32
        %dma_wait3A_2147 = arith.constant 0 : i32
        %dma_wait3A_2148 = tpu.memref_slice %arg18[%dma_wait3A_2130, %dma_wait3A_2145, %dma_wait3A_2146, %dma_wait3A_2147] : memref<4x1x64x128xf32, #tpu.memory_space<vmem>> -> memref<1x1x64x128xf32, #tpu.memory_space<vmem>>
        %dma_wait3A_2149 = tpu.memref_squeeze %dma_wait3A_2148 : memref<1x1x64x128xf32, #tpu.memory_space<vmem>> -> memref<1x64x128xf32, #tpu.memory_space<vmem>>
        tpu.wait_dma2 semaphore(%dma_wait3A_2141 : memref<!tpu.dma_semaphore, #tpu.memory_space<semaphore_mem>>) src(%dma_wait3A_2149 : memref<1x64x128xf32, #tpu.memory_space<vmem>>) dst(%dma_wait3A_2144 : memref<1x64x128xf32, #tpu.memory_space<hbm>>)
      } else {
      }
      %add3A_1904 = arith.constant 0 : i32
      %add3A_1905 = arith.addi %add3A_1898, %add3A_1904 : i32
      %broadcast_in_dim3A_1906 = vector.broadcast %add3A_1905 : i32 to vector<16xi32>
      %gather3A_1907 = tpu.vector_load_idx %arg15[%broadcast_in_dim3A_1906, %broadcast_in_dim3A_1730] : memref<128x2xf32, #tpu.memory_space<vmem>>[vector<16xi32>, vector<16xi32>], vector<16xf32>,
      %gather3A_1908 = tpu.vector_load_idx %arg15[%broadcast_in_dim3A_1906, %broadcast_in_dim3A_1732] : memref<128x2xf32, #tpu.memory_space<vmem>>[vector<16xi32>, vector<16xi32>], vector<16xf32>,
      %gather3A_1909 = tpu.vector_load_idx %arg14[%add3A_1718, %broadcast_in_dim3A_1906] : memref<32x128xf32, #tpu.memory_space<vmem>>[vector<16xi32>, vector<16xi32>], vector<16xf32>,
      %sub3A_1910 = arith.subf %gather3A_1909, %broadcast_in_dim3A_1701 : vector<16xf32>
      %mul3A_1911 = arith.mulf %sub3A_1910, %div3A_1708 : vector<16xf32>
      %scatter3A_1912 = arith.constant 1 : i32
      %scatter3A_1913 = arith.constant 0 : i32
      %scatter3A_1914 = arith.constant 0 : i32
      %scatter3A_1915 = arith.constant 0 : i32
      %scatter3A_1916 = tpu.memref_slice %arg18[%scatter3A_1912, %scatter3A_1913, %scatter3A_1914, %scatter3A_1915] : memref<4x1x64x128xf32, #tpu.memory_space<vmem>> -> memref<1x1x64x128xf32, #tpu.memory_space<vmem>>
      %scatter3A_1917 = tpu.memref_squeeze %scatter3A_1916 : memref<1x1x64x128xf32, #tpu.memory_space<vmem>> -> memref<64x128xf32, #tpu.memory_space<vmem>>
      tpu.vector_store_idx %scatter3A_1917[%add3A_1718, %broadcast_in_dim3A_1724], %mul3A_1911 : memref<64x128xf32, #tpu.memory_space<vmem>>[vector<16xi32>, vector<16xi32>], vector<16xf32>,
      %scatter3A_1918 = arith.constant 1 : i32
      %scatter3A_1919 = arith.constant 0 : i32
      %scatter3A_1920 = arith.constant 0 : i32
      %scatter3A_1921 = arith.constant 0 : i32
      %scatter3A_1922 = tpu.memref_slice %arg18[%scatter3A_1918, %scatter3A_1919, %scatter3A_1920, %scatter3A_1921] : memref<4x1x64x128xf32, #tpu.memory_space<vmem>> -> memref<1x1x64x128xf32, #tpu.memory_space<vmem>>
      %scatter3A_1923 = tpu.memref_squeeze %scatter3A_1922 : memref<1x1x64x128xf32, #tpu.memory_space<vmem>> -> memref<64x128xf32, #tpu.memory_space<vmem>>
      tpu.vector_store_idx %scatter3A_1923[%add3A_1718, %broadcast_in_dim3A_1726], %gather3A_1907 : memref<64x128xf32, #tpu.memory_space<vmem>>[vector<16xi32>, vector<16xi32>], vector<16xf32>,
      %scatter3A_1924 = arith.constant 1 : i32
      %scatter3A_1925 = arith.constant 0 : i32
      %scatter3A_1926 = arith.constant 0 : i32
      %scatter3A_1927 = arith.constant 0 : i32
      %scatter3A_1928 = tpu.memref_slice %arg18[%scatter3A_1924, %scatter3A_1925, %scatter3A_1926, %scatter3A_1927] : memref<4x1x64x128xf32, #tpu.memory_space<vmem>> -> memref<1x1x64x128xf32, #tpu.memory_space<vmem>>
      %scatter3A_1929 = tpu.memref_squeeze %scatter3A_1928 : memref<1x1x64x128xf32, #tpu.memory_space<vmem>> -> memref<64x128xf32, #tpu.memory_space<vmem>>
      tpu.vector_store_idx %scatter3A_1929[%add3A_1718, %broadcast_in_dim3A_1728], %gather3A_1908 : memref<64x128xf32, #tpu.memory_space<vmem>>[vector<16xi32>, vector<16xi32>], vector<16xf32>,
      %gather3A_1930 = tpu.vector_load_idx %arg14[%add3A_1722, %broadcast_in_dim3A_1906] : memref<32x128xf32, #tpu.memory_space<vmem>>[vector<16xi32>, vector<16xi32>], vector<16xf32>,
      %sub3A_1931 = arith.subf %gather3A_1930, %broadcast_in_dim3A_1701 : vector<16xf32>
      %mul3A_1932 = arith.mulf %sub3A_1931, %div3A_1708 : vector<16xf32>
      %scatter3A_1933 = arith.constant 1 : i32
      %scatter3A_1934 = arith.constant 0 : i32
      %scatter3A_1935 = arith.constant 0 : i32
      %scatter3A_1936 = arith.constant 0 : i32
      %scatter3A_1937 = tpu.memref_slice %arg18[%scatter3A_1933, %scatter3A_1934, %scatter3A_1935, %scatter3A_1936] : memref<4x1x64x128xf32, #tpu.memory_space<vmem>> -> memref<1x1x64x128xf32, #tpu.memory_space<vmem>>
      %scatter3A_1938 = tpu.memref_squeeze %scatter3A_1937 : memref<1x1x64x128xf32, #tpu.memory_space<vmem>> -> memref<64x128xf32, #tpu.memory_space<vmem>>
      tpu.vector_store_idx %scatter3A_1938[%add3A_1722, %broadcast_in_dim3A_1724], %mul3A_1932 : memref<64x128xf32, #tpu.memory_space<vmem>>[vector<16xi32>, vector<16xi32>], vector<16xf32>,
      %scatter3A_1939 = arith.constant 1 : i32
      %scatter3A_1940 = arith.constant 0 : i32
      %scatter3A_1941 = arith.constant 0 : i32
      %scatter3A_1942 = arith.constant 0 : i32
      %scatter3A_1943 = tpu.memref_slice %arg18[%scatter3A_1939, %scatter3A_1940, %scatter3A_1941, %scatter3A_1942] : memref<4x1x64x128xf32, #tpu.memory_space<vmem>> -> memref<1x1x64x128xf32, #tpu.memory_space<vmem>>
      %scatter3A_1944 = tpu.memref_squeeze %scatter3A_1943 : memref<1x1x64x128xf32, #tpu.memory_space<vmem>> -> memref<64x128xf32, #tpu.memory_space<vmem>>
      tpu.vector_store_idx %scatter3A_1944[%add3A_1722, %broadcast_in_dim3A_1726], %gather3A_1907 : memref<64x128xf32, #tpu.memory_space<vmem>>[vector<16xi32>, vector<16xi32>], vector<16xf32>,
      %scatter3A_1945 = arith.constant 1 : i32
      %scatter3A_1946 = arith.constant 0 : i32
      %scatter3A_1947 = arith.constant 0 : i32
      %scatter3A_1948 = arith.constant 0 : i32
      %scatter3A_1949 = tpu.memref_slice %arg18[%scatter3A_1945, %scatter3A_1946, %scatter3A_1947, %scatter3A_1948] : memref<4x1x64x128xf32, #tpu.memory_space<vmem>> -> memref<1x1x64x128xf32, #tpu.memory_space<vmem>>
      %scatter3A_1950 = tpu.memref_squeeze %scatter3A_1949 : memref<1x1x64x128xf32, #tpu.memory_space<vmem>> -> memref<64x128xf32, #tpu.memory_space<vmem>>
      tpu.vector_store_idx %scatter3A_1950[%add3A_1722, %broadcast_in_dim3A_1728], %gather3A_1908 : memref<64x128xf32, #tpu.memory_space<vmem>>[vector<16xi32>, vector<16xi32>], vector<16xf32>,
      %add3A_1951 = arith.addi %mul3A_2, %add3A_1898 : i32
      %dma_start3A_1952 = arith.constant 1 : i32
      %dma_start3A_1953 = arith.constant 1 : i32
      %dma_start3A_1954 = arith.constant 0 : i32
      %dma_start3A_1955 = arith.constant 0 : i32
      %dma_start3A_1956 = arith.constant 0 : i32
      %dma_start3A_1957 = tpu.memref_slice %arg18[%dma_start3A_1952, %dma_start3A_1954, %dma_start3A_1955, %dma_start3A_1956] : memref<4x1x64x128xf32, #tpu.memory_space<vmem>> -> memref<1x1x64x128xf32, #tpu.memory_space<vmem>>
      %dma_start3A_1958 = tpu.memref_squeeze %dma_start3A_1957 : memref<1x1x64x128xf32, #tpu.memory_space<vmem>> -> memref<1x64x128xf32, #tpu.memory_space<vmem>>
      %dma_start3A_1959 = arith.constant 0 : i32
      %dma_start3A_1960 = arith.constant 0 : i32
      %dma_start3A_1961 = tpu.memref_slice %arg9[%add3A_1951, %dma_start3A_1959, %dma_start3A_1960] : memref<4096x64x128xf32, #tpu.memory_space<hbm>> -> memref<1x64x128xf32, #tpu.memory_space<hbm>>
      %dma_start3A_1962 = tpu.memref_slice %arg20[%dma_start3A_1953] : memref<4x!tpu.dma_semaphore, #tpu.memory_space<semaphore_mem>> -> memref<1x!tpu.dma_semaphore, #tpu.memory_space<semaphore_mem>>
      %dma_start3A_1963 = tpu.memref_squeeze %dma_start3A_1962 : memref<1x!tpu.dma_semaphore, #tpu.memory_space<semaphore_mem>> -> memref<!tpu.dma_semaphore, #tpu.memory_space<semaphore_mem>>
      %dma_start3A_1964 = arith.constant 0 : i32
      %dma_start3A_1965 = arith.constant 0 : i32
      %dma_start3A_1966 = tpu.memref_slice %arg9[%add3A_1951, %dma_start3A_1964, %dma_start3A_1965] : memref<4096x64x128xf32, #tpu.memory_space<hbm>> -> memref<1x64x128xf32, #tpu.memory_space<hbm>>
      %dma_start3A_1967 = arith.constant 0 : i32
      %dma_start3A_1968 = arith.constant 0 : i32
      %dma_start3A_1969 = arith.constant 0 : i32
      %dma_start3A_1970 = tpu.memref_slice %arg18[%dma_start3A_1952, %dma_start3A_1967, %dma_start3A_1968, %dma_start3A_1969] : memref<4x1x64x128xf32, #tpu.memory_space<vmem>> -> memref<1x1x64x128xf32, #tpu.memory_space<vmem>>
      %dma_start3A_1971 = tpu.memref_squeeze %dma_start3A_1970 : memref<1x1x64x128xf32, #tpu.memory_space<vmem>> -> memref<1x64x128xf32, #tpu.memory_space<vmem>>
      tpu.enqueue_dma source(%dma_start3A_1971 : memref<1x64x128xf32, #tpu.memory_space<vmem>>) target(%dma_start3A_1966 : memref<1x64x128xf32, #tpu.memory_space<hbm>>) target_semaphore(%dma_start3A_1963 : memref<!tpu.dma_semaphore, #tpu.memory_space<semaphore_mem>>)
      %mul3A_1972 = arith.constant 4 : i32
      %mul3A_1973 = arith.muli %scan3A_1819, %mul3A_1972 : i32
      %mul3A_1974 = arith.constant 1 : i32
      %mul3A_1975 = arith.muli %mul3A_1973, %mul3A_1974 : i32
      %add3A_1976 = arith.constant 2 : i32
      %add3A_1977 = arith.addi %mul3A_1975, %add3A_1976 : i32
      %gt3A_1978 = arith.constant 0 : i32
      %gt3A_1979 = arith.cmpi sgt, %scan3A_1819, %gt3A_1978 : i32
      %convert_element_type3A_1980 = arith.extui %gt3A_1979 : i1 to i32
      %cond3A_1981 = arith.constant 0 : i32
      %cond3A_1982 = arith.cmpi ne, %convert_element_type3A_1980, %cond3A_1981 : i32
      scf.if %cond3A_1982 {
        %dma_wait3A_2130 = arith.constant 2 : i32
        %dma_wait3A_2131 = arith.constant 2 : i32
        %dma_wait3A_2132 = arith.constant 0 : i32
        %dma_wait3A_2133 = arith.constant 0 : i32
        %dma_wait3A_2134 = arith.constant 0 : i32
        %dma_wait3A_2135 = tpu.memref_slice %arg18[%dma_wait3A_2130, %dma_wait3A_2132, %dma_wait3A_2133, %dma_wait3A_2134] : memref<4x1x64x128xf32, #tpu.memory_space<vmem>> -> memref<1x1x64x128xf32, #tpu.memory_space<vmem>>
        %dma_wait3A_2136 = tpu.memref_squeeze %dma_wait3A_2135 : memref<1x1x64x128xf32, #tpu.memory_space<vmem>> -> memref<1x64x128xf32, #tpu.memory_space<vmem>>
        %dma_wait3A_2137 = arith.constant 0 : i32
        %dma_wait3A_2138 = arith.constant 0 : i32
        %dma_wait3A_2139 = tpu.memref_slice %arg9[%mul3A_2, %dma_wait3A_2137, %dma_wait3A_2138] : memref<4096x64x128xf32, #tpu.memory_space<hbm>> -> memref<1x64x128xf32, #tpu.memory_space<hbm>>
        %dma_wait3A_2140 = tpu.memref_slice %arg20[%dma_wait3A_2131] : memref<4x!tpu.dma_semaphore, #tpu.memory_space<semaphore_mem>> -> memref<1x!tpu.dma_semaphore, #tpu.memory_space<semaphore_mem>>
        %dma_wait3A_2141 = tpu.memref_squeeze %dma_wait3A_2140 : memref<1x!tpu.dma_semaphore, #tpu.memory_space<semaphore_mem>> -> memref<!tpu.dma_semaphore, #tpu.memory_space<semaphore_mem>>
        %dma_wait3A_2142 = arith.constant 0 : i32
        %dma_wait3A_2143 = arith.constant 0 : i32
        %dma_wait3A_2144 = tpu.memref_slice %arg9[%mul3A_2, %dma_wait3A_2142, %dma_wait3A_2143] : memref<4096x64x128xf32, #tpu.memory_space<hbm>> -> memref<1x64x128xf32, #tpu.memory_space<hbm>>
        %dma_wait3A_2145 = arith.constant 0 : i32
        %dma_wait3A_2146 = arith.constant 0 : i32
        %dma_wait3A_2147 = arith.constant 0 : i32
        %dma_wait3A_2148 = tpu.memref_slice %arg18[%dma_wait3A_2130, %dma_wait3A_2145, %dma_wait3A_2146, %dma_wait3A_2147] : memref<4x1x64x128xf32, #tpu.memory_space<vmem>> -> memref<1x1x64x128xf32, #tpu.memory_space<vmem>>
        %dma_wait3A_2149 = tpu.memref_squeeze %dma_wait3A_2148 : memref<1x1x64x128xf32, #tpu.memory_space<vmem>> -> memref<1x64x128xf32, #tpu.memory_space<vmem>>
        tpu.wait_dma2 semaphore(%dma_wait3A_2141 : memref<!tpu.dma_semaphore, #tpu.memory_space<semaphore_mem>>) src(%dma_wait3A_2149 : memref<1x64x128xf32, #tpu.memory_space<vmem>>) dst(%dma_wait3A_2144 : memref<1x64x128xf32, #tpu.memory_space<hbm>>)
      } else {
      }
      %add3A_1983 = arith.constant 0 : i32
      %add3A_1984 = arith.addi %add3A_1977, %add3A_1983 : i32
      %broadcast_in_dim3A_1985 = vector.broadcast %add3A_1984 : i32 to vector<16xi32>
      %gather3A_1986 = tpu.vector_load_idx %arg15[%broadcast_in_dim3A_1985, %broadcast_in_dim3A_1730] : memref<128x2xf32, #tpu.memory_space<vmem>>[vector<16xi32>, vector<16xi32>], vector<16xf32>,
      %gather3A_1987 = tpu.vector_load_idx %arg15[%broadcast_in_dim3A_1985, %broadcast_in_dim3A_1732] : memref<128x2xf32, #tpu.memory_space<vmem>>[vector<16xi32>, vector<16xi32>], vector<16xf32>,
      %gather3A_1988 = tpu.vector_load_idx %arg14[%add3A_1718, %broadcast_in_dim3A_1985] : memref<32x128xf32, #tpu.memory_space<vmem>>[vector<16xi32>, vector<16xi32>], vector<16xf32>,
      %sub3A_1989 = arith.subf %gather3A_1988, %broadcast_in_dim3A_1701 : vector<16xf32>
      %mul3A_1990 = arith.mulf %sub3A_1989, %div3A_1708 : vector<16xf32>
      %scatter3A_1991 = arith.constant 2 : i32
      %scatter3A_1992 = arith.constant 0 : i32
      %scatter3A_1993 = arith.constant 0 : i32
      %scatter3A_1994 = arith.constant 0 : i32
      %scatter3A_1995 = tpu.memref_slice %arg18[%scatter3A_1991, %scatter3A_1992, %scatter3A_1993, %scatter3A_1994] : memref<4x1x64x128xf32, #tpu.memory_space<vmem>> -> memref<1x1x64x128xf32, #tpu.memory_space<vmem>>
      %scatter3A_1996 = tpu.memref_squeeze %scatter3A_1995 : memref<1x1x64x128xf32, #tpu.memory_space<vmem>> -> memref<64x128xf32, #tpu.memory_space<vmem>>
      tpu.vector_store_idx %scatter3A_1996[%add3A_1718, %broadcast_in_dim3A_1724], %mul3A_1990 : memref<64x128xf32, #tpu.memory_space<vmem>>[vector<16xi32>, vector<16xi32>], vector<16xf32>,
      %scatter3A_1997 = arith.constant 2 : i32
      %scatter3A_1998 = arith.constant 0 : i32
      %scatter3A_1999 = arith.constant 0 : i32
      %scatter3A_2000 = arith.constant 0 : i32
      %scatter3A_2001 = tpu.memref_slice %arg18[%scatter3A_1997, %scatter3A_1998, %scatter3A_1999, %scatter3A_2000] : memref<4x1x64x128xf32, #tpu.memory_space<vmem>> -> memref<1x1x64x128xf32, #tpu.memory_space<vmem>>
      %scatter3A_2002 = tpu.memref_squeeze %scatter3A_2001 : memref<1x1x64x128xf32, #tpu.memory_space<vmem>> -> memref<64x128xf32, #tpu.memory_space<vmem>>
      tpu.vector_store_idx %scatter3A_2002[%add3A_1718, %broadcast_in_dim3A_1726], %gather3A_1986 : memref<64x128xf32, #tpu.memory_space<vmem>>[vector<16xi32>, vector<16xi32>], vector<16xf32>,
      %scatter3A_2003 = arith.constant 2 : i32
      %scatter3A_2004 = arith.constant 0 : i32
      %scatter3A_2005 = arith.constant 0 : i32
      %scatter3A_2006 = arith.constant 0 : i32
      %scatter3A_2007 = tpu.memref_slice %arg18[%scatter3A_2003, %scatter3A_2004, %scatter3A_2005, %scatter3A_2006] : memref<4x1x64x128xf32, #tpu.memory_space<vmem>> -> memref<1x1x64x128xf32, #tpu.memory_space<vmem>>
      %scatter3A_2008 = tpu.memref_squeeze %scatter3A_2007 : memref<1x1x64x128xf32, #tpu.memory_space<vmem>> -> memref<64x128xf32, #tpu.memory_space<vmem>>
      tpu.vector_store_idx %scatter3A_2008[%add3A_1718, %broadcast_in_dim3A_1728], %gather3A_1987 : memref<64x128xf32, #tpu.memory_space<vmem>>[vector<16xi32>, vector<16xi32>], vector<16xf32>,
      %gather3A_2009 = tpu.vector_load_idx %arg14[%add3A_1722, %broadcast_in_dim3A_1985] : memref<32x128xf32, #tpu.memory_space<vmem>>[vector<16xi32>, vector<16xi32>], vector<16xf32>,
      %sub3A_2010 = arith.subf %gather3A_2009, %broadcast_in_dim3A_1701 : vector<16xf32>
      %mul3A_2011 = arith.mulf %sub3A_2010, %div3A_1708 : vector<16xf32>
      %scatter3A_2012 = arith.constant 2 : i32
      %scatter3A_2013 = arith.constant 0 : i32
      %scatter3A_2014 = arith.constant 0 : i32
      %scatter3A_2015 = arith.constant 0 : i32
      %scatter3A_2016 = tpu.memref_slice %arg18[%scatter3A_2012, %scatter3A_2013, %scatter3A_2014, %scatter3A_2015] : memref<4x1x64x128xf32, #tpu.memory_space<vmem>> -> memref<1x1x64x128xf32, #tpu.memory_space<vmem>>
      %scatter3A_2017 = tpu.memref_squeeze %scatter3A_2016 : memref<1x1x64x128xf32, #tpu.memory_space<vmem>> -> memref<64x128xf32, #tpu.memory_space<vmem>>
      tpu.vector_store_idx %scatter3A_2017[%add3A_1722, %broadcast_in_dim3A_1724], %mul3A_2011 : memref<64x128xf32, #tpu.memory_space<vmem>>[vector<16xi32>, vector<16xi32>], vector<16xf32>,
      %scatter3A_2018 = arith.constant 2 : i32
      %scatter3A_2019 = arith.constant 0 : i32
      %scatter3A_2020 = arith.constant 0 : i32
      %scatter3A_2021 = arith.constant 0 : i32
      %scatter3A_2022 = tpu.memref_slice %arg18[%scatter3A_2018, %scatter3A_2019, %scatter3A_2020, %scatter3A_2021] : memref<4x1x64x128xf32, #tpu.memory_space<vmem>> -> memref<1x1x64x128xf32, #tpu.memory_space<vmem>>
      %scatter3A_2023 = tpu.memref_squeeze %scatter3A_2022 : memref<1x1x64x128xf32, #tpu.memory_space<vmem>> -> memref<64x128xf32, #tpu.memory_space<vmem>>
      tpu.vector_store_idx %scatter3A_2023[%add3A_1722, %broadcast_in_dim3A_1726], %gather3A_1986 : memref<64x128xf32, #tpu.memory_space<vmem>>[vector<16xi32>, vector<16xi32>], vector<16xf32>,
      %scatter3A_2024 = arith.constant 2 : i32
      %scatter3A_2025 = arith.constant 0 : i32
      %scatter3A_2026 = arith.constant 0 : i32
      %scatter3A_2027 = arith.constant 0 : i32
      %scatter3A_2028 = tpu.memref_slice %arg18[%scatter3A_2024, %scatter3A_2025, %scatter3A_2026, %scatter3A_2027] : memref<4x1x64x128xf32, #tpu.memory_space<vmem>> -> memref<1x1x64x128xf32, #tpu.memory_space<vmem>>
      %scatter3A_2029 = tpu.memref_squeeze %scatter3A_2028 : memref<1x1x64x128xf32, #tpu.memory_space<vmem>> -> memref<64x128xf32, #tpu.memory_space<vmem>>
      tpu.vector_store_idx %scatter3A_2029[%add3A_1722, %broadcast_in_dim3A_1728], %gather3A_1987 : memref<64x128xf32, #tpu.memory_space<vmem>>[vector<16xi32>, vector<16xi32>], vector<16xf32>,
      %add3A_2030 = arith.addi %mul3A_2, %add3A_1977 : i32
      %dma_start3A_2031 = arith.constant 2 : i32
      %dma_start3A_2032 = arith.constant 2 : i32
      %dma_start3A_2033 = arith.constant 0 : i32
      %dma_start3A_2034 = arith.constant 0 : i32
      %dma_start3A_2035 = arith.constant 0 : i32
      %dma_start3A_2036 = tpu.memref_slice %arg18[%dma_start3A_2031, %dma_start3A_2033, %dma_start3A_2034, %dma_start3A_2035] : memref<4x1x64x128xf32, #tpu.memory_space<vmem>> -> memref<1x1x64x128xf32, #tpu.memory_space<vmem>>
      %dma_start3A_2037 = tpu.memref_squeeze %dma_start3A_2036 : memref<1x1x64x128xf32, #tpu.memory_space<vmem>> -> memref<1x64x128xf32, #tpu.memory_space<vmem>>
      %dma_start3A_2038 = arith.constant 0 : i32
      %dma_start3A_2039 = arith.constant 0 : i32
      %dma_start3A_2040 = tpu.memref_slice %arg9[%add3A_2030, %dma_start3A_2038, %dma_start3A_2039] : memref<4096x64x128xf32, #tpu.memory_space<hbm>> -> memref<1x64x128xf32, #tpu.memory_space<hbm>>
      %dma_start3A_2041 = tpu.memref_slice %arg20[%dma_start3A_2032] : memref<4x!tpu.dma_semaphore, #tpu.memory_space<semaphore_mem>> -> memref<1x!tpu.dma_semaphore, #tpu.memory_space<semaphore_mem>>
      %dma_start3A_2042 = tpu.memref_squeeze %dma_start3A_2041 : memref<1x!tpu.dma_semaphore, #tpu.memory_space<semaphore_mem>> -> memref<!tpu.dma_semaphore, #tpu.memory_space<semaphore_mem>>
      %dma_start3A_2043 = arith.constant 0 : i32
      %dma_start3A_2044 = arith.constant 0 : i32
      %dma_start3A_2045 = tpu.memref_slice %arg9[%add3A_2030, %dma_start3A_2043, %dma_start3A_2044] : memref<4096x64x128xf32, #tpu.memory_space<hbm>> -> memref<1x64x128xf32, #tpu.memory_space<hbm>>
      %dma_start3A_2046 = arith.constant 0 : i32
      %dma_start3A_2047 = arith.constant 0 : i32
      %dma_start3A_2048 = arith.constant 0 : i32
      %dma_start3A_2049 = tpu.memref_slice %arg18[%dma_start3A_2031, %dma_start3A_2046, %dma_start3A_2047, %dma_start3A_2048] : memref<4x1x64x128xf32, #tpu.memory_space<vmem>> -> memref<1x1x64x128xf32, #tpu.memory_space<vmem>>
      %dma_start3A_2050 = tpu.memref_squeeze %dma_start3A_2049 : memref<1x1x64x128xf32, #tpu.memory_space<vmem>> -> memref<1x64x128xf32, #tpu.memory_space<vmem>>
      tpu.enqueue_dma source(%dma_start3A_2050 : memref<1x64x128xf32, #tpu.memory_space<vmem>>) target(%dma_start3A_2045 : memref<1x64x128xf32, #tpu.memory_space<hbm>>) target_semaphore(%dma_start3A_2042 : memref<!tpu.dma_semaphore, #tpu.memory_space<semaphore_mem>>)
      %mul3A_2051 = arith.constant 4 : i32
      %mul3A_2052 = arith.muli %scan3A_1819, %mul3A_2051 : i32
      %mul3A_2053 = arith.constant 1 : i32
      %mul3A_2054 = arith.muli %mul3A_2052, %mul3A_2053 : i32
      %add3A_2055 = arith.constant 3 : i32
      %add3A_2056 = arith.addi %mul3A_2054, %add3A_2055 : i32
      %gt3A_2057 = arith.constant 0 : i32
      %gt3A_2058 = arith.cmpi sgt, %scan3A_1819, %gt3A_2057 : i32
      %convert_element_type3A_2059 = arith.extui %gt3A_2058 : i1 to i32
      %cond3A_2060 = arith.constant 0 : i32
      %cond3A_2061 = arith.cmpi ne, %convert_element_type3A_2059, %cond3A_2060 : i32
      scf.if %cond3A_2061 {
        %dma_wait3A_2130 = arith.constant 3 : i32
        %dma_wait3A_2131 = arith.constant 3 : i32
        %dma_wait3A_2132 = arith.constant 0 : i32
        %dma_wait3A_2133 = arith.constant 0 : i32
        %dma_wait3A_2134 = arith.constant 0 : i32
        %dma_wait3A_2135 = tpu.memref_slice %arg18[%dma_wait3A_2130, %dma_wait3A_2132, %dma_wait3A_2133, %dma_wait3A_2134] : memref<4x1x64x128xf32, #tpu.memory_space<vmem>> -> memref<1x1x64x128xf32, #tpu.memory_space<vmem>>
        %dma_wait3A_2136 = tpu.memref_squeeze %dma_wait3A_2135 : memref<1x1x64x128xf32, #tpu.memory_space<vmem>> -> memref<1x64x128xf32, #tpu.memory_space<vmem>>
        %dma_wait3A_2137 = arith.constant 0 : i32
        %dma_wait3A_2138 = arith.constant 0 : i32
        %dma_wait3A_2139 = tpu.memref_slice %arg9[%mul3A_2, %dma_wait3A_2137, %dma_wait3A_2138] : memref<4096x64x128xf32, #tpu.memory_space<hbm>> -> memref<1x64x128xf32, #tpu.memory_space<hbm>>
        %dma_wait3A_2140 = tpu.memref_slice %arg20[%dma_wait3A_2131] : memref<4x!tpu.dma_semaphore, #tpu.memory_space<semaphore_mem>> -> memref<1x!tpu.dma_semaphore, #tpu.memory_space<semaphore_mem>>
        %dma_wait3A_2141 = tpu.memref_squeeze %dma_wait3A_2140 : memref<1x!tpu.dma_semaphore, #tpu.memory_space<semaphore_mem>> -> memref<!tpu.dma_semaphore, #tpu.memory_space<semaphore_mem>>
        %dma_wait3A_2142 = arith.constant 0 : i32
        %dma_wait3A_2143 = arith.constant 0 : i32
        %dma_wait3A_2144 = tpu.memref_slice %arg9[%mul3A_2, %dma_wait3A_2142, %dma_wait3A_2143] : memref<4096x64x128xf32, #tpu.memory_space<hbm>> -> memref<1x64x128xf32, #tpu.memory_space<hbm>>
        %dma_wait3A_2145 = arith.constant 0 : i32
        %dma_wait3A_2146 = arith.constant 0 : i32
        %dma_wait3A_2147 = arith.constant 0 : i32
        %dma_wait3A_2148 = tpu.memref_slice %arg18[%dma_wait3A_2130, %dma_wait3A_2145, %dma_wait3A_2146, %dma_wait3A_2147] : memref<4x1x64x128xf32, #tpu.memory_space<vmem>> -> memref<1x1x64x128xf32, #tpu.memory_space<vmem>>
        %dma_wait3A_2149 = tpu.memref_squeeze %dma_wait3A_2148 : memref<1x1x64x128xf32, #tpu.memory_space<vmem>> -> memref<1x64x128xf32, #tpu.memory_space<vmem>>
        tpu.wait_dma2 semaphore(%dma_wait3A_2141 : memref<!tpu.dma_semaphore, #tpu.memory_space<semaphore_mem>>) src(%dma_wait3A_2149 : memref<1x64x128xf32, #tpu.memory_space<vmem>>) dst(%dma_wait3A_2144 : memref<1x64x128xf32, #tpu.memory_space<hbm>>)
      } else {
      }
      %add3A_2062 = arith.constant 0 : i32
      %add3A_2063 = arith.addi %add3A_2056, %add3A_2062 : i32
      %broadcast_in_dim3A_2064 = vector.broadcast %add3A_2063 : i32 to vector<16xi32>
      %gather3A_2065 = tpu.vector_load_idx %arg15[%broadcast_in_dim3A_2064, %broadcast_in_dim3A_1730] : memref<128x2xf32, #tpu.memory_space<vmem>>[vector<16xi32>, vector<16xi32>], vector<16xf32>,
      %gather3A_2066 = tpu.vector_load_idx %arg15[%broadcast_in_dim3A_2064, %broadcast_in_dim3A_1732] : memref<128x2xf32, #tpu.memory_space<vmem>>[vector<16xi32>, vector<16xi32>], vector<16xf32>,
      %gather3A_2067 = tpu.vector_load_idx %arg14[%add3A_1718, %broadcast_in_dim3A_2064] : memref<32x128xf32, #tpu.memory_space<vmem>>[vector<16xi32>, vector<16xi32>], vector<16xf32>,
      %sub3A_2068 = arith.subf %gather3A_2067, %broadcast_in_dim3A_1701 : vector<16xf32>
      %mul3A_2069 = arith.mulf %sub3A_2068, %div3A_1708 : vector<16xf32>
      %scatter3A_2070 = arith.constant 3 : i32
      %scatter3A_2071 = arith.constant 0 : i32
      %scatter3A_2072 = arith.constant 0 : i32
      %scatter3A_2073 = arith.constant 0 : i32
      %scatter3A_2074 = tpu.memref_slice %arg18[%scatter3A_2070, %scatter3A_2071, %scatter3A_2072, %scatter3A_2073] : memref<4x1x64x128xf32, #tpu.memory_space<vmem>> -> memref<1x1x64x128xf32, #tpu.memory_space<vmem>>
      %scatter3A_2075 = tpu.memref_squeeze %scatter3A_2074 : memref<1x1x64x128xf32, #tpu.memory_space<vmem>> -> memref<64x128xf32, #tpu.memory_space<vmem>>
      tpu.vector_store_idx %scatter3A_2075[%add3A_1718, %broadcast_in_dim3A_1724], %mul3A_2069 : memref<64x128xf32, #tpu.memory_space<vmem>>[vector<16xi32>, vector<16xi32>], vector<16xf32>,
      %scatter3A_2076 = arith.constant 3 : i32
      %scatter3A_2077 = arith.constant 0 : i32
      %scatter3A_2078 = arith.constant 0 : i32
      %scatter3A_2079 = arith.constant 0 : i32
      %scatter3A_2080 = tpu.memref_slice %arg18[%scatter3A_2076, %scatter3A_2077, %scatter3A_2078, %scatter3A_2079] : memref<4x1x64x128xf32, #tpu.memory_space<vmem>> -> memref<1x1x64x128xf32, #tpu.memory_space<vmem>>
      %scatter3A_2081 = tpu.memref_squeeze %scatter3A_2080 : memref<1x1x64x128xf32, #tpu.memory_space<vmem>> -> memref<64x128xf32, #tpu.memory_space<vmem>>
      tpu.vector_store_idx %scatter3A_2081[%add3A_1718, %broadcast_in_dim3A_1726], %gather3A_2065 : memref<64x128xf32, #tpu.memory_space<vmem>>[vector<16xi32>, vector<16xi32>], vector<16xf32>,
      %scatter3A_2082 = arith.constant 3 : i32
      %scatter3A_2083 = arith.constant 0 : i32
      %scatter3A_2084 = arith.constant 0 : i32
      %scatter3A_2085 = arith.constant 0 : i32
      %scatter3A_2086 = tpu.memref_slice %arg18[%scatter3A_2082, %scatter3A_2083, %scatter3A_2084, %scatter3A_2085] : memref<4x1x64x128xf32, #tpu.memory_space<vmem>> -> memref<1x1x64x128xf32, #tpu.memory_space<vmem>>
      %scatter3A_2087 = tpu.memref_squeeze %scatter3A_2086 : memref<1x1x64x128xf32, #tpu.memory_space<vmem>> -> memref<64x128xf32, #tpu.memory_space<vmem>>
      tpu.vector_store_idx %scatter3A_2087[%add3A_1718, %broadcast_in_dim3A_1728], %gather3A_2066 : memref<64x128xf32, #tpu.memory_space<vmem>>[vector<16xi32>, vector<16xi32>], vector<16xf32>,
      %gather3A_2088 = tpu.vector_load_idx %arg14[%add3A_1722, %broadcast_in_dim3A_2064] : memref<32x128xf32, #tpu.memory_space<vmem>>[vector<16xi32>, vector<16xi32>], vector<16xf32>,
      %sub3A_2089 = arith.subf %gather3A_2088, %broadcast_in_dim3A_1701 : vector<16xf32>
      %mul3A_2090 = arith.mulf %sub3A_2089, %div3A_1708 : vector<16xf32>
      %scatter3A_2091 = arith.constant 3 : i32
      %scatter3A_2092 = arith.constant 0 : i32
      %scatter3A_2093 = arith.constant 0 : i32
      %scatter3A_2094 = arith.constant 0 : i32
      %scatter3A_2095 = tpu.memref_slice %arg18[%scatter3A_2091, %scatter3A_2092, %scatter3A_2093, %scatter3A_2094] : memref<4x1x64x128xf32, #tpu.memory_space<vmem>> -> memref<1x1x64x128xf32, #tpu.memory_space<vmem>>
      %scatter3A_2096 = tpu.memref_squeeze %scatter3A_2095 : memref<1x1x64x128xf32, #tpu.memory_space<vmem>> -> memref<64x128xf32, #tpu.memory_space<vmem>>
      tpu.vector_store_idx %scatter3A_2096[%add3A_1722, %broadcast_in_dim3A_1724], %mul3A_2090 : memref<64x128xf32, #tpu.memory_space<vmem>>[vector<16xi32>, vector<16xi32>], vector<16xf32>,
      %scatter3A_2097 = arith.constant 3 : i32
      %scatter3A_2098 = arith.constant 0 : i32
      %scatter3A_2099 = arith.constant 0 : i32
      %scatter3A_2100 = arith.constant 0 : i32
      %scatter3A_2101 = tpu.memref_slice %arg18[%scatter3A_2097, %scatter3A_2098, %scatter3A_2099, %scatter3A_2100] : memref<4x1x64x128xf32, #tpu.memory_space<vmem>> -> memref<1x1x64x128xf32, #tpu.memory_space<vmem>>
      %scatter3A_2102 = tpu.memref_squeeze %scatter3A_2101 : memref<1x1x64x128xf32, #tpu.memory_space<vmem>> -> memref<64x128xf32, #tpu.memory_space<vmem>>
      tpu.vector_store_idx %scatter3A_2102[%add3A_1722, %broadcast_in_dim3A_1726], %gather3A_2065 : memref<64x128xf32, #tpu.memory_space<vmem>>[vector<16xi32>, vector<16xi32>], vector<16xf32>,
      %scatter3A_2103 = arith.constant 3 : i32
      %scatter3A_2104 = arith.constant 0 : i32
      %scatter3A_2105 = arith.constant 0 : i32
      %scatter3A_2106 = arith.constant 0 : i32
      %scatter3A_2107 = tpu.memref_slice %arg18[%scatter3A_2103, %scatter3A_2104, %scatter3A_2105, %scatter3A_2106] : memref<4x1x64x128xf32, #tpu.memory_space<vmem>> -> memref<1x1x64x128xf32, #tpu.memory_space<vmem>>
      %scatter3A_2108 = tpu.memref_squeeze %scatter3A_2107 : memref<1x1x64x128xf32, #tpu.memory_space<vmem>> -> memref<64x128xf32, #tpu.memory_space<vmem>>
      tpu.vector_store_idx %scatter3A_2108[%add3A_1722, %broadcast_in_dim3A_1728], %gather3A_2066 : memref<64x128xf32, #tpu.memory_space<vmem>>[vector<16xi32>, vector<16xi32>], vector<16xf32>,
      %add3A_2109 = arith.addi %mul3A_2, %add3A_2056 : i32
      %dma_start3A_2110 = arith.constant 3 : i32
      %dma_start3A_2111 = arith.constant 3 : i32
      %dma_start3A_2112 = arith.constant 0 : i32
      %dma_start3A_2113 = arith.constant 0 : i32
      %dma_start3A_2114 = arith.constant 0 : i32
      %dma_start3A_2115 = tpu.memref_slice %arg18[%dma_start3A_2110, %dma_start3A_2112, %dma_start3A_2113, %dma_start3A_2114] : memref<4x1x64x128xf32, #tpu.memory_space<vmem>> -> memref<1x1x64x128xf32, #tpu.memory_space<vmem>>
      %dma_start3A_2116 = tpu.memref_squeeze %dma_start3A_2115 : memref<1x1x64x128xf32, #tpu.memory_space<vmem>> -> memref<1x64x128xf32, #tpu.memory_space<vmem>>
      %dma_start3A_2117 = arith.constant 0 : i32
      %dma_start3A_2118 = arith.constant 0 : i32
      %dma_start3A_2119 = tpu.memref_slice %arg9[%add3A_2109, %dma_start3A_2117, %dma_start3A_2118] : memref<4096x64x128xf32, #tpu.memory_space<hbm>> -> memref<1x64x128xf32, #tpu.memory_space<hbm>>
      %dma_start3A_2120 = tpu.memref_slice %arg20[%dma_start3A_2111] : memref<4x!tpu.dma_semaphore, #tpu.memory_space<semaphore_mem>> -> memref<1x!tpu.dma_semaphore, #tpu.memory_space<semaphore_mem>>
      %dma_start3A_2121 = tpu.memref_squeeze %dma_start3A_2120 : memref<1x!tpu.dma_semaphore, #tpu.memory_space<semaphore_mem>> -> memref<!tpu.dma_semaphore, #tpu.memory_space<semaphore_mem>>
      %dma_start3A_2122 = arith.constant 0 : i32
      %dma_start3A_2123 = arith.constant 0 : i32
      %dma_start3A_2124 = tpu.memref_slice %arg9[%add3A_2109, %dma_start3A_2122, %dma_start3A_2123] : memref<4096x64x128xf32, #tpu.memory_space<hbm>> -> memref<1x64x128xf32, #tpu.memory_space<hbm>>
      %dma_start3A_2125 = arith.constant 0 : i32
      %dma_start3A_2126 = arith.constant 0 : i32
      %dma_start3A_2127 = arith.constant 0 : i32
      %dma_start3A_2128 = tpu.memref_slice %arg18[%dma_start3A_2110, %dma_start3A_2125, %dma_start3A_2126, %dma_start3A_2127] : memref<4x1x64x128xf32, #tpu.memory_space<vmem>> -> memref<1x1x64x128xf32, #tpu.memory_space<vmem>>
      %dma_start3A_2129 = tpu.memref_squeeze %dma_start3A_2128 : memref<1x1x64x128xf32, #tpu.memory_space<vmem>> -> memref<1x64x128xf32, #tpu.memory_space<vmem>>
      tpu.enqueue_dma source(%dma_start3A_2129 : memref<1x64x128xf32, #tpu.memory_space<vmem>>) target(%dma_start3A_2124 : memref<1x64x128xf32, #tpu.memory_space<hbm>>) target_semaphore(%dma_start3A_2121 : memref<!tpu.dma_semaphore, #tpu.memory_space<semaphore_mem>>)
    }
    %scan3A_1738 = arith.constant 32 : i32
    %dma_wait3A_1739 = arith.constant 0 : i32
    %dma_wait3A_1740 = arith.constant 0 : i32
    %dma_wait3A_1741 = arith.constant 0 : i32
    %dma_wait3A_1742 = arith.constant 0 : i32
    %dma_wait3A_1743 = arith.constant 0 : i32
    %dma_wait3A_1744 = tpu.memref_slice %arg18[%dma_wait3A_1739, %dma_wait3A_1741, %dma_wait3A_1742, %dma_wait3A_1743] : memref<4x1x64x128xf32, #tpu.memory_space<vmem>> -> memref<1x1x64x128xf32, #tpu.memory_space<vmem>>
    %dma_wait3A_1745 = tpu.memref_squeeze %dma_wait3A_1744 : memref<1x1x64x128xf32, #tpu.memory_space<vmem>> -> memref<1x64x128xf32, #tpu.memory_space<vmem>>
    %dma_wait3A_1746 = arith.constant 0 : i32
    %dma_wait3A_1747 = arith.constant 0 : i32
    %dma_wait3A_1748 = tpu.memref_slice %arg9[%mul3A_2, %dma_wait3A_1746, %dma_wait3A_1747] : memref<4096x64x128xf32, #tpu.memory_space<hbm>> -> memref<1x64x128xf32, #tpu.memory_space<hbm>>
    %dma_wait3A_1749 = tpu.memref_slice %arg20[%dma_wait3A_1740] : memref<4x!tpu.dma_semaphore, #tpu.memory_space<semaphore_mem>> -> memref<1x!tpu.dma_semaphore, #tpu.memory_space<semaphore_mem>>
    %dma_wait3A_1750 = tpu.memref_squeeze %dma_wait3A_1749 : memref<1x!tpu.dma_semaphore, #tpu.memory_space<semaphore_mem>> -> memref<!tpu.dma_semaphore, #tpu.memory_space<semaphore_mem>>
    %dma_wait3A_1751 = arith.constant 0 : i32
    %dma_wait3A_1752 = arith.constant 0 : i32
    %dma_wait3A_1753 = tpu.memref_slice %arg9[%mul3A_2, %dma_wait3A_1751, %dma_wait3A_1752] : memref<4096x64x128xf32, #tpu.memory_space<hbm>> -> memref<1x64x128xf32, #tpu.memory_space<hbm>>
    %dma_wait3A_1754 = arith.constant 0 : i32
    %dma_wait3A_1755 = arith.constant 0 : i32
    %dma_wait3A_1756 = arith.constant 0 : i32
    %dma_wait3A_1757 = tpu.memref_slice %arg18[%dma_wait3A_1739, %dma_wait3A_1754, %dma_wait3A_1755, %dma_wait3A_1756] : memref<4x1x64x128xf32, #tpu.memory_space<vmem>> -> memref<1x1x64x128xf32, #tpu.memory_space<vmem>>
    %dma_wait3A_1758 = tpu.memref_squeeze %dma_wait3A_1757 : memref<1x1x64x128xf32, #tpu.memory_space<vmem>> -> memref<1x64x128xf32, #tpu.memory_space<vmem>>
    tpu.wait_dma2 semaphore(%dma_wait3A_1750 : memref<!tpu.dma_semaphore, #tpu.memory_space<semaphore_mem>>) src(%dma_wait3A_1758 : memref<1x64x128xf32, #tpu.memory_space<vmem>>) dst(%dma_wait3A_1753 : memref<1x64x128xf32, #tpu.memory_space<hbm>>)
    %dma_wait3A_1759 = arith.constant 1 : i32
    %dma_wait3A_1760 = arith.constant 1 : i32
    %dma_wait3A_1761 = arith.constant 0 : i32
    %dma_wait3A_1762 = arith.constant 0 : i32
    %dma_wait3A_1763 = arith.constant 0 : i32
    %dma_wait3A_1764 = tpu.memref_slice %arg18[%dma_wait3A_1759, %dma_wait3A_1761, %dma_wait3A_1762, %dma_wait3A_1763] : memref<4x1x64x128xf32, #tpu.memory_space<vmem>> -> memref<1x1x64x128xf32, #tpu.memory_space<vmem>>
    %dma_wait3A_1765 = tpu.memref_squeeze %dma_wait3A_1764 : memref<1x1x64x128xf32, #tpu.memory_space<vmem>> -> memref<1x64x128xf32, #tpu.memory_space<vmem>>
    %dma_wait3A_1766 = arith.constant 0 : i32
    %dma_wait3A_1767 = arith.constant 0 : i32
    %dma_wait3A_1768 = tpu.memref_slice %arg9[%mul3A_2, %dma_wait3A_1766, %dma_wait3A_1767] : memref<4096x64x128xf32, #tpu.memory_space<hbm>> -> memref<1x64x128xf32, #tpu.memory_space<hbm>>
    %dma_wait3A_1769 = tpu.memref_slice %arg20[%dma_wait3A_1760] : memref<4x!tpu.dma_semaphore, #tpu.memory_space<semaphore_mem>> -> memref<1x!tpu.dma_semaphore, #tpu.memory_space<semaphore_mem>>
    %dma_wait3A_1770 = tpu.memref_squeeze %dma_wait3A_1769 : memref<1x!tpu.dma_semaphore, #tpu.memory_space<semaphore_mem>> -> memref<!tpu.dma_semaphore, #tpu.memory_space<semaphore_mem>>
    %dma_wait3A_1771 = arith.constant 0 : i32
    %dma_wait3A_1772 = arith.constant 0 : i32
    %dma_wait3A_1773 = tpu.memref_slice %arg9[%mul3A_2, %dma_wait3A_1771, %dma_wait3A_1772] : memref<4096x64x128xf32, #tpu.memory_space<hbm>> -> memref<1x64x128xf32, #tpu.memory_space<hbm>>
    %dma_wait3A_1774 = arith.constant 0 : i32
    %dma_wait3A_1775 = arith.constant 0 : i32
    %dma_wait3A_1776 = arith.constant 0 : i32
    %dma_wait3A_1777 = tpu.memref_slice %arg18[%dma_wait3A_1759, %dma_wait3A_1774, %dma_wait3A_1775, %dma_wait3A_1776] : memref<4x1x64x128xf32, #tpu.memory_space<vmem>> -> memref<1x1x64x128xf32, #tpu.memory_space<vmem>>
    %dma_wait3A_1778 = tpu.memref_squeeze %dma_wait3A_1777 : memref<1x1x64x128xf32, #tpu.memory_space<vmem>> -> memref<1x64x128xf32, #tpu.memory_space<vmem>>
    tpu.wait_dma2 semaphore(%dma_wait3A_1770 : memref<!tpu.dma_semaphore, #tpu.memory_space<semaphore_mem>>) src(%dma_wait3A_1778 : memref<1x64x128xf32, #tpu.memory_space<vmem>>) dst(%dma_wait3A_1773 : memref<1x64x128xf32, #tpu.memory_space<hbm>>)
    %dma_wait3A_1779 = arith.constant 2 : i32
    %dma_wait3A_1780 = arith.constant 2 : i32
    %dma_wait3A_1781 = arith.constant 0 : i32
    %dma_wait3A_1782 = arith.constant 0 : i32
    %dma_wait3A_1783 = arith.constant 0 : i32
    %dma_wait3A_1784 = tpu.memref_slice %arg18[%dma_wait3A_1779, %dma_wait3A_1781, %dma_wait3A_1782, %dma_wait3A_1783] : memref<4x1x64x128xf32, #tpu.memory_space<vmem>> -> memref<1x1x64x128xf32, #tpu.memory_space<vmem>>
    %dma_wait3A_1785 = tpu.memref_squeeze %dma_wait3A_1784 : memref<1x1x64x128xf32, #tpu.memory_space<vmem>> -> memref<1x64x128xf32, #tpu.memory_space<vmem>>
    %dma_wait3A_1786 = arith.constant 0 : i32
    %dma_wait3A_1787 = arith.constant 0 : i32
    %dma_wait3A_1788 = tpu.memref_slice %arg9[%mul3A_2, %dma_wait3A_1786, %dma_wait3A_1787] : memref<4096x64x128xf32, #tpu.memory_space<hbm>> -> memref<1x64x128xf32, #tpu.memory_space<hbm>>
    %dma_wait3A_1789 = tpu.memref_slice %arg20[%dma_wait3A_1780] : memref<4x!tpu.dma_semaphore, #tpu.memory_space<semaphore_mem>> -> memref<1x!tpu.dma_semaphore, #tpu.memory_space<semaphore_mem>>
    %dma_wait3A_1790 = tpu.memref_squeeze %dma_wait3A_1789 : memref<1x!tpu.dma_semaphore, #tpu.memory_space<semaphore_mem>> -> memref<!tpu.dma_semaphore, #tpu.memory_space<semaphore_mem>>
    %dma_wait3A_1791 = arith.constant 0 : i32
    %dma_wait3A_1792 = arith.constant 0 : i32
    %dma_wait3A_1793 = tpu.memref_slice %arg9[%mul3A_2, %dma_wait3A_1791, %dma_wait3A_1792] : memref<4096x64x128xf32, #tpu.memory_space<hbm>> -> memref<1x64x128xf32, #tpu.memory_space<hbm>>
    %dma_wait3A_1794 = arith.constant 0 : i32
    %dma_wait3A_1795 = arith.constant 0 : i32
    %dma_wait3A_1796 = arith.constant 0 : i32
    %dma_wait3A_1797 = tpu.memref_slice %arg18[%dma_wait3A_1779, %dma_wait3A_1794, %dma_wait3A_1795, %dma_wait3A_1796] : memref<4x1x64x128xf32, #tpu.memory_space<vmem>> -> memref<1x1x64x128xf32, #tpu.memory_space<vmem>>
    %dma_wait3A_1798 = tpu.memref_squeeze %dma_wait3A_1797 : memref<1x1x64x128xf32, #tpu.memory_space<vmem>> -> memref<1x64x128xf32, #tpu.memory_space<vmem>>
    tpu.wait_dma2 semaphore(%dma_wait3A_1790 : memref<!tpu.dma_semaphore, #tpu.memory_space<semaphore_mem>>) src(%dma_wait3A_1798 : memref<1x64x128xf32, #tpu.memory_space<vmem>>) dst(%dma_wait3A_1793 : memref<1x64x128xf32, #tpu.memory_space<hbm>>)
    %dma_wait3A_1799 = arith.constant 3 : i32
    %dma_wait3A_1800 = arith.constant 3 : i32
    %dma_wait3A_1801 = arith.constant 0 : i32
    %dma_wait3A_1802 = arith.constant 0 : i32
    %dma_wait3A_1803 = arith.constant 0 : i32
    %dma_wait3A_1804 = tpu.memref_slice %arg18[%dma_wait3A_1799, %dma_wait3A_1801, %dma_wait3A_1802, %dma_wait3A_1803] : memref<4x1x64x128xf32, #tpu.memory_space<vmem>> -> memref<1x1x64x128xf32, #tpu.memory_space<vmem>>
    %dma_wait3A_1805 = tpu.memref_squeeze %dma_wait3A_1804 : memref<1x1x64x128xf32, #tpu.memory_space<vmem>> -> memref<1x64x128xf32, #tpu.memory_space<vmem>>
    %dma_wait3A_1806 = arith.constant 0 : i32
    %dma_wait3A_1807 = arith.constant 0 : i32
    %dma_wait3A_1808 = tpu.memref_slice %arg9[%mul3A_2, %dma_wait3A_1806, %dma_wait3A_1807] : memref<4096x64x128xf32, #tpu.memory_space<hbm>> -> memref<1x64x128xf32, #tpu.memory_space<hbm>>
    %dma_wait3A_1809 = tpu.memref_slice %arg20[%dma_wait3A_1800] : memref<4x!tpu.dma_semaphore, #tpu.memory_space<semaphore_mem>> -> memref<1x!tpu.dma_semaphore, #tpu.memory_space<semaphore_mem>>
    %dma_wait3A_1810 = tpu.memref_squeeze %dma_wait3A_1809 : memref<1x!tpu.dma_semaphore, #tpu.memory_space<semaphore_mem>> -> memref<!tpu.dma_semaphore, #tpu.memory_space<semaphore_mem>>
    %dma_wait3A_1811 = arith.constant 0 : i32
    %dma_wait3A_1812 = arith.constant 0 : i32
    %dma_wait3A_1813 = tpu.memref_slice %arg9[%mul3A_2, %dma_wait3A_1811, %dma_wait3A_1812] : memref<4096x64x128xf32, #tpu.memory_space<hbm>> -> memref<1x64x128xf32, #tpu.memory_space<hbm>>
    %dma_wait3A_1814 = arith.constant 0 : i32
    %dma_wait3A_1815 = arith.constant 0 : i32
    %dma_wait3A_1816 = arith.constant 0 : i32
    %dma_wait3A_1817 = tpu.memref_slice %arg18[%dma_wait3A_1799, %dma_wait3A_1814, %dma_wait3A_1815, %dma_wait3A_1816] : memref<4x1x64x128xf32, #tpu.memory_space<vmem>> -> memref<1x1x64x128xf32, #tpu.memory_space<vmem>>
    %dma_wait3A_1818 = tpu.memref_squeeze %dma_wait3A_1817 : memref<1x1x64x128xf32, #tpu.memory_space<vmem>> -> memref<1x64x128xf32, #tpu.memory_space<vmem>>
    tpu.wait_dma2 semaphore(%dma_wait3A_1810 : memref<!tpu.dma_semaphore, #tpu.memory_space<semaphore_mem>>) src(%dma_wait3A_1818 : memref<1x64x128xf32, #tpu.memory_space<vmem>>) dst(%dma_wait3A_1813 : memref<1x64x128xf32, #tpu.memory_space<hbm>>)
    return
  }
}

</mosaic_0001>

<sc_bundles>
// kernel: _tokenize.3.cloned.1.call-start
scs
__scs_entry_jumppad:
0x0: {  	(pc) =	sbr.rel $0x88, $3  }
0x1: {  	(tag) =	ssettag $0x0;
	lr =	simm.s32 $0x1  }
0x2: {  	[smem:$0x3F9A] =	sst lr;
	_ =	strace $0xD0000000  }
0x3: {  	_ = 	snop  }
0x4: {  	_ = 	snop  }
0x5: {  	_ = 	snop  }
0x6: {  	_ = 	snop  }
0x7: {  	_ = 	snop  }
__scs_overlays_trampoline_lowered:
0x8: {  	[smem:$0x3FA9] =	sst s0  }
0x9: {  	[smem:$0x3FAA] =	sst s1  }
0xa: {  	[smem:$0x3FAB] =	sst s2  }
0xb: {  	[smem:$0x3FAC] =	sst s3  }
0xc: {  	[smem:$0x3FAD] =	sst s4  }
0xd: {  	[smem:$0x3FAE] =	sst s5  }
0xe: {  	[smem:$0x3FAF] =	sst s6  }
0xf: {  	[smem:$0x3FB0] =	sst s7  }
0x10: {  	[smem:$0x3FB1] =	sst s8  }
0x11: {  	[smem:$0x3FB2] =	sst s9;
	s0 =	simm.s32 @!p0 $0x0  }
0x12: {  	s1 =	sld [smem:$0x3F98];
	s0 =	simm.s32 @p0 $0x1  }
0x13: {  	[smem:$0x3FB3] =	sst s0;
	s0 =	simm.s32 @!p1 $0x0  }
0x14: {  	s2 =	sld [smem:$0x3F97];
	s0 =	simm.s32 @p1 $0x1  }
0x15: {  	[smem:$0x3FB4] =	sst s0;
	s0 =	simm.s32 @!p2 $0x0  }
0x16: {  	s3 =	sld [smem:$0x3FDB];
	s0 =	simm.s32 @p2 $0x1  }
0x17: {  	s4 =	simm.s32 $0x1BF5;
	[smem:$0x3FB6] =	sst s0  }
0x18: {  	s0 =	sld [smem:$0x3F99];
	_ =	swait.ge [sflag:s4], $0x0  }
0x19: {  	s7 =	sld [smem:$0x3F9A]  }
0x1a: {  	s8 =	sadd.s32 $0xFFFFE003, lr  }
0x1b: {  	s9 =	sadd.s32 $0xFFFFFEF7, lr;
	s5 =	simm.s32 $0xFFFFFFFF;
	p2 =	slt.u32 s8, $0xFFFFF086  }
0x1c: {  	p1 =	slt.u32 s9, $0xF7A;
	s5 =	simm.s32 @!p2 $0x0  }
0x1d: {  	s5 =	simm.s32 @p1 $0x1;
	p0 =	seq.s32 s7, s2  }
0x1e: {  	s7 =	smul.u32 @!p0 $0xF7A, s2;
	p2 =	seq.s32 @!p0 s5, $0x0  }
0x1f: {  	s9 =	smul.u32 $0xF7A, s1;
	s8 =	simm.s32 @!p0 $0x1BF5;
	p2 =	por !p2, p0  }
0x20: {  	[sflag:s8] =	ssyncset.s32 @!p0 $0xFFFFF086;
	s6 =	sadd.s32 @!p0 s3, s7;
	s7 =	simm.s32 @!p0 $0x108  }
0x21: {  	s3 =	sadd.s32 s3, s9;
	s6 =	sadd.s32 @!p0 $0x88, s6;
	s7 =	simm.s32 @p2 $0x1082  }
0x22: {  	[simem:s7], [sflag:s8] =	dma.local @!p0 [hbm:s6], $0xF7A  }
0x23: {  	s9 =	sor.u32 $0xD0000000, s2;
	s6 =	simm.s32 $0x108;
	_ =	swait.ge @!p0 [sflag:s8], $0x0  }
0x24: {  	s3 =	sadd.s32 $0x88, s3;
	s6 =	simm.s32 @!p1 $0x1082;
	[sflag:s4] =	ssyncset.s32 $0xFFFFF086  }
0x25: {  	[simem:s6], [sflag:s4] =	dma.local [hbm:s3], $0xF7A  }
0x26: {  	[smem:$0x3F9A] =	sst s1;
	(tag) =	ssettag s2;
	_ =	strace s9  }
0x27: {  	s1 =	sld [smem:$0x3FAA]  }
0x28: {  	s2 =	sld [smem:$0x3FAB]  }
0x29: {  	s4 =	sld [smem:$0x3FAD]  }
0x2a: {  	p0 =	seq.s32 s5, $0x0;
	s5 =	sld [smem:$0x3FAE]  }
0x2b: {  	s6 =	sld [smem:$0x3FAF]  }
0x2c: {  	s7 =	sld [smem:$0x3FB0]  }
0x2d: {  	s3 =	simm.s32 $0x108;
	s8 =	sld [smem:$0x3FB1]  }
0x2e: {  	s3 =	simm.s32 @!p0 $0x1082;
	s9 =	sld [smem:$0x3FB2]  }
0x2f: {  	lr =	sadd.s32 s0, s3;
	s0 =	sld [smem:$0x3FA9]  }
0x30: {  	s3 =	sld [smem:$0x3FAC]  }
0x31: {  	[smem:$0x3FB5] =	sst s10  }
0x32: {  	s10 =	sld [smem:$0x3FB3];
	_ =	sdelay $0x3  }
0x33: {  	p0 =	seq.s32 s10, $0x1;
	s10 =	sld [smem:$0x3FB5];
	_ =	sdelay $0x3  }
0x34: {  	[smem:$0x3FB5] =	sst s10  }
0x35: {  	s10 =	sld [smem:$0x3FB4];
	_ =	sdelay $0x3  }
0x36: {  	p1 =	seq.s32 s10, $0x1;
	s10 =	sld [smem:$0x3FB5];
	_ =	sdelay $0x3  }
0x37: {  	[smem:$0x3FB5] =	sst s10  }
0x38: {  	s10 =	sld [smem:$0x3FB6]  }
0x39: {  	_ = 	snop;
	(pc) =	sbr.ind lr, $3  }
0x3a: {  	_ = 	snop  }
0x3b: {  	_ = 	snop  }
0x3c: {  	p2 =	seq.s32 s10, $0x1;
	s10 =	sld [smem:$0x3FB5]  }
0x3d: {  	_ =	shalt  }
0x3e: {  	_ =	shalt  }
0x3f: {  	_ =	shalt  }
0x40: {  	_ =	shalt  }
0x41: {  	_ =	shalt  }
0x42: {  	_ =	shalt  }
0x43: {  	_ =	shalt  }
0x44: {  	_ =	shalt  }
0x45: {  	_ =	shalt  }
0x46: {  	_ =	shalt  }
0x47: {  	_ =	shalt  }
0x48: {  	_ =	shalt  }
0x49: {  	_ =	shalt  }
0x4a: {  	_ =	shalt  }
0x4b: {  	_ =	shalt  }
0x4c: {  	_ =	shalt  }
0x4d: {  	_ =	shalt  }
0x4e: {  	_ =	shalt  }
0x4f: {  	_ =	shalt  }
0x50: {  	_ =	shalt  }
0x51: {  	_ =	shalt  }
0x52: {  	_ =	shalt  }
0x53: {  	_ =	shalt  }
0x54: {  	_ =	shalt  }
0x55: {  	_ =	shalt  }
0x56: {  	_ =	shalt  }
0x57: {  	_ =	shalt  }
0x58: {  	_ =	shalt  }
0x59: {  	_ =	shalt  }
0x5a: {  	_ =	shalt  }
0x5b: {  	_ =	shalt  }
0x5c: {  	_ =	shalt  }
0x5d: {  	_ =	shalt  }
0x5e: {  	_ =	shalt  }
0x5f: {  	_ =	shalt  }
0x60: {  	_ =	shalt  }
0x61: {  	_ =	shalt  }
0x62: {  	_ =	shalt  }
0x63: {  	_ =	shalt  }
0x64: {  	_ =	shalt  }
0x65: {  	_ =	shalt  }
0x66: {  	_ =	shalt  }
0x67: {  	_ =	shalt  }
0x68: {  	_ =	shalt  }
0x69: {  	_ =	shalt  }
0x6a: {  	_ =	shalt  }
0x6b: {  	_ =	shalt  }
0x6c: {  	_ =	shalt  }
0x6d: {  	_ =	shalt  }
0x6e: {  	_ =	shalt  }
0x6f: {  	_ =	shalt  }
0x70: {  	_ =	shalt  }
0x71: {  	_ =	shalt  }
0x72: {  	_ =	shalt  }
0x73: {  	_ =	shalt  }
0x74: {  	_ =	shalt  }
0x75: {  	_ =	shalt  }
0x76: {  	_ =	shalt  }
0x77: {  	_ =	shalt  }
0x78: {  	_ =	shalt  }
0x79: {  	_ =	shalt  }
0x7a: {  	_ =	shalt  }
0x7b: {  	_ =	shalt  }
0x7c: {  	_ =	shalt  }
0x7d: {  	_ =	shalt  }
0x7e: {  	_ =	shalt  }
0x7f: {  	_ =	shalt  }
0x80: {  	_ =	shalt  }
0x81: {  	_ =	shalt  }
0x82: {  	_ =	shalt  }
0x83: {  	_ =	shalt  }
0x84: {  	_ =	shalt  }
0x85: {  	_ =	shalt  }
0x86: {  	_ =	shalt  }
0x87: {  	_ =	shalt  }
.Lfunc_end0:
.L_simem_size_0:
called_computation_lowered:
.L_overlay_start_0:
0x88: {  	s2 =	sld [smem:$0x3FD9]  }
0x89: {  	s3 =	sld [smem:$0x3FFE];
	_ =	sdelay $0x1  }
0x8a: {  	s1 =	srdreg.scid  }
0x8b: {  	s0 =	sand.u32 $0x1, s1  }
0x8c: {  	s17 =	sshll.u32 s0, $0xA;
	s2 =	sadd.s32 s3, s2  }
0x8d: {  	s2 =	sadd.s32 s2, s17  }
0x8e: {  	[smem:$0x3FC1] =	sst s2  }
0x8f: {  	_ = 	snop  }
0x90: {  	s2 =	sld [smem:$0x3FC9]  }
0x91: {  	s18 =	sld [smem:$0x3FC8]  }
0x92: {  	s4 =	sld [smem:$0x3FC7]  }
0x93: {  	s5 =	sld [smem:$0x3FC6]  }
0x94: {  	s6 =	sld [smem:$0x3FC5]  }
0x95: {  	s7 =	sld [smem:$0x3FC4]  }
0x96: {  	s8 =	sld [smem:$0x3FD0];
	(tm) =	ssettm $0x1  }
0x97: {  	s9 =	sld [smem:$0x3FFB];
	_ =	sdelay $0x3  }
0x98: {  	_ =	strace s9  }
0x99: {  	s9 =	sld [smem:$0x3FFC];
	_ =	sdelay $0x3  }
0x9a: {  	_ =	strace s9  }
0x9b: {  	s9 =	sld [smem:$0x3FFD];
	_ =	sdelay $0x3  }
0x9c: {  	_ =	strace s9  }
0x9d: {  	_ =	strace $0x8FFFFFFF  }
0x9e: {  	s19 =	sld [smem:$0x3FDB];
	_ =	sdelay $0x1  }
0x9f: {  	s10 =	simm.s32 $_scs_section_size  }
0xa0: {  	s11 =	simm.s32 $_size__tile_overlayer_lowered;
	s12 =	simm.s32 $_tile_overlayer_lowered  }
0xa1: {  	s22 =	simm.s32 $0x1BFF;
	s21 =	sshll.u32 s12, $0x1;
	s9 =	sadd.s32 s10, s19  }
0xa2: {  	s13 =	simm.s32 $0x0;
	s20 =	sshll.u32 s11, $0x1;
	s11 =	sadd.s32 s21, s9  }
0xa3: {  	[timem:s13], [sflag:s22] =	dma.local [hbm:s11], s20  }
0xa4: {  	_ =	swait.ge [sflag:s22], s20  }
0xa5: {  	s10 =	ssub.s32 $0x0, s20;
	[sflag:s22] =	ssyncset.done $0x0  }
0xa6: {  	[sflag:s22] =	ssyncadd.s32 s10;
	_ =	sdelay $0x1  }
0xa7: {  	s23 =	simm.s32 $0x1B8B  }
0xa8: {  	_ =	swait.ge [sflag:s23], $0x1  }
0xa9: {  	[sflag:s23] =	ssyncset.done $0x0  }
0xaa: {  	s25 =	simm.s32 $0x1B8E;
	s24 =	sld [smem:$0x3FFE];
	[sflag:s23] =	ssyncadd.s32 $0xFFFFFFFF  }
0xab: {  	s26 =	simm.s32 $execute0_lowered;
	[smem:$0x3FD2] =	sst s25  }
0xac: {  	s11 =	sshll.u32 s26, $0x1;
	_ =	strace $0x80000046;
	[dreg:$0x1] =	wrdreg $0xFFFFFFFF  }
0xad: {  	s28 =	simm.s32 $_size_execute0_lowered;
	s9 =	sadd.s32 s9, s11;
	[dreg:$0x0] =	wrdreg $0x0  }
0xae: {  	s11 =	sshll.u32 s28, $0x1;
	[dreg:$0x2] =	wrdreg s9  }
0xaf: {  	[dreg:$0x3] =	wrdreg s11  }
0xb0: {  	[dreg:$0x4] =	wrdreg $0xC0  }
0xb1: {  	_ =	task [dreg:s13], $0x5FFFF  }
0xb2: {  	[dreg:$0x1] =	wrdreg $0xFFFFFFFF  }
0xb3: {  	[dreg:$0x0] =	wrdreg $0x60  }
0xb4: {  	[dreg:$0x2] =	wrdreg s2  }
0xb5: {  	[dreg:$0x3] =	wrdreg s18  }
0xb6: {  	[dreg:$0x4] =	wrdreg s4  }
0xb7: {  	[dreg:$0x5] =	wrdreg s5  }
0xb8: {  	[dreg:$0x6] =	wrdreg s6  }
0xb9: {  	[dreg:$0x7] =	wrdreg s7  }
0xba: {  	[dreg:$0x8] =	wrdreg s24  }
0xbb: {  	[dreg:$0x9] =	wrdreg s8  }
0xbc: {  	[dreg:$0xa] =	wrdreg $0x9  }
0xbd: {  	_ =	task.clear_ibuf [dreg:s13], $0xBFFFF;
	_ =	strace $0x90000046  }
0xbe: {  	s29 =	simm.s32 $0x9;
	_ =	strace $0x80000048  }
0xbf: {  	_ =	swait.ge [sflag:s29], $0x1  }
0xc0: {  	[sflag:s29] =	ssyncadd.s32 $0xFFFFFFFF  }
0xc1: {  	_ =	strace $0x90000048  }
0xc2: {  	_ =	sfence  }
0xc3: {  	s30 =	sld [smem:$0x0];
	_ =	sdelay $0x2  }
0xc4: {  	s31 =	sshll.u32 s1, $0xD;
	s1 =	sshrl.u32 s1, $0x2  }
0xc5: {  	s3 =	sand.u32 $0x4000, s31;
	s1 =	sadd.s32 s1, s30  }
0xc6: {  	s0 =	sor.u32 s3, s0;
	s1 =	sshll.u32 s1, $0x11  }
0xc7: {  	s0 =	sor.u32 s1, s0  }
0xc8: {  	s0 =	sadd.s32 $0x8F2B, s0  }
0xc9: {  	[sflag:s0] =	ssyncadd.remote.s32 $0x1  }
0xca: {  	_ =	sfence.sel $0xFFFF  }
0xcb: {  	[dreg:$0x0] =	wrdreg $0xFFFFFFFF;
	(pc) =	sbr.abs _section_cstart, $3  }
0xcc: {  	[dreg:$0x1] =	wrdreg $0xFFFFFFFF  }
0xcd: {  	_ =	task.clear_ibuf [dreg:s13], $0x2FFFF;
	_ =	strace $0x9FFFFFFF  }
0xce: {  	(tm) =	ssettm $0x7FFFFFFF  }
0xcf: {  	_ =	shalt  }
tec
execute0_lowered:
.L_overlay_start_1:
0x0: {  	(tag) =	ssettag $0x1  }
0x1: {  	s0 =	rddreg [dreg:$0x0]  }
0x2: {  	s1 =	rddreg [dreg:$0x1]  }
0x3: {  	s2 =	rddreg [dreg:$0x6];
	s3 =	srdreg.scid  }
0x4: {  	s4 =	rddreg [dreg:$0x7];
	s11 =	stileid.u32;
	s8 =	simm.s32 $0x0  }
0x5: {  	s13 =	simm.s32 $0x80;
	s14 =	simm.s32 $0x6;
	s18 =	simm.s32 $0x2180  }
0x6: {  	s19 =	simm.s32 $0x1180;
	s20 =	simm.s32 $0x400;
	s16 =	simm.s32 $0x1080  }
0x7: {  	s22 =	simm.s32 $0x1100;
	s31 =	simm.s32 $0x6280;
	s15 =	simm.s32 $0xA280  }
0x8: {  	s24 =	simm.s32 $0xC280;
	s17 =	simm.s32 $0x3;
	s29 =	simm.s32 $0x5  }
0x9: {  	s21 =	simm.s32 $0x0;
	s3 =	sand.u32 $0x1, s3;
	s5 =	sshll.u32 s11, $0x8  }
0xa: {  	[smem:$0x7FF] =	sst s8;
	s28 =	sshll.u32 s11, $0x12;
	s6 =	sshll.u32 s3, $0x7  }
0xb: {  	v0 =	vlaneseq.u32;
	s26 =	ssub.s32 $0x2, s3;
	_ =	strace $0x80000047;
	s5 =	sor.u32 s6, s5  }
0xc: {  	v1 =	vmul.u32 $0x80, v0;
	s3 =	sshll.u32 s3, $0x11;
	s9 =	sshrl.u32 s26, $0x1;
	s7 =	sshll.u32 s5, $0x4  }
0xd: {  	s6 =	ssub.s32 s26, s9;
	s10 =	sshll.u32 s5, $0x3;
	s26 =	simm.s32 $0x1  }
0xe: {  	v11 =	vor.u32 $0x87F, v1;
	s5 =	simm.s32 $0x2;
	s2 =	sadd.s32 s7, s2;
	s30 =	smax.u32 s6, $0x1  }
0xf: {  	v4 =	vimm.f32 $0.0e+00;
	v2 =	vadd.s32 $0x1, v0;
	v3 =	vadd.s32 $0x11, v0;
	s7 =	simm.s32 $0x1000;
	s2 =	sadd.s32 $0x400, s2;
	[dreg:$0xa] =	wrdreg s30  }
0x10: {  	v5 =	vor.u32 $0x7D, v1;
	v6 =	vor.u32 $0x7E, v1;
	v7 =	vor.u32 $0x7F, v1;
	[dreg:$0x9] =	wrdreg s2;
	s2 =	sadd.s32 s28, s4;
	s4 =	simm.s32 $0x4  }
0x11: {  	v8 =	vor.u32 $0x800, v1;
	v9 =	vor.u32 $0x87D, v1;
	v10 =	vor.u32 $0x87E, v1;
	s25 =	sadd.s32 s3, s2;
	s3 =	simm.s32 $0xF80;
	s2 =	simm.s32 $0x8280  }
.LBB2_1:
0x12: {  	s6 =	rddreg [dreg:$0x2]  }
0x13: {  	[tilespmem:s13], [sflag:$0x6] =	stream.linear.gather [hbm4b:s6+s8], $0x1, $0x38;
	[tilespmem:$0xE280] =	vst v63  }
0x14: {  	_ =	swait.ge [sflag:s14], $0x1  }
0x15: {  	[sflag:s14] =	ssyncset.done $0x0  }
0x16: {  	[sflag:s14] =	ssyncadd.s32 $0xFFFFFFFF  }
0x17: {  	s9 =	simm.s32 $0x100;
	s30 =	rddreg [dreg:$0x3]  }
0x18: {  	[tilespmem:s9], [sflag:$0x6] =	stream.linear.gather [hbm4b:s30+s8], $0x1F, $0x38;
	[tilespmem:$0xE280] =	vst v63  }
0x19: {  	_ =	swait.ge [sflag:s14], $0x1F  }
0x1a: {  	[sflag:s14] =	ssyncset.done $0x0  }
0x1b: {  	[sflag:s14] =	ssyncadd.s32 $0xFFFFFFE1  }
0x1c: {  	s12 =	simm.s32 $0x6180;
	s11 =	rddreg [dreg:$0x4]  }
0x1d: {  	[tilespmem:s12], [sflag:$0x6] =	stream.linear.gather [hbm4b:s11+s8], $0x1, $0x38;
	[tilespmem:$0xE280] =	vst v63  }
0x1e: {  	_ =	swait.ge [sflag:s14], $0x1  }
0x1f: {  	[sflag:s14] =	ssyncset.done $0x0  }
0x20: {  	[sflag:s14] =	ssyncadd.s32 $0xFFFFFFFF  }
0x21: {  	s28 =	simm.s32 $0x6200;
	s23 =	rddreg [dreg:$0x5]  }
0x22: {  	[tilespmem:s28], [sflag:$0x6] =	stream.linear.gather [hbm4b:s23+s8], $0x1, $0x38;
	[tilespmem:$0xE280] =	vst v63  }
0x23: {  	_ =	swait.ge [sflag:s14], $0x1  }
0x24: {  	[sflag:s14] =	ssyncset.done $0x0  }
0x25: {  	s30 =	rddreg [dreg:$0x9];
	[sflag:s14] =	ssyncadd.s32 $0xFFFFFFFF  }
0x26: {  	[tilespmem:s18], [sflag:$0x6] =	stream.linear.gather [hbm4b:s30+s8], $0x4000, $0x38;
	[tilespmem:$0xE280] =	vst v63  }
0x27: {  	_ =	swait.ge [sflag:s14], $0x4000  }
0x28: {  	[sflag:s14] =	ssyncset.done $0x0  }
0x29: {  	[sflag:s14] =	ssyncadd.s32 $0xFFFFC000  }
0x2a: {  	v12 =	vld [tilespmem:$0x80];
	_ =	sdelay $0x4  }
0x2b: {  	[tilespmem:v0+s8+$0x0] =	vst.idx.msk $0x1, v12  }
0x2c: {  	v12 =	vld [tilespmem:$0x100];
	_ =	sdelay $0x4  }
0x2d: {  	[tilespmem:v2+s8+$0x0] =	vst.idx.msk $0xffff, v12  }
0x2e: {  	v12 =	vld [tilespmem:$0x110];
	_ =	sdelay $0x4  }
0x2f: {  	[tilespmem:v3+s8+$0x0] =	vst.idx.msk $0x7fff, v12  }
0x30: {  	v13 =	vld [tilespmem:$0x0];
	_ =	sdelay $0x1  }
0x31: {  	[tilespmem:$0x1F0] =	vst v4  }
0x32: {  	[tilespmem:$0x270] =	vst v4  }
0x33: {  	[tilespmem:$0x2F0] =	vst v4  }
0x34: {  	[tilespmem:$0x370] =	vst v4;
	(v2sf) =	vpush v13, $0x0  }
0x35: {  	[tilespmem:$0x3F0] =	vst v4  }
0x36: {  	[tilespmem:$0x470] =	vst v4  }
0x37: {  	[tilespmem:$0x4F0] =	vst v4  }
0x38: {  	[tilespmem:$0x570] =	vst v4  }
0x39: {  	[tilespmem:$0x5F0] =	vst v4  }
0x3a: {  	[tilespmem:$0x670] =	vst v4  }
0x3b: {  	[tilespmem:$0x6F0] =	vst v4  }
0x3c: {  	[tilespmem:$0x770] =	vst v4  }
0x3d: {  	[tilespmem:$0x7F0] =	vst v4  }
0x3e: {  	[tilespmem:$0x870] =	vst v4  }
0x3f: {  	[tilespmem:$0x8F0] =	vst v4  }
0x40: {  	[tilespmem:$0x970] =	vst v4  }
0x41: {  	[tilespmem:$0x9F0] =	vst v4  }
0x42: {  	[tilespmem:$0xA70] =	vst v4  }
0x43: {  	[tilespmem:$0xAF0] =	vst v4;
	s6 =	spop (v2sf);
	(v2sf) =	vpush v13, $0x1  }
0x44: {  	[tilespmem:$0xB70] =	vst v4  }
0x45: {  	[tilespmem:$0xBF0] =	vst v4  }
0x46: {  	[tilespmem:$0xC70] =	vst v4  }
0x47: {  	[tilespmem:$0xCF0] =	vst v4  }
0x48: {  	[tilespmem:$0xD70] =	vst v4  }
0x49: {  	[tilespmem:$0xDF0] =	vst v4  }
0x4a: {  	[tilespmem:$0xE70] =	vst v4  }
0x4b: {  	[tilespmem:$0xEF0] =	vst v4;
	s11 =	sshrl.u32 s6, $0x3  }
0x4c: {  	[tilespmem:$0xF70] =	vst v4;
	s9 =	sshll.u32 s6, $0x7;
	s12 =	sshll.u32 s11, $0xF  }
0x4d: {  	[tilespmem:$0xFF0] =	vst v4;
	s9 =	sand.u32 $0x380, s9;
	s12 =	sor.u32 s10, s12  }
0x4e: {  	[tilespmem:$0x1070] =	vst v4;
	s12 =	sor.u32 s9, s12  }
0x4f: {  	[tilespmem:$0x10F0] =	vst v4;
	s12 =	sshrl.u32 s12, $0x3  }
0x50: {  	[tilespmem:$0x1170] =	vst v4;
	s12 =	sadd.s32 s0, s12  }
0x51: {  	v12 =	vld [tilespmem:$0x10];
	[tilespmem:s19], [sflag:$0x1] =	stream.linear.gather [hbm4b:s12+s8], $0x80, $0x38  }
0x52: {  	s12 =	spop (v2sf);
	(v2sf) =	vpush v13, $0x2  }
0x53: {  	s11 =	sshll.u32 s11, $0xA  }
0x54: {  	s9 =	sor.u32 s9, s11  }
0x55: {  	s9 =	sshrl.u32 s9, $0x3  }
0x56: {  	s11 =	simm.s32 $0x180;
	s9 =	sadd.s32 s1, s9  }
0x57: {  	[tilespmem:s11], [sflag:$0x1] =	stream.strided.gather [hbm4b:s9+s13], $0x0, s20, s13, $0x38;
	[tilespmem:$0xE280] =	vst v63  }
0x58: {  	_ = 	snop  }
0x59: {  	[tilespmem:s11], [sflag:$0x1] =	stream.linear.gather [hbm4b:s9+s8], $0x7D, $0x38;
	[tilespmem:$0xE280] =	vst v63  }
0x5a: {  	s23 =	sshrl.u32 s12, $0x3  }
0x5b: {  	s9 =	sshll.u32 s12, $0x7;
	s28 =	sshll.u32 s23, $0xF  }
0x5c: {  	s9 =	sand.u32 $0x380, s9;
	s12 =	sor.u32 s10, s28  }
0x5d: {  	s12 =	sor.u32 s9, s12  }
0x5e: {  	s12 =	sshrl.u32 s12, $0x3  }
0x5f: {  	s30 =	simm.s32 $0x1200;
	s12 =	sadd.s32 s0, s12  }
0x60: {  	[tilespmem:s30], [sflag:$0x1] =	stream.linear.gather [hbm4b:s12+s8], $0x80, $0x38;
	[tilespmem:$0xE280] =	vst v63  }
0x61: {  	s12 =	spop (v2sf);
	(v2sf) =	vpush v13, $0x3  }
0x62: {  	s11 =	sshll.u32 s23, $0xA  }
0x63: {  	s9 =	sor.u32 s9, s11  }
0x64: {  	s9 =	sshrl.u32 s9, $0x3  }
0x65: {  	s11 =	simm.s32 $0x200;
	s9 =	sadd.s32 s1, s9  }
0x66: {  	[tilespmem:s11], [sflag:$0x1] =	stream.strided.gather [hbm4b:s9+s13], $0x0, s20, s13, $0x38;
	[tilespmem:$0xE280] =	vst v63  }
0x67: {  	_ = 	snop  }
0x68: {  	[tilespmem:s11], [sflag:$0x1] =	stream.linear.gather [hbm4b:s9+s8], $0x7D, $0x38;
	[tilespmem:$0xE280] =	vst v63  }
0x69: {  	s23 =	sshrl.u32 s12, $0x3  }
0x6a: {  	s9 =	sshll.u32 s12, $0x7;
	s28 =	sshll.u32 s23, $0xF  }
0x6b: {  	s9 =	sand.u32 $0x380, s9;
	s12 =	sor.u32 s10, s28  }
0x6c: {  	s12 =	sor.u32 s9, s12  }
0x6d: {  	s12 =	sshrl.u32 s12, $0x3  }
0x6e: {  	s30 =	simm.s32 $0x1280;
	s12 =	sadd.s32 s0, s12  }
0x6f: {  	[tilespmem:s30], [sflag:$0x1] =	stream.linear.gather [hbm4b:s12+s8], $0x80, $0x38;
	[tilespmem:$0xE280] =	vst v63  }
0x70: {  	s12 =	spop (v2sf);
	(v2sf) =	vpush v13, $0x4  }
0x71: {  	s11 =	sshll.u32 s23, $0xA  }
0x72: {  	s9 =	sor.u32 s9, s11  }
0x73: {  	s9 =	sshrl.u32 s9, $0x3  }
0x74: {  	s11 =	simm.s32 $0x280;
	s9 =	sadd.s32 s1, s9  }
0x75: {  	[tilespmem:s11], [sflag:$0x1] =	stream.strided.gather [hbm4b:s9+s13], $0x0, s20, s13, $0x38;
	[tilespmem:$0xE280] =	vst v63  }
0x76: {  	_ = 	snop  }
0x77: {  	[tilespmem:s11], [sflag:$0x1] =	stream.linear.gather [hbm4b:s9+s8], $0x7D, $0x38;
	[tilespmem:$0xE280] =	vst v63  }
0x78: {  	s23 =	sshrl.u32 s12, $0x3  }
0x79: {  	s9 =	sshll.u32 s12, $0x7;
	s28 =	sshll.u32 s23, $0xF  }
0x7a: {  	s9 =	sand.u32 $0x380, s9;
	s12 =	sor.u32 s10, s28  }
0x7b: {  	s12 =	sor.u32 s9, s12  }
0x7c: {  	s12 =	sshrl.u32 s12, $0x3  }
0x7d: {  	s30 =	simm.s32 $0x1300;
	s12 =	sadd.s32 s0, s12  }
0x7e: {  	[tilespmem:s30], [sflag:$0x1] =	stream.linear.gather [hbm4b:s12+s8], $0x80, $0x38;
	[tilespmem:$0xE280] =	vst v63  }
0x7f: {  	s12 =	spop (v2sf);
	(v2sf) =	vpush v13, $0x5  }
0x80: {  	s11 =	sshll.u32 s23, $0xA  }
0x81: {  	s9 =	sor.u32 s9, s11  }
0x82: {  	s9 =	sshrl.u32 s9, $0x3  }
0x83: {  	s11 =	simm.s32 $0x300;
	s9 =	sadd.s32 s1, s9  }
0x84: {  	[tilespmem:s11], [sflag:$0x1] =	stream.strided.gather [hbm4b:s9+s13], $0x0, s20, s13, $0x38;
	[tilespmem:$0xE280] =	vst v63  }
0x85: {  	_ = 	snop  }
0x86: {  	[tilespmem:s11], [sflag:$0x1] =	stream.linear.gather [hbm4b:s9+s8], $0x7D, $0x38;
	[tilespmem:$0xE280] =	vst v63  }
0x87: {  	s23 =	sshrl.u32 s12, $0x3  }
0x88: {  	s9 =	sshll.u32 s12, $0x7;
	s28 =	sshll.u32 s23, $0xF  }
0x89: {  	s9 =	sand.u32 $0x380, s9;
	s12 =	sor.u32 s10, s28  }
0x8a: {  	s12 =	sor.u32 s9, s12  }
0x8b: {  	s12 =	sshrl.u32 s12, $0x3  }
0x8c: {  	s30 =	simm.s32 $0x1380;
	s12 =	sadd.s32 s0, s12  }
0x8d: {  	[tilespmem:s30], [sflag:$0x1] =	stream.linear.gather [hbm4b:s12+s8], $0x80, $0x38;
	[tilespmem:$0xE280] =	vst v63  }
0x8e: {  	s12 =	spop (v2sf);
	(v2sf) =	vpush v13, $0x6  }
0x8f: {  	s11 =	sshll.u32 s23, $0xA  }
0x90: {  	s9 =	sor.u32 s9, s11  }
0x91: {  	s9 =	sshrl.u32 s9, $0x3  }
0x92: {  	s11 =	simm.s32 $0x380;
	s9 =	sadd.s32 s1, s9  }
0x93: {  	[tilespmem:s11], [sflag:$0x1] =	stream.strided.gather [hbm4b:s9+s13], $0x0, s20, s13, $0x38;
	[tilespmem:$0xE280] =	vst v63  }
0x94: {  	_ = 	snop  }
0x95: {  	[tilespmem:s11], [sflag:$0x1] =	stream.linear.gather [hbm4b:s9+s8], $0x7D, $0x38;
	[tilespmem:$0xE280] =	vst v63  }
0x96: {  	s23 =	sshrl.u32 s12, $0x3  }
0x97: {  	s9 =	sshll.u32 s12, $0x7;
	s28 =	sshll.u32 s23, $0xF  }
0x98: {  	s9 =	sand.u32 $0x380, s9;
	s12 =	sor.u32 s10, s28  }
0x99: {  	s12 =	sor.u32 s9, s12  }
0x9a: {  	s12 =	sshrl.u32 s12, $0x3  }
0x9b: {  	s30 =	simm.s32 $0x1400;
	s12 =	sadd.s32 s0, s12  }
0x9c: {  	[tilespmem:s30], [sflag:$0x1] =	stream.linear.gather [hbm4b:s12+s8], $0x80, $0x38;
	[tilespmem:$0xE280] =	vst v63  }
0x9d: {  	s12 =	spop (v2sf);
	(v2sf) =	vpush v13, $0x7  }
0x9e: {  	s11 =	sshll.u32 s23, $0xA  }
0x9f: {  	s9 =	sor.u32 s9, s11  }
0xa0: {  	s9 =	sshrl.u32 s9, $0x3  }
0xa1: {  	s9 =	sadd.s32 s1, s9  }
0xa2: {  	[tilespmem:s20], [sflag:$0x1] =	stream.strided.gather [hbm4b:s9+s13], $0x0, s20, s13, $0x38;
	[tilespmem:$0xE280] =	vst v63  }
0xa3: {  	_ = 	snop  }
0xa4: {  	[tilespmem:s20], [sflag:$0x1] =	stream.linear.gather [hbm4b:s9+s8], $0x7D, $0x38;
	[tilespmem:$0xE280] =	vst v63  }
0xa5: {  	s23 =	sshrl.u32 s12, $0x3  }
0xa6: {  	s9 =	sshll.u32 s12, $0x7;
	s28 =	sshll.u32 s23, $0xF  }
0xa7: {  	s9 =	sand.u32 $0x380, s9;
	s12 =	sor.u32 s10, s28  }
0xa8: {  	s12 =	sor.u32 s9, s12  }
0xa9: {  	s12 =	sshrl.u32 s12, $0x3  }
0xaa: {  	s30 =	simm.s32 $0x1480;
	s12 =	sadd.s32 s0, s12  }
0xab: {  	[tilespmem:s30], [sflag:$0x1] =	stream.linear.gather [hbm4b:s12+s8], $0x80, $0x38;
	[tilespmem:$0xE280] =	vst v63  }
0xac: {  	s12 =	spop (v2sf);
	(v2sf) =	vpush v13, $0x8  }
0xad: {  	s11 =	sshll.u32 s23, $0xA  }
0xae: {  	s9 =	sor.u32 s9, s11  }
0xaf: {  	s9 =	sshrl.u32 s9, $0x3  }
0xb0: {  	s11 =	simm.s32 $0x480;
	s9 =	sadd.s32 s1, s9  }
0xb1: {  	[tilespmem:s11], [sflag:$0x1] =	stream.strided.gather [hbm4b:s9+s13], $0x0, s20, s13, $0x38;
	[tilespmem:$0xE280] =	vst v63  }
0xb2: {  	_ = 	snop  }
0xb3: {  	[tilespmem:s11], [sflag:$0x1] =	stream.linear.gather [hbm4b:s9+s8], $0x7D, $0x38;
	[tilespmem:$0xE280] =	vst v63  }
0xb4: {  	s23 =	sshrl.u32 s12, $0x3  }
0xb5: {  	s9 =	sshll.u32 s12, $0x7;
	s28 =	sshll.u32 s23, $0xF  }
0xb6: {  	s9 =	sand.u32 $0x380, s9;
	s12 =	sor.u32 s10, s28  }
0xb7: {  	s12 =	sor.u32 s9, s12  }
0xb8: {  	s12 =	sshrl.u32 s12, $0x3  }
0xb9: {  	s30 =	simm.s32 $0x1500;
	s12 =	sadd.s32 s0, s12  }
0xba: {  	[tilespmem:s30], [sflag:$0x1] =	stream.linear.gather [hbm4b:s12+s8], $0x80, $0x38;
	[tilespmem:$0xE280] =	vst v63  }
0xbb: {  	s12 =	spop (v2sf);
	(v2sf) =	vpush v13, $0x9  }
0xbc: {  	s11 =	sshll.u32 s23, $0xA  }
0xbd: {  	s9 =	sor.u32 s9, s11  }
0xbe: {  	s9 =	sshrl.u32 s9, $0x3  }
0xbf: {  	s11 =	simm.s32 $0x500;
	s9 =	sadd.s32 s1, s9  }
0xc0: {  	[tilespmem:s11], [sflag:$0x1] =	stream.strided.gather [hbm4b:s9+s13], $0x0, s20, s13, $0x38;
	[tilespmem:$0xE280] =	vst v63  }
0xc1: {  	_ = 	snop  }
0xc2: {  	[tilespmem:s11], [sflag:$0x1] =	stream.linear.gather [hbm4b:s9+s8], $0x7D, $0x38;
	[tilespmem:$0xE280] =	vst v63  }
0xc3: {  	s23 =	sshrl.u32 s12, $0x3  }
0xc4: {  	s9 =	sshll.u32 s12, $0x7;
	s28 =	sshll.u32 s23, $0xF  }
0xc5: {  	s9 =	sand.u32 $0x380, s9;
	s12 =	sor.u32 s10, s28  }
0xc6: {  	s12 =	sor.u32 s9, s12  }
0xc7: {  	s12 =	sshrl.u32 s12, $0x3  }
0xc8: {  	s30 =	simm.s32 $0x1580;
	s12 =	sadd.s32 s0, s12  }
0xc9: {  	[tilespmem:s30], [sflag:$0x1] =	stream.linear.gather [hbm4b:s12+s8], $0x80, $0x38;
	[tilespmem:$0xE280] =	vst v63  }
0xca: {  	s12 =	spop (v2sf);
	(v2sf) =	vpush v13, $0xA  }
0xcb: {  	s11 =	sshll.u32 s23, $0xA  }
0xcc: {  	s9 =	sor.u32 s9, s11  }
0xcd: {  	s9 =	sshrl.u32 s9, $0x3  }
0xce: {  	s11 =	simm.s32 $0x580;
	s9 =	sadd.s32 s1, s9  }
0xcf: {  	[tilespmem:s11], [sflag:$0x1] =	stream.strided.gather [hbm4b:s9+s13], $0x0, s20, s13, $0x38;
	[tilespmem:$0xE280] =	vst v63  }
0xd0: {  	_ = 	snop  }
0xd1: {  	[tilespmem:s11], [sflag:$0x1] =	stream.linear.gather [hbm4b:s9+s8], $0x7D, $0x38;
	[tilespmem:$0xE280] =	vst v63  }
0xd2: {  	s23 =	sshrl.u32 s12, $0x3  }
0xd3: {  	s9 =	sshll.u32 s12, $0x7;
	s28 =	sshll.u32 s23, $0xF  }
0xd4: {  	s9 =	sand.u32 $0x380, s9;
	s12 =	sor.u32 s10, s28  }
0xd5: {  	s12 =	sor.u32 s9, s12  }
0xd6: {  	s12 =	sshrl.u32 s12, $0x3  }
0xd7: {  	s30 =	simm.s32 $0x1600;
	s12 =	sadd.s32 s0, s12  }
0xd8: {  	[tilespmem:s30], [sflag:$0x1] =	stream.linear.gather [hbm4b:s12+s8], $0x80, $0x38;
	[tilespmem:$0xE280] =	vst v63  }
0xd9: {  	s12 =	spop (v2sf);
	(v2sf) =	vpush v13, $0xB  }
0xda: {  	s11 =	sshll.u32 s23, $0xA  }
0xdb: {  	s9 =	sor.u32 s9, s11  }
0xdc: {  	s9 =	sshrl.u32 s9, $0x3  }
0xdd: {  	s11 =	simm.s32 $0x600;
	s9 =	sadd.s32 s1, s9  }
0xde: {  	[tilespmem:s11], [sflag:$0x1] =	stream.strided.gather [hbm4b:s9+s13], $0x0, s20, s13, $0x38;
	[tilespmem:$0xE280] =	vst v63  }
0xdf: {  	_ = 	snop  }
0xe0: {  	[tilespmem:s11], [sflag:$0x1] =	stream.linear.gather [hbm4b:s9+s8], $0x7D, $0x38;
	[tilespmem:$0xE280] =	vst v63  }
0xe1: {  	s23 =	sshrl.u32 s12, $0x3  }
0xe2: {  	s9 =	sshll.u32 s12, $0x7;
	s28 =	sshll.u32 s23, $0xF  }
0xe3: {  	s9 =	sand.u32 $0x380, s9;
	s12 =	sor.u32 s10, s28  }
0xe4: {  	s12 =	sor.u32 s9, s12  }
0xe5: {  	s12 =	sshrl.u32 s12, $0x3  }
0xe6: {  	s30 =	simm.s32 $0x1680;
	s12 =	sadd.s32 s0, s12  }
0xe7: {  	[tilespmem:s30], [sflag:$0x1] =	stream.linear.gather [hbm4b:s12+s8], $0x80, $0x38;
	[tilespmem:$0xE280] =	vst v63  }
0xe8: {  	s12 =	spop (v2sf);
	(v2sf) =	vpush v13, $0xC  }
0xe9: {  	s11 =	sshll.u32 s23, $0xA  }
0xea: {  	s9 =	sor.u32 s9, s11  }
0xeb: {  	s9 =	sshrl.u32 s9, $0x3  }
0xec: {  	s11 =	simm.s32 $0x680;
	s9 =	sadd.s32 s1, s9  }
0xed: {  	[tilespmem:s11], [sflag:$0x1] =	stream.strided.gather [hbm4b:s9+s13], $0x0, s20, s13, $0x38;
	[tilespmem:$0xE280] =	vst v63  }
0xee: {  	_ = 	snop  }
0xef: {  	[tilespmem:s11], [sflag:$0x1] =	stream.linear.gather [hbm4b:s9+s8], $0x7D, $0x38;
	[tilespmem:$0xE280] =	vst v63  }
0xf0: {  	s23 =	sshrl.u32 s12, $0x3  }
0xf1: {  	s9 =	sshll.u32 s12, $0x7;
	s28 =	sshll.u32 s23, $0xF  }
0xf2: {  	s9 =	sand.u32 $0x380, s9;
	s12 =	sor.u32 s10, s28  }
0xf3: {  	s12 =	sor.u32 s9, s12  }
0xf4: {  	s12 =	sshrl.u32 s12, $0x3  }
0xf5: {  	s30 =	simm.s32 $0x1700;
	s12 =	sadd.s32 s0, s12  }
0xf6: {  	[tilespmem:s30], [sflag:$0x1] =	stream.linear.gather [hbm4b:s12+s8], $0x80, $0x38;
	[tilespmem:$0xE280] =	vst v63  }
0xf7: {  	s12 =	spop (v2sf);
	(v2sf) =	vpush v13, $0xD  }
0xf8: {  	s11 =	sshll.u32 s23, $0xA  }
0xf9: {  	s9 =	sor.u32 s9, s11  }
0xfa: {  	s9 =	sshrl.u32 s9, $0x3  }
0xfb: {  	s11 =	simm.s32 $0x700;
	s9 =	sadd.s32 s1, s9  }
0xfc: {  	[tilespmem:s11], [sflag:$0x1] =	stream.strided.gather [hbm4b:s9+s13], $0x0, s20, s13, $0x38;
	[tilespmem:$0xE280] =	vst v63  }
0xfd: {  	_ = 	snop  }
0xfe: {  	[tilespmem:s11], [sflag:$0x1] =	stream.linear.gather [hbm4b:s9+s8], $0x7D, $0x38;
	[tilespmem:$0xE280] =	vst v63  }
0xff: {  	s23 =	sshrl.u32 s12, $0x3  }
0x100: {  	s9 =	sshll.u32 s12, $0x7;
	s28 =	sshll.u32 s23, $0xF  }
0x101: {  	s9 =	sand.u32 $0x380, s9;
	s12 =	sor.u32 s10, s28  }
0x102: {  	s12 =	sor.u32 s9, s12  }
0x103: {  	s12 =	sshrl.u32 s12, $0x3  }
0x104: {  	s30 =	simm.s32 $0x1780;
	s12 =	sadd.s32 s0, s12  }
0x105: {  	[tilespmem:s30], [sflag:$0x1] =	stream.linear.gather [hbm4b:s12+s8], $0x80, $0x38;
	[tilespmem:$0xE280] =	vst v63  }
0x106: {  	s12 =	spop (v2sf);
	(v2sf) =	vpush v13, $0xE  }
0x107: {  	s11 =	sshll.u32 s23, $0xA  }
0x108: {  	s9 =	sor.u32 s9, s11  }
0x109: {  	s9 =	sshrl.u32 s9, $0x3  }
0x10a: {  	s11 =	simm.s32 $0x780;
	s9 =	sadd.s32 s1, s9  }
0x10b: {  	[tilespmem:s11], [sflag:$0x1] =	stream.strided.gather [hbm4b:s9+s13], $0x0, s20, s13, $0x38;
	[tilespmem:$0xE280] =	vst v63  }
0x10c: {  	_ = 	snop  }
0x10d: {  	[tilespmem:s11], [sflag:$0x1] =	stream.linear.gather [hbm4b:s9+s8], $0x7D, $0x38;
	[tilespmem:$0xE280] =	vst v63  }
0x10e: {  	s23 =	sshrl.u32 s12, $0x3  }
0x10f: {  	s9 =	sshll.u32 s12, $0x7;
	s28 =	sshll.u32 s23, $0xF  }
0x110: {  	s9 =	sand.u32 $0x380, s9;
	s12 =	sor.u32 s10, s28  }
0x111: {  	s12 =	sor.u32 s9, s12  }
0x112: {  	s12 =	sshrl.u32 s12, $0x3  }
0x113: {  	s30 =	simm.s32 $0x1800;
	s12 =	sadd.s32 s0, s12  }
0x114: {  	[tilespmem:s30], [sflag:$0x1] =	stream.linear.gather [hbm4b:s12+s8], $0x80, $0x38;
	[tilespmem:$0xE280] =	vst v63  }
0x115: {  	s12 =	spop (v2sf);
	(v2sf) =	vpush v13, $0xF  }
0x116: {  	s11 =	sshll.u32 s23, $0xA  }
0x117: {  	s9 =	sor.u32 s9, s11  }
0x118: {  	s9 =	sshrl.u32 s9, $0x3  }
0x119: {  	s11 =	simm.s32 $0x800;
	s9 =	sadd.s32 s1, s9  }
0x11a: {  	[tilespmem:s11], [sflag:$0x1] =	stream.strided.gather [hbm4b:s9+s13], $0x0, s20, s13, $0x38;
	[tilespmem:$0xE280] =	vst v63  }
0x11b: {  	_ = 	snop  }
0x11c: {  	[tilespmem:s11], [sflag:$0x1] =	stream.linear.gather [hbm4b:s9+s8], $0x7D, $0x38;
	[tilespmem:$0xE280] =	vst v63  }
0x11d: {  	s23 =	sshrl.u32 s12, $0x3  }
0x11e: {  	s9 =	sshll.u32 s12, $0x7;
	s28 =	sshll.u32 s23, $0xF  }
0x11f: {  	s9 =	sand.u32 $0x380, s9;
	s12 =	sor.u32 s10, s28  }
0x120: {  	s12 =	sor.u32 s9, s12  }
0x121: {  	s12 =	sshrl.u32 s12, $0x3  }
0x122: {  	s30 =	simm.s32 $0x1880;
	s12 =	sadd.s32 s0, s12  }
0x123: {  	[tilespmem:s30], [sflag:$0x1] =	stream.linear.gather [hbm4b:s12+s8], $0x80, $0x38;
	[tilespmem:$0xE280] =	vst v63  }
0x124: {  	s12 =	spop (v2sf);
	(v2sf) =	vpush v12, $0x0  }
0x125: {  	s11 =	sshll.u32 s23, $0xA  }
0x126: {  	s9 =	sor.u32 s9, s11  }
0x127: {  	s9 =	sshrl.u32 s9, $0x3  }
0x128: {  	s11 =	simm.s32 $0x880;
	s9 =	sadd.s32 s1, s9  }
0x129: {  	[tilespmem:s11], [sflag:$0x1] =	stream.strided.gather [hbm4b:s9+s13], $0x0, s20, s13, $0x38;
	[tilespmem:$0xE280] =	vst v63  }
0x12a: {  	_ = 	snop  }
0x12b: {  	[tilespmem:s11], [sflag:$0x1] =	stream.linear.gather [hbm4b:s9+s8], $0x7D, $0x38;
	[tilespmem:$0xE280] =	vst v63  }
0x12c: {  	s23 =	sshrl.u32 s12, $0x3  }
0x12d: {  	s9 =	sshll.u32 s12, $0x7;
	s28 =	sshll.u32 s23, $0xF  }
0x12e: {  	s9 =	sand.u32 $0x380, s9;
	s12 =	sor.u32 s10, s28  }
0x12f: {  	s12 =	sor.u32 s9, s12  }
0x130: {  	s12 =	sshrl.u32 s12, $0x3  }
0x131: {  	s30 =	simm.s32 $0x1900;
	s12 =	sadd.s32 s0, s12  }
0x132: {  	[tilespmem:s30], [sflag:$0x1] =	stream.linear.gather [hbm4b:s12+s8], $0x80, $0x38;
	[tilespmem:$0xE280] =	vst v63  }
0x133: {  	s12 =	spop (v2sf);
	(v2sf) =	vpush v12, $0x1  }
0x134: {  	s11 =	sshll.u32 s23, $0xA  }
0x135: {  	s9 =	sor.u32 s9, s11  }
0x136: {  	s9 =	sshrl.u32 s9, $0x3  }
0x137: {  	s11 =	simm.s32 $0x900;
	s9 =	sadd.s32 s1, s9  }
0x138: {  	[tilespmem:s11], [sflag:$0x1] =	stream.strided.gather [hbm4b:s9+s13], $0x0, s20, s13, $0x38;
	[tilespmem:$0xE280] =	vst v63  }
0x139: {  	_ = 	snop  }
0x13a: {  	[tilespmem:s11], [sflag:$0x1] =	stream.linear.gather [hbm4b:s9+s8], $0x7D, $0x38;
	[tilespmem:$0xE280] =	vst v63  }
0x13b: {  	s23 =	sshrl.u32 s12, $0x3  }
0x13c: {  	s9 =	sshll.u32 s12, $0x7;
	s28 =	sshll.u32 s23, $0xF  }
0x13d: {  	s9 =	sand.u32 $0x380, s9;
	s12 =	sor.u32 s10, s28  }
0x13e: {  	s12 =	sor.u32 s9, s12  }
0x13f: {  	s12 =	sshrl.u32 s12, $0x3  }
0x140: {  	s30 =	simm.s32 $0x1980;
	s12 =	sadd.s32 s0, s12  }
0x141: {  	[tilespmem:s30], [sflag:$0x1] =	stream.linear.gather [hbm4b:s12+s8], $0x80, $0x38;
	[tilespmem:$0xE280] =	vst v63  }
0x142: {  	s12 =	spop (v2sf);
	(v2sf) =	vpush v12, $0x2  }
0x143: {  	s11 =	sshll.u32 s23, $0xA  }
0x144: {  	s9 =	sor.u32 s9, s11  }
0x145: {  	s9 =	sshrl.u32 s9, $0x3  }
0x146: {  	s11 =	simm.s32 $0x980;
	s9 =	sadd.s32 s1, s9  }
0x147: {  	[tilespmem:s11], [sflag:$0x1] =	stream.strided.gather [hbm4b:s9+s13], $0x0, s20, s13, $0x38;
	[tilespmem:$0xE280] =	vst v63  }
0x148: {  	_ = 	snop  }
0x149: {  	[tilespmem:s11], [sflag:$0x1] =	stream.linear.gather [hbm4b:s9+s8], $0x7D, $0x38;
	[tilespmem:$0xE280] =	vst v63  }
0x14a: {  	s23 =	sshrl.u32 s12, $0x3  }
0x14b: {  	s9 =	sshll.u32 s12, $0x7;
	s28 =	sshll.u32 s23, $0xF  }
0x14c: {  	s9 =	sand.u32 $0x380, s9;
	s12 =	sor.u32 s10, s28  }
0x14d: {  	s12 =	sor.u32 s9, s12  }
0x14e: {  	s12 =	sshrl.u32 s12, $0x3  }
0x14f: {  	s30 =	simm.s32 $0x1A00;
	s12 =	sadd.s32 s0, s12  }
0x150: {  	[tilespmem:s30], [sflag:$0x1] =	stream.linear.gather [hbm4b:s12+s8], $0x80, $0x38;
	[tilespmem:$0xE280] =	vst v63  }
0x151: {  	s12 =	spop (v2sf);
	(v2sf) =	vpush v12, $0x3  }
0x152: {  	s11 =	sshll.u32 s23, $0xA  }
0x153: {  	s9 =	sor.u32 s9, s11  }
0x154: {  	s9 =	sshrl.u32 s9, $0x3  }
0x155: {  	s11 =	simm.s32 $0xA00;
	s9 =	sadd.s32 s1, s9  }
0x156: {  	[tilespmem:s11], [sflag:$0x1] =	stream.strided.gather [hbm4b:s9+s13], $0x0, s20, s13, $0x38;
	[tilespmem:$0xE280] =	vst v63  }
0x157: {  	_ = 	snop  }
0x158: {  	[tilespmem:s11], [sflag:$0x1] =	stream.linear.gather [hbm4b:s9+s8], $0x7D, $0x38;
	[tilespmem:$0xE280] =	vst v63  }
0x159: {  	s23 =	sshrl.u32 s12, $0x3  }
0x15a: {  	s9 =	sshll.u32 s12, $0x7;
	s28 =	sshll.u32 s23, $0xF  }
0x15b: {  	s9 =	sand.u32 $0x380, s9;
	s12 =	sor.u32 s10, s28  }
0x15c: {  	s12 =	sor.u32 s9, s12  }
0x15d: {  	s12 =	sshrl.u32 s12, $0x3  }
0x15e: {  	s30 =	simm.s32 $0x1A80;
	s12 =	sadd.s32 s0, s12  }
0x15f: {  	[tilespmem:s30], [sflag:$0x1] =	stream.linear.gather [hbm4b:s12+s8], $0x80, $0x38;
	[tilespmem:$0xE280] =	vst v63  }
0x160: {  	s12 =	spop (v2sf);
	(v2sf) =	vpush v12, $0x4  }
0x161: {  	s11 =	sshll.u32 s23, $0xA  }
0x162: {  	s9 =	sor.u32 s9, s11  }
0x163: {  	s9 =	sshrl.u32 s9, $0x3  }
0x164: {  	s11 =	simm.s32 $0xA80;
	s9 =	sadd.s32 s1, s9  }
0x165: {  	[tilespmem:s11], [sflag:$0x1] =	stream.strided.gather [hbm4b:s9+s13], $0x0, s20, s13, $0x38;
	[tilespmem:$0xE280] =	vst v63  }
0x166: {  	_ = 	snop  }
0x167: {  	[tilespmem:s11], [sflag:$0x1] =	stream.linear.gather [hbm4b:s9+s8], $0x7D, $0x38;
	[tilespmem:$0xE280] =	vst v63  }
0x168: {  	s23 =	sshrl.u32 s12, $0x3  }
0x169: {  	s9 =	sshll.u32 s12, $0x7;
	s28 =	sshll.u32 s23, $0xF  }
0x16a: {  	s9 =	sand.u32 $0x380, s9;
	s12 =	sor.u32 s10, s28  }
0x16b: {  	s12 =	sor.u32 s9, s12  }
0x16c: {  	s12 =	sshrl.u32 s12, $0x3  }
0x16d: {  	s30 =	simm.s32 $0x1B00;
	s12 =	sadd.s32 s0, s12  }
0x16e: {  	[tilespmem:s30], [sflag:$0x1] =	stream.linear.gather [hbm4b:s12+s8], $0x80, $0x38;
	[tilespmem:$0xE280] =	vst v63  }
0x16f: {  	s12 =	spop (v2sf);
	(v2sf) =	vpush v12, $0x5  }
0x170: {  	s11 =	sshll.u32 s23, $0xA  }
0x171: {  	s9 =	sor.u32 s9, s11  }
0x172: {  	s9 =	sshrl.u32 s9, $0x3  }
0x173: {  	s11 =	simm.s32 $0xB00;
	s9 =	sadd.s32 s1, s9  }
0x174: {  	[tilespmem:s11], [sflag:$0x1] =	stream.strided.gather [hbm4b:s9+s13], $0x0, s20, s13, $0x38;
	[tilespmem:$0xE280] =	vst v63  }
0x175: {  	_ = 	snop  }
0x176: {  	[tilespmem:s11], [sflag:$0x1] =	stream.linear.gather [hbm4b:s9+s8], $0x7D, $0x38;
	[tilespmem:$0xE280] =	vst v63  }
0x177: {  	s23 =	sshrl.u32 s12, $0x3  }
0x178: {  	s9 =	sshll.u32 s12, $0x7;
	s28 =	sshll.u32 s23, $0xF  }
0x179: {  	s9 =	sand.u32 $0x380, s9;
	s12 =	sor.u32 s10, s28  }
0x17a: {  	s12 =	sor.u32 s9, s12  }
0x17b: {  	s12 =	sshrl.u32 s12, $0x3  }
0x17c: {  	s30 =	simm.s32 $0x1B80;
	s12 =	sadd.s32 s0, s12  }
0x17d: {  	[tilespmem:s30], [sflag:$0x1] =	stream.linear.gather [hbm4b:s12+s8], $0x80, $0x38;
	[tilespmem:$0xE280] =	vst v63  }
0x17e: {  	s12 =	spop (v2sf);
	(v2sf) =	vpush v12, $0x6  }
0x17f: {  	s11 =	sshll.u32 s23, $0xA  }
0x180: {  	s9 =	sor.u32 s9, s11  }
0x181: {  	s9 =	sshrl.u32 s9, $0x3  }
0x182: {  	s11 =	simm.s32 $0xB80;
	s9 =	sadd.s32 s1, s9  }
0x183: {  	[tilespmem:s11], [sflag:$0x1] =	stream.strided.gather [hbm4b:s9+s13], $0x0, s20, s13, $0x38;
	[tilespmem:$0xE280] =	vst v63  }
0x184: {  	_ = 	snop  }
0x185: {  	[tilespmem:s11], [sflag:$0x1] =	stream.linear.gather [hbm4b:s9+s8], $0x7D, $0x38;
	[tilespmem:$0xE280] =	vst v63  }
0x186: {  	s23 =	sshrl.u32 s12, $0x3  }
0x187: {  	s9 =	sshll.u32 s12, $0x7;
	s28 =	sshll.u32 s23, $0xF  }
0x188: {  	s9 =	sand.u32 $0x380, s9;
	s12 =	sor.u32 s10, s28  }
0x189: {  	s12 =	sor.u32 s9, s12  }
0x18a: {  	s12 =	sshrl.u32 s12, $0x3  }
0x18b: {  	s30 =	simm.s32 $0x1C00;
	s12 =	sadd.s32 s0, s12  }
0x18c: {  	[tilespmem:s30], [sflag:$0x1] =	stream.linear.gather [hbm4b:s12+s8], $0x80, $0x38;
	[tilespmem:$0xE280] =	vst v63  }
0x18d: {  	s12 =	spop (v2sf);
	(v2sf) =	vpush v12, $0x7  }
0x18e: {  	s11 =	sshll.u32 s23, $0xA  }
0x18f: {  	s9 =	sor.u32 s9, s11  }
0x190: {  	s9 =	sshrl.u32 s9, $0x3  }
0x191: {  	s11 =	simm.s32 $0xC00;
	s9 =	sadd.s32 s1, s9  }
0x192: {  	[tilespmem:s11], [sflag:$0x1] =	stream.strided.gather [hbm4b:s9+s13], $0x0, s20, s13, $0x38;
	[tilespmem:$0xE280] =	vst v63  }
0x193: {  	_ = 	snop  }
0x194: {  	[tilespmem:s11], [sflag:$0x1] =	stream.linear.gather [hbm4b:s9+s8], $0x7D, $0x38;
	[tilespmem:$0xE280] =	vst v63  }
0x195: {  	s23 =	sshrl.u32 s12, $0x3  }
0x196: {  	s9 =	sshll.u32 s12, $0x7;
	s28 =	sshll.u32 s23, $0xF  }
0x197: {  	s9 =	sand.u32 $0x380, s9;
	s12 =	sor.u32 s10, s28  }
0x198: {  	s12 =	sor.u32 s9, s12  }
0x199: {  	s12 =	sshrl.u32 s12, $0x3  }
0x19a: {  	s30 =	simm.s32 $0x1C80;
	s12 =	sadd.s32 s0, s12  }
0x19b: {  	[tilespmem:s30], [sflag:$0x1] =	stream.linear.gather [hbm4b:s12+s8], $0x80, $0x38;
	[tilespmem:$0xE280] =	vst v63  }
0x19c: {  	s12 =	spop (v2sf);
	(v2sf) =	vpush v12, $0x8  }
0x19d: {  	s11 =	sshll.u32 s23, $0xA  }
0x19e: {  	s9 =	sor.u32 s9, s11  }
0x19f: {  	s9 =	sshrl.u32 s9, $0x3  }
0x1a0: {  	s11 =	simm.s32 $0xC80;
	s9 =	sadd.s32 s1, s9  }
0x1a1: {  	[tilespmem:s11], [sflag:$0x1] =	stream.strided.gather [hbm4b:s9+s13], $0x0, s20, s13, $0x38;
	[tilespmem:$0xE280] =	vst v63  }
0x1a2: {  	_ = 	snop  }
0x1a3: {  	[tilespmem:s11], [sflag:$0x1] =	stream.linear.gather [hbm4b:s9+s8], $0x7D, $0x38;
	[tilespmem:$0xE280] =	vst v63  }
0x1a4: {  	s23 =	sshrl.u32 s12, $0x3  }
0x1a5: {  	s9 =	sshll.u32 s12, $0x7;
	s28 =	sshll.u32 s23, $0xF  }
0x1a6: {  	s9 =	sand.u32 $0x380, s9;
	s12 =	sor.u32 s10, s28  }
0x1a7: {  	s12 =	sor.u32 s9, s12  }
0x1a8: {  	s12 =	sshrl.u32 s12, $0x3  }
0x1a9: {  	s30 =	simm.s32 $0x1D00;
	s12 =	sadd.s32 s0, s12  }
0x1aa: {  	[tilespmem:s30], [sflag:$0x1] =	stream.linear.gather [hbm4b:s12+s8], $0x80, $0x38;
	[tilespmem:$0xE280] =	vst v63  }
0x1ab: {  	s12 =	spop (v2sf);
	(v2sf) =	vpush v12, $0x9  }
0x1ac: {  	s11 =	sshll.u32 s23, $0xA  }
0x1ad: {  	s9 =	sor.u32 s9, s11  }
0x1ae: {  	s9 =	sshrl.u32 s9, $0x3  }
0x1af: {  	s11 =	simm.s32 $0xD00;
	s9 =	sadd.s32 s1, s9  }
0x1b0: {  	[tilespmem:s11], [sflag:$0x1] =	stream.strided.gather [hbm4b:s9+s13], $0x0, s20, s13, $0x38;
	[tilespmem:$0xE280] =	vst v63  }
0x1b1: {  	_ = 	snop  }
0x1b2: {  	[tilespmem:s11], [sflag:$0x1] =	stream.linear.gather [hbm4b:s9+s8], $0x7D, $0x38;
	[tilespmem:$0xE280] =	vst v63  }
0x1b3: {  	s23 =	sshrl.u32 s12, $0x3  }
0x1b4: {  	s9 =	sshll.u32 s12, $0x7;
	s28 =	sshll.u32 s23, $0xF  }
0x1b5: {  	s9 =	sand.u32 $0x380, s9;
	s12 =	sor.u32 s10, s28  }
0x1b6: {  	s12 =	sor.u32 s9, s12  }
0x1b7: {  	s12 =	sshrl.u32 s12, $0x3  }
0x1b8: {  	s30 =	simm.s32 $0x1D80;
	s12 =	sadd.s32 s0, s12  }
0x1b9: {  	[tilespmem:s30], [sflag:$0x1] =	stream.linear.gather [hbm4b:s12+s8], $0x80, $0x38;
	[tilespmem:$0xE280] =	vst v63  }
0x1ba: {  	s12 =	spop (v2sf);
	(v2sf) =	vpush v12, $0xA  }
0x1bb: {  	s11 =	sshll.u32 s23, $0xA  }
0x1bc: {  	s9 =	sor.u32 s9, s11  }
0x1bd: {  	s9 =	sshrl.u32 s9, $0x3  }
0x1be: {  	s11 =	simm.s32 $0xD80;
	s9 =	sadd.s32 s1, s9  }
0x1bf: {  	[tilespmem:s11], [sflag:$0x1] =	stream.strided.gather [hbm4b:s9+s13], $0x0, s20, s13, $0x38;
	[tilespmem:$0xE280] =	vst v63  }
0x1c0: {  	_ = 	snop  }
0x1c1: {  	[tilespmem:s11], [sflag:$0x1] =	stream.linear.gather [hbm4b:s9+s8], $0x7D, $0x38;
	[tilespmem:$0xE280] =	vst v63  }
0x1c2: {  	s23 =	sshrl.u32 s12, $0x3  }
0x1c3: {  	s9 =	sshll.u32 s12, $0x7;
	s28 =	sshll.u32 s23, $0xF  }
0x1c4: {  	s9 =	sand.u32 $0x380, s9;
	s12 =	sor.u32 s10, s28  }
0x1c5: {  	s12 =	sor.u32 s9, s12  }
0x1c6: {  	s12 =	sshrl.u32 s12, $0x3  }
0x1c7: {  	s30 =	simm.s32 $0x1E00;
	s12 =	sadd.s32 s0, s12  }
0x1c8: {  	[tilespmem:s30], [sflag:$0x1] =	stream.linear.gather [hbm4b:s12+s8], $0x80, $0x38;
	[tilespmem:$0xE280] =	vst v63  }
0x1c9: {  	s12 =	spop (v2sf);
	(v2sf) =	vpush v12, $0xB  }
0x1ca: {  	s11 =	sshll.u32 s23, $0xA  }
0x1cb: {  	s9 =	sor.u32 s9, s11  }
0x1cc: {  	s9 =	sshrl.u32 s9, $0x3  }
0x1cd: {  	s11 =	simm.s32 $0xE00;
	s9 =	sadd.s32 s1, s9  }
0x1ce: {  	[tilespmem:s11], [sflag:$0x1] =	stream.strided.gather [hbm4b:s9+s13], $0x0, s20, s13, $0x38;
	[tilespmem:$0xE280] =	vst v63  }
0x1cf: {  	_ = 	snop  }
0x1d0: {  	[tilespmem:s11], [sflag:$0x1] =	stream.linear.gather [hbm4b:s9+s8], $0x7D, $0x38;
	[tilespmem:$0xE280] =	vst v63  }
0x1d1: {  	s23 =	sshrl.u32 s12, $0x3  }
0x1d2: {  	s9 =	sshll.u32 s12, $0x7;
	s28 =	sshll.u32 s23, $0xF  }
0x1d3: {  	s9 =	sand.u32 $0x380, s9;
	s12 =	sor.u32 s10, s28  }
0x1d4: {  	s12 =	sor.u32 s9, s12  }
0x1d5: {  	s12 =	sshrl.u32 s12, $0x3  }
0x1d6: {  	s30 =	simm.s32 $0x1E80;
	s12 =	sadd.s32 s0, s12  }
0x1d7: {  	[tilespmem:s30], [sflag:$0x1] =	stream.linear.gather [hbm4b:s12+s8], $0x80, $0x38;
	[tilespmem:$0xE280] =	vst v63  }
0x1d8: {  	s12 =	spop (v2sf);
	(v2sf) =	vpush v12, $0xC  }
0x1d9: {  	s11 =	sshll.u32 s23, $0xA  }
0x1da: {  	s9 =	sor.u32 s9, s11  }
0x1db: {  	s9 =	sshrl.u32 s9, $0x3  }
0x1dc: {  	s11 =	simm.s32 $0xE80;
	s9 =	sadd.s32 s1, s9  }
0x1dd: {  	[tilespmem:s11], [sflag:$0x1] =	stream.strided.gather [hbm4b:s9+s13], $0x0, s20, s13, $0x38;
	[tilespmem:$0xE280] =	vst v63  }
0x1de: {  	_ = 	snop  }
0x1df: {  	[tilespmem:s11], [sflag:$0x1] =	stream.linear.gather [hbm4b:s9+s8], $0x7D, $0x38;
	[tilespmem:$0xE280] =	vst v63  }
0x1e0: {  	s23 =	sshrl.u32 s12, $0x3  }
0x1e1: {  	s9 =	sshll.u32 s12, $0x7;
	s28 =	sshll.u32 s23, $0xF  }
0x1e2: {  	s9 =	sand.u32 $0x380, s9;
	s12 =	sor.u32 s10, s28  }
0x1e3: {  	s12 =	sor.u32 s9, s12  }
0x1e4: {  	s12 =	sshrl.u32 s12, $0x3  }
0x1e5: {  	s30 =	simm.s32 $0x1F00;
	s12 =	sadd.s32 s0, s12  }
0x1e6: {  	[tilespmem:s30], [sflag:$0x1] =	stream.linear.gather [hbm4b:s12+s8], $0x80, $0x38;
	[tilespmem:$0xE280] =	vst v63  }
0x1e7: {  	s12 =	spop (v2sf);
	(v2sf) =	vpush v12, $0xD  }
0x1e8: {  	s11 =	sshll.u32 s23, $0xA  }
0x1e9: {  	s9 =	sor.u32 s9, s11  }
0x1ea: {  	s9 =	sshrl.u32 s9, $0x3  }
0x1eb: {  	s11 =	simm.s32 $0xF00;
	s9 =	sadd.s32 s1, s9  }
0x1ec: {  	[tilespmem:s11], [sflag:$0x1] =	stream.strided.gather [hbm4b:s9+s13], $0x0, s20, s13, $0x38;
	[tilespmem:$0xE280] =	vst v63  }
0x1ed: {  	_ = 	snop  }
0x1ee: {  	[tilespmem:s11], [sflag:$0x1] =	stream.linear.gather [hbm4b:s9+s8], $0x7D, $0x38;
	[tilespmem:$0xE280] =	vst v63  }
0x1ef: {  	s23 =	sshrl.u32 s12, $0x3  }
0x1f0: {  	s9 =	sshll.u32 s12, $0x7;
	s28 =	sshll.u32 s23, $0xF  }
0x1f1: {  	s9 =	sand.u32 $0x380, s9;
	s12 =	sor.u32 s10, s28  }
0x1f2: {  	s12 =	sor.u32 s9, s12  }
0x1f3: {  	s12 =	sshrl.u32 s12, $0x3  }
0x1f4: {  	s30 =	simm.s32 $0x1F80;
	s12 =	sadd.s32 s0, s12  }
0x1f5: {  	[tilespmem:s30], [sflag:$0x1] =	stream.linear.gather [hbm4b:s12+s8], $0x80, $0x38;
	[tilespmem:$0xE280] =	vst v63  }
0x1f6: {  	s12 =	spop (v2sf);
	(v2sf) =	vpush v12, $0xE  }
0x1f7: {  	s11 =	sshll.u32 s23, $0xA  }
0x1f8: {  	s9 =	sor.u32 s9, s11  }
0x1f9: {  	s9 =	sshrl.u32 s9, $0x3  }
0x1fa: {  	s9 =	sadd.s32 s1, s9  }
0x1fb: {  	[tilespmem:s3], [sflag:$0x1] =	stream.strided.gather [hbm4b:s9+s13], $0x0, s20, s13, $0x38;
	[tilespmem:$0xE280] =	vst v63  }
0x1fc: {  	_ = 	snop  }
0x1fd: {  	[tilespmem:s3], [sflag:$0x1] =	stream.linear.gather [hbm4b:s9+s8], $0x7D, $0x38;
	[tilespmem:$0xE280] =	vst v63  }
0x1fe: {  	s23 =	sshrl.u32 s12, $0x3  }
0x1ff: {  	s9 =	sshll.u32 s12, $0x7;
	s28 =	sshll.u32 s23, $0xF  }
0x200: {  	s9 =	sand.u32 $0x380, s9;
	s12 =	sor.u32 s10, s28  }
0x201: {  	s11 =	sshll.u32 s23, $0xA;
	s12 =	sor.u32 s9, s12  }
0x202: {  	s9 =	sor.u32 s9, s11;
	s12 =	sshrl.u32 s12, $0x3  }
0x203: {  	s30 =	simm.s32 $0x2000;
	s9 =	sshrl.u32 s9, $0x3;
	s12 =	sadd.s32 s0, s12  }
0x204: {  	[tilespmem:s30], [sflag:$0x1] =	stream.linear.gather [hbm4b:s12+s8], $0x80, $0x38;
	[tilespmem:$0xE280] =	vst v63  }
0x205: {  	s9 =	sadd.s32 s1, s9;
	s12 =	spop (v2sf);
	(v2sf) =	vpush v12, $0xF  }
0x206: {  	[tilespmem:s7], [sflag:$0x1] =	stream.strided.gather [hbm4b:s9+s13], $0x0, s20, s13, $0x38;
	[tilespmem:$0xE280] =	vst v63  }
0x207: {  	_ = 	snop  }
0x208: {  	[tilespmem:s7], [sflag:$0x1] =	stream.linear.gather [hbm4b:s9+s8], $0x7D, $0x38;
	[tilespmem:$0xE280] =	vst v63  }
0x209: {  	s23 =	sshrl.u32 s12, $0x3  }
0x20a: {  	s9 =	sshll.u32 s12, $0x7;
	s28 =	sshll.u32 s23, $0xF  }
0x20b: {  	s9 =	sand.u32 $0x380, s9;
	s12 =	sor.u32 s10, s28  }
0x20c: {  	s11 =	sshll.u32 s23, $0xA;
	s12 =	sor.u32 s9, s12  }
0x20d: {  	s9 =	sor.u32 s9, s11;
	s12 =	sshrl.u32 s12, $0x3  }
0x20e: {  	s30 =	simm.s32 $0x2080;
	s9 =	sshrl.u32 s9, $0x3;
	s12 =	sadd.s32 s0, s12  }
0x20f: {  	[tilespmem:s30], [sflag:$0x1] =	stream.linear.gather [hbm4b:s12+s8], $0x80, $0x38;
	[tilespmem:$0xE280] =	vst v63  }
0x210: {  	s9 =	sadd.s32 s1, s9  }
0x211: {  	[tilespmem:s16], [sflag:$0x1] =	stream.strided.gather [hbm4b:s9+s13], $0x0, s20, s13, $0x38;
	[tilespmem:$0xE280] =	vst v63  }
0x212: {  	_ = 	snop  }
0x213: {  	[tilespmem:s16], [sflag:$0x1] =	stream.linear.gather [hbm4b:s9+s8], $0x7D, $0x38;
	[tilespmem:$0xE280] =	vst v63  }
0x214: {  	s12 =	spop (v2sf)  }
0x215: {  	s23 =	sshrl.u32 s12, $0x3  }
0x216: {  	s9 =	sshll.u32 s12, $0x7;
	s28 =	sshll.u32 s23, $0xF  }
0x217: {  	s9 =	sand.u32 $0x380, s9;
	s12 =	sor.u32 s10, s28  }
0x218: {  	s11 =	sshll.u32 s23, $0xA;
	s12 =	sor.u32 s9, s12  }
0x219: {  	s9 =	sor.u32 s9, s11;
	s12 =	sshrl.u32 s12, $0x3  }
0x21a: {  	s30 =	simm.s32 $0x2100;
	s9 =	sshrl.u32 s9, $0x3;
	s12 =	sadd.s32 s0, s12  }
0x21b: {  	[tilespmem:s30], [sflag:$0x1] =	stream.linear.gather [hbm4b:s12+s8], $0x80, $0x38;
	[tilespmem:$0xE280] =	vst v63  }
0x21c: {  	s9 =	sadd.s32 s1, s9  }
0x21d: {  	[tilespmem:s22], [sflag:$0x1] =	stream.strided.gather [hbm4b:s9+s13], $0x0, s20, s13, $0x38;
	[tilespmem:$0xE280] =	vst v63  }
0x21e: {  	_ = 	snop  }
0x21f: {  	[tilespmem:s22], [sflag:$0x1] =	stream.linear.gather [hbm4b:s9+s8], $0x7D, $0x38;
	[tilespmem:$0xE280] =	vst v63  }
0x220: {  	s12 =	simm.s32 $0x10;
	s9 =	sand.u32 $0xFF0, s8  }
.LBB2_2:
0x221: {  	p0 =	sne.s32 s12, $0xFF0;
	[tilespmem:s9+$0xD280] =	vst v4;
	s11 =	smov.u32 s12;
	s12 =	sadd.s32 $0x10, s12  }
.Ltmp0:
0x222: {  	[tilespmem:s9+$0xB280] =	vst v4;
	(pc) =	sbr.rel @p0 .LBB2_2-.Ltmp0, $3  }
0x223: {  	[tilespmem:s9+$0x7280] =	vst v4  }
0x224: {  	[tilespmem:s9+$0x9280] =	vst v4;
	_ =	sdelay $0x1  }
0x225: {  	s9 =	sand.u32 $0xFF0, s11  }
0x226: {  	[tilespmem:s9+$0xD280] =	vst v4  }
0x227: {  	[tilespmem:s9+$0xB280] =	vst v4  }
0x228: {  	[tilespmem:s9+$0x7280] =	vst v4  }
0x229: {  	[tilespmem:s9+$0x9280] =	vst v4  }
0x22a: {  	_ =	swait.ge [sflag:s26], $0x80  }
0x22b: {  	[sflag:s26] =	ssyncset.done $0x0  }
0x22c: {  	[sflag:s26] =	ssyncadd.s32 $0xFFFFFF80  }
0x22d: {  	_ =	swait.ge [sflag:s26], $0x7D  }
0x22e: {  	[sflag:s26] =	ssyncset.done $0x0  }
0x22f: {  	[sflag:s26] =	ssyncadd.s32 $0xFFFFFF83  }
0x230: {  	_ =	swait.ge [sflag:s26], $0x80  }
0x231: {  	[sflag:s26] =	ssyncset.done $0x0  }
0x232: {  	[sflag:s26] =	ssyncadd.s32 $0xFFFFFF80  }
0x233: {  	_ =	swait.ge [sflag:s26], $0x7D  }
0x234: {  	[sflag:s26] =	ssyncset.done $0x0  }
0x235: {  	[sflag:s26] =	ssyncadd.s32 $0xFFFFFF83  }
0x236: {  	_ =	swait.ge [sflag:s26], $0x80  }
0x237: {  	[sflag:s26] =	ssyncset.done $0x0  }
0x238: {  	[sflag:s26] =	ssyncadd.s32 $0xFFFFFF80  }
0x239: {  	_ =	swait.ge [sflag:s26], $0x7D  }
0x23a: {  	[sflag:s26] =	ssyncset.done $0x0  }
0x23b: {  	[sflag:s26] =	ssyncadd.s32 $0xFFFFFF83  }
0x23c: {  	_ =	swait.ge [sflag:s26], $0x80  }
0x23d: {  	[sflag:s26] =	ssyncset.done $0x0  }
0x23e: {  	[sflag:s26] =	ssyncadd.s32 $0xFFFFFF80  }
0x23f: {  	_ =	swait.ge [sflag:s26], $0x7D  }
0x240: {  	[sflag:s26] =	ssyncset.done $0x0  }
0x241: {  	[sflag:s26] =	ssyncadd.s32 $0xFFFFFF83  }
0x242: {  	_ =	swait.ge [sflag:s26], $0x80  }
0x243: {  	[sflag:s26] =	ssyncset.done $0x0  }
0x244: {  	[sflag:s26] =	ssyncadd.s32 $0xFFFFFF80  }
0x245: {  	_ =	swait.ge [sflag:s26], $0x7D  }
0x246: {  	[sflag:s26] =	ssyncset.done $0x0  }
0x247: {  	[sflag:s26] =	ssyncadd.s32 $0xFFFFFF83  }
0x248: {  	_ =	swait.ge [sflag:s26], $0x80  }
0x249: {  	[sflag:s26] =	ssyncset.done $0x0  }
0x24a: {  	[sflag:s26] =	ssyncadd.s32 $0xFFFFFF80  }
0x24b: {  	_ =	swait.ge [sflag:s26], $0x7D  }
0x24c: {  	[sflag:s26] =	ssyncset.done $0x0  }
0x24d: {  	[sflag:s26] =	ssyncadd.s32 $0xFFFFFF83  }
0x24e: {  	_ =	swait.ge [sflag:s26], $0x80  }
0x24f: {  	[sflag:s26] =	ssyncset.done $0x0  }
0x250: {  	[sflag:s26] =	ssyncadd.s32 $0xFFFFFF80  }
0x251: {  	_ =	swait.ge [sflag:s26], $0x7D  }
0x252: {  	[sflag:s26] =	ssyncset.done $0x0  }
0x253: {  	[sflag:s26] =	ssyncadd.s32 $0xFFFFFF83  }
0x254: {  	_ =	swait.ge [sflag:s26], $0x80  }
0x255: {  	[sflag:s26] =	ssyncset.done $0x0  }
0x256: {  	[sflag:s26] =	ssyncadd.s32 $0xFFFFFF80  }
0x257: {  	_ =	swait.ge [sflag:s26], $0x7D  }
0x258: {  	[sflag:s26] =	ssyncset.done $0x0  }
0x259: {  	[sflag:s26] =	ssyncadd.s32 $0xFFFFFF83  }
0x25a: {  	_ =	swait.ge [sflag:s26], $0x80  }
0x25b: {  	[sflag:s26] =	ssyncset.done $0x0  }
0x25c: {  	[sflag:s26] =	ssyncadd.s32 $0xFFFFFF80  }
0x25d: {  	_ =	swait.ge [sflag:s26], $0x7D  }
0x25e: {  	[sflag:s26] =	ssyncset.done $0x0  }
0x25f: {  	[sflag:s26] =	ssyncadd.s32 $0xFFFFFF83  }
0x260: {  	_ =	swait.ge [sflag:s26], $0x80  }
0x261: {  	[sflag:s26] =	ssyncset.done $0x0  }
0x262: {  	[sflag:s26] =	ssyncadd.s32 $0xFFFFFF80  }
0x263: {  	_ =	swait.ge [sflag:s26], $0x7D  }
0x264: {  	[sflag:s26] =	ssyncset.done $0x0  }
0x265: {  	[sflag:s26] =	ssyncadd.s32 $0xFFFFFF83  }
0x266: {  	_ =	swait.ge [sflag:s26], $0x80  }
0x267: {  	[sflag:s26] =	ssyncset.done $0x0  }
0x268: {  	[sflag:s26] =	ssyncadd.s32 $0xFFFFFF80  }
0x269: {  	_ =	swait.ge [sflag:s26], $0x7D  }
0x26a: {  	[sflag:s26] =	ssyncset.done $0x0  }
0x26b: {  	[sflag:s26] =	ssyncadd.s32 $0xFFFFFF83  }
0x26c: {  	_ =	swait.ge [sflag:s26], $0x80  }
0x26d: {  	[sflag:s26] =	ssyncset.done $0x0  }
0x26e: {  	[sflag:s26] =	ssyncadd.s32 $0xFFFFFF80  }
0x26f: {  	_ =	swait.ge [sflag:s26], $0x7D  }
0x270: {  	[sflag:s26] =	ssyncset.done $0x0  }
0x271: {  	[sflag:s26] =	ssyncadd.s32 $0xFFFFFF83  }
0x272: {  	_ =	swait.ge [sflag:s26], $0x80  }
0x273: {  	[sflag:s26] =	ssyncset.done $0x0  }
0x274: {  	[sflag:s26] =	ssyncadd.s32 $0xFFFFFF80  }
0x275: {  	_ =	swait.ge [sflag:s26], $0x7D  }
0x276: {  	[sflag:s26] =	ssyncset.done $0x0  }
0x277: {  	[sflag:s26] =	ssyncadd.s32 $0xFFFFFF83  }
0x278: {  	_ =	swait.ge [sflag:s26], $0x80  }
0x279: {  	[sflag:s26] =	ssyncset.done $0x0  }
0x27a: {  	[sflag:s26] =	ssyncadd.s32 $0xFFFFFF80  }
0x27b: {  	_ =	swait.ge [sflag:s26], $0x7D  }
0x27c: {  	[sflag:s26] =	ssyncset.done $0x0  }
0x27d: {  	[sflag:s26] =	ssyncadd.s32 $0xFFFFFF83  }
0x27e: {  	_ =	swait.ge [sflag:s26], $0x80  }
0x27f: {  	[sflag:s26] =	ssyncset.done $0x0  }
0x280: {  	[sflag:s26] =	ssyncadd.s32 $0xFFFFFF80  }
0x281: {  	_ =	swait.ge [sflag:s26], $0x7D  }
0x282: {  	[sflag:s26] =	ssyncset.done $0x0  }
0x283: {  	[sflag:s26] =	ssyncadd.s32 $0xFFFFFF83  }
0x284: {  	_ =	swait.ge [sflag:s26], $0x80  }
0x285: {  	[sflag:s26] =	ssyncset.done $0x0  }
0x286: {  	[sflag:s26] =	ssyncadd.s32 $0xFFFFFF80  }
0x287: {  	_ =	swait.ge [sflag:s26], $0x7D  }
0x288: {  	[sflag:s26] =	ssyncset.done $0x0  }
0x289: {  	[sflag:s26] =	ssyncadd.s32 $0xFFFFFF83  }
0x28a: {  	_ =	swait.ge [sflag:s26], $0x80  }
0x28b: {  	[sflag:s26] =	ssyncset.done $0x0  }
0x28c: {  	[sflag:s26] =	ssyncadd.s32 $0xFFFFFF80  }
0x28d: {  	_ =	swait.ge [sflag:s26], $0x7D  }
0x28e: {  	[sflag:s26] =	ssyncset.done $0x0  }
0x28f: {  	[sflag:s26] =	ssyncadd.s32 $0xFFFFFF83  }
0x290: {  	_ =	swait.ge [sflag:s26], $0x80  }
0x291: {  	[sflag:s26] =	ssyncset.done $0x0  }
0x292: {  	[sflag:s26] =	ssyncadd.s32 $0xFFFFFF80  }
0x293: {  	_ =	swait.ge [sflag:s26], $0x7D  }
0x294: {  	[sflag:s26] =	ssyncset.done $0x0  }
0x295: {  	[sflag:s26] =	ssyncadd.s32 $0xFFFFFF83  }
0x296: {  	_ =	swait.ge [sflag:s26], $0x80  }
0x297: {  	[sflag:s26] =	ssyncset.done $0x0  }
0x298: {  	[sflag:s26] =	ssyncadd.s32 $0xFFFFFF80  }
0x299: {  	_ =	swait.ge [sflag:s26], $0x7D  }
0x29a: {  	[sflag:s26] =	ssyncset.done $0x0  }
0x29b: {  	[sflag:s26] =	ssyncadd.s32 $0xFFFFFF83  }
0x29c: {  	_ =	swait.ge [sflag:s26], $0x80  }
0x29d: {  	[sflag:s26] =	ssyncset.done $0x0  }
0x29e: {  	[sflag:s26] =	ssyncadd.s32 $0xFFFFFF80  }
0x29f: {  	_ =	swait.ge [sflag:s26], $0x7D  }
0x2a0: {  	[sflag:s26] =	ssyncset.done $0x0  }
0x2a1: {  	[sflag:s26] =	ssyncadd.s32 $0xFFFFFF83  }
0x2a2: {  	_ =	swait.ge [sflag:s26], $0x80  }
0x2a3: {  	[sflag:s26] =	ssyncset.done $0x0  }
0x2a4: {  	[sflag:s26] =	ssyncadd.s32 $0xFFFFFF80  }
0x2a5: {  	_ =	swait.ge [sflag:s26], $0x7D  }
0x2a6: {  	[sflag:s26] =	ssyncset.done $0x0  }
0x2a7: {  	[sflag:s26] =	ssyncadd.s32 $0xFFFFFF83  }
0x2a8: {  	_ =	swait.ge [sflag:s26], $0x80  }
0x2a9: {  	[sflag:s26] =	ssyncset.done $0x0  }
0x2aa: {  	[sflag:s26] =	ssyncadd.s32 $0xFFFFFF80  }
0x2ab: {  	_ =	swait.ge [sflag:s26], $0x7D  }
0x2ac: {  	[sflag:s26] =	ssyncset.done $0x0  }
0x2ad: {  	[sflag:s26] =	ssyncadd.s32 $0xFFFFFF83  }
0x2ae: {  	_ =	swait.ge [sflag:s26], $0x80  }
0x2af: {  	[sflag:s26] =	ssyncset.done $0x0  }
0x2b0: {  	[sflag:s26] =	ssyncadd.s32 $0xFFFFFF80  }
0x2b1: {  	_ =	swait.ge [sflag:s26], $0x7D  }
0x2b2: {  	[sflag:s26] =	ssyncset.done $0x0  }
0x2b3: {  	[sflag:s26] =	ssyncadd.s32 $0xFFFFFF83  }
0x2b4: {  	_ =	swait.ge [sflag:s26], $0x80  }
0x2b5: {  	[sflag:s26] =	ssyncset.done $0x0  }
0x2b6: {  	[sflag:s26] =	ssyncadd.s32 $0xFFFFFF80  }
0x2b7: {  	_ =	swait.ge [sflag:s26], $0x7D  }
0x2b8: {  	[sflag:s26] =	ssyncset.done $0x0  }
0x2b9: {  	[sflag:s26] =	ssyncadd.s32 $0xFFFFFF83  }
0x2ba: {  	_ =	swait.ge [sflag:s26], $0x80  }
0x2bb: {  	[sflag:s26] =	ssyncset.done $0x0  }
0x2bc: {  	[sflag:s26] =	ssyncadd.s32 $0xFFFFFF80  }
0x2bd: {  	_ =	swait.ge [sflag:s26], $0x7D  }
0x2be: {  	[sflag:s26] =	ssyncset.done $0x0  }
0x2bf: {  	[sflag:s26] =	ssyncadd.s32 $0xFFFFFF83  }
0x2c0: {  	_ =	swait.ge [sflag:s26], $0x80  }
0x2c1: {  	[sflag:s26] =	ssyncset.done $0x0  }
0x2c2: {  	[sflag:s26] =	ssyncadd.s32 $0xFFFFFF80  }
0x2c3: {  	_ =	swait.ge [sflag:s26], $0x7D  }
0x2c4: {  	[sflag:s26] =	ssyncset.done $0x0  }
0x2c5: {  	[sflag:s26] =	ssyncadd.s32 $0xFFFFFF83  }
0x2c6: {  	_ =	swait.ge [sflag:s26], $0x80  }
0x2c7: {  	[sflag:s26] =	ssyncset.done $0x0  }
0x2c8: {  	[sflag:s26] =	ssyncadd.s32 $0xFFFFFF80  }
0x2c9: {  	_ =	swait.ge [sflag:s26], $0x7D  }
0x2ca: {  	[sflag:s26] =	ssyncset.done $0x0  }
0x2cb: {  	[sflag:s26] =	ssyncadd.s32 $0xFFFFFF83  }
0x2cc: {  	_ =	swait.ge [sflag:s26], $0x80  }
0x2cd: {  	[sflag:s26] =	ssyncset.done $0x0  }
0x2ce: {  	[sflag:s26] =	ssyncadd.s32 $0xFFFFFF80  }
0x2cf: {  	_ =	swait.ge [sflag:s26], $0x7D  }
0x2d0: {  	[sflag:s26] =	ssyncset.done $0x0  }
0x2d1: {  	[sflag:s26] =	ssyncadd.s32 $0xFFFFFF83  }
0x2d2: {  	_ =	swait.ge [sflag:s26], $0x80  }
0x2d3: {  	[sflag:s26] =	ssyncset.done $0x0  }
0x2d4: {  	[sflag:s26] =	ssyncadd.s32 $0xFFFFFF80  }
0x2d5: {  	_ =	swait.ge [sflag:s26], $0x7D  }
0x2d6: {  	[sflag:s26] =	ssyncset.done $0x0  }
0x2d7: {  	[sflag:s26] =	ssyncadd.s32 $0xFFFFFF83  }
0x2d8: {  	_ =	swait.ge [sflag:s26], $0x80  }
0x2d9: {  	[sflag:s26] =	ssyncset.done $0x0  }
0x2da: {  	[sflag:s26] =	ssyncadd.s32 $0xFFFFFF80  }
0x2db: {  	_ =	swait.ge [sflag:s26], $0x7D  }
0x2dc: {  	[sflag:s26] =	ssyncset.done $0x0  }
0x2dd: {  	[sflag:s26] =	ssyncadd.s32 $0xFFFFFF83  }
0x2de: {  	_ =	swait.ge [sflag:s26], $0x80  }
0x2df: {  	[sflag:s26] =	ssyncset.done $0x0  }
0x2e0: {  	[sflag:s26] =	ssyncadd.s32 $0xFFFFFF80  }
0x2e1: {  	_ =	swait.ge [sflag:s26], $0x7D  }
0x2e2: {  	[sflag:s26] =	ssyncset.done $0x0  }
0x2e3: {  	[sflag:s26] =	ssyncadd.s32 $0xFFFFFF83  }
0x2e4: {  	_ =	swait.ge [sflag:s26], $0x80  }
0x2e5: {  	[sflag:s26] =	ssyncset.done $0x0  }
0x2e6: {  	[sflag:s26] =	ssyncadd.s32 $0xFFFFFF80  }
0x2e7: {  	_ =	swait.ge [sflag:s26], $0x7D  }
0x2e8: {  	[sflag:s26] =	ssyncset.done $0x0  }
0x2e9: {  	s30 =	simm.s32 $0x180;
	[sflag:s26] =	ssyncadd.s32 $0xFFFFFF83  }
0x2ea: {  	v14 =	vld [tilespmem:s30+$0x0];
	_ =	sdelay $0x3  }
0x2eb: {  	s11 =	simm.s32 $0x0;
	s9 =	simm.s32 $0x6280;
	v13 =	vld [tilespmem:$0x6180]  }
0x2ec: {  	s11 =	sand.u32 $0xFF0, s11;
	v12 =	vld [tilespmem:$0x6200];
	[tilespmem:s9+$0x0] =	vst v14  }
0x2ed: {  	[tilespmem:s11+$0x8280] =	vst v14  }
0x2ee: {  	[tilespmem:s11+$0xA280] =	vst v14  }
0x2ef: {  	s23 =	simm.s32 $0x190;
	[tilespmem:s11+$0xC280] =	vst v14  }
0x2f0: {  	v14 =	vld [tilespmem:s23+$0x0]  }
0x2f1: {  	s12 =	simm.s32 $0x10;
	s28 =	simm.s32 $0x20  }
.LBB2_4:
0x2f2: {  	p0 =	sne.s32 s28, $0xFF0;
	_ =	sdelay $0x1  }
0x2f3: {  	s9 =	sadd.s32 $0x10, s9  }
0x2f4: {  	s11 =	sand.u32 $0xFF0, s12;
	s12 =	smov.u32 s28;
	[tilespmem:s9+$0x0] =	vst v14  }
.Ltmp1:
0x2f5: {  	[tilespmem:s11+$0x8280] =	vst v14;
	(pc) =	sbr.rel @p0 .LBB2_4-.Ltmp1, $4  }
0x2f6: {  	[tilespmem:s11+$0xA280] =	vst v14  }
0x2f7: {  	s23 =	sadd.s32 $0x10, s23;
	[tilespmem:s11+$0xC280] =	vst v14  }
0x2f8: {  	v14 =	vld [tilespmem:s23+$0x0]  }
0x2f9: {  	s28 =	sadd.s32 $0x10, s28  }
0x2fa: {  	v12 =	vbroadcast v12, $0x0;
	_ =	sdelay $0x1  }
0x2fb: {  	(erf) = vrcp.f32 v12;
	_ =	sdelay $0x4  }
0x2fc: {  	s9 =	sadd.s32 $0x10, s9  }
0x2fd: {  	s12 =	sand.u32 $0xFF0, s12;
	[tilespmem:s9+$0x0] =	vst v14  }
0x2fe: {  	s11 =	simm.s32 $0x0;
	[tilespmem:s12+$0x8280] =	vst v14  }
0x2ff: {  	p0 =	por $0x1, $0x1;
	v15 =	vor.u32 s11, v1;
	[tilespmem:s12+$0xA280] =	vst v14  }
0x300: {  	s9 =	simm.s32 @!p0 $0x2;
	[tilespmem:s12+$0xC280] =	vst v14;
	v12 =	vpop (erf)  }
0x301: {  	_ =	swait.ge @!p0 [sflag:s9], $0x2000  }
0x302: {  	[sflag:s9] =	ssyncset.done @!p0 $0x0  }
0x303: {  	v14 =	vmov s11;
	[sflag:s9] =	ssyncadd.s32 @!p0 $0xFFFFE000  }
0x304: {  	v14 =	vshll.u32 v14, $0x7;
	v15 =	vld.idx.msk [tilespmem:v15+s19+$0x0], $0xffff  }
0x305: {  	v16 =	vor.u32 $0x1, v14;
	_ =	sdelay $0x1  }
0x306: {  	v13 =	vbroadcast v13, $0x0;
	_ =	sdelay $0x1  }
0x307: {  	v14 =	vld.idx.msk [tilespmem:v14+s18+$0x0], $0xffff;
	v15 =	vsub.f32 v15, v13  }
0x308: {  	v16 =	vld.idx.msk [tilespmem:v16+s18+$0x0], $0xffff  }
0x309: {  	v17 =	vor.u32 s11, v8;
	v15 =	vmul.f32 v15, v12;
	_ =	sdelay $0x1  }
0x30a: {  	[tilespmem:v5+s31+$0x0] =	vst.idx.msk $0xffff, v15  }
0x30b: {  	[tilespmem:v6+s31+$0x0] =	vst.idx.msk $0xffff, v14  }
0x30c: {  	[tilespmem:v7+s31+$0x0] =	vst.idx.msk $0xffff, v16  }
0x30d: {  	v15 =	vld.idx.msk [tilespmem:v17+s19+$0x0], $0xffff;
	_ =	sdelay $0x4  }
0x30e: {  	v15 =	vsub.f32 v15, v13;
	_ =	sdelay $0x1  }
0x30f: {  	v15 =	vmul.f32 v15, v12;
	_ =	sdelay $0x1  }
0x310: {  	[tilespmem:v9+s31+$0x0] =	vst.idx.msk $0xffff, v15  }
0x311: {  	s23 =	simm.s32 $0x1;
	[tilespmem:v10+s31+$0x0] =	vst.idx.msk $0xffff, v14  }
0x312: {  	s11 =	simm.s32 @!p0 $0x3;
	v14 =	vor.u32 s23, v1;
	[tilespmem:v11+s31+$0x0] =	vst.idx.msk $0xffff, v16  }
0x313: {  	[hbm4b:s25+s8] =	stream.linear.scatter [tilespmem:s31], [sflag:$0x2], $0x2000, $0x38;
	[tilespmem:$0xE280] =	vst v63  }
0x314: {  	_ =	swait.ge @!p0 [sflag:s11], $0x2000  }
0x315: {  	[sflag:s11] =	ssyncset.done @!p0 $0x0  }
0x316: {  	v15 =	vmov s23;
	[sflag:s11] =	ssyncadd.s32 @!p0 $0xFFFFE000  }
0x317: {  	v15 =	vshll.u32 v15, $0x7;
	v14 =	vld.idx.msk [tilespmem:v14+s19+$0x0], $0xffff  }
0x318: {  	v16 =	vor.u32 $0x1, v15;
	_ =	sdelay $0x3  }
0x319: {  	v15 =	vld.idx.msk [tilespmem:v15+s18+$0x0], $0xffff;
	v14 =	vsub.f32 v14, v13  }
0x31a: {  	v16 =	vld.idx.msk [tilespmem:v16+s18+$0x0], $0xffff  }
0x31b: {  	v17 =	vor.u32 s23, v8;
	v14 =	vmul.f32 v14, v12;
	_ =	sdelay $0x1  }
0x31c: {  	[tilespmem:v5+s2+$0x0] =	vst.idx.msk $0xffff, v14  }
0x31d: {  	[tilespmem:v6+s2+$0x0] =	vst.idx.msk $0xffff, v15  }
0x31e: {  	[tilespmem:v7+s2+$0x0] =	vst.idx.msk $0xffff, v16  }
0x31f: {  	v14 =	vld.idx.msk [tilespmem:v17+s19+$0x0], $0xffff;
	_ =	sdelay $0x4  }
0x320: {  	v14 =	vsub.f32 v14, v13;
	_ =	sdelay $0x1  }
0x321: {  	v14 =	vmul.f32 v14, v12;
	_ =	sdelay $0x1  }
0x322: {  	[tilespmem:v9+s2+$0x0] =	vst.idx.msk $0xffff, v14  }
0x323: {  	s6 =	simm.s32 $0x2;
	[tilespmem:v10+s2+$0x0] =	vst.idx.msk $0xffff, v15  }
0x324: {  	s12 =	simm.s32 @!p0 $0x4;
	s23 =	sadd.s32 $0x400, s25;
	v14 =	vor.u32 s6, v1;
	[tilespmem:v11+s2+$0x0] =	vst.idx.msk $0xffff, v16  }
0x325: {  	[hbm4b:s23+s8] =	stream.linear.scatter [tilespmem:s2], [sflag:$0x3], $0x2000, $0x38;
	[tilespmem:$0xE280] =	vst v63  }
0x326: {  	_ =	swait.ge @!p0 [sflag:s12], $0x2000  }
0x327: {  	[sflag:s12] =	ssyncset.done @!p0 $0x0  }
0x328: {  	v15 =	vmov s6;
	[sflag:s12] =	ssyncadd.s32 @!p0 $0xFFFFE000  }
0x329: {  	v15 =	vshll.u32 v15, $0x7;
	v14 =	vld.idx.msk [tilespmem:v14+s19+$0x0], $0xffff  }
0x32a: {  	v16 =	vor.u32 $0x1, v15;
	_ =	sdelay $0x3  }
0x32b: {  	v15 =	vld.idx.msk [tilespmem:v15+s18+$0x0], $0xffff;
	v14 =	vsub.f32 v14, v13  }
0x32c: {  	v16 =	vld.idx.msk [tilespmem:v16+s18+$0x0], $0xffff  }
0x32d: {  	v17 =	vor.u32 s6, v8;
	v14 =	vmul.f32 v14, v12;
	_ =	sdelay $0x1  }
0x32e: {  	[tilespmem:v5+s15+$0x0] =	vst.idx.msk $0xffff, v14  }
0x32f: {  	[tilespmem:v6+s15+$0x0] =	vst.idx.msk $0xffff, v15  }
0x330: {  	[tilespmem:v7+s15+$0x0] =	vst.idx.msk $0xffff, v16  }
0x331: {  	v14 =	vld.idx.msk [tilespmem:v17+s19+$0x0], $0xffff;
	_ =	sdelay $0x4  }
0x332: {  	v14 =	vsub.f32 v14, v13;
	_ =	sdelay $0x1  }
0x333: {  	v14 =	vmul.f32 v14, v12;
	_ =	sdelay $0x1  }
0x334: {  	[tilespmem:v9+s15+$0x0] =	vst.idx.msk $0xffff, v14  }
0x335: {  	s6 =	simm.s32 $0x3;
	[tilespmem:v10+s15+$0x0] =	vst.idx.msk $0xffff, v15  }
0x336: {  	s23 =	sadd.s32 $0x800, s25;
	s12 =	simm.s32 @!p0 $0x5;
	v14 =	vor.u32 s6, v1;
	[tilespmem:v11+s15+$0x0] =	vst.idx.msk $0xffff, v16  }
0x337: {  	[hbm4b:s23+s8] =	stream.linear.scatter [tilespmem:s15], [sflag:$0x4], $0x2000, $0x38;
	[tilespmem:$0xE280] =	vst v63  }
0x338: {  	_ =	swait.ge @!p0 [sflag:s12], $0x2000  }
0x339: {  	[sflag:s12] =	ssyncset.done @!p0 $0x0  }
0x33a: {  	v15 =	vmov s6;
	[sflag:s12] =	ssyncadd.s32 @!p0 $0xFFFFE000  }
0x33b: {  	v15 =	vshll.u32 v15, $0x7;
	v14 =	vld.idx.msk [tilespmem:v14+s19+$0x0], $0xffff  }
0x33c: {  	v16 =	vor.u32 $0x1, v15;
	_ =	sdelay $0x3  }
0x33d: {  	v17 =	vld.idx.msk [tilespmem:v15+s18+$0x0], $0xffff;
	v15 =	vsub.f32 v14, v13  }
0x33e: {  	v14 =	vld.idx.msk [tilespmem:v16+s18+$0x0], $0xffff  }
0x33f: {  	v16 =	vor.u32 s6, v8;
	v15 =	vmul.f32 v15, v12;
	_ =	sdelay $0x1  }
0x340: {  	[tilespmem:v5+s24+$0x0] =	vst.idx.msk $0xffff, v15  }
0x341: {  	[tilespmem:v6+s24+$0x0] =	vst.idx.msk $0xffff, v17  }
0x342: {  	[tilespmem:v7+s24+$0x0] =	vst.idx.msk $0xffff, v14  }
0x343: {  	v15 =	vld.idx.msk [tilespmem:v16+s19+$0x0], $0xffff;
	_ =	sdelay $0x4  }
0x344: {  	v15 =	vsub.f32 v15, v13;
	_ =	sdelay $0x1  }
0x345: {  	v15 =	vmul.f32 v15, v12;
	_ =	sdelay $0x1  }
0x346: {  	s30 =	simm.s32 $0x4;
	s28 =	simm.s32 $0xB;
	s11 =	sadd.s32 $0xC00, s25;
	[tilespmem:v9+s24+$0x0] =	vst.idx.msk $0xffff, v15  }
0x347: {  	s23 =	simm.s32 $0x7;
	p0 =	por $0x0, $0x0;
	s12 =	smov.u32 s25;
	v16 =	vmov s30;
	v15 =	vor.u32 s30, v1;
	[tilespmem:v10+s24+$0x0] =	vst.idx.msk $0xffff, v17  }
.LBB2_6:
0x348: {  	s6 =	simm.s32 @!p0 $0x2  }
0x349: {  	[tilespmem:v11+s24+$0x0] =	vst.idx.msk $0xffff, v14;
	s12 =	sadd.s32 $0x1000, s12;
	s9 =	smov.u32 s28;
	s28 =	sadd.s32 $0x4, s28  }
0x34a: {  	[hbm4b:s11+s8] =	stream.linear.scatter [tilespmem:s24], [sflag:$0x5], $0x2000, $0x38;
	[tilespmem:$0xE280] =	vst v63  }
0x34b: {  	p1 =	sne.s32 s28, $0x83;
	_ =	swait.ge @!p0 [sflag:s6], $0x2000  }
0x34c: {  	[sflag:s6] =	ssyncset.done @!p0 $0x0  }
0x34d: {  	v14 =	vshll.u32 v16, $0x7;
	[sflag:s6] =	ssyncadd.s32 @!p0 $0xFFFFE000  }
0x34e: {  	v16 =	vor.u32 $0x1, v14;
	v15 =	vld.idx.msk [tilespmem:v15+s19+$0x0], $0xffff;
	_ =	sdelay $0x3  }
0x34f: {  	v14 =	vld.idx.msk [tilespmem:v14+s18+$0x0], $0xffff  }
0x350: {  	v16 =	vld.idx.msk [tilespmem:v16+s18+$0x0], $0xffff  }
0x351: {  	v15 =	vsub.f32 v15, v13  }
0x352: {  	v17 =	vor.u32 s30, v8  }
0x353: {  	v15 =	vmul.f32 v15, v12;
	_ =	sdelay $0x1  }
0x354: {  	[tilespmem:v5+s31+$0x0] =	vst.idx.msk $0xffff, v15  }
0x355: {  	[tilespmem:v6+s31+$0x0] =	vst.idx.msk $0xffff, v14  }
0x356: {  	[tilespmem:v7+s31+$0x0] =	vst.idx.msk $0xffff, v16  }
0x357: {  	v15 =	vld.idx.msk [tilespmem:v17+s19+$0x0], $0xffff;
	_ =	sdelay $0x5  }
0x358: {  	v15 =	vsub.f32 v15, v13;
	_ =	sdelay $0x1  }
0x359: {  	v15 =	vmul.f32 v15, v12;
	_ =	sdelay $0x1  }
0x35a: {  	s6 =	sadd.s32 $0xFFFFFFFE, s23;
	[tilespmem:v9+s31+$0x0] =	vst.idx.msk $0xffff, v15  }
0x35b: {  	v15 =	vor.u32 s6, v1;
	[tilespmem:v10+s31+$0x0] =	vst.idx.msk $0xffff, v14;
	v14 =	vmov s6  }
0x35c: {  	s11 =	simm.s32 @!p0 $0x3;
	[tilespmem:v11+s31+$0x0] =	vst.idx.msk $0xffff, v16  }
0x35d: {  	[hbm4b:s12+s8] =	stream.linear.scatter [tilespmem:s31], [sflag:$0x2], $0x2000, $0x38;
	[tilespmem:$0xE280] =	vst v63  }
0x35e: {  	_ =	swait.ge @!p0 [sflag:s11], $0x2000  }
0x35f: {  	[sflag:s11] =	ssyncset.done @!p0 $0x0  }
0x360: {  	v14 =	vshll.u32 v14, $0x7;
	[sflag:s11] =	ssyncadd.s32 @!p0 $0xFFFFE000  }
0x361: {  	v16 =	vor.u32 $0x1, v14;
	v15 =	vld.idx.msk [tilespmem:v15+s19+$0x0], $0xffff;
	_ =	sdelay $0x3  }
0x362: {  	v14 =	vld.idx.msk [tilespmem:v14+s18+$0x0], $0xffff  }
0x363: {  	v16 =	vld.idx.msk [tilespmem:v16+s18+$0x0], $0xffff  }
0x364: {  	v15 =	vsub.f32 v15, v13  }
0x365: {  	v17 =	vor.u32 s6, v8  }
0x366: {  	v15 =	vmul.f32 v15, v12;
	_ =	sdelay $0x1  }
0x367: {  	[tilespmem:v5+s2+$0x0] =	vst.idx.msk $0xffff, v15  }
0x368: {  	[tilespmem:v6+s2+$0x0] =	vst.idx.msk $0xffff, v14  }
0x369: {  	[tilespmem:v7+s2+$0x0] =	vst.idx.msk $0xffff, v16  }
0x36a: {  	v15 =	vld.idx.msk [tilespmem:v17+s19+$0x0], $0xffff;
	_ =	sdelay $0x5  }
0x36b: {  	v15 =	vsub.f32 v15, v13;
	_ =	sdelay $0x1  }
0x36c: {  	v15 =	vmul.f32 v15, v12;
	_ =	sdelay $0x1  }
0x36d: {  	s6 =	sadd.s32 $0xFFFFFFFF, s23;
	[tilespmem:v9+s2+$0x0] =	vst.idx.msk $0xffff, v15  }
0x36e: {  	s11 =	sadd.s32 $0x400, s12;
	v15 =	vor.u32 s6, v1;
	[tilespmem:v10+s2+$0x0] =	vst.idx.msk $0xffff, v14;
	v14 =	vmov s6  }
0x36f: {  	s30 =	simm.s32 @!p0 $0x4;
	[tilespmem:v11+s2+$0x0] =	vst.idx.msk $0xffff, v16  }
0x370: {  	[hbm4b:s11+s8] =	stream.linear.scatter [tilespmem:s2], [sflag:$0x3], $0x2000, $0x38;
	[tilespmem:$0xE280] =	vst v63  }
0x371: {  	_ =	swait.ge @!p0 [sflag:s30], $0x2000  }
0x372: {  	[sflag:s30] =	ssyncset.done @!p0 $0x0  }
0x373: {  	v14 =	vshll.u32 v14, $0x7;
	[sflag:s30] =	ssyncadd.s32 @!p0 $0xFFFFE000  }
0x374: {  	v16 =	vor.u32 $0x1, v14;
	v15 =	vld.idx.msk [tilespmem:v15+s19+$0x0], $0xffff;
	_ =	sdelay $0x3  }
0x375: {  	v14 =	vld.idx.msk [tilespmem:v14+s18+$0x0], $0xffff  }
0x376: {  	v16 =	vld.idx.msk [tilespmem:v16+s18+$0x0], $0xffff  }
0x377: {  	v15 =	vsub.f32 v15, v13  }
0x378: {  	v17 =	vor.u32 s6, v8  }
0x379: {  	v15 =	vmul.f32 v15, v12;
	_ =	sdelay $0x1  }
0x37a: {  	[tilespmem:v5+s15+$0x0] =	vst.idx.msk $0xffff, v15  }
0x37b: {  	[tilespmem:v6+s15+$0x0] =	vst.idx.msk $0xffff, v14  }
0x37c: {  	[tilespmem:v7+s15+$0x0] =	vst.idx.msk $0xffff, v16  }
0x37d: {  	v15 =	vld.idx.msk [tilespmem:v17+s19+$0x0], $0xffff;
	_ =	sdelay $0x5  }
0x37e: {  	v15 =	vsub.f32 v15, v13;
	_ =	sdelay $0x1  }
0x37f: {  	v15 =	vmul.f32 v15, v12;
	_ =	sdelay $0x1  }
0x380: {  	[tilespmem:v9+s15+$0x0] =	vst.idx.msk $0xffff, v15  }
0x381: {  	s6 =	sadd.s32 $0x800, s12;
	[tilespmem:v10+s15+$0x0] =	vst.idx.msk $0xffff, v14;
	v14 =	vor.u32 s23, v1  }
0x382: {  	s11 =	simm.s32 @!p0 $0x5;
	[tilespmem:v11+s15+$0x0] =	vst.idx.msk $0xffff, v16  }
0x383: {  	[hbm4b:s6+s8] =	stream.linear.scatter [tilespmem:s15], [sflag:$0x4], $0x2000, $0x38;
	[tilespmem:$0xE280] =	vst v63  }
0x384: {  	_ =	swait.ge @!p0 [sflag:s11], $0x2000  }
0x385: {  	v15 =	vmov s23;
	[sflag:s11] =	ssyncset.done @!p0 $0x0  }
0x386: {  	v15 =	vshll.u32 v15, $0x7;
	[sflag:s11] =	ssyncadd.s32 @!p0 $0xFFFFE000  }
0x387: {  	v16 =	vor.u32 $0x1, v15;
	v17 =	vld.idx.msk [tilespmem:v14+s19+$0x0], $0xffff;
	_ =	sdelay $0x3  }
0x388: {  	v18 =	vld.idx.msk [tilespmem:v15+s18+$0x0], $0xffff  }
0x389: {  	v14 =	vld.idx.msk [tilespmem:v16+s18+$0x0], $0xffff  }
0x38a: {  	v15 =	vsub.f32 v17, v13  }
0x38b: {  	v16 =	vor.u32 s23, v8;
	s23 =	smov.u32 s9  }
0x38c: {  	v15 =	vmul.f32 v15, v12;
	_ =	sdelay $0x1  }
0x38d: {  	[tilespmem:v5+s24+$0x0] =	vst.idx.msk $0xffff, v15  }
0x38e: {  	[tilespmem:v6+s24+$0x0] =	vst.idx.msk $0xffff, v18  }
0x38f: {  	[tilespmem:v7+s24+$0x0] =	vst.idx.msk $0xffff, v14  }
0x390: {  	v15 =	vld.idx.msk [tilespmem:v16+s19+$0x0], $0xffff;
	_ =	sdelay $0x5  }
0x391: {  	v15 =	vsub.f32 v15, v13  }
.Ltmp2:
0x392: {  	(pc) =	sbr.rel @p1 .LBB2_6-.Ltmp2, $3  }
0x393: {  	v15 =	vmul.f32 v15, v12;
	_ =	sdelay $0x1  }
0x394: {  	s30 =	sadd.s32 $0xFFFFFFFD, s23;
	[tilespmem:v9+s24+$0x0] =	vst.idx.msk $0xffff, v15  }
0x395: {  	s11 =	sadd.s32 $0xC00, s12;
	p0 =	seq.s32 s23, $0x3;
	v16 =	vmov s30;
	v15 =	vor.u32 s30, v1;
	[tilespmem:v10+s24+$0x0] =	vst.idx.msk $0xffff, v18  }
0x396: {  	_ =	sdelay $0x3  }
0x397: {  	s6 =	simm.s32 @!p0 $0x2;
	[tilespmem:v11+s24+$0x0] =	vst.idx.msk $0xffff, v14  }
0x398: {  	[hbm4b:s11+s8] =	stream.linear.scatter [tilespmem:s24], [sflag:$0x5], $0x2000, $0x38;
	[tilespmem:$0xE280] =	vst v63  }
0x399: {  	_ =	swait.ge @!p0 [sflag:s6], $0x2000  }
0x39a: {  	[sflag:s6] =	ssyncset.done @!p0 $0x0  }
0x39b: {  	[sflag:s6] =	ssyncadd.s32 @!p0 $0xFFFFE000  }
0x39c: {  	v49 =	vshll.u32 v16, $0x7;
	v15 =	vld.idx.msk [tilespmem:v15+s19+$0x0], $0xffff  }
0x39d: {  	v16 =	vor.u32 $0x1, v49;
	_ =	sdelay $0x3  }
0x39e: {  	v14 =	vld.idx.msk [tilespmem:v49+s18+$0x0], $0xffff;
	v15 =	vsub.f32 v15, v13  }
0x39f: {  	v16 =	vld.idx.msk [tilespmem:v16+s18+$0x0], $0xffff  }
0x3a0: {  	v17 =	vor.u32 s30, v8;
	v15 =	vmul.f32 v15, v12;
	_ =	sdelay $0x1  }
0x3a1: {  	[tilespmem:v5+s31+$0x0] =	vst.idx.msk $0xffff, v15  }
0x3a2: {  	[tilespmem:v6+s31+$0x0] =	vst.idx.msk $0xffff, v14  }
0x3a3: {  	[tilespmem:v7+s31+$0x0] =	vst.idx.msk $0xffff, v16  }
0x3a4: {  	v15 =	vld.idx.msk [tilespmem:v17+s19+$0x0], $0xffff;
	_ =	sdelay $0x4  }
0x3a5: {  	v15 =	vsub.f32 v15, v13;
	_ =	sdelay $0x1  }
0x3a6: {  	v15 =	vmul.f32 v15, v12;
	_ =	sdelay $0x1  }
0x3a7: {  	[tilespmem:v9+s31+$0x0] =	vst.idx.msk $0xffff, v15  }
0x3a8: {  	s30 =	sadd.s32 $0xFFFFFFFE, s23;
	[tilespmem:v10+s31+$0x0] =	vst.idx.msk $0xffff, v14  }
0x3a9: {  	s9 =	sadd.s32 $0x1000, s12;
	v50 =	vor.u32 s30, v1;
	s11 =	simm.s32 @!p0 $0x3;
	[tilespmem:v11+s31+$0x0] =	vst.idx.msk $0xffff, v16  }
0x3aa: {  	[hbm4b:s9+s8] =	stream.linear.scatter [tilespmem:s31], [sflag:$0x2], $0x2000, $0x38;
	[tilespmem:$0xE280] =	vst v63  }
0x3ab: {  	_ =	swait.ge @!p0 [sflag:s11], $0x2000  }
0x3ac: {  	[sflag:s11] =	ssyncset.done @!p0 $0x0  }
0x3ad: {  	v51 =	vmov s30;
	[sflag:s11] =	ssyncadd.s32 @!p0 $0xFFFFE000  }
0x3ae: {  	v15 =	vshll.u32 v51, $0x7;
	v14 =	vld.idx.msk [tilespmem:v50+s19+$0x0], $0xffff  }
0x3af: {  	v52 =	vor.u32 $0x1, v15;
	_ =	sdelay $0x3  }
0x3b0: {  	v15 =	vld.idx.msk [tilespmem:v15+s18+$0x0], $0xffff;
	v14 =	vsub.f32 v14, v13  }
0x3b1: {  	v16 =	vld.idx.msk [tilespmem:v52+s18+$0x0], $0xffff  }
0x3b2: {  	v53 =	vor.u32 s30, v8;
	v14 =	vmul.f32 v14, v12;
	_ =	sdelay $0x1  }
0x3b3: {  	[tilespmem:v5+s2+$0x0] =	vst.idx.msk $0xffff, v14  }
0x3b4: {  	[tilespmem:v6+s2+$0x0] =	vst.idx.msk $0xffff, v15  }
0x3b5: {  	[tilespmem:v7+s2+$0x0] =	vst.idx.msk $0xffff, v16  }
0x3b6: {  	v14 =	vld.idx.msk [tilespmem:v53+s19+$0x0], $0xffff;
	_ =	sdelay $0x4  }
0x3b7: {  	v14 =	vsub.f32 v14, v13;
	_ =	sdelay $0x1  }
0x3b8: {  	v14 =	vmul.f32 v14, v12;
	_ =	sdelay $0x1  }
0x3b9: {  	[tilespmem:v9+s2+$0x0] =	vst.idx.msk $0xffff, v14  }
0x3ba: {  	s28 =	sadd.s32 $0xFFFFFFFF, s23;
	[tilespmem:v10+s2+$0x0] =	vst.idx.msk $0xffff, v15  }
0x3bb: {  	s12 =	simm.s32 @!p0 $0x4;
	s30 =	sadd.s32 $0x400, s9;
	v54 =	vor.u32 s28, v1;
	[tilespmem:v11+s2+$0x0] =	vst.idx.msk $0xffff, v16  }
0x3bc: {  	[hbm4b:s30+s8] =	stream.linear.scatter [tilespmem:s2], [sflag:$0x3], $0x2000, $0x38;
	[tilespmem:$0xE280] =	vst v63  }
0x3bd: {  	_ =	swait.ge @!p0 [sflag:s12], $0x2000  }
0x3be: {  	[sflag:s12] =	ssyncset.done @!p0 $0x0  }
0x3bf: {  	v55 =	vmov s28;
	[sflag:s12] =	ssyncadd.s32 @!p0 $0xFFFFE000  }
0x3c0: {  	v15 =	vshll.u32 v55, $0x7;
	v14 =	vld.idx.msk [tilespmem:v54+s19+$0x0], $0xffff  }
0x3c1: {  	v56 =	vor.u32 $0x1, v15;
	_ =	sdelay $0x3  }
0x3c2: {  	v15 =	vld.idx.msk [tilespmem:v15+s18+$0x0], $0xffff;
	v14 =	vsub.f32 v14, v13  }
0x3c3: {  	v16 =	vld.idx.msk [tilespmem:v56+s18+$0x0], $0xffff  }
0x3c4: {  	v57 =	vor.u32 s28, v8;
	v14 =	vmul.f32 v14, v12;
	_ =	sdelay $0x1  }
0x3c5: {  	[tilespmem:v5+s15+$0x0] =	vst.idx.msk $0xffff, v14  }
0x3c6: {  	[tilespmem:v6+s15+$0x0] =	vst.idx.msk $0xffff, v15  }
0x3c7: {  	[tilespmem:v7+s15+$0x0] =	vst.idx.msk $0xffff, v16  }
0x3c8: {  	v14 =	vld.idx.msk [tilespmem:v57+s19+$0x0], $0xffff;
	_ =	sdelay $0x4  }
0x3c9: {  	v14 =	vsub.f32 v14, v13;
	_ =	sdelay $0x1  }
0x3ca: {  	v14 =	vmul.f32 v14, v12;
	_ =	sdelay $0x1  }
0x3cb: {  	[tilespmem:v9+s15+$0x0] =	vst.idx.msk $0xffff, v14  }
0x3cc: {  	[tilespmem:v10+s15+$0x0] =	vst.idx.msk $0xffff, v15  }
0x3cd: {  	v58 =	vor.u32 s23, v1;
	s11 =	simm.s32 @!p0 $0x5;
	s12 =	sadd.s32 $0x800, s9;
	[tilespmem:v11+s15+$0x0] =	vst.idx.msk $0xffff, v16  }
0x3ce: {  	[hbm4b:s12+s8] =	stream.linear.scatter [tilespmem:s15], [sflag:$0x4], $0x2000, $0x38;
	[tilespmem:$0xE280] =	vst v63  }
0x3cf: {  	_ =	swait.ge @!p0 [sflag:s11], $0x2000  }
0x3d0: {  	[sflag:s11] =	ssyncset.done @!p0 $0x0  }
0x3d1: {  	v59 =	vmov s23;
	[sflag:s11] =	ssyncadd.s32 @!p0 $0xFFFFE000  }
0x3d2: {  	v15 =	vshll.u32 v59, $0x7;
	v14 =	vld.idx.msk [tilespmem:v58+s19+$0x0], $0xffff  }
0x3d3: {  	v60 =	vor.u32 $0x1, v15;
	_ =	sdelay $0x3  }
0x3d4: {  	v15 =	vld.idx.msk [tilespmem:v15+s18+$0x0], $0xffff;
	v14 =	vsub.f32 v14, v13  }
0x3d5: {  	v16 =	vld.idx.msk [tilespmem:v60+s18+$0x0], $0xffff  }
0x3d6: {  	v61 =	vor.u32 s23, v8;
	v14 =	vmul.f32 v14, v12;
	_ =	sdelay $0x1  }
0x3d7: {  	[tilespmem:v5+s24+$0x0] =	vst.idx.msk $0xffff, v14  }
0x3d8: {  	[tilespmem:v6+s24+$0x0] =	vst.idx.msk $0xffff, v15  }
0x3d9: {  	[tilespmem:v7+s24+$0x0] =	vst.idx.msk $0xffff, v16  }
0x3da: {  	v14 =	vld.idx.msk [tilespmem:v61+s19+$0x0], $0xffff;
	_ =	sdelay $0x4  }
0x3db: {  	v62 =	vsub.f32 v14, v13;
	_ =	sdelay $0x1  }
0x3dc: {  	v63 =	vmul.f32 v62, v12;
	_ =	sdelay $0x1  }
0x3dd: {  	[tilespmem:v9+s24+$0x0] =	vst.idx.msk $0xffff, v63  }
0x3de: {  	[tilespmem:v10+s24+$0x0] =	vst.idx.msk $0xffff, v15  }
0x3df: {  	s28 =	sadd.s32 $0xC00, s9;
	[tilespmem:v11+s24+$0x0] =	vst.idx.msk $0xffff, v16  }
0x3e0: {  	[hbm4b:s28+s8] =	stream.linear.scatter [tilespmem:s24], [sflag:$0x5], $0x2000, $0x38;
	[tilespmem:$0xE280] =	vst v63  }
0x3e1: {  	_ =	swait.ge [sflag:s5], $0x2000  }
0x3e2: {  	[sflag:s5] =	ssyncset.done $0x0  }
0x3e3: {  	[sflag:s5] =	ssyncadd.s32 $0xFFFFE000  }
0x3e4: {  	_ =	swait.ge [sflag:s17], $0x2000  }
0x3e5: {  	[sflag:s17] =	ssyncset.done $0x0  }
0x3e6: {  	[sflag:s17] =	ssyncadd.s32 $0xFFFFE000  }
0x3e7: {  	_ =	swait.ge [sflag:s4], $0x2000  }
0x3e8: {  	[sflag:s4] =	ssyncset.done $0x0  }
0x3e9: {  	[sflag:s4] =	ssyncadd.s32 $0xFFFFE000  }
0x3ea: {  	_ =	swait.ge [sflag:s29], $0x2000  }
0x3eb: {  	s21 =	sadd.s32 $0x1, s21;
	s30 =	rddreg [dreg:$0xa]  }
0x3ec: {  	p0 =	sne.s32 s21, s30  }
.Ltmp3:
0x3ed: {  	_ = 	snop;
	(pc) =	sbr.rel @p0 .LBB2_1-.Ltmp3, $3  }
0x3ee: {  	_ =	sdelay $0x1  }
0x3ef: {  	[sflag:s29] =	ssyncset.done $0x0  }
0x3f0: {  	[sflag:s29] =	ssyncadd.s32 $0xFFFFE000  }
0x3f1: {  	_ =	sfence.sel $0x180000  }
0x3f2: {  	[bflag:$0x0] =	sbarrier.arrive $0xFFFF  }
0x3f3: {  	_ =	strace $0x90000047  }
0x3f4: {  	s0 =	stileid.u32;
	[bflag:$0x2] =	sbarrier.arrive $0xFFFF  }
0x3f5: {  	p0 =	sne.s32 s0, $0x0;
	s0 =	rddreg [dreg:$0x8]  }
0x3f6: {  	s0 =	sadd.s32 @!p0 $0x100000, s0  }
0x3f7: {  	[sflag:s0] =	ssyncadd.tile.s32 @!p0 $0x1;
	_ =	shalt  }
.Lfunc_end2:
_tile_overlayer_lowered:
.L_overlay_start_2:
0x3f8: {  	(tag) =	ssettag $0x2  }
0x3f9: {  	s0 =	rddreg [dreg:$0x0];
	s2 =	stileid.u32  }
0x3fa: {  	s1 =	rddreg [dreg:$0x1];
	p0 =	sne.s32 s2, $0x0  }
0x3fb: {  	s3 =	rddreg [dreg:$0x2];
	[bflag:$0x3] =	sbarrier.arrive $0xFFFF;
	s2 =	simm.s32 @!p0 $0x1C06  }
0x3fc: {  	[timem:s3], [sflag:s2] =	dma.local @!p0 [hbm:s0], s1  }
0x3fd: {  	s0 =	simm.s32 @!p0 $0x6  }
0x3fe: {  	_ =	swait.ge @!p0 [sflag:s0], s1  }
0x3ff: {  	s1 =	ssub.s32 @!p0 $0x0, s1;
	[sflag:s0] =	ssyncset.done @!p0 $0x0  }
0x400: {  	[sflag:s0] =	ssyncadd.s32 @!p0 s1  }
0x401: {  	[bflag:$0x3] =	sbarrier.arrive $0xFFFF  }
0x402: {  	_ =	shalt  }

</sc_bundles>
